<compile_context>
chip_gen: v7x
topology: tpu7x:2x2x1
jax: 0.10.2.dev20260603
libtpu: 0.0.44.dev20260713+nightly
codegen_flags: <defaults>
</compile_context>

<pallas_src>
import jax
import jax.numpy as jnp
from jax import lax
from jax.experimental import pallas as pl
from jax.experimental.pallas import tpu as pltpu
from jax.experimental.pallas import tpu_sc as plsc

B = 4096
L = 200
EMBED = 64
HIDDEN = 128
OUT = 2

NC = 2
NS = 16
NW = NC * NS
ROWS_PER_W = B // NW
IDX_PER_W = ROWS_PER_W * L
SPLIT_A = 104
SPLIT_B = L - SPLIT_A
NLG = HIDDEN // 16


def _pool_body(x_hbm, tw_hbm, b1_hbm, w2t_hbm, b2_hbm, out_hbm,
               idx_v, buf0, buf1, buf2, stageo, pb1, pw2, pb2,
               sem0, sem1, sem2, semb0, semb1, semb2):
    wid = lax.axis_index("s") * NC + lax.axis_index("c")
    base = wid * ROWS_PER_W

    pltpu.sync_copy(x_hbm.at[pl.ds(base * L, IDX_PER_W)], idx_v)
    pltpu.sync_copy(b1_hbm, pb1)
    pltpu.sync_copy(w2t_hbm, pw2)
    pltpu.sync_copy(b2_hbm, pb2)

    bufs = (buf0, buf1, buf2)
    sems = ((sem0, semb0), (sem1, semb1), (sem2, semb2))
    inv_l = jnp.float32(1.0 / L)
    lane = lax.iota(jnp.int32, 16)
    b2vec = pb2[pl.ds(0, 16)]

    def issue(i, buf, sem):
        off = pl.multiple_of(i * L, 8)
        pltpu.async_copy(
            tw_hbm.at[idx_v.at[pl.ds(off, SPLIT_A)]],
            buf.at[pl.ds(0, SPLIT_A)], sem[0])
        off2 = pl.multiple_of(i * L + SPLIT_A, 8)
        pltpu.async_copy(
            tw_hbm.at[idx_v.at[pl.ds(off2, SPLIT_B)]],
            buf.at[pl.ds(SPLIT_A, SPLIT_B)], sem[1])

    def drain_a(buf, sem):
        pltpu.make_async_copy(tw_hbm.at[pl.ds(0, SPLIT_A)],
                              buf.at[pl.ds(0, SPLIT_A)], sem[0]).wait()

    def drain_b(buf, sem):
        pltpu.make_async_copy(tw_hbm.at[pl.ds(0, SPLIT_B)],
                              buf.at[pl.ds(SPLIT_A, SPLIT_B)], sem[1]).wait()

    def reduce_range(buf, lo, n, accs):
        def red(j, a):
            a = list(a)
            for dj in range(8):
                r = lo + j * 8 + dj
                for c in range(NLG):
                    a[c] = a[c] + buf[r, pl.ds(c * 16, 16)]
            return tuple(a)

        return lax.fori_loop(0, n // 8, red, accs)

    def process(buf, sem, i):
        z = jnp.zeros((16,), jnp.float32)
        drain_a(buf, sem)
        accs = reduce_range(buf, 0, SPLIT_A, (z,) * NLG)
        drain_b(buf, sem)
        accs = reduce_range(buf, SPLIT_A, SPLIT_B, accs)
        o0 = z
        o1 = z
        for c in range(NLG):
            h = jnp.maximum(accs[c] * inv_l + pb1[pl.ds(c * 16, 16)], 0.0)
            o0 = o0 + h * pw2[0, pl.ds(c * 16, 16)]
            o1 = o1 + h * pw2[1, pl.ds(c * 16, 16)]
        s0 = jnp.sum(o0)
        s1 = jnp.sum(o1)
        v = jnp.where(lane == 0, s0, jnp.where(lane == 1, s1, 0.0)) + b2vec
        stageo[i, pl.ds(0, 16)] = v

    issue(0, bufs[0], sems[0])
    issue(1, bufs[1], sems[1])

    def outer(i3, carry):
        for k in range(3):
            i = i3 * 3 + k

            @pl.when(i + 2 < ROWS_PER_W)
            def _():
                issue(i + 2, bufs[(k + 2) % 3], sems[(k + 2) % 3])

            process(bufs[k], sems[k], i)
        return carry

    nfull = ROWS_PER_W // 3
    lax.fori_loop(0, nfull, outer, 0)
    for i in range(nfull * 3, ROWS_PER_W):
        k = i % 3
        process(bufs[k], sems[k], i)
    pltpu.sync_copy(stageo, out_hbm.at[pl.ds(base, ROWS_PER_W)])


_pool = pl.kernel(
    _pool_body,
    out_type=jax.ShapeDtypeStruct((B, 16), jnp.float32),
    mesh=plsc.VectorSubcoreMesh(
        core_axis_name="c", subcore_axis_name="s",
        num_cores=NC, num_subcores=NS),
    scratch_types=[
        pltpu.VMEM((IDX_PER_W,), jnp.int32),
        pltpu.VMEM((L, HIDDEN), jnp.float32),
        pltpu.VMEM((L, HIDDEN), jnp.float32),
        pltpu.VMEM((L, HIDDEN), jnp.float32),
        pltpu.VMEM((ROWS_PER_W, 16), jnp.float32),
        pltpu.VMEM((HIDDEN,), jnp.float32),
        pltpu.VMEM((OUT, HIDDEN), jnp.float32),
        pltpu.VMEM((16,), jnp.float32),
        pltpu.SemaphoreType.DMA,
        pltpu.SemaphoreType.DMA,
        pltpu.SemaphoreType.DMA,
        pltpu.SemaphoreType.DMA,
        pltpu.SemaphoreType.DMA,
        pltpu.SemaphoreType.DMA,
    ],
    compiler_params=pltpu.CompilerParams(
        use_tc_tiling_on_sc=False, needs_layout_passes=False),
)


@jax.jit
def kernel(x, table, W1, b1, W2, b2):
    tw = jnp.dot(table, W1, preferred_element_type=jnp.float32)
    x1 = x.reshape(B * L)
    b2p = jnp.pad(b2, (0, 16 - OUT))
    out16 = _pool(x1, tw, b1, W2.T, b2p)
    return out16[:, :OUT]

# --- scband reference (transcript-rebuilt; emitter-appended) ---
"""Pipeline reference for scband-fast-text-81578608820533 (READ-ONLY COPY).

The authoritative reference and input builder live on the scoring server;
editing this copy changes nothing except your own understanding.
"""

import jax, jax.numpy as jnp
import numpy as np

VOCAB = 1000000
EMBED = 64
HIDDEN = 128
OUT = 2
B = 4096
L = 200

def setup_inputs(seed: int = 0) -> dict:
    key = jax.random.key(seed)
    k_x, k_tab, k_w1, k_b1, k_w2, k_b2 = jax.random.split(key, 6)
    x = jax.random.randint(k_x, (B, L), 0, VOCAB, dtype=jnp.int64 if jax.config.jax_enable_x64 else jnp.int32).astype(jnp.int32)
    table = jax.random.normal(k_tab, (VOCAB, EMBED), dtype=jnp.float32)
    W1 = jax.random.normal(k_w1, (EMBED, HIDDEN), dtype=jnp.float32) * (1.0 / np.sqrt(EMBED))
    b1 = jax.random.normal(k_b1, (HIDDEN,), dtype=jnp.float32) * 0.01
    W2 = jax.random.normal(k_w2, (HIDDEN, OUT), dtype=jnp.float32) * (1.0 / np.sqrt(HIDDEN))
    b2 = jax.random.normal(k_b2, (OUT,), dtype=jnp.float32) * 0.01
    return {"x": x, "table": table, "W1": W1, "b1": b1, "W2": W2, "b2": b2}

def reference(x, table, W1, b1, W2, b2):
    # FastText: embedding lookup -> mean pooling over sequence -> MLP head
    emb = jnp.take(table, x, axis=0)          # [B, L, EMBED] gather
    pooled = jnp.mean(emb, axis=1)            # [B, EMBED]
    h = jax.nn.relu(pooled @ W1 + b1)         # [B, HIDDEN]
    out = h @ W2 + b2                         # [B, OUT]
    return out

if __name__ == "__main__":
    import jax
    _d = setup_inputs()
    print(jax.jit(kernel)(*tuple(_d.values())))

</pallas_src>

<mosaic_0001>
#map = affine_map<(d0, d1) -> (0)>
#map1 = affine_map<(d0, d1) -> (0, 0)>
module attributes {stable_mosaic.version = 14 : i64} {
  func.func @_pool_body(%arg0: i32, %arg1: i32, %arg2: memref<819200xi32, #tpu.memory_space<hbm>>, %arg3: memref<1000000x128xf32, #tpu.memory_space<hbm>>, %arg4: memref<128xf32, #tpu.memory_space<hbm>>, %arg5: memref<2x128xf32, #tpu.memory_space<hbm>>, %arg6: memref<16xf32, #tpu.memory_space<hbm>>, %arg7: memref<4096x16xf32, #tpu.memory_space<hbm>>, %arg8: memref<25600xi32, #tpu.memory_space<vmem>>, %arg9: memref<200x128xf32, #tpu.memory_space<vmem>>, %arg10: memref<200x128xf32, #tpu.memory_space<vmem>>, %arg11: memref<200x128xf32, #tpu.memory_space<vmem>>, %arg12: memref<128x16xf32, #tpu.memory_space<vmem>>, %arg13: memref<128xf32, #tpu.memory_space<vmem>>, %arg14: memref<2x128xf32, #tpu.memory_space<vmem>>, %arg15: memref<16xf32, #tpu.memory_space<vmem>>, %arg16: memref<!tpu.dma_semaphore, #tpu.memory_space<semaphore_mem>>, %arg17: memref<!tpu.dma_semaphore, #tpu.memory_space<semaphore_mem>>, %arg18: memref<!tpu.dma_semaphore, #tpu.memory_space<semaphore_mem>>, %arg19: memref<!tpu.dma_semaphore, #tpu.memory_space<semaphore_mem>>, %arg20: memref<!tpu.dma_semaphore, #tpu.memory_space<semaphore_mem>>, %arg21: memref<!tpu.dma_semaphore, #tpu.memory_space<semaphore_mem>>) attributes {dimension_semantics = [#tpu.dimension_semantics<core_parallel>, #tpu.dimension_semantics<subcore_parallel>], iteration_bounds = array<i64: 2, 16>, scalar_prefetch = 0 : i64, scratch_operands = 14 : i64, tpu.core_type = #tpu.core_type<sc_vector_subcore>, window_params = [{transform_indices = #map}, {transform_indices = #map1}, {transform_indices = #map}, {transform_indices = #map1}, {transform_indices = #map}, {transform_indices = #map1}]} {
    %mul3A = arith.constant 2 : i32
    %mul3A_0 = arith.muli %arg1, %mul3A : i32
    %add3A = arith.addi %mul3A_0, %arg0 : i32
    %mul3A_1 = arith.constant 128 : i32
    %mul3A_2 = arith.muli %add3A, %mul3A_1 : i32
    %mul3A_3 = arith.constant 200 : i32
    %mul3A_4 = arith.muli %mul3A_2, %mul3A_3 : i32
    "tpu.region"() ({
      %run_scoped3A = tpu.sem_alloc : memref<!tpu.dma_semaphore, #tpu.memory_space<semaphore_mem>>
      %dma_start3A_500 = tpu.memref_slice %arg2[%mul3A_4] : memref<819200xi32, #tpu.memory_space<hbm>> -> memref<25600xi32, #tpu.memory_space<hbm>>
      %dma_start3A_501 = tpu.memref_slice %arg2[%mul3A_4] : memref<819200xi32, #tpu.memory_space<hbm>> -> memref<25600xi32, #tpu.memory_space<hbm>>
      tpu.enqueue_dma source(%dma_start3A_501 : memref<25600xi32, #tpu.memory_space<hbm>>) target(%arg8 : memref<25600xi32, #tpu.memory_space<vmem>>) target_semaphore(%run_scoped3A : memref<!tpu.dma_semaphore, #tpu.memory_space<semaphore_mem>>)
      %dma_wait3A_502 = tpu.memref_slice %arg2[%mul3A_4] : memref<819200xi32, #tpu.memory_space<hbm>> -> memref<25600xi32, #tpu.memory_space<hbm>>
      %dma_wait3A_503 = tpu.memref_slice %arg2[%mul3A_4] : memref<819200xi32, #tpu.memory_space<hbm>> -> memref<25600xi32, #tpu.memory_space<hbm>>
      tpu.wait_dma2 semaphore(%run_scoped3A : memref<!tpu.dma_semaphore, #tpu.memory_space<semaphore_mem>>) src(%dma_wait3A_503 : memref<25600xi32, #tpu.memory_space<hbm>>) dst(%arg8 : memref<25600xi32, #tpu.memory_space<vmem>>)
      tpu.yield
    }) : () -> ()
    "tpu.region"() ({
      %run_scoped3A = tpu.sem_alloc : memref<!tpu.dma_semaphore, #tpu.memory_space<semaphore_mem>>
      tpu.enqueue_dma source(%arg4 : memref<128xf32, #tpu.memory_space<hbm>>) target(%arg13 : memref<128xf32, #tpu.memory_space<vmem>>) target_semaphore(%run_scoped3A : memref<!tpu.dma_semaphore, #tpu.memory_space<semaphore_mem>>)
      tpu.wait_dma2 semaphore(%run_scoped3A : memref<!tpu.dma_semaphore, #tpu.memory_space<semaphore_mem>>) src(%arg4 : memref<128xf32, #tpu.memory_space<hbm>>) dst(%arg13 : memref<128xf32, #tpu.memory_space<vmem>>)
      tpu.yield
    }) : () -> ()
    "tpu.region"() ({
      %run_scoped3A = tpu.sem_alloc : memref<!tpu.dma_semaphore, #tpu.memory_space<semaphore_mem>>
      tpu.enqueue_dma source(%arg5 : memref<2x128xf32, #tpu.memory_space<hbm>>) target(%arg14 : memref<2x128xf32, #tpu.memory_space<vmem>>) target_semaphore(%run_scoped3A : memref<!tpu.dma_semaphore, #tpu.memory_space<semaphore_mem>>)
      tpu.wait_dma2 semaphore(%run_scoped3A : memref<!tpu.dma_semaphore, #tpu.memory_space<semaphore_mem>>) src(%arg5 : memref<2x128xf32, #tpu.memory_space<hbm>>) dst(%arg14 : memref<2x128xf32, #tpu.memory_space<vmem>>)
      tpu.yield
    }) : () -> ()
    "tpu.region"() ({
      %run_scoped3A = tpu.sem_alloc : memref<!tpu.dma_semaphore, #tpu.memory_space<semaphore_mem>>
      tpu.enqueue_dma source(%arg6 : memref<16xf32, #tpu.memory_space<hbm>>) target(%arg15 : memref<16xf32, #tpu.memory_space<vmem>>) target_semaphore(%run_scoped3A : memref<!tpu.dma_semaphore, #tpu.memory_space<semaphore_mem>>)
      tpu.wait_dma2 semaphore(%run_scoped3A : memref<!tpu.dma_semaphore, #tpu.memory_space<semaphore_mem>>) src(%arg6 : memref<16xf32, #tpu.memory_space<hbm>>) dst(%arg15 : memref<16xf32, #tpu.memory_space<vmem>>)
      tpu.yield
    }) : () -> ()
    %iota3A = tpu.iota {dimensions = array<i32: 0>} : vector<16xi32>
    %get3A = arith.constant 0 : index
    %get3A_5 = tpu.vector_load %arg15[%get3A] {strides = array<i32>} : memref<16xf32, #tpu.memory_space<vmem>>, vector<16xf32>,
    %multiple_of3A = arith.constant 0 : i32
    %multiple_of3A_6 = tpu.assume_multiple %multiple_of3A, 8 : i32
    %dma_start3A = arith.constant 0 : i32
    %dma_start3A_7 = arith.constant 0 : i32
    %dma_start3A_8 = tpu.memref_slice %arg9[%dma_start3A, %dma_start3A_7] : memref<200x128xf32, #tpu.memory_space<vmem>> -> memref<104x128xf32, #tpu.memory_space<vmem>>
    %dma_start3A_9 = tpu.memref_slice %arg8[%multiple_of3A_6] : memref<25600xi32, #tpu.memory_space<vmem>> -> memref<104xi32, #tpu.memory_space<vmem>>
    %dma_start3A_10 = arith.constant 0 : i32
    %dma_start3A_11 = arith.constant 0 : i32
    %dma_start3A_12 = tpu.memref_slice %arg3[%dma_start3A_10, %dma_start3A_11] : memref<1000000x128xf32, #tpu.memory_space<hbm>> -> memref<1000000x128xf32, #tpu.memory_space<hbm>>
    tpu.enqueue_indirect_dma source(%dma_start3A_12 : memref<1000000x128xf32, #tpu.memory_space<hbm>>) target(%dma_start3A_8 : memref<104x128xf32, #tpu.memory_space<vmem>>) offsets(%dma_start3A_9 : memref<104xi32, #tpu.memory_space<vmem>>) semaphore(%arg16 : memref<!tpu.dma_semaphore, #tpu.memory_space<semaphore_mem>>)
    %multiple_of3A_13 = arith.constant 104 : i32
    %multiple_of3A_14 = tpu.assume_multiple %multiple_of3A_13, 8 : i32
    %dma_start3A_15 = arith.constant 104 : i32
    %dma_start3A_16 = arith.constant 0 : i32
    %dma_start3A_17 = tpu.memref_slice %arg9[%dma_start3A_15, %dma_start3A_16] : memref<200x128xf32, #tpu.memory_space<vmem>> -> memref<96x128xf32, #tpu.memory_space<vmem>>
    %dma_start3A_18 = tpu.memref_slice %arg8[%multiple_of3A_14] : memref<25600xi32, #tpu.memory_space<vmem>> -> memref<96xi32, #tpu.memory_space<vmem>>
    %dma_start3A_19 = arith.constant 0 : i32
    %dma_start3A_20 = arith.constant 0 : i32
    %dma_start3A_21 = tpu.memref_slice %arg3[%dma_start3A_19, %dma_start3A_20] : memref<1000000x128xf32, #tpu.memory_space<hbm>> -> memref<1000000x128xf32, #tpu.memory_space<hbm>>
    tpu.enqueue_indirect_dma source(%dma_start3A_21 : memref<1000000x128xf32, #tpu.memory_space<hbm>>) target(%dma_start3A_17 : memref<96x128xf32, #tpu.memory_space<vmem>>) offsets(%dma_start3A_18 : memref<96xi32, #tpu.memory_space<vmem>>) semaphore(%arg19 : memref<!tpu.dma_semaphore, #tpu.memory_space<semaphore_mem>>)
    %multiple_of3A_22 = arith.constant 200 : i32
    %multiple_of3A_23 = tpu.assume_multiple %multiple_of3A_22, 8 : i32
    %dma_start3A_24 = arith.constant 0 : i32
    %dma_start3A_25 = arith.constant 0 : i32
    %dma_start3A_26 = tpu.memref_slice %arg10[%dma_start3A_24, %dma_start3A_25] : memref<200x128xf32, #tpu.memory_space<vmem>> -> memref<104x128xf32, #tpu.memory_space<vmem>>
    %dma_start3A_27 = tpu.memref_slice %arg8[%multiple_of3A_23] : memref<25600xi32, #tpu.memory_space<vmem>> -> memref<104xi32, #tpu.memory_space<vmem>>
    %dma_start3A_28 = arith.constant 0 : i32
    %dma_start3A_29 = arith.constant 0 : i32
    %dma_start3A_30 = tpu.memref_slice %arg3[%dma_start3A_28, %dma_start3A_29] : memref<1000000x128xf32, #tpu.memory_space<hbm>> -> memref<1000000x128xf32, #tpu.memory_space<hbm>>
    tpu.enqueue_indirect_dma source(%dma_start3A_30 : memref<1000000x128xf32, #tpu.memory_space<hbm>>) target(%dma_start3A_26 : memref<104x128xf32, #tpu.memory_space<vmem>>) offsets(%dma_start3A_27 : memref<104xi32, #tpu.memory_space<vmem>>) semaphore(%arg17 : memref<!tpu.dma_semaphore, #tpu.memory_space<semaphore_mem>>)
    %multiple_of3A_31 = arith.constant 304 : i32
    %multiple_of3A_32 = tpu.assume_multiple %multiple_of3A_31, 8 : i32
    %dma_start3A_33 = arith.constant 104 : i32
    %dma_start3A_34 = arith.constant 0 : i32
    %dma_start3A_35 = tpu.memref_slice %arg10[%dma_start3A_33, %dma_start3A_34] : memref<200x128xf32, #tpu.memory_space<vmem>> -> memref<96x128xf32, #tpu.memory_space<vmem>>
    %dma_start3A_36 = tpu.memref_slice %arg8[%multiple_of3A_32] : memref<25600xi32, #tpu.memory_space<vmem>> -> memref<96xi32, #tpu.memory_space<vmem>>
    %dma_start3A_37 = arith.constant 0 : i32
    %dma_start3A_38 = arith.constant 0 : i32
    %dma_start3A_39 = tpu.memref_slice %arg3[%dma_start3A_37, %dma_start3A_38] : memref<1000000x128xf32, #tpu.memory_space<hbm>> -> memref<1000000x128xf32, #tpu.memory_space<hbm>>
    tpu.enqueue_indirect_dma source(%dma_start3A_39 : memref<1000000x128xf32, #tpu.memory_space<hbm>>) target(%dma_start3A_35 : memref<96x128xf32, #tpu.memory_space<vmem>>) offsets(%dma_start3A_36 : memref<96xi32, #tpu.memory_space<vmem>>) semaphore(%arg20 : memref<!tpu.dma_semaphore, #tpu.memory_space<semaphore_mem>>)
    %scan3A = arith.constant 0 : i32
    %scan3A_40 = arith.constant 5.000000e-03 : f32
    %scan3A_41 = arith.constant 0 : i32
    %scan3A_42 = arith.constant 42 : i32
    %scan3A_43 = arith.addi %scan3A_41, %scan3A_42 : i32
    %scan3A_44 = arith.constant 1 : i32
    scf.for %scan3A_500 = %scan3A_41 to %scan3A_43 step %scan3A_44  : i32 {
      %mul3A_501 = arith.constant 3 : i32
      %mul3A_502 = arith.muli %scan3A_500, %mul3A_501 : i32
      %add3A_503 = arith.constant 0 : i32
      %add3A_504 = arith.addi %mul3A_502, %add3A_503 : i32
      %add3A_505 = arith.constant 2 : i32
      %add3A_506 = arith.addi %add3A_504, %add3A_505 : i32
      %lt3A = arith.constant 128 : i32
      %lt3A_507 = arith.cmpi slt, %add3A_506, %lt3A : i32
      %convert_element_type3A = arith.extui %lt3A_507 : i1 to i32
      %cond3A = arith.constant 0 : i32
      %cond3A_508 = arith.cmpi ne, %convert_element_type3A, %cond3A : i32
      scf.if %cond3A_508 {
        %add3A_1197 = arith.constant 2 : i32
        %add3A_1198 = arith.addi %add3A_504, %add3A_1197 : i32
        %mul3A_1199 = arith.constant 200 : i32
        %mul3A_1200 = arith.muli %add3A_1198, %mul3A_1199 : i32
        %multiple_of3A_1201 = tpu.assume_multiple %mul3A_1200, 8 : i32
        %dma_start3A_1202 = arith.constant 0 : i32
        %dma_start3A_1203 = arith.constant 0 : i32
        %dma_start3A_1204 = tpu.memref_slice %arg11[%dma_start3A_1202, %dma_start3A_1203] : memref<200x128xf32, #tpu.memory_space<vmem>> -> memref<104x128xf32, #tpu.memory_space<vmem>>
        %dma_start3A_1205 = tpu.memref_slice %arg8[%multiple_of3A_1201] : memref<25600xi32, #tpu.memory_space<vmem>> -> memref<104xi32, #tpu.memory_space<vmem>>
        %dma_start3A_1206 = arith.constant 0 : i32
        %dma_start3A_1207 = arith.constant 0 : i32
        %dma_start3A_1208 = tpu.memref_slice %arg3[%dma_start3A_1206, %dma_start3A_1207] : memref<1000000x128xf32, #tpu.memory_space<hbm>> -> memref<1000000x128xf32, #tpu.memory_space<hbm>>
        tpu.enqueue_indirect_dma source(%dma_start3A_1208 : memref<1000000x128xf32, #tpu.memory_space<hbm>>) target(%dma_start3A_1204 : memref<104x128xf32, #tpu.memory_space<vmem>>) offsets(%dma_start3A_1205 : memref<104xi32, #tpu.memory_space<vmem>>) semaphore(%arg18 : memref<!tpu.dma_semaphore, #tpu.memory_space<semaphore_mem>>)
        %mul3A_1209 = arith.constant 200 : i32
        %mul3A_1210 = arith.muli %add3A_1198, %mul3A_1209 : i32
        %add3A_1211 = arith.constant 104 : i32
        %add3A_1212 = arith.addi %mul3A_1210, %add3A_1211 : i32
        %multiple_of3A_1213 = tpu.assume_multiple %add3A_1212, 8 : i32
        %dma_start3A_1214 = arith.constant 104 : i32
        %dma_start3A_1215 = arith.constant 0 : i32
        %dma_start3A_1216 = tpu.memref_slice %arg11[%dma_start3A_1214, %dma_start3A_1215] : memref<200x128xf32, #tpu.memory_space<vmem>> -> memref<96x128xf32, #tpu.memory_space<vmem>>
        %dma_start3A_1217 = tpu.memref_slice %arg8[%multiple_of3A_1213] : memref<25600xi32, #tpu.memory_space<vmem>> -> memref<96xi32, #tpu.memory_space<vmem>>
        %dma_start3A_1218 = arith.constant 0 : i32
        %dma_start3A_1219 = arith.constant 0 : i32
        %dma_start3A_1220 = tpu.memref_slice %arg3[%dma_start3A_1218, %dma_start3A_1219] : memref<1000000x128xf32, #tpu.memory_space<hbm>> -> memref<1000000x128xf32, #tpu.memory_space<hbm>>
        tpu.enqueue_indirect_dma source(%dma_start3A_1220 : memref<1000000x128xf32, #tpu.memory_space<hbm>>) target(%dma_start3A_1216 : memref<96x128xf32, #tpu.memory_space<vmem>>) offsets(%dma_start3A_1217 : memref<96xi32, #tpu.memory_space<vmem>>) semaphore(%arg21 : memref<!tpu.dma_semaphore, #tpu.memory_space<semaphore_mem>>)
      } else {
      }
      %broadcast_in_dim3A_509 = arith.constant 0.000000e+00 : f32
      %broadcast_in_dim3A_510 = vector.broadcast %broadcast_in_dim3A_509 : f32 to vector<16xf32>
      %dma_wait3A_511 = arith.constant 0 : i32
      %dma_wait3A_512 = arith.constant 0 : i32
      %dma_wait3A_513 = tpu.memref_slice %arg9[%dma_wait3A_511, %dma_wait3A_512] : memref<200x128xf32, #tpu.memory_space<vmem>> -> memref<104x128xf32, #tpu.memory_space<vmem>>
      %dma_wait3A_514 = arith.constant 0 : i32
      %dma_wait3A_515 = arith.constant 0 : i32
      %dma_wait3A_516 = tpu.memref_slice %arg3[%dma_wait3A_514, %dma_wait3A_515] : memref<1000000x128xf32, #tpu.memory_space<hbm>> -> memref<104x128xf32, #tpu.memory_space<hbm>>
      %dma_wait3A_517 = arith.constant 0 : i32
      %dma_wait3A_518 = arith.constant 0 : i32
      %dma_wait3A_519 = tpu.memref_slice %arg9[%dma_wait3A_517, %dma_wait3A_518] : memref<200x128xf32, #tpu.memory_space<vmem>> -> memref<104x128xf32, #tpu.memory_space<vmem>>
      %dma_wait3A_520 = arith.constant 0 : i32
      %dma_wait3A_521 = arith.constant 0 : i32
      %dma_wait3A_522 = tpu.memref_slice %arg3[%dma_wait3A_520, %dma_wait3A_521] : memref<1000000x128xf32, #tpu.memory_space<hbm>> -> memref<104x128xf32, #tpu.memory_space<hbm>>
      tpu.wait_dma2 semaphore(%arg16 : memref<!tpu.dma_semaphore, #tpu.memory_space<semaphore_mem>>) src(%dma_wait3A_522 : memref<104x128xf32, #tpu.memory_space<hbm>>) dst(%dma_wait3A_519 : memref<104x128xf32, #tpu.memory_space<vmem>>)
      %scan3A_523 = arith.constant 0 : i32
      %scan3A_524 = arith.constant 13 : i32
      %scan3A_525 = arith.addi %scan3A_523, %scan3A_524 : i32
      %scan3A_526 = arith.constant 1 : i32
      %scan3A_527:8 = scf.for %scan3A_1197 = %scan3A_523 to %scan3A_525 step %scan3A_526 iter_args(%scan3A_1198 = %broadcast_in_dim3A_510, %scan3A_1199 = %broadcast_in_dim3A_510, %scan3A_1200 = %broadcast_in_dim3A_510, %scan3A_1201 = %broadcast_in_dim3A_510, %scan3A_1202 = %broadcast_in_dim3A_510, %scan3A_1203 = %broadcast_in_dim3A_510, %scan3A_1204 = %broadcast_in_dim3A_510, %scan3A_1205 = %broadcast_in_dim3A_510) -> (vector<16xf32>, vector<16xf32>, vector<16xf32>, vector<16xf32>, vector<16xf32>, vector<16xf32>, vector<16xf32>, vector<16xf32>)  : i32 {
        %mul3A_1206 = arith.constant 8 : i32
        %mul3A_1207 = arith.muli %scan3A_1197, %mul3A_1206 : i32
        %add3A_1208 = arith.constant 0 : i32
        %add3A_1209 = arith.addi %add3A_1208, %mul3A_1207 : i32
        %add3A_1210 = arith.constant 0 : i32
        %add3A_1211 = arith.addi %add3A_1209, %add3A_1210 : i32
        %get3A_1212 = arith.index_cast %add3A_1211 : i32 to index
        %get3A_1213 = arith.constant 0 : index
        %get3A_1214 = tpu.vector_load %arg9[%get3A_1212, %get3A_1213] {strides = array<i32>} : memref<200x128xf32, #tpu.memory_space<vmem>>, vector<16xf32>,
        %add3A_1215 = arith.addf %scan3A_1198, %get3A_1214 : vector<16xf32>
        %get3A_1216 = arith.index_cast %add3A_1211 : i32 to index
        %get3A_1217 = arith.constant 16 : index
        %get3A_1218 = tpu.vector_load %arg9[%get3A_1216, %get3A_1217] {strides = array<i32>} : memref<200x128xf32, #tpu.memory_space<vmem>>, vector<16xf32>,
        %add3A_1219 = arith.addf %scan3A_1199, %get3A_1218 : vector<16xf32>
        %get3A_1220 = arith.index_cast %add3A_1211 : i32 to index
        %get3A_1221 = arith.constant 32 : index
        %get3A_1222 = tpu.vector_load %arg9[%get3A_1220, %get3A_1221] {strides = array<i32>} : memref<200x128xf32, #tpu.memory_space<vmem>>, vector<16xf32>,
        %add3A_1223 = arith.addf %scan3A_1200, %get3A_1222 : vector<16xf32>
        %get3A_1224 = arith.index_cast %add3A_1211 : i32 to index
        %get3A_1225 = arith.constant 48 : index
        %get3A_1226 = tpu.vector_load %arg9[%get3A_1224, %get3A_1225] {strides = array<i32>} : memref<200x128xf32, #tpu.memory_space<vmem>>, vector<16xf32>,
        %add3A_1227 = arith.addf %scan3A_1201, %get3A_1226 : vector<16xf32>
        %get3A_1228 = arith.index_cast %add3A_1211 : i32 to index
        %get3A_1229 = arith.constant 64 : index
        %get3A_1230 = tpu.vector_load %arg9[%get3A_1228, %get3A_1229] {strides = array<i32>} : memref<200x128xf32, #tpu.memory_space<vmem>>, vector<16xf32>,
        %add3A_1231 = arith.addf %scan3A_1202, %get3A_1230 : vector<16xf32>
        %get3A_1232 = arith.index_cast %add3A_1211 : i32 to index
        %get3A_1233 = arith.constant 80 : index
        %get3A_1234 = tpu.vector_load %arg9[%get3A_1232, %get3A_1233] {strides = array<i32>} : memref<200x128xf32, #tpu.memory_space<vmem>>, vector<16xf32>,
        %add3A_1235 = arith.addf %scan3A_1203, %get3A_1234 : vector<16xf32>
        %get3A_1236 = arith.index_cast %add3A_1211 : i32 to index
        %get3A_1237 = arith.constant 96 : index
        %get3A_1238 = tpu.vector_load %arg9[%get3A_1236, %get3A_1237] {strides = array<i32>} : memref<200x128xf32, #tpu.memory_space<vmem>>, vector<16xf32>,
        %add3A_1239 = arith.addf %scan3A_1204, %get3A_1238 : vector<16xf32>
        %get3A_1240 = arith.index_cast %add3A_1211 : i32 to index
        %get3A_1241 = arith.constant 112 : index
        %get3A_1242 = tpu.vector_load %arg9[%get3A_1240, %get3A_1241] {strides = array<i32>} : memref<200x128xf32, #tpu.memory_space<vmem>>, vector<16xf32>,
        %add3A_1243 = arith.addf %scan3A_1205, %get3A_1242 : vector<16xf32>
        %mul3A_1244 = arith.constant 8 : i32
        %mul3A_1245 = arith.muli %scan3A_1197, %mul3A_1244 : i32
        %add3A_1246 = arith.constant 0 : i32
        %add3A_1247 = arith.addi %add3A_1246, %mul3A_1245 : i32
        %add3A_1248 = arith.constant 1 : i32
        %add3A_1249 = arith.addi %add3A_1247, %add3A_1248 : i32
        %get3A_1250 = arith.index_cast %add3A_1249 : i32 to index
        %get3A_1251 = arith.constant 0 : index
        %get3A_1252 = tpu.vector_load %arg9[%get3A_1250, %get3A_1251] {strides = array<i32>} : memref<200x128xf32, #tpu.memory_space<vmem>>, vector<16xf32>,
        %add3A_1253 = arith.addf %add3A_1215, %get3A_1252 : vector<16xf32>
        %get3A_1254 = arith.index_cast %add3A_1249 : i32 to index
        %get3A_1255 = arith.constant 16 : index
        %get3A_1256 = tpu.vector_load %arg9[%get3A_1254, %get3A_1255] {strides = array<i32>} : memref<200x128xf32, #tpu.memory_space<vmem>>, vector<16xf32>,
        %add3A_1257 = arith.addf %add3A_1219, %get3A_1256 : vector<16xf32>
        %get3A_1258 = arith.index_cast %add3A_1249 : i32 to index
        %get3A_1259 = arith.constant 32 : index
        %get3A_1260 = tpu.vector_load %arg9[%get3A_1258, %get3A_1259] {strides = array<i32>} : memref<200x128xf32, #tpu.memory_space<vmem>>, vector<16xf32>,
        %add3A_1261 = arith.addf %add3A_1223, %get3A_1260 : vector<16xf32>
        %get3A_1262 = arith.index_cast %add3A_1249 : i32 to index
        %get3A_1263 = arith.constant 48 : index
        %get3A_1264 = tpu.vector_load %arg9[%get3A_1262, %get3A_1263] {strides = array<i32>} : memref<200x128xf32, #tpu.memory_space<vmem>>, vector<16xf32>,
        %add3A_1265 = arith.addf %add3A_1227, %get3A_1264 : vector<16xf32>
        %get3A_1266 = arith.index_cast %add3A_1249 : i32 to index
        %get3A_1267 = arith.constant 64 : index
        %get3A_1268 = tpu.vector_load %arg9[%get3A_1266, %get3A_1267] {strides = array<i32>} : memref<200x128xf32, #tpu.memory_space<vmem>>, vector<16xf32>,
        %add3A_1269 = arith.addf %add3A_1231, %get3A_1268 : vector<16xf32>
        %get3A_1270 = arith.index_cast %add3A_1249 : i32 to index
        %get3A_1271 = arith.constant 80 : index
        %get3A_1272 = tpu.vector_load %arg9[%get3A_1270, %get3A_1271] {strides = array<i32>} : memref<200x128xf32, #tpu.memory_space<vmem>>, vector<16xf32>,
        %add3A_1273 = arith.addf %add3A_1235, %get3A_1272 : vector<16xf32>
        %get3A_1274 = arith.index_cast %add3A_1249 : i32 to index
        %get3A_1275 = arith.constant 96 : index
        %get3A_1276 = tpu.vector_load %arg9[%get3A_1274, %get3A_1275] {strides = array<i32>} : memref<200x128xf32, #tpu.memory_space<vmem>>, vector<16xf32>,
        %add3A_1277 = arith.addf %add3A_1239, %get3A_1276 : vector<16xf32>
        %get3A_1278 = arith.index_cast %add3A_1249 : i32 to index
        %get3A_1279 = arith.constant 112 : index
        %get3A_1280 = tpu.vector_load %arg9[%get3A_1278, %get3A_1279] {strides = array<i32>} : memref<200x128xf32, #tpu.memory_space<vmem>>, vector<16xf32>,
        %add3A_1281 = arith.addf %add3A_1243, %get3A_1280 : vector<16xf32>
        %mul3A_1282 = arith.constant 8 : i32
        %mul3A_1283 = arith.muli %scan3A_1197, %mul3A_1282 : i32
        %add3A_1284 = arith.constant 0 : i32
        %add3A_1285 = arith.addi %add3A_1284, %mul3A_1283 : i32
        %add3A_1286 = arith.constant 2 : i32
        %add3A_1287 = arith.addi %add3A_1285, %add3A_1286 : i32
        %get3A_1288 = arith.index_cast %add3A_1287 : i32 to index
        %get3A_1289 = arith.constant 0 : index
        %get3A_1290 = tpu.vector_load %arg9[%get3A_1288, %get3A_1289] {strides = array<i32>} : memref<200x128xf32, #tpu.memory_space<vmem>>, vector<16xf32>,
        %add3A_1291 = arith.addf %add3A_1253, %get3A_1290 : vector<16xf32>
        %get3A_1292 = arith.index_cast %add3A_1287 : i32 to index
        %get3A_1293 = arith.constant 16 : index
        %get3A_1294 = tpu.vector_load %arg9[%get3A_1292, %get3A_1293] {strides = array<i32>} : memref<200x128xf32, #tpu.memory_space<vmem>>, vector<16xf32>,
        %add3A_1295 = arith.addf %add3A_1257, %get3A_1294 : vector<16xf32>
        %get3A_1296 = arith.index_cast %add3A_1287 : i32 to index
        %get3A_1297 = arith.constant 32 : index
        %get3A_1298 = tpu.vector_load %arg9[%get3A_1296, %get3A_1297] {strides = array<i32>} : memref<200x128xf32, #tpu.memory_space<vmem>>, vector<16xf32>,
        %add3A_1299 = arith.addf %add3A_1261, %get3A_1298 : vector<16xf32>
        %get3A_1300 = arith.index_cast %add3A_1287 : i32 to index
        %get3A_1301 = arith.constant 48 : index
        %get3A_1302 = tpu.vector_load %arg9[%get3A_1300, %get3A_1301] {strides = array<i32>} : memref<200x128xf32, #tpu.memory_space<vmem>>, vector<16xf32>,
        %add3A_1303 = arith.addf %add3A_1265, %get3A_1302 : vector<16xf32>
        %get3A_1304 = arith.index_cast %add3A_1287 : i32 to index
        %get3A_1305 = arith.constant 64 : index
        %get3A_1306 = tpu.vector_load %arg9[%get3A_1304, %get3A_1305] {strides = array<i32>} : memref<200x128xf32, #tpu.memory_space<vmem>>, vector<16xf32>,
        %add3A_1307 = arith.addf %add3A_1269, %get3A_1306 : vector<16xf32>
        %get3A_1308 = arith.index_cast %add3A_1287 : i32 to index
        %get3A_1309 = arith.constant 80 : index
        %get3A_1310 = tpu.vector_load %arg9[%get3A_1308, %get3A_1309] {strides = array<i32>} : memref<200x128xf32, #tpu.memory_space<vmem>>, vector<16xf32>,
        %add3A_1311 = arith.addf %add3A_1273, %get3A_1310 : vector<16xf32>
        %get3A_1312 = arith.index_cast %add3A_1287 : i32 to index
        %get3A_1313 = arith.constant 96 : index
        %get3A_1314 = tpu.vector_load %arg9[%get3A_1312, %get3A_1313] {strides = array<i32>} : memref<200x128xf32, #tpu.memory_space<vmem>>, vector<16xf32>,
        %add3A_1315 = arith.addf %add3A_1277, %get3A_1314 : vector<16xf32>
        %get3A_1316 = arith.index_cast %add3A_1287 : i32 to index
        %get3A_1317 = arith.constant 112 : index
        %get3A_1318 = tpu.vector_load %arg9[%get3A_1316, %get3A_1317] {strides = array<i32>} : memref<200x128xf32, #tpu.memory_space<vmem>>, vector<16xf32>,
        %add3A_1319 = arith.addf %add3A_1281, %get3A_1318 : vector<16xf32>
        %mul3A_1320 = arith.constant 8 : i32
        %mul3A_1321 = arith.muli %scan3A_1197, %mul3A_1320 : i32
        %add3A_1322 = arith.constant 0 : i32
        %add3A_1323 = arith.addi %add3A_1322, %mul3A_1321 : i32
        %add3A_1324 = arith.constant 3 : i32
        %add3A_1325 = arith.addi %add3A_1323, %add3A_1324 : i32
        %get3A_1326 = arith.index_cast %add3A_1325 : i32 to index
        %get3A_1327 = arith.constant 0 : index
        %get3A_1328 = tpu.vector_load %arg9[%get3A_1326, %get3A_1327] {strides = array<i32>} : memref<200x128xf32, #tpu.memory_space<vmem>>, vector<16xf32>,
        %add3A_1329 = arith.addf %add3A_1291, %get3A_1328 : vector<16xf32>
        %get3A_1330 = arith.index_cast %add3A_1325 : i32 to index
        %get3A_1331 = arith.constant 16 : index
        %get3A_1332 = tpu.vector_load %arg9[%get3A_1330, %get3A_1331] {strides = array<i32>} : memref<200x128xf32, #tpu.memory_space<vmem>>, vector<16xf32>,
        %add3A_1333 = arith.addf %add3A_1295, %get3A_1332 : vector<16xf32>
        %get3A_1334 = arith.index_cast %add3A_1325 : i32 to index
        %get3A_1335 = arith.constant 32 : index
        %get3A_1336 = tpu.vector_load %arg9[%get3A_1334, %get3A_1335] {strides = array<i32>} : memref<200x128xf32, #tpu.memory_space<vmem>>, vector<16xf32>,
        %add3A_1337 = arith.addf %add3A_1299, %get3A_1336 : vector<16xf32>
        %get3A_1338 = arith.index_cast %add3A_1325 : i32 to index
        %get3A_1339 = arith.constant 48 : index
        %get3A_1340 = tpu.vector_load %arg9[%get3A_1338, %get3A_1339] {strides = array<i32>} : memref<200x128xf32, #tpu.memory_space<vmem>>, vector<16xf32>,
        %add3A_1341 = arith.addf %add3A_1303, %get3A_1340 : vector<16xf32>
        %get3A_1342 = arith.index_cast %add3A_1325 : i32 to index
        %get3A_1343 = arith.constant 64 : index
        %get3A_1344 = tpu.vector_load %arg9[%get3A_1342, %get3A_1343] {strides = array<i32>} : memref<200x128xf32, #tpu.memory_space<vmem>>, vector<16xf32>,
        %add3A_1345 = arith.addf %add3A_1307, %get3A_1344 : vector<16xf32>
        %get3A_1346 = arith.index_cast %add3A_1325 : i32 to index
        %get3A_1347 = arith.constant 80 : index
        %get3A_1348 = tpu.vector_load %arg9[%get3A_1346, %get3A_1347] {strides = array<i32>} : memref<200x128xf32, #tpu.memory_space<vmem>>, vector<16xf32>,
        %add3A_1349 = arith.addf %add3A_1311, %get3A_1348 : vector<16xf32>
        %get3A_1350 = arith.index_cast %add3A_1325 : i32 to index
        %get3A_1351 = arith.constant 96 : index
        %get3A_1352 = tpu.vector_load %arg9[%get3A_1350, %get3A_1351] {strides = array<i32>} : memref<200x128xf32, #tpu.memory_space<vmem>>, vector<16xf32>,
        %add3A_1353 = arith.addf %add3A_1315, %get3A_1352 : vector<16xf32>
        %get3A_1354 = arith.index_cast %add3A_1325 : i32 to index
        %get3A_1355 = arith.constant 112 : index
        %get3A_1356 = tpu.vector_load %arg9[%get3A_1354, %get3A_1355] {strides = array<i32>} : memref<200x128xf32, #tpu.memory_space<vmem>>, vector<16xf32>,
        %add3A_1357 = arith.addf %add3A_1319, %get3A_1356 : vector<16xf32>
        %mul3A_1358 = arith.constant 8 : i32
        %mul3A_1359 = arith.muli %scan3A_1197, %mul3A_1358 : i32
        %add3A_1360 = arith.constant 0 : i32
        %add3A_1361 = arith.addi %add3A_1360, %mul3A_1359 : i32
        %add3A_1362 = arith.constant 4 : i32
        %add3A_1363 = arith.addi %add3A_1361, %add3A_1362 : i32
        %get3A_1364 = arith.index_cast %add3A_1363 : i32 to index
        %get3A_1365 = arith.constant 0 : index
        %get3A_1366 = tpu.vector_load %arg9[%get3A_1364, %get3A_1365] {strides = array<i32>} : memref<200x128xf32, #tpu.memory_space<vmem>>, vector<16xf32>,
        %add3A_1367 = arith.addf %add3A_1329, %get3A_1366 : vector<16xf32>
        %get3A_1368 = arith.index_cast %add3A_1363 : i32 to index
        %get3A_1369 = arith.constant 16 : index
        %get3A_1370 = tpu.vector_load %arg9[%get3A_1368, %get3A_1369] {strides = array<i32>} : memref<200x128xf32, #tpu.memory_space<vmem>>, vector<16xf32>,
        %add3A_1371 = arith.addf %add3A_1333, %get3A_1370 : vector<16xf32>
        %get3A_1372 = arith.index_cast %add3A_1363 : i32 to index
        %get3A_1373 = arith.constant 32 : index
        %get3A_1374 = tpu.vector_load %arg9[%get3A_1372, %get3A_1373] {strides = array<i32>} : memref<200x128xf32, #tpu.memory_space<vmem>>, vector<16xf32>,
        %add3A_1375 = arith.addf %add3A_1337, %get3A_1374 : vector<16xf32>
        %get3A_1376 = arith.index_cast %add3A_1363 : i32 to index
        %get3A_1377 = arith.constant 48 : index
        %get3A_1378 = tpu.vector_load %arg9[%get3A_1376, %get3A_1377] {strides = array<i32>} : memref<200x128xf32, #tpu.memory_space<vmem>>, vector<16xf32>,
        %add3A_1379 = arith.addf %add3A_1341, %get3A_1378 : vector<16xf32>
        %get3A_1380 = arith.index_cast %add3A_1363 : i32 to index
        %get3A_1381 = arith.constant 64 : index
        %get3A_1382 = tpu.vector_load %arg9[%get3A_1380, %get3A_1381] {strides = array<i32>} : memref<200x128xf32, #tpu.memory_space<vmem>>, vector<16xf32>,
        %add3A_1383 = arith.addf %add3A_1345, %get3A_1382 : vector<16xf32>
        %get3A_1384 = arith.index_cast %add3A_1363 : i32 to index
        %get3A_1385 = arith.constant 80 : index
        %get3A_1386 = tpu.vector_load %arg9[%get3A_1384, %get3A_1385] {strides = array<i32>} : memref<200x128xf32, #tpu.memory_space<vmem>>, vector<16xf32>,
        %add3A_1387 = arith.addf %add3A_1349, %get3A_1386 : vector<16xf32>
        %get3A_1388 = arith.index_cast %add3A_1363 : i32 to index
        %get3A_1389 = arith.constant 96 : index
        %get3A_1390 = tpu.vector_load %arg9[%get3A_1388, %get3A_1389] {strides = array<i32>} : memref<200x128xf32, #tpu.memory_space<vmem>>, vector<16xf32>,
        %add3A_1391 = arith.addf %add3A_1353, %get3A_1390 : vector<16xf32>
        %get3A_1392 = arith.index_cast %add3A_1363 : i32 to index
        %get3A_1393 = arith.constant 112 : index
        %get3A_1394 = tpu.vector_load %arg9[%get3A_1392, %get3A_1393] {strides = array<i32>} : memref<200x128xf32, #tpu.memory_space<vmem>>, vector<16xf32>,
        %add3A_1395 = arith.addf %add3A_1357, %get3A_1394 : vector<16xf32>
        %mul3A_1396 = arith.constant 8 : i32
        %mul3A_1397 = arith.muli %scan3A_1197, %mul3A_1396 : i32
        %add3A_1398 = arith.constant 0 : i32
        %add3A_1399 = arith.addi %add3A_1398, %mul3A_1397 : i32
        %add3A_1400 = arith.constant 5 : i32
        %add3A_1401 = arith.addi %add3A_1399, %add3A_1400 : i32
        %get3A_1402 = arith.index_cast %add3A_1401 : i32 to index
        %get3A_1403 = arith.constant 0 : index
        %get3A_1404 = tpu.vector_load %arg9[%get3A_1402, %get3A_1403] {strides = array<i32>} : memref<200x128xf32, #tpu.memory_space<vmem>>, vector<16xf32>,
        %add3A_1405 = arith.addf %add3A_1367, %get3A_1404 : vector<16xf32>
        %get3A_1406 = arith.index_cast %add3A_1401 : i32 to index
        %get3A_1407 = arith.constant 16 : index
        %get3A_1408 = tpu.vector_load %arg9[%get3A_1406, %get3A_1407] {strides = array<i32>} : memref<200x128xf32, #tpu.memory_space<vmem>>, vector<16xf32>,
        %add3A_1409 = arith.addf %add3A_1371, %get3A_1408 : vector<16xf32>
        %get3A_1410 = arith.index_cast %add3A_1401 : i32 to index
        %get3A_1411 = arith.constant 32 : index
        %get3A_1412 = tpu.vector_load %arg9[%get3A_1410, %get3A_1411] {strides = array<i32>} : memref<200x128xf32, #tpu.memory_space<vmem>>, vector<16xf32>,
        %add3A_1413 = arith.addf %add3A_1375, %get3A_1412 : vector<16xf32>
        %get3A_1414 = arith.index_cast %add3A_1401 : i32 to index
        %get3A_1415 = arith.constant 48 : index
        %get3A_1416 = tpu.vector_load %arg9[%get3A_1414, %get3A_1415] {strides = array<i32>} : memref<200x128xf32, #tpu.memory_space<vmem>>, vector<16xf32>,
        %add3A_1417 = arith.addf %add3A_1379, %get3A_1416 : vector<16xf32>
        %get3A_1418 = arith.index_cast %add3A_1401 : i32 to index
        %get3A_1419 = arith.constant 64 : index
        %get3A_1420 = tpu.vector_load %arg9[%get3A_1418, %get3A_1419] {strides = array<i32>} : memref<200x128xf32, #tpu.memory_space<vmem>>, vector<16xf32>,
        %add3A_1421 = arith.addf %add3A_1383, %get3A_1420 : vector<16xf32>
        %get3A_1422 = arith.index_cast %add3A_1401 : i32 to index
        %get3A_1423 = arith.constant 80 : index
        %get3A_1424 = tpu.vector_load %arg9[%get3A_1422, %get3A_1423] {strides = array<i32>} : memref<200x128xf32, #tpu.memory_space<vmem>>, vector<16xf32>,
        %add3A_1425 = arith.addf %add3A_1387, %get3A_1424 : vector<16xf32>
        %get3A_1426 = arith.index_cast %add3A_1401 : i32 to index
        %get3A_1427 = arith.constant 96 : index
        %get3A_1428 = tpu.vector_load %arg9[%get3A_1426, %get3A_1427] {strides = array<i32>} : memref<200x128xf32, #tpu.memory_space<vmem>>, vector<16xf32>,
        %add3A_1429 = arith.addf %add3A_1391, %get3A_1428 : vector<16xf32>
        %get3A_1430 = arith.index_cast %add3A_1401 : i32 to index
        %get3A_1431 = arith.constant 112 : index
        %get3A_1432 = tpu.vector_load %arg9[%get3A_1430, %get3A_1431] {strides = array<i32>} : memref<200x128xf32, #tpu.memory_space<vmem>>, vector<16xf32>,
        %add3A_1433 = arith.addf %add3A_1395, %get3A_1432 : vector<16xf32>
        %mul3A_1434 = arith.constant 8 : i32
        %mul3A_1435 = arith.muli %scan3A_1197, %mul3A_1434 : i32
        %add3A_1436 = arith.constant 0 : i32
        %add3A_1437 = arith.addi %add3A_1436, %mul3A_1435 : i32
        %add3A_1438 = arith.constant 6 : i32
        %add3A_1439 = arith.addi %add3A_1437, %add3A_1438 : i32
        %get3A_1440 = arith.index_cast %add3A_1439 : i32 to index
        %get3A_1441 = arith.constant 0 : index
        %get3A_1442 = tpu.vector_load %arg9[%get3A_1440, %get3A_1441] {strides = array<i32>} : memref<200x128xf32, #tpu.memory_space<vmem>>, vector<16xf32>,
        %add3A_1443 = arith.addf %add3A_1405, %get3A_1442 : vector<16xf32>
        %get3A_1444 = arith.index_cast %add3A_1439 : i32 to index
        %get3A_1445 = arith.constant 16 : index
        %get3A_1446 = tpu.vector_load %arg9[%get3A_1444, %get3A_1445] {strides = array<i32>} : memref<200x128xf32, #tpu.memory_space<vmem>>, vector<16xf32>,
        %add3A_1447 = arith.addf %add3A_1409, %get3A_1446 : vector<16xf32>
        %get3A_1448 = arith.index_cast %add3A_1439 : i32 to index
        %get3A_1449 = arith.constant 32 : index
        %get3A_1450 = tpu.vector_load %arg9[%get3A_1448, %get3A_1449] {strides = array<i32>} : memref<200x128xf32, #tpu.memory_space<vmem>>, vector<16xf32>,
        %add3A_1451 = arith.addf %add3A_1413, %get3A_1450 : vector<16xf32>
        %get3A_1452 = arith.index_cast %add3A_1439 : i32 to index
        %get3A_1453 = arith.constant 48 : index
        %get3A_1454 = tpu.vector_load %arg9[%get3A_1452, %get3A_1453] {strides = array<i32>} : memref<200x128xf32, #tpu.memory_space<vmem>>, vector<16xf32>,
        %add3A_1455 = arith.addf %add3A_1417, %get3A_1454 : vector<16xf32>
        %get3A_1456 = arith.index_cast %add3A_1439 : i32 to index
        %get3A_1457 = arith.constant 64 : index
        %get3A_1458 = tpu.vector_load %arg9[%get3A_1456, %get3A_1457] {strides = array<i32>} : memref<200x128xf32, #tpu.memory_space<vmem>>, vector<16xf32>,
        %add3A_1459 = arith.addf %add3A_1421, %get3A_1458 : vector<16xf32>
        %get3A_1460 = arith.index_cast %add3A_1439 : i32 to index
        %get3A_1461 = arith.constant 80 : index
        %get3A_1462 = tpu.vector_load %arg9[%get3A_1460, %get3A_1461] {strides = array<i32>} : memref<200x128xf32, #tpu.memory_space<vmem>>, vector<16xf32>,
        %add3A_1463 = arith.addf %add3A_1425, %get3A_1462 : vector<16xf32>
        %get3A_1464 = arith.index_cast %add3A_1439 : i32 to index
        %get3A_1465 = arith.constant 96 : index
        %get3A_1466 = tpu.vector_load %arg9[%get3A_1464, %get3A_1465] {strides = array<i32>} : memref<200x128xf32, #tpu.memory_space<vmem>>, vector<16xf32>,
        %add3A_1467 = arith.addf %add3A_1429, %get3A_1466 : vector<16xf32>
        %get3A_1468 = arith.index_cast %add3A_1439 : i32 to index
        %get3A_1469 = arith.constant 112 : index
        %get3A_1470 = tpu.vector_load %arg9[%get3A_1468, %get3A_1469] {strides = array<i32>} : memref<200x128xf32, #tpu.memory_space<vmem>>, vector<16xf32>,
        %add3A_1471 = arith.addf %add3A_1433, %get3A_1470 : vector<16xf32>
        %mul3A_1472 = arith.constant 8 : i32
        %mul3A_1473 = arith.muli %scan3A_1197, %mul3A_1472 : i32
        %add3A_1474 = arith.constant 0 : i32
        %add3A_1475 = arith.addi %add3A_1474, %mul3A_1473 : i32
        %add3A_1476 = arith.constant 7 : i32
        %add3A_1477 = arith.addi %add3A_1475, %add3A_1476 : i32
        %get3A_1478 = arith.index_cast %add3A_1477 : i32 to index
        %get3A_1479 = arith.constant 0 : index
        %get3A_1480 = tpu.vector_load %arg9[%get3A_1478, %get3A_1479] {strides = array<i32>} : memref<200x128xf32, #tpu.memory_space<vmem>>, vector<16xf32>,
        %add3A_1481 = arith.addf %add3A_1443, %get3A_1480 : vector<16xf32>
        %get3A_1482 = arith.index_cast %add3A_1477 : i32 to index
        %get3A_1483 = arith.constant 16 : index
        %get3A_1484 = tpu.vector_load %arg9[%get3A_1482, %get3A_1483] {strides = array<i32>} : memref<200x128xf32, #tpu.memory_space<vmem>>, vector<16xf32>,
        %add3A_1485 = arith.addf %add3A_1447, %get3A_1484 : vector<16xf32>
        %get3A_1486 = arith.index_cast %add3A_1477 : i32 to index
        %get3A_1487 = arith.constant 32 : index
        %get3A_1488 = tpu.vector_load %arg9[%get3A_1486, %get3A_1487] {strides = array<i32>} : memref<200x128xf32, #tpu.memory_space<vmem>>, vector<16xf32>,
        %add3A_1489 = arith.addf %add3A_1451, %get3A_1488 : vector<16xf32>
        %get3A_1490 = arith.index_cast %add3A_1477 : i32 to index
        %get3A_1491 = arith.constant 48 : index
        %get3A_1492 = tpu.vector_load %arg9[%get3A_1490, %get3A_1491] {strides = array<i32>} : memref<200x128xf32, #tpu.memory_space<vmem>>, vector<16xf32>,
        %add3A_1493 = arith.addf %add3A_1455, %get3A_1492 : vector<16xf32>
        %get3A_1494 = arith.index_cast %add3A_1477 : i32 to index
        %get3A_1495 = arith.constant 64 : index
        %get3A_1496 = tpu.vector_load %arg9[%get3A_1494, %get3A_1495] {strides = array<i32>} : memref<200x128xf32, #tpu.memory_space<vmem>>, vector<16xf32>,
        %add3A_1497 = arith.addf %add3A_1459, %get3A_1496 : vector<16xf32>
        %get3A_1498 = arith.index_cast %add3A_1477 : i32 to index
        %get3A_1499 = arith.constant 80 : index
        %get3A_1500 = tpu.vector_load %arg9[%get3A_1498, %get3A_1499] {strides = array<i32>} : memref<200x128xf32, #tpu.memory_space<vmem>>, vector<16xf32>,
        %add3A_1501 = arith.addf %add3A_1463, %get3A_1500 : vector<16xf32>
        %get3A_1502 = arith.index_cast %add3A_1477 : i32 to index
        %get3A_1503 = arith.constant 96 : index
        %get3A_1504 = tpu.vector_load %arg9[%get3A_1502, %get3A_1503] {strides = array<i32>} : memref<200x128xf32, #tpu.memory_space<vmem>>, vector<16xf32>,
        %add3A_1505 = arith.addf %add3A_1467, %get3A_1504 : vector<16xf32>
        %get3A_1506 = arith.index_cast %add3A_1477 : i32 to index
        %get3A_1507 = arith.constant 112 : index
        %get3A_1508 = tpu.vector_load %arg9[%get3A_1506, %get3A_1507] {strides = array<i32>} : memref<200x128xf32, #tpu.memory_space<vmem>>, vector<16xf32>,
        %add3A_1509 = arith.addf %add3A_1471, %get3A_1508 : vector<16xf32>
        scf.yield %add3A_1481, %add3A_1485, %add3A_1489, %add3A_1493, %add3A_1497, %add3A_1501, %add3A_1505, %add3A_1509 : vector<16xf32>, vector<16xf32>, vector<16xf32>, vector<16xf32>, vector<16xf32>, vector<16xf32>, vector<16xf32>, vector<16xf32>
      }
      %scan3A_528 = arith.constant 13 : i32
      %dma_wait3A_529 = arith.constant 104 : i32
      %dma_wait3A_530 = arith.constant 0 : i32
      %dma_wait3A_531 = tpu.memref_slice %arg9[%dma_wait3A_529, %dma_wait3A_530] : memref<200x128xf32, #tpu.memory_space<vmem>> -> memref<96x128xf32, #tpu.memory_space<vmem>>
      %dma_wait3A_532 = arith.constant 0 : i32
      %dma_wait3A_533 = arith.constant 0 : i32
      %dma_wait3A_534 = tpu.memref_slice %arg3[%dma_wait3A_532, %dma_wait3A_533] : memref<1000000x128xf32, #tpu.memory_space<hbm>> -> memref<96x128xf32, #tpu.memory_space<hbm>>
      %dma_wait3A_535 = arith.constant 104 : i32
      %dma_wait3A_536 = arith.constant 0 : i32
      %dma_wait3A_537 = tpu.memref_slice %arg9[%dma_wait3A_535, %dma_wait3A_536] : memref<200x128xf32, #tpu.memory_space<vmem>> -> memref<96x128xf32, #tpu.memory_space<vmem>>
      %dma_wait3A_538 = arith.constant 0 : i32
      %dma_wait3A_539 = arith.constant 0 : i32
      %dma_wait3A_540 = tpu.memref_slice %arg3[%dma_wait3A_538, %dma_wait3A_539] : memref<1000000x128xf32, #tpu.memory_space<hbm>> -> memref<96x128xf32, #tpu.memory_space<hbm>>
      tpu.wait_dma2 semaphore(%arg19 : memref<!tpu.dma_semaphore, #tpu.memory_space<semaphore_mem>>) src(%dma_wait3A_540 : memref<96x128xf32, #tpu.memory_space<hbm>>) dst(%dma_wait3A_537 : memref<96x128xf32, #tpu.memory_space<vmem>>)
      %scan3A_541 = arith.constant 0 : i32
      %scan3A_542 = arith.constant 12 : i32
      %scan3A_543 = arith.addi %scan3A_541, %scan3A_542 : i32
      %scan3A_544 = arith.constant 1 : i32
      %scan3A_545:8 = scf.for %scan3A_1197 = %scan3A_541 to %scan3A_543 step %scan3A_544 iter_args(%scan3A_1198 = %scan3A_527#0, %scan3A_1199 = %scan3A_527#1, %scan3A_1200 = %scan3A_527#2, %scan3A_1201 = %scan3A_527#3, %scan3A_1202 = %scan3A_527#4, %scan3A_1203 = %scan3A_527#5, %scan3A_1204 = %scan3A_527#6, %scan3A_1205 = %scan3A_527#7) -> (vector<16xf32>, vector<16xf32>, vector<16xf32>, vector<16xf32>, vector<16xf32>, vector<16xf32>, vector<16xf32>, vector<16xf32>)  : i32 {
        %mul3A_1206 = arith.constant 8 : i32
        %mul3A_1207 = arith.muli %scan3A_1197, %mul3A_1206 : i32
        %add3A_1208 = arith.constant 104 : i32
        %add3A_1209 = arith.addi %add3A_1208, %mul3A_1207 : i32
        %add3A_1210 = arith.constant 0 : i32
        %add3A_1211 = arith.addi %add3A_1209, %add3A_1210 : i32
        %get3A_1212 = arith.index_cast %add3A_1211 : i32 to index
        %get3A_1213 = arith.constant 0 : index
        %get3A_1214 = tpu.vector_load %arg9[%get3A_1212, %get3A_1213] {strides = array<i32>} : memref<200x128xf32, #tpu.memory_space<vmem>>, vector<16xf32>,
        %add3A_1215 = arith.addf %scan3A_1198, %get3A_1214 : vector<16xf32>
        %get3A_1216 = arith.index_cast %add3A_1211 : i32 to index
        %get3A_1217 = arith.constant 16 : index
        %get3A_1218 = tpu.vector_load %arg9[%get3A_1216, %get3A_1217] {strides = array<i32>} : memref<200x128xf32, #tpu.memory_space<vmem>>, vector<16xf32>,
        %add3A_1219 = arith.addf %scan3A_1199, %get3A_1218 : vector<16xf32>
        %get3A_1220 = arith.index_cast %add3A_1211 : i32 to index
        %get3A_1221 = arith.constant 32 : index
        %get3A_1222 = tpu.vector_load %arg9[%get3A_1220, %get3A_1221] {strides = array<i32>} : memref<200x128xf32, #tpu.memory_space<vmem>>, vector<16xf32>,
        %add3A_1223 = arith.addf %scan3A_1200, %get3A_1222 : vector<16xf32>
        %get3A_1224 = arith.index_cast %add3A_1211 : i32 to index
        %get3A_1225 = arith.constant 48 : index
        %get3A_1226 = tpu.vector_load %arg9[%get3A_1224, %get3A_1225] {strides = array<i32>} : memref<200x128xf32, #tpu.memory_space<vmem>>, vector<16xf32>,
        %add3A_1227 = arith.addf %scan3A_1201, %get3A_1226 : vector<16xf32>
        %get3A_1228 = arith.index_cast %add3A_1211 : i32 to index
        %get3A_1229 = arith.constant 64 : index
        %get3A_1230 = tpu.vector_load %arg9[%get3A_1228, %get3A_1229] {strides = array<i32>} : memref<200x128xf32, #tpu.memory_space<vmem>>, vector<16xf32>,
        %add3A_1231 = arith.addf %scan3A_1202, %get3A_1230 : vector<16xf32>
        %get3A_1232 = arith.index_cast %add3A_1211 : i32 to index
        %get3A_1233 = arith.constant 80 : index
        %get3A_1234 = tpu.vector_load %arg9[%get3A_1232, %get3A_1233] {strides = array<i32>} : memref<200x128xf32, #tpu.memory_space<vmem>>, vector<16xf32>,
        %add3A_1235 = arith.addf %scan3A_1203, %get3A_1234 : vector<16xf32>
        %get3A_1236 = arith.index_cast %add3A_1211 : i32 to index
        %get3A_1237 = arith.constant 96 : index
        %get3A_1238 = tpu.vector_load %arg9[%get3A_1236, %get3A_1237] {strides = array<i32>} : memref<200x128xf32, #tpu.memory_space<vmem>>, vector<16xf32>,
        %add3A_1239 = arith.addf %scan3A_1204, %get3A_1238 : vector<16xf32>
        %get3A_1240 = arith.index_cast %add3A_1211 : i32 to index
        %get3A_1241 = arith.constant 112 : index
        %get3A_1242 = tpu.vector_load %arg9[%get3A_1240, %get3A_1241] {strides = array<i32>} : memref<200x128xf32, #tpu.memory_space<vmem>>, vector<16xf32>,
        %add3A_1243 = arith.addf %scan3A_1205, %get3A_1242 : vector<16xf32>
        %mul3A_1244 = arith.constant 8 : i32
        %mul3A_1245 = arith.muli %scan3A_1197, %mul3A_1244 : i32
        %add3A_1246 = arith.constant 104 : i32
        %add3A_1247 = arith.addi %add3A_1246, %mul3A_1245 : i32
        %add3A_1248 = arith.constant 1 : i32
        %add3A_1249 = arith.addi %add3A_1247, %add3A_1248 : i32
        %get3A_1250 = arith.index_cast %add3A_1249 : i32 to index
        %get3A_1251 = arith.constant 0 : index
        %get3A_1252 = tpu.vector_load %arg9[%get3A_1250, %get3A_1251] {strides = array<i32>} : memref<200x128xf32, #tpu.memory_space<vmem>>, vector<16xf32>,
        %add3A_1253 = arith.addf %add3A_1215, %get3A_1252 : vector<16xf32>
        %get3A_1254 = arith.index_cast %add3A_1249 : i32 to index
        %get3A_1255 = arith.constant 16 : index
        %get3A_1256 = tpu.vector_load %arg9[%get3A_1254, %get3A_1255] {strides = array<i32>} : memref<200x128xf32, #tpu.memory_space<vmem>>, vector<16xf32>,
        %add3A_1257 = arith.addf %add3A_1219, %get3A_1256 : vector<16xf32>
        %get3A_1258 = arith.index_cast %add3A_1249 : i32 to index
        %get3A_1259 = arith.constant 32 : index
        %get3A_1260 = tpu.vector_load %arg9[%get3A_1258, %get3A_1259] {strides = array<i32>} : memref<200x128xf32, #tpu.memory_space<vmem>>, vector<16xf32>,
        %add3A_1261 = arith.addf %add3A_1223, %get3A_1260 : vector<16xf32>
        %get3A_1262 = arith.index_cast %add3A_1249 : i32 to index
        %get3A_1263 = arith.constant 48 : index
        %get3A_1264 = tpu.vector_load %arg9[%get3A_1262, %get3A_1263] {strides = array<i32>} : memref<200x128xf32, #tpu.memory_space<vmem>>, vector<16xf32>,
        %add3A_1265 = arith.addf %add3A_1227, %get3A_1264 : vector<16xf32>
        %get3A_1266 = arith.index_cast %add3A_1249 : i32 to index
        %get3A_1267 = arith.constant 64 : index
        %get3A_1268 = tpu.vector_load %arg9[%get3A_1266, %get3A_1267] {strides = array<i32>} : memref<200x128xf32, #tpu.memory_space<vmem>>, vector<16xf32>,
        %add3A_1269 = arith.addf %add3A_1231, %get3A_1268 : vector<16xf32>
        %get3A_1270 = arith.index_cast %add3A_1249 : i32 to index
        %get3A_1271 = arith.constant 80 : index
        %get3A_1272 = tpu.vector_load %arg9[%get3A_1270, %get3A_1271] {strides = array<i32>} : memref<200x128xf32, #tpu.memory_space<vmem>>, vector<16xf32>,
        %add3A_1273 = arith.addf %add3A_1235, %get3A_1272 : vector<16xf32>
        %get3A_1274 = arith.index_cast %add3A_1249 : i32 to index
        %get3A_1275 = arith.constant 96 : index
        %get3A_1276 = tpu.vector_load %arg9[%get3A_1274, %get3A_1275] {strides = array<i32>} : memref<200x128xf32, #tpu.memory_space<vmem>>, vector<16xf32>,
        %add3A_1277 = arith.addf %add3A_1239, %get3A_1276 : vector<16xf32>
        %get3A_1278 = arith.index_cast %add3A_1249 : i32 to index
        %get3A_1279 = arith.constant 112 : index
        %get3A_1280 = tpu.vector_load %arg9[%get3A_1278, %get3A_1279] {strides = array<i32>} : memref<200x128xf32, #tpu.memory_space<vmem>>, vector<16xf32>,
        %add3A_1281 = arith.addf %add3A_1243, %get3A_1280 : vector<16xf32>
        %mul3A_1282 = arith.constant 8 : i32
        %mul3A_1283 = arith.muli %scan3A_1197, %mul3A_1282 : i32
        %add3A_1284 = arith.constant 104 : i32
        %add3A_1285 = arith.addi %add3A_1284, %mul3A_1283 : i32
        %add3A_1286 = arith.constant 2 : i32
        %add3A_1287 = arith.addi %add3A_1285, %add3A_1286 : i32
        %get3A_1288 = arith.index_cast %add3A_1287 : i32 to index
        %get3A_1289 = arith.constant 0 : index
        %get3A_1290 = tpu.vector_load %arg9[%get3A_1288, %get3A_1289] {strides = array<i32>} : memref<200x128xf32, #tpu.memory_space<vmem>>, vector<16xf32>,
        %add3A_1291 = arith.addf %add3A_1253, %get3A_1290 : vector<16xf32>
        %get3A_1292 = arith.index_cast %add3A_1287 : i32 to index
        %get3A_1293 = arith.constant 16 : index
        %get3A_1294 = tpu.vector_load %arg9[%get3A_1292, %get3A_1293] {strides = array<i32>} : memref<200x128xf32, #tpu.memory_space<vmem>>, vector<16xf32>,
        %add3A_1295 = arith.addf %add3A_1257, %get3A_1294 : vector<16xf32>
        %get3A_1296 = arith.index_cast %add3A_1287 : i32 to index
        %get3A_1297 = arith.constant 32 : index
        %get3A_1298 = tpu.vector_load %arg9[%get3A_1296, %get3A_1297] {strides = array<i32>} : memref<200x128xf32, #tpu.memory_space<vmem>>, vector<16xf32>,
        %add3A_1299 = arith.addf %add3A_1261, %get3A_1298 : vector<16xf32>
        %get3A_1300 = arith.index_cast %add3A_1287 : i32 to index
        %get3A_1301 = arith.constant 48 : index
        %get3A_1302 = tpu.vector_load %arg9[%get3A_1300, %get3A_1301] {strides = array<i32>} : memref<200x128xf32, #tpu.memory_space<vmem>>, vector<16xf32>,
        %add3A_1303 = arith.addf %add3A_1265, %get3A_1302 : vector<16xf32>
        %get3A_1304 = arith.index_cast %add3A_1287 : i32 to index
        %get3A_1305 = arith.constant 64 : index
        %get3A_1306 = tpu.vector_load %arg9[%get3A_1304, %get3A_1305] {strides = array<i32>} : memref<200x128xf32, #tpu.memory_space<vmem>>, vector<16xf32>,
        %add3A_1307 = arith.addf %add3A_1269, %get3A_1306 : vector<16xf32>
        %get3A_1308 = arith.index_cast %add3A_1287 : i32 to index
        %get3A_1309 = arith.constant 80 : index
        %get3A_1310 = tpu.vector_load %arg9[%get3A_1308, %get3A_1309] {strides = array<i32>} : memref<200x128xf32, #tpu.memory_space<vmem>>, vector<16xf32>,
        %add3A_1311 = arith.addf %add3A_1273, %get3A_1310 : vector<16xf32>
        %get3A_1312 = arith.index_cast %add3A_1287 : i32 to index
        %get3A_1313 = arith.constant 96 : index
        %get3A_1314 = tpu.vector_load %arg9[%get3A_1312, %get3A_1313] {strides = array<i32>} : memref<200x128xf32, #tpu.memory_space<vmem>>, vector<16xf32>,
        %add3A_1315 = arith.addf %add3A_1277, %get3A_1314 : vector<16xf32>
        %get3A_1316 = arith.index_cast %add3A_1287 : i32 to index
        %get3A_1317 = arith.constant 112 : index
        %get3A_1318 = tpu.vector_load %arg9[%get3A_1316, %get3A_1317] {strides = array<i32>} : memref<200x128xf32, #tpu.memory_space<vmem>>, vector<16xf32>,
        %add3A_1319 = arith.addf %add3A_1281, %get3A_1318 : vector<16xf32>
        %mul3A_1320 = arith.constant 8 : i32
        %mul3A_1321 = arith.muli %scan3A_1197, %mul3A_1320 : i32
        %add3A_1322 = arith.constant 104 : i32
        %add3A_1323 = arith.addi %add3A_1322, %mul3A_1321 : i32
        %add3A_1324 = arith.constant 3 : i32
        %add3A_1325 = arith.addi %add3A_1323, %add3A_1324 : i32
        %get3A_1326 = arith.index_cast %add3A_1325 : i32 to index
        %get3A_1327 = arith.constant 0 : index
        %get3A_1328 = tpu.vector_load %arg9[%get3A_1326, %get3A_1327] {strides = array<i32>} : memref<200x128xf32, #tpu.memory_space<vmem>>, vector<16xf32>,
        %add3A_1329 = arith.addf %add3A_1291, %get3A_1328 : vector<16xf32>
        %get3A_1330 = arith.index_cast %add3A_1325 : i32 to index
        %get3A_1331 = arith.constant 16 : index
        %get3A_1332 = tpu.vector_load %arg9[%get3A_1330, %get3A_1331] {strides = array<i32>} : memref<200x128xf32, #tpu.memory_space<vmem>>, vector<16xf32>,
        %add3A_1333 = arith.addf %add3A_1295, %get3A_1332 : vector<16xf32>
        %get3A_1334 = arith.index_cast %add3A_1325 : i32 to index
        %get3A_1335 = arith.constant 32 : index
        %get3A_1336 = tpu.vector_load %arg9[%get3A_1334, %get3A_1335] {strides = array<i32>} : memref<200x128xf32, #tpu.memory_space<vmem>>, vector<16xf32>,
        %add3A_1337 = arith.addf %add3A_1299, %get3A_1336 : vector<16xf32>
        %get3A_1338 = arith.index_cast %add3A_1325 : i32 to index
        %get3A_1339 = arith.constant 48 : index
        %get3A_1340 = tpu.vector_load %arg9[%get3A_1338, %get3A_1339] {strides = array<i32>} : memref<200x128xf32, #tpu.memory_space<vmem>>, vector<16xf32>,
        %add3A_1341 = arith.addf %add3A_1303, %get3A_1340 : vector<16xf32>
        %get3A_1342 = arith.index_cast %add3A_1325 : i32 to index
        %get3A_1343 = arith.constant 64 : index
        %get3A_1344 = tpu.vector_load %arg9[%get3A_1342, %get3A_1343] {strides = array<i32>} : memref<200x128xf32, #tpu.memory_space<vmem>>, vector<16xf32>,
        %add3A_1345 = arith.addf %add3A_1307, %get3A_1344 : vector<16xf32>
        %get3A_1346 = arith.index_cast %add3A_1325 : i32 to index
        %get3A_1347 = arith.constant 80 : index
        %get3A_1348 = tpu.vector_load %arg9[%get3A_1346, %get3A_1347] {strides = array<i32>} : memref<200x128xf32, #tpu.memory_space<vmem>>, vector<16xf32>,
        %add3A_1349 = arith.addf %add3A_1311, %get3A_1348 : vector<16xf32>
        %get3A_1350 = arith.index_cast %add3A_1325 : i32 to index
        %get3A_1351 = arith.constant 96 : index
        %get3A_1352 = tpu.vector_load %arg9[%get3A_1350, %get3A_1351] {strides = array<i32>} : memref<200x128xf32, #tpu.memory_space<vmem>>, vector<16xf32>,
        %add3A_1353 = arith.addf %add3A_1315, %get3A_1352 : vector<16xf32>
        %get3A_1354 = arith.index_cast %add3A_1325 : i32 to index
        %get3A_1355 = arith.constant 112 : index
        %get3A_1356 = tpu.vector_load %arg9[%get3A_1354, %get3A_1355] {strides = array<i32>} : memref<200x128xf32, #tpu.memory_space<vmem>>, vector<16xf32>,
        %add3A_1357 = arith.addf %add3A_1319, %get3A_1356 : vector<16xf32>
        %mul3A_1358 = arith.constant 8 : i32
        %mul3A_1359 = arith.muli %scan3A_1197, %mul3A_1358 : i32
        %add3A_1360 = arith.constant 104 : i32
        %add3A_1361 = arith.addi %add3A_1360, %mul3A_1359 : i32
        %add3A_1362 = arith.constant 4 : i32
        %add3A_1363 = arith.addi %add3A_1361, %add3A_1362 : i32
        %get3A_1364 = arith.index_cast %add3A_1363 : i32 to index
        %get3A_1365 = arith.constant 0 : index
        %get3A_1366 = tpu.vector_load %arg9[%get3A_1364, %get3A_1365] {strides = array<i32>} : memref<200x128xf32, #tpu.memory_space<vmem>>, vector<16xf32>,
        %add3A_1367 = arith.addf %add3A_1329, %get3A_1366 : vector<16xf32>
        %get3A_1368 = arith.index_cast %add3A_1363 : i32 to index
        %get3A_1369 = arith.constant 16 : index
        %get3A_1370 = tpu.vector_load %arg9[%get3A_1368, %get3A_1369] {strides = array<i32>} : memref<200x128xf32, #tpu.memory_space<vmem>>, vector<16xf32>,
        %add3A_1371 = arith.addf %add3A_1333, %get3A_1370 : vector<16xf32>
        %get3A_1372 = arith.index_cast %add3A_1363 : i32 to index
        %get3A_1373 = arith.constant 32 : index
        %get3A_1374 = tpu.vector_load %arg9[%get3A_1372, %get3A_1373] {strides = array<i32>} : memref<200x128xf32, #tpu.memory_space<vmem>>, vector<16xf32>,
        %add3A_1375 = arith.addf %add3A_1337, %get3A_1374 : vector<16xf32>
        %get3A_1376 = arith.index_cast %add3A_1363 : i32 to index
        %get3A_1377 = arith.constant 48 : index
        %get3A_1378 = tpu.vector_load %arg9[%get3A_1376, %get3A_1377] {strides = array<i32>} : memref<200x128xf32, #tpu.memory_space<vmem>>, vector<16xf32>,
        %add3A_1379 = arith.addf %add3A_1341, %get3A_1378 : vector<16xf32>
        %get3A_1380 = arith.index_cast %add3A_1363 : i32 to index
        %get3A_1381 = arith.constant 64 : index
        %get3A_1382 = tpu.vector_load %arg9[%get3A_1380, %get3A_1381] {strides = array<i32>} : memref<200x128xf32, #tpu.memory_space<vmem>>, vector<16xf32>,
        %add3A_1383 = arith.addf %add3A_1345, %get3A_1382 : vector<16xf32>
        %get3A_1384 = arith.index_cast %add3A_1363 : i32 to index
        %get3A_1385 = arith.constant 80 : index
        %get3A_1386 = tpu.vector_load %arg9[%get3A_1384, %get3A_1385] {strides = array<i32>} : memref<200x128xf32, #tpu.memory_space<vmem>>, vector<16xf32>,
        %add3A_1387 = arith.addf %add3A_1349, %get3A_1386 : vector<16xf32>
        %get3A_1388 = arith.index_cast %add3A_1363 : i32 to index
        %get3A_1389 = arith.constant 96 : index
        %get3A_1390 = tpu.vector_load %arg9[%get3A_1388, %get3A_1389] {strides = array<i32>} : memref<200x128xf32, #tpu.memory_space<vmem>>, vector<16xf32>,
        %add3A_1391 = arith.addf %add3A_1353, %get3A_1390 : vector<16xf32>
        %get3A_1392 = arith.index_cast %add3A_1363 : i32 to index
        %get3A_1393 = arith.constant 112 : index
        %get3A_1394 = tpu.vector_load %arg9[%get3A_1392, %get3A_1393] {strides = array<i32>} : memref<200x128xf32, #tpu.memory_space<vmem>>, vector<16xf32>,
        %add3A_1395 = arith.addf %add3A_1357, %get3A_1394 : vector<16xf32>
        %mul3A_1396 = arith.constant 8 : i32
        %mul3A_1397 = arith.muli %scan3A_1197, %mul3A_1396 : i32
        %add3A_1398 = arith.constant 104 : i32
        %add3A_1399 = arith.addi %add3A_1398, %mul3A_1397 : i32
        %add3A_1400 = arith.constant 5 : i32
        %add3A_1401 = arith.addi %add3A_1399, %add3A_1400 : i32
        %get3A_1402 = arith.index_cast %add3A_1401 : i32 to index
        %get3A_1403 = arith.constant 0 : index
        %get3A_1404 = tpu.vector_load %arg9[%get3A_1402, %get3A_1403] {strides = array<i32>} : memref<200x128xf32, #tpu.memory_space<vmem>>, vector<16xf32>,
        %add3A_1405 = arith.addf %add3A_1367, %get3A_1404 : vector<16xf32>
        %get3A_1406 = arith.index_cast %add3A_1401 : i32 to index
        %get3A_1407 = arith.constant 16 : index
        %get3A_1408 = tpu.vector_load %arg9[%get3A_1406, %get3A_1407] {strides = array<i32>} : memref<200x128xf32, #tpu.memory_space<vmem>>, vector<16xf32>,
        %add3A_1409 = arith.addf %add3A_1371, %get3A_1408 : vector<16xf32>
        %get3A_1410 = arith.index_cast %add3A_1401 : i32 to index
        %get3A_1411 = arith.constant 32 : index
        %get3A_1412 = tpu.vector_load %arg9[%get3A_1410, %get3A_1411] {strides = array<i32>} : memref<200x128xf32, #tpu.memory_space<vmem>>, vector<16xf32>,
        %add3A_1413 = arith.addf %add3A_1375, %get3A_1412 : vector<16xf32>
        %get3A_1414 = arith.index_cast %add3A_1401 : i32 to index
        %get3A_1415 = arith.constant 48 : index
        %get3A_1416 = tpu.vector_load %arg9[%get3A_1414, %get3A_1415] {strides = array<i32>} : memref<200x128xf32, #tpu.memory_space<vmem>>, vector<16xf32>,
        %add3A_1417 = arith.addf %add3A_1379, %get3A_1416 : vector<16xf32>
        %get3A_1418 = arith.index_cast %add3A_1401 : i32 to index
        %get3A_1419 = arith.constant 64 : index
        %get3A_1420 = tpu.vector_load %arg9[%get3A_1418, %get3A_1419] {strides = array<i32>} : memref<200x128xf32, #tpu.memory_space<vmem>>, vector<16xf32>,
        %add3A_1421 = arith.addf %add3A_1383, %get3A_1420 : vector<16xf32>
        %get3A_1422 = arith.index_cast %add3A_1401 : i32 to index
        %get3A_1423 = arith.constant 80 : index
        %get3A_1424 = tpu.vector_load %arg9[%get3A_1422, %get3A_1423] {strides = array<i32>} : memref<200x128xf32, #tpu.memory_space<vmem>>, vector<16xf32>,
        %add3A_1425 = arith.addf %add3A_1387, %get3A_1424 : vector<16xf32>
        %get3A_1426 = arith.index_cast %add3A_1401 : i32 to index
        %get3A_1427 = arith.constant 96 : index
        %get3A_1428 = tpu.vector_load %arg9[%get3A_1426, %get3A_1427] {strides = array<i32>} : memref<200x128xf32, #tpu.memory_space<vmem>>, vector<16xf32>,
        %add3A_1429 = arith.addf %add3A_1391, %get3A_1428 : vector<16xf32>
        %get3A_1430 = arith.index_cast %add3A_1401 : i32 to index
        %get3A_1431 = arith.constant 112 : index
        %get3A_1432 = tpu.vector_load %arg9[%get3A_1430, %get3A_1431] {strides = array<i32>} : memref<200x128xf32, #tpu.memory_space<vmem>>, vector<16xf32>,
        %add3A_1433 = arith.addf %add3A_1395, %get3A_1432 : vector<16xf32>
        %mul3A_1434 = arith.constant 8 : i32
        %mul3A_1435 = arith.muli %scan3A_1197, %mul3A_1434 : i32
        %add3A_1436 = arith.constant 104 : i32
        %add3A_1437 = arith.addi %add3A_1436, %mul3A_1435 : i32
        %add3A_1438 = arith.constant 6 : i32
        %add3A_1439 = arith.addi %add3A_1437, %add3A_1438 : i32
        %get3A_1440 = arith.index_cast %add3A_1439 : i32 to index
        %get3A_1441 = arith.constant 0 : index
        %get3A_1442 = tpu.vector_load %arg9[%get3A_1440, %get3A_1441] {strides = array<i32>} : memref<200x128xf32, #tpu.memory_space<vmem>>, vector<16xf32>,
        %add3A_1443 = arith.addf %add3A_1405, %get3A_1442 : vector<16xf32>
        %get3A_1444 = arith.index_cast %add3A_1439 : i32 to index
        %get3A_1445 = arith.constant 16 : index
        %get3A_1446 = tpu.vector_load %arg9[%get3A_1444, %get3A_1445] {strides = array<i32>} : memref<200x128xf32, #tpu.memory_space<vmem>>, vector<16xf32>,
        %add3A_1447 = arith.addf %add3A_1409, %get3A_1446 : vector<16xf32>
        %get3A_1448 = arith.index_cast %add3A_1439 : i32 to index
        %get3A_1449 = arith.constant 32 : index
        %get3A_1450 = tpu.vector_load %arg9[%get3A_1448, %get3A_1449] {strides = array<i32>} : memref<200x128xf32, #tpu.memory_space<vmem>>, vector<16xf32>,
        %add3A_1451 = arith.addf %add3A_1413, %get3A_1450 : vector<16xf32>
        %get3A_1452 = arith.index_cast %add3A_1439 : i32 to index
        %get3A_1453 = arith.constant 48 : index
        %get3A_1454 = tpu.vector_load %arg9[%get3A_1452, %get3A_1453] {strides = array<i32>} : memref<200x128xf32, #tpu.memory_space<vmem>>, vector<16xf32>,
        %add3A_1455 = arith.addf %add3A_1417, %get3A_1454 : vector<16xf32>
        %get3A_1456 = arith.index_cast %add3A_1439 : i32 to index
        %get3A_1457 = arith.constant 64 : index
        %get3A_1458 = tpu.vector_load %arg9[%get3A_1456, %get3A_1457] {strides = array<i32>} : memref<200x128xf32, #tpu.memory_space<vmem>>, vector<16xf32>,
        %add3A_1459 = arith.addf %add3A_1421, %get3A_1458 : vector<16xf32>
        %get3A_1460 = arith.index_cast %add3A_1439 : i32 to index
        %get3A_1461 = arith.constant 80 : index
        %get3A_1462 = tpu.vector_load %arg9[%get3A_1460, %get3A_1461] {strides = array<i32>} : memref<200x128xf32, #tpu.memory_space<vmem>>, vector<16xf32>,
        %add3A_1463 = arith.addf %add3A_1425, %get3A_1462 : vector<16xf32>
        %get3A_1464 = arith.index_cast %add3A_1439 : i32 to index
        %get3A_1465 = arith.constant 96 : index
        %get3A_1466 = tpu.vector_load %arg9[%get3A_1464, %get3A_1465] {strides = array<i32>} : memref<200x128xf32, #tpu.memory_space<vmem>>, vector<16xf32>,
        %add3A_1467 = arith.addf %add3A_1429, %get3A_1466 : vector<16xf32>
        %get3A_1468 = arith.index_cast %add3A_1439 : i32 to index
        %get3A_1469 = arith.constant 112 : index
        %get3A_1470 = tpu.vector_load %arg9[%get3A_1468, %get3A_1469] {strides = array<i32>} : memref<200x128xf32, #tpu.memory_space<vmem>>, vector<16xf32>,
        %add3A_1471 = arith.addf %add3A_1433, %get3A_1470 : vector<16xf32>
        %mul3A_1472 = arith.constant 8 : i32
        %mul3A_1473 = arith.muli %scan3A_1197, %mul3A_1472 : i32
        %add3A_1474 = arith.constant 104 : i32
        %add3A_1475 = arith.addi %add3A_1474, %mul3A_1473 : i32
        %add3A_1476 = arith.constant 7 : i32
        %add3A_1477 = arith.addi %add3A_1475, %add3A_1476 : i32
        %get3A_1478 = arith.index_cast %add3A_1477 : i32 to index
        %get3A_1479 = arith.constant 0 : index
        %get3A_1480 = tpu.vector_load %arg9[%get3A_1478, %get3A_1479] {strides = array<i32>} : memref<200x128xf32, #tpu.memory_space<vmem>>, vector<16xf32>,
        %add3A_1481 = arith.addf %add3A_1443, %get3A_1480 : vector<16xf32>
        %get3A_1482 = arith.index_cast %add3A_1477 : i32 to index
        %get3A_1483 = arith.constant 16 : index
        %get3A_1484 = tpu.vector_load %arg9[%get3A_1482, %get3A_1483] {strides = array<i32>} : memref<200x128xf32, #tpu.memory_space<vmem>>, vector<16xf32>,
        %add3A_1485 = arith.addf %add3A_1447, %get3A_1484 : vector<16xf32>
        %get3A_1486 = arith.index_cast %add3A_1477 : i32 to index
        %get3A_1487 = arith.constant 32 : index
        %get3A_1488 = tpu.vector_load %arg9[%get3A_1486, %get3A_1487] {strides = array<i32>} : memref<200x128xf32, #tpu.memory_space<vmem>>, vector<16xf32>,
        %add3A_1489 = arith.addf %add3A_1451, %get3A_1488 : vector<16xf32>
        %get3A_1490 = arith.index_cast %add3A_1477 : i32 to index
        %get3A_1491 = arith.constant 48 : index
        %get3A_1492 = tpu.vector_load %arg9[%get3A_1490, %get3A_1491] {strides = array<i32>} : memref<200x128xf32, #tpu.memory_space<vmem>>, vector<16xf32>,
        %add3A_1493 = arith.addf %add3A_1455, %get3A_1492 : vector<16xf32>
        %get3A_1494 = arith.index_cast %add3A_1477 : i32 to index
        %get3A_1495 = arith.constant 64 : index
        %get3A_1496 = tpu.vector_load %arg9[%get3A_1494, %get3A_1495] {strides = array<i32>} : memref<200x128xf32, #tpu.memory_space<vmem>>, vector<16xf32>,
        %add3A_1497 = arith.addf %add3A_1459, %get3A_1496 : vector<16xf32>
        %get3A_1498 = arith.index_cast %add3A_1477 : i32 to index
        %get3A_1499 = arith.constant 80 : index
        %get3A_1500 = tpu.vector_load %arg9[%get3A_1498, %get3A_1499] {strides = array<i32>} : memref<200x128xf32, #tpu.memory_space<vmem>>, vector<16xf32>,
        %add3A_1501 = arith.addf %add3A_1463, %get3A_1500 : vector<16xf32>
        %get3A_1502 = arith.index_cast %add3A_1477 : i32 to index
        %get3A_1503 = arith.constant 96 : index
        %get3A_1504 = tpu.vector_load %arg9[%get3A_1502, %get3A_1503] {strides = array<i32>} : memref<200x128xf32, #tpu.memory_space<vmem>>, vector<16xf32>,
        %add3A_1505 = arith.addf %add3A_1467, %get3A_1504 : vector<16xf32>
        %get3A_1506 = arith.index_cast %add3A_1477 : i32 to index
        %get3A_1507 = arith.constant 112 : index
        %get3A_1508 = tpu.vector_load %arg9[%get3A_1506, %get3A_1507] {strides = array<i32>} : memref<200x128xf32, #tpu.memory_space<vmem>>, vector<16xf32>,
        %add3A_1509 = arith.addf %add3A_1471, %get3A_1508 : vector<16xf32>
        scf.yield %add3A_1481, %add3A_1485, %add3A_1489, %add3A_1493, %add3A_1497, %add3A_1501, %add3A_1505, %add3A_1509 : vector<16xf32>, vector<16xf32>, vector<16xf32>, vector<16xf32>, vector<16xf32>, vector<16xf32>, vector<16xf32>, vector<16xf32>
      }
      %scan3A_546 = arith.constant 12 : i32
      %mul3A_547 = vector.broadcast %scan3A_40 : f32 to vector<16xf32>
      %mul3A_548 = arith.mulf %scan3A_545#0, %mul3A_547 : vector<16xf32>
      %get3A_549 = arith.constant 0 : index
      %get3A_550 = tpu.vector_load %arg13[%get3A_549] {strides = array<i32>} : memref<128xf32, #tpu.memory_space<vmem>>, vector<16xf32>,
      %add3A_551 = arith.addf %mul3A_548, %get3A_550 : vector<16xf32>
      %max3A_552 = arith.constant 0.000000e+00 : f32
      %max3A_553 = vector.broadcast %max3A_552 : f32 to vector<16xf32>
      %max3A_554 = arith.maximumf %add3A_551, %max3A_553 : vector<16xf32>
      %get3A_555 = arith.constant 0 : i32
      %get3A_556 = arith.index_cast %get3A_555 : i32 to index
      %get3A_557 = arith.constant 0 : index
      %get3A_558 = tpu.vector_load %arg14[%get3A_556, %get3A_557] {strides = array<i32>} : memref<2x128xf32, #tpu.memory_space<vmem>>, vector<16xf32>,
      %mul3A_559 = arith.mulf %max3A_554, %get3A_558 : vector<16xf32>
      %add3A_560 = arith.addf %broadcast_in_dim3A_510, %mul3A_559 : vector<16xf32>
      %get3A_561 = arith.constant 1 : i32
      %get3A_562 = arith.index_cast %get3A_561 : i32 to index
      %get3A_563 = arith.constant 0 : index
      %get3A_564 = tpu.vector_load %arg14[%get3A_562, %get3A_563] {strides = array<i32>} : memref<2x128xf32, #tpu.memory_space<vmem>>, vector<16xf32>,
      %mul3A_565 = arith.mulf %max3A_554, %get3A_564 : vector<16xf32>
      %add3A_566 = arith.addf %broadcast_in_dim3A_510, %mul3A_565 : vector<16xf32>
      %mul3A_567 = vector.broadcast %scan3A_40 : f32 to vector<16xf32>
      %mul3A_568 = arith.mulf %scan3A_545#1, %mul3A_567 : vector<16xf32>
      %get3A_569 = arith.constant 16 : index
      %get3A_570 = tpu.vector_load %arg13[%get3A_569] {strides = array<i32>} : memref<128xf32, #tpu.memory_space<vmem>>, vector<16xf32>,
      %add3A_571 = arith.addf %mul3A_568, %get3A_570 : vector<16xf32>
      %max3A_572 = arith.constant 0.000000e+00 : f32
      %max3A_573 = vector.broadcast %max3A_572 : f32 to vector<16xf32>
      %max3A_574 = arith.maximumf %add3A_571, %max3A_573 : vector<16xf32>
      %get3A_575 = arith.constant 0 : i32
      %get3A_576 = arith.index_cast %get3A_575 : i32 to index
      %get3A_577 = arith.constant 16 : index
      %get3A_578 = tpu.vector_load %arg14[%get3A_576, %get3A_577] {strides = array<i32>} : memref<2x128xf32, #tpu.memory_space<vmem>>, vector<16xf32>,
      %mul3A_579 = arith.mulf %max3A_574, %get3A_578 : vector<16xf32>
      %add3A_580 = arith.addf %add3A_560, %mul3A_579 : vector<16xf32>
      %get3A_581 = arith.constant 1 : i32
      %get3A_582 = arith.index_cast %get3A_581 : i32 to index
      %get3A_583 = arith.constant 16 : index
      %get3A_584 = tpu.vector_load %arg14[%get3A_582, %get3A_583] {strides = array<i32>} : memref<2x128xf32, #tpu.memory_space<vmem>>, vector<16xf32>,
      %mul3A_585 = arith.mulf %max3A_574, %get3A_584 : vector<16xf32>
      %add3A_586 = arith.addf %add3A_566, %mul3A_585 : vector<16xf32>
      %mul3A_587 = vector.broadcast %scan3A_40 : f32 to vector<16xf32>
      %mul3A_588 = arith.mulf %scan3A_545#2, %mul3A_587 : vector<16xf32>
      %get3A_589 = arith.constant 32 : index
      %get3A_590 = tpu.vector_load %arg13[%get3A_589] {strides = array<i32>} : memref<128xf32, #tpu.memory_space<vmem>>, vector<16xf32>,
      %add3A_591 = arith.addf %mul3A_588, %get3A_590 : vector<16xf32>
      %max3A_592 = arith.constant 0.000000e+00 : f32
      %max3A_593 = vector.broadcast %max3A_592 : f32 to vector<16xf32>
      %max3A_594 = arith.maximumf %add3A_591, %max3A_593 : vector<16xf32>
      %get3A_595 = arith.constant 0 : i32
      %get3A_596 = arith.index_cast %get3A_595 : i32 to index
      %get3A_597 = arith.constant 32 : index
      %get3A_598 = tpu.vector_load %arg14[%get3A_596, %get3A_597] {strides = array<i32>} : memref<2x128xf32, #tpu.memory_space<vmem>>, vector<16xf32>,
      %mul3A_599 = arith.mulf %max3A_594, %get3A_598 : vector<16xf32>
      %add3A_600 = arith.addf %add3A_580, %mul3A_599 : vector<16xf32>
      %get3A_601 = arith.constant 1 : i32
      %get3A_602 = arith.index_cast %get3A_601 : i32 to index
      %get3A_603 = arith.constant 32 : index
      %get3A_604 = tpu.vector_load %arg14[%get3A_602, %get3A_603] {strides = array<i32>} : memref<2x128xf32, #tpu.memory_space<vmem>>, vector<16xf32>,
      %mul3A_605 = arith.mulf %max3A_594, %get3A_604 : vector<16xf32>
      %add3A_606 = arith.addf %add3A_586, %mul3A_605 : vector<16xf32>
      %mul3A_607 = vector.broadcast %scan3A_40 : f32 to vector<16xf32>
      %mul3A_608 = arith.mulf %scan3A_545#3, %mul3A_607 : vector<16xf32>
      %get3A_609 = arith.constant 48 : index
      %get3A_610 = tpu.vector_load %arg13[%get3A_609] {strides = array<i32>} : memref<128xf32, #tpu.memory_space<vmem>>, vector<16xf32>,
      %add3A_611 = arith.addf %mul3A_608, %get3A_610 : vector<16xf32>
      %max3A_612 = arith.constant 0.000000e+00 : f32
      %max3A_613 = vector.broadcast %max3A_612 : f32 to vector<16xf32>
      %max3A_614 = arith.maximumf %add3A_611, %max3A_613 : vector<16xf32>
      %get3A_615 = arith.constant 0 : i32
      %get3A_616 = arith.index_cast %get3A_615 : i32 to index
      %get3A_617 = arith.constant 48 : index
      %get3A_618 = tpu.vector_load %arg14[%get3A_616, %get3A_617] {strides = array<i32>} : memref<2x128xf32, #tpu.memory_space<vmem>>, vector<16xf32>,
      %mul3A_619 = arith.mulf %max3A_614, %get3A_618 : vector<16xf32>
      %add3A_620 = arith.addf %add3A_600, %mul3A_619 : vector<16xf32>
      %get3A_621 = arith.constant 1 : i32
      %get3A_622 = arith.index_cast %get3A_621 : i32 to index
      %get3A_623 = arith.constant 48 : index
      %get3A_624 = tpu.vector_load %arg14[%get3A_622, %get3A_623] {strides = array<i32>} : memref<2x128xf32, #tpu.memory_space<vmem>>, vector<16xf32>,
      %mul3A_625 = arith.mulf %max3A_614, %get3A_624 : vector<16xf32>
      %add3A_626 = arith.addf %add3A_606, %mul3A_625 : vector<16xf32>
      %mul3A_627 = vector.broadcast %scan3A_40 : f32 to vector<16xf32>
      %mul3A_628 = arith.mulf %scan3A_545#4, %mul3A_627 : vector<16xf32>
      %get3A_629 = arith.constant 64 : index
      %get3A_630 = tpu.vector_load %arg13[%get3A_629] {strides = array<i32>} : memref<128xf32, #tpu.memory_space<vmem>>, vector<16xf32>,
      %add3A_631 = arith.addf %mul3A_628, %get3A_630 : vector<16xf32>
      %max3A_632 = arith.constant 0.000000e+00 : f32
      %max3A_633 = vector.broadcast %max3A_632 : f32 to vector<16xf32>
      %max3A_634 = arith.maximumf %add3A_631, %max3A_633 : vector<16xf32>
      %get3A_635 = arith.constant 0 : i32
      %get3A_636 = arith.index_cast %get3A_635 : i32 to index
      %get3A_637 = arith.constant 64 : index
      %get3A_638 = tpu.vector_load %arg14[%get3A_636, %get3A_637] {strides = array<i32>} : memref<2x128xf32, #tpu.memory_space<vmem>>, vector<16xf32>,
      %mul3A_639 = arith.mulf %max3A_634, %get3A_638 : vector<16xf32>
      %add3A_640 = arith.addf %add3A_620, %mul3A_639 : vector<16xf32>
      %get3A_641 = arith.constant 1 : i32
      %get3A_642 = arith.index_cast %get3A_641 : i32 to index
      %get3A_643 = arith.constant 64 : index
      %get3A_644 = tpu.vector_load %arg14[%get3A_642, %get3A_643] {strides = array<i32>} : memref<2x128xf32, #tpu.memory_space<vmem>>, vector<16xf32>,
      %mul3A_645 = arith.mulf %max3A_634, %get3A_644 : vector<16xf32>
      %add3A_646 = arith.addf %add3A_626, %mul3A_645 : vector<16xf32>
      %mul3A_647 = vector.broadcast %scan3A_40 : f32 to vector<16xf32>
      %mul3A_648 = arith.mulf %scan3A_545#5, %mul3A_647 : vector<16xf32>
      %get3A_649 = arith.constant 80 : index
      %get3A_650 = tpu.vector_load %arg13[%get3A_649] {strides = array<i32>} : memref<128xf32, #tpu.memory_space<vmem>>, vector<16xf32>,
      %add3A_651 = arith.addf %mul3A_648, %get3A_650 : vector<16xf32>
      %max3A_652 = arith.constant 0.000000e+00 : f32
      %max3A_653 = vector.broadcast %max3A_652 : f32 to vector<16xf32>
      %max3A_654 = arith.maximumf %add3A_651, %max3A_653 : vector<16xf32>
      %get3A_655 = arith.constant 0 : i32
      %get3A_656 = arith.index_cast %get3A_655 : i32 to index
      %get3A_657 = arith.constant 80 : index
      %get3A_658 = tpu.vector_load %arg14[%get3A_656, %get3A_657] {strides = array<i32>} : memref<2x128xf32, #tpu.memory_space<vmem>>, vector<16xf32>,
      %mul3A_659 = arith.mulf %max3A_654, %get3A_658 : vector<16xf32>
      %add3A_660 = arith.addf %add3A_640, %mul3A_659 : vector<16xf32>
      %get3A_661 = arith.constant 1 : i32
      %get3A_662 = arith.index_cast %get3A_661 : i32 to index
      %get3A_663 = arith.constant 80 : index
      %get3A_664 = tpu.vector_load %arg14[%get3A_662, %get3A_663] {strides = array<i32>} : memref<2x128xf32, #tpu.memory_space<vmem>>, vector<16xf32>,
      %mul3A_665 = arith.mulf %max3A_654, %get3A_664 : vector<16xf32>
      %add3A_666 = arith.addf %add3A_646, %mul3A_665 : vector<16xf32>
      %mul3A_667 = vector.broadcast %scan3A_40 : f32 to vector<16xf32>
      %mul3A_668 = arith.mulf %scan3A_545#6, %mul3A_667 : vector<16xf32>
      %get3A_669 = arith.constant 96 : index
      %get3A_670 = tpu.vector_load %arg13[%get3A_669] {strides = array<i32>} : memref<128xf32, #tpu.memory_space<vmem>>, vector<16xf32>,
      %add3A_671 = arith.addf %mul3A_668, %get3A_670 : vector<16xf32>
      %max3A_672 = arith.constant 0.000000e+00 : f32
      %max3A_673 = vector.broadcast %max3A_672 : f32 to vector<16xf32>
      %max3A_674 = arith.maximumf %add3A_671, %max3A_673 : vector<16xf32>
      %get3A_675 = arith.constant 0 : i32
      %get3A_676 = arith.index_cast %get3A_675 : i32 to index
      %get3A_677 = arith.constant 96 : index
      %get3A_678 = tpu.vector_load %arg14[%get3A_676, %get3A_677] {strides = array<i32>} : memref<2x128xf32, #tpu.memory_space<vmem>>, vector<16xf32>,
      %mul3A_679 = arith.mulf %max3A_674, %get3A_678 : vector<16xf32>
      %add3A_680 = arith.addf %add3A_660, %mul3A_679 : vector<16xf32>
      %get3A_681 = arith.constant 1 : i32
      %get3A_682 = arith.index_cast %get3A_681 : i32 to index
      %get3A_683 = arith.constant 96 : index
      %get3A_684 = tpu.vector_load %arg14[%get3A_682, %get3A_683] {strides = array<i32>} : memref<2x128xf32, #tpu.memory_space<vmem>>, vector<16xf32>,
      %mul3A_685 = arith.mulf %max3A_674, %get3A_684 : vector<16xf32>
      %add3A_686 = arith.addf %add3A_666, %mul3A_685 : vector<16xf32>
      %mul3A_687 = vector.broadcast %scan3A_40 : f32 to vector<16xf32>
      %mul3A_688 = arith.mulf %scan3A_545#7, %mul3A_687 : vector<16xf32>
      %get3A_689 = arith.constant 112 : index
      %get3A_690 = tpu.vector_load %arg13[%get3A_689] {strides = array<i32>} : memref<128xf32, #tpu.memory_space<vmem>>, vector<16xf32>,
      %add3A_691 = arith.addf %mul3A_688, %get3A_690 : vector<16xf32>
      %max3A_692 = arith.constant 0.000000e+00 : f32
      %max3A_693 = vector.broadcast %max3A_692 : f32 to vector<16xf32>
      %max3A_694 = arith.maximumf %add3A_691, %max3A_693 : vector<16xf32>
      %get3A_695 = arith.constant 0 : i32
      %get3A_696 = arith.index_cast %get3A_695 : i32 to index
      %get3A_697 = arith.constant 112 : index
      %get3A_698 = tpu.vector_load %arg14[%get3A_696, %get3A_697] {strides = array<i32>} : memref<2x128xf32, #tpu.memory_space<vmem>>, vector<16xf32>,
      %mul3A_699 = arith.mulf %max3A_694, %get3A_698 : vector<16xf32>
      %add3A_700 = arith.addf %add3A_680, %mul3A_699 : vector<16xf32>
      %get3A_701 = arith.constant 1 : i32
      %get3A_702 = arith.index_cast %get3A_701 : i32 to index
      %get3A_703 = arith.constant 112 : index
      %get3A_704 = tpu.vector_load %arg14[%get3A_702, %get3A_703] {strides = array<i32>} : memref<2x128xf32, #tpu.memory_space<vmem>>, vector<16xf32>,
      %mul3A_705 = arith.mulf %max3A_694, %get3A_704 : vector<16xf32>
      %add3A_706 = arith.addf %add3A_686, %mul3A_705 : vector<16xf32>
      %reduce_sum3A_707 = arith.constant true
      %reduce_sum3A_708 = vector.broadcast %reduce_sum3A_707 : i1 to vector<16xi1>
      %reduce_sum3A_709 = tpu.scan <sum>, %add3A_700 masked %reduce_sum3A_708 : vector<16xf32>, vector<16xi1> -> vector<16xf32>
      %reduce_sum3A_710 = vector.extract %reduce_sum3A_709[15] : f32 from vector<16xf32>
      %reduce_sum3A_711 = arith.constant true
      %reduce_sum3A_712 = vector.broadcast %reduce_sum3A_711 : i1 to vector<16xi1>
      %reduce_sum3A_713 = tpu.scan <sum>, %add3A_706 masked %reduce_sum3A_712 : vector<16xf32>, vector<16xi1> -> vector<16xf32>
      %reduce_sum3A_714 = vector.extract %reduce_sum3A_713[15] : f32 from vector<16xf32>
      %eq3A_715 = arith.constant 0 : i32
      %eq3A_716 = vector.broadcast %eq3A_715 : i32 to vector<16xi32>
      %eq3A_717 = arith.cmpi eq, %iota3A, %eq3A_716 : vector<16xi32>
      %eq3A_718 = arith.constant 1 : i32
      %eq3A_719 = vector.broadcast %eq3A_718 : i32 to vector<16xi32>
      %eq3A_720 = arith.cmpi eq, %iota3A, %eq3A_719 : vector<16xi32>
      %jit3A_721 = arith.constant 0.000000e+00 : f32
      %broadcast_in_dim3A_722 = vector.broadcast %reduce_sum3A_714 : f32 to vector<16xf32>
      %broadcast_in_dim3A_723 = vector.broadcast %jit3A_721 : f32 to vector<16xf32>
      %select_n3A_724 = arith.select %eq3A_720, %broadcast_in_dim3A_722, %broadcast_in_dim3A_723 : vector<16xi1>, vector<16xf32>
      %broadcast_in_dim3A_725 = vector.broadcast %reduce_sum3A_710 : f32 to vector<16xf32>
      %select_n3A_726 = arith.select %eq3A_717, %broadcast_in_dim3A_725, %select_n3A_724 : vector<16xi1>, vector<16xf32>
      %add3A_727 = arith.addf %select_n3A_726, %get3A_5 : vector<16xf32>
      %swap3A_728 = arith.index_cast %add3A_504 : i32 to index
      %swap3A_729 = arith.constant 0 : index
      %swap3A_730 = tpu.vector_load %arg12[%swap3A_728, %swap3A_729] {strides = array<i32>} : memref<128x16xf32, #tpu.memory_space<vmem>>, vector<16xf32>,
      tpu.vector_store %arg12[%swap3A_728, %swap3A_729], %add3A_727 {strides = array<i32>} : memref<128x16xf32, #tpu.memory_space<vmem>>, vector<16xf32>,
      %mul3A_731 = arith.constant 3 : i32
      %mul3A_732 = arith.muli %scan3A_500, %mul3A_731 : i32
      %add3A_733 = arith.constant 1 : i32
      %add3A_734 = arith.addi %mul3A_732, %add3A_733 : i32
      %add3A_735 = arith.constant 2 : i32
      %add3A_736 = arith.addi %add3A_734, %add3A_735 : i32
      %lt3A_737 = arith.constant 128 : i32
      %lt3A_738 = arith.cmpi slt, %add3A_736, %lt3A_737 : i32
      %convert_element_type3A_739 = arith.extui %lt3A_738 : i1 to i32
      %cond3A_740 = arith.constant 0 : i32
      %cond3A_741 = arith.cmpi ne, %convert_element_type3A_739, %cond3A_740 : i32
      scf.if %cond3A_741 {
        %add3A_1197 = arith.constant 2 : i32
        %add3A_1198 = arith.addi %add3A_734, %add3A_1197 : i32
        %mul3A_1199 = arith.constant 200 : i32
        %mul3A_1200 = arith.muli %add3A_1198, %mul3A_1199 : i32
        %multiple_of3A_1201 = tpu.assume_multiple %mul3A_1200, 8 : i32
        %dma_start3A_1202 = arith.constant 0 : i32
        %dma_start3A_1203 = arith.constant 0 : i32
        %dma_start3A_1204 = tpu.memref_slice %arg9[%dma_start3A_1202, %dma_start3A_1203] : memref<200x128xf32, #tpu.memory_space<vmem>> -> memref<104x128xf32, #tpu.memory_space<vmem>>
        %dma_start3A_1205 = tpu.memref_slice %arg8[%multiple_of3A_1201] : memref<25600xi32, #tpu.memory_space<vmem>> -> memref<104xi32, #tpu.memory_space<vmem>>
        %dma_start3A_1206 = arith.constant 0 : i32
        %dma_start3A_1207 = arith.constant 0 : i32
        %dma_start3A_1208 = tpu.memref_slice %arg3[%dma_start3A_1206, %dma_start3A_1207] : memref<1000000x128xf32, #tpu.memory_space<hbm>> -> memref<1000000x128xf32, #tpu.memory_space<hbm>>
        tpu.enqueue_indirect_dma source(%dma_start3A_1208 : memref<1000000x128xf32, #tpu.memory_space<hbm>>) target(%dma_start3A_1204 : memref<104x128xf32, #tpu.memory_space<vmem>>) offsets(%dma_start3A_1205 : memref<104xi32, #tpu.memory_space<vmem>>) semaphore(%arg16 : memref<!tpu.dma_semaphore, #tpu.memory_space<semaphore_mem>>)
        %mul3A_1209 = arith.constant 200 : i32
        %mul3A_1210 = arith.muli %add3A_1198, %mul3A_1209 : i32
        %add3A_1211 = arith.constant 104 : i32
        %add3A_1212 = arith.addi %mul3A_1210, %add3A_1211 : i32
        %multiple_of3A_1213 = tpu.assume_multiple %add3A_1212, 8 : i32
        %dma_start3A_1214 = arith.constant 104 : i32
        %dma_start3A_1215 = arith.constant 0 : i32
        %dma_start3A_1216 = tpu.memref_slice %arg9[%dma_start3A_1214, %dma_start3A_1215] : memref<200x128xf32, #tpu.memory_space<vmem>> -> memref<96x128xf32, #tpu.memory_space<vmem>>
        %dma_start3A_1217 = tpu.memref_slice %arg8[%multiple_of3A_1213] : memref<25600xi32, #tpu.memory_space<vmem>> -> memref<96xi32, #tpu.memory_space<vmem>>
        %dma_start3A_1218 = arith.constant 0 : i32
        %dma_start3A_1219 = arith.constant 0 : i32
        %dma_start3A_1220 = tpu.memref_slice %arg3[%dma_start3A_1218, %dma_start3A_1219] : memref<1000000x128xf32, #tpu.memory_space<hbm>> -> memref<1000000x128xf32, #tpu.memory_space<hbm>>
        tpu.enqueue_indirect_dma source(%dma_start3A_1220 : memref<1000000x128xf32, #tpu.memory_space<hbm>>) target(%dma_start3A_1216 : memref<96x128xf32, #tpu.memory_space<vmem>>) offsets(%dma_start3A_1217 : memref<96xi32, #tpu.memory_space<vmem>>) semaphore(%arg19 : memref<!tpu.dma_semaphore, #tpu.memory_space<semaphore_mem>>)
      } else {
      }
      %broadcast_in_dim3A_742 = arith.constant 0.000000e+00 : f32
      %broadcast_in_dim3A_743 = vector.broadcast %broadcast_in_dim3A_742 : f32 to vector<16xf32>
      %dma_wait3A_744 = arith.constant 0 : i32
      %dma_wait3A_745 = arith.constant 0 : i32
      %dma_wait3A_746 = tpu.memref_slice %arg10[%dma_wait3A_744, %dma_wait3A_745] : memref<200x128xf32, #tpu.memory_space<vmem>> -> memref<104x128xf32, #tpu.memory_space<vmem>>
      %dma_wait3A_747 = arith.constant 0 : i32
      %dma_wait3A_748 = arith.constant 0 : i32
      %dma_wait3A_749 = tpu.memref_slice %arg3[%dma_wait3A_747, %dma_wait3A_748] : memref<1000000x128xf32, #tpu.memory_space<hbm>> -> memref<104x128xf32, #tpu.memory_space<hbm>>
      %dma_wait3A_750 = arith.constant 0 : i32
      %dma_wait3A_751 = arith.constant 0 : i32
      %dma_wait3A_752 = tpu.memref_slice %arg10[%dma_wait3A_750, %dma_wait3A_751] : memref<200x128xf32, #tpu.memory_space<vmem>> -> memref<104x128xf32, #tpu.memory_space<vmem>>
      %dma_wait3A_753 = arith.constant 0 : i32
      %dma_wait3A_754 = arith.constant 0 : i32
      %dma_wait3A_755 = tpu.memref_slice %arg3[%dma_wait3A_753, %dma_wait3A_754] : memref<1000000x128xf32, #tpu.memory_space<hbm>> -> memref<104x128xf32, #tpu.memory_space<hbm>>
      tpu.wait_dma2 semaphore(%arg17 : memref<!tpu.dma_semaphore, #tpu.memory_space<semaphore_mem>>) src(%dma_wait3A_755 : memref<104x128xf32, #tpu.memory_space<hbm>>) dst(%dma_wait3A_752 : memref<104x128xf32, #tpu.memory_space<vmem>>)
      %scan3A_756 = arith.constant 0 : i32
      %scan3A_757 = arith.constant 13 : i32
      %scan3A_758 = arith.addi %scan3A_756, %scan3A_757 : i32
      %scan3A_759 = arith.constant 1 : i32
      %scan3A_760:8 = scf.for %scan3A_1197 = %scan3A_756 to %scan3A_758 step %scan3A_759 iter_args(%scan3A_1198 = %broadcast_in_dim3A_743, %scan3A_1199 = %broadcast_in_dim3A_743, %scan3A_1200 = %broadcast_in_dim3A_743, %scan3A_1201 = %broadcast_in_dim3A_743, %scan3A_1202 = %broadcast_in_dim3A_743, %scan3A_1203 = %broadcast_in_dim3A_743, %scan3A_1204 = %broadcast_in_dim3A_743, %scan3A_1205 = %broadcast_in_dim3A_743) -> (vector<16xf32>, vector<16xf32>, vector<16xf32>, vector<16xf32>, vector<16xf32>, vector<16xf32>, vector<16xf32>, vector<16xf32>)  : i32 {
        %mul3A_1206 = arith.constant 8 : i32
        %mul3A_1207 = arith.muli %scan3A_1197, %mul3A_1206 : i32
        %add3A_1208 = arith.constant 0 : i32
        %add3A_1209 = arith.addi %add3A_1208, %mul3A_1207 : i32
        %add3A_1210 = arith.constant 0 : i32
        %add3A_1211 = arith.addi %add3A_1209, %add3A_1210 : i32
        %get3A_1212 = arith.index_cast %add3A_1211 : i32 to index
        %get3A_1213 = arith.constant 0 : index
        %get3A_1214 = tpu.vector_load %arg10[%get3A_1212, %get3A_1213] {strides = array<i32>} : memref<200x128xf32, #tpu.memory_space<vmem>>, vector<16xf32>,
        %add3A_1215 = arith.addf %scan3A_1198, %get3A_1214 : vector<16xf32>
        %get3A_1216 = arith.index_cast %add3A_1211 : i32 to index
        %get3A_1217 = arith.constant 16 : index
        %get3A_1218 = tpu.vector_load %arg10[%get3A_1216, %get3A_1217] {strides = array<i32>} : memref<200x128xf32, #tpu.memory_space<vmem>>, vector<16xf32>,
        %add3A_1219 = arith.addf %scan3A_1199, %get3A_1218 : vector<16xf32>
        %get3A_1220 = arith.index_cast %add3A_1211 : i32 to index
        %get3A_1221 = arith.constant 32 : index
        %get3A_1222 = tpu.vector_load %arg10[%get3A_1220, %get3A_1221] {strides = array<i32>} : memref<200x128xf32, #tpu.memory_space<vmem>>, vector<16xf32>,
        %add3A_1223 = arith.addf %scan3A_1200, %get3A_1222 : vector<16xf32>
        %get3A_1224 = arith.index_cast %add3A_1211 : i32 to index
        %get3A_1225 = arith.constant 48 : index
        %get3A_1226 = tpu.vector_load %arg10[%get3A_1224, %get3A_1225] {strides = array<i32>} : memref<200x128xf32, #tpu.memory_space<vmem>>, vector<16xf32>,
        %add3A_1227 = arith.addf %scan3A_1201, %get3A_1226 : vector<16xf32>
        %get3A_1228 = arith.index_cast %add3A_1211 : i32 to index
        %get3A_1229 = arith.constant 64 : index
        %get3A_1230 = tpu.vector_load %arg10[%get3A_1228, %get3A_1229] {strides = array<i32>} : memref<200x128xf32, #tpu.memory_space<vmem>>, vector<16xf32>,
        %add3A_1231 = arith.addf %scan3A_1202, %get3A_1230 : vector<16xf32>
        %get3A_1232 = arith.index_cast %add3A_1211 : i32 to index
        %get3A_1233 = arith.constant 80 : index
        %get3A_1234 = tpu.vector_load %arg10[%get3A_1232, %get3A_1233] {strides = array<i32>} : memref<200x128xf32, #tpu.memory_space<vmem>>, vector<16xf32>,
        %add3A_1235 = arith.addf %scan3A_1203, %get3A_1234 : vector<16xf32>
        %get3A_1236 = arith.index_cast %add3A_1211 : i32 to index
        %get3A_1237 = arith.constant 96 : index
        %get3A_1238 = tpu.vector_load %arg10[%get3A_1236, %get3A_1237] {strides = array<i32>} : memref<200x128xf32, #tpu.memory_space<vmem>>, vector<16xf32>,
        %add3A_1239 = arith.addf %scan3A_1204, %get3A_1238 : vector<16xf32>
        %get3A_1240 = arith.index_cast %add3A_1211 : i32 to index
        %get3A_1241 = arith.constant 112 : index
        %get3A_1242 = tpu.vector_load %arg10[%get3A_1240, %get3A_1241] {strides = array<i32>} : memref<200x128xf32, #tpu.memory_space<vmem>>, vector<16xf32>,
        %add3A_1243 = arith.addf %scan3A_1205, %get3A_1242 : vector<16xf32>
        %mul3A_1244 = arith.constant 8 : i32
        %mul3A_1245 = arith.muli %scan3A_1197, %mul3A_1244 : i32
        %add3A_1246 = arith.constant 0 : i32
        %add3A_1247 = arith.addi %add3A_1246, %mul3A_1245 : i32
        %add3A_1248 = arith.constant 1 : i32
        %add3A_1249 = arith.addi %add3A_1247, %add3A_1248 : i32
        %get3A_1250 = arith.index_cast %add3A_1249 : i32 to index
        %get3A_1251 = arith.constant 0 : index
        %get3A_1252 = tpu.vector_load %arg10[%get3A_1250, %get3A_1251] {strides = array<i32>} : memref<200x128xf32, #tpu.memory_space<vmem>>, vector<16xf32>,
        %add3A_1253 = arith.addf %add3A_1215, %get3A_1252 : vector<16xf32>
        %get3A_1254 = arith.index_cast %add3A_1249 : i32 to index
        %get3A_1255 = arith.constant 16 : index
        %get3A_1256 = tpu.vector_load %arg10[%get3A_1254, %get3A_1255] {strides = array<i32>} : memref<200x128xf32, #tpu.memory_space<vmem>>, vector<16xf32>,
        %add3A_1257 = arith.addf %add3A_1219, %get3A_1256 : vector<16xf32>
        %get3A_1258 = arith.index_cast %add3A_1249 : i32 to index
        %get3A_1259 = arith.constant 32 : index
        %get3A_1260 = tpu.vector_load %arg10[%get3A_1258, %get3A_1259] {strides = array<i32>} : memref<200x128xf32, #tpu.memory_space<vmem>>, vector<16xf32>,
        %add3A_1261 = arith.addf %add3A_1223, %get3A_1260 : vector<16xf32>
        %get3A_1262 = arith.index_cast %add3A_1249 : i32 to index
        %get3A_1263 = arith.constant 48 : index
        %get3A_1264 = tpu.vector_load %arg10[%get3A_1262, %get3A_1263] {strides = array<i32>} : memref<200x128xf32, #tpu.memory_space<vmem>>, vector<16xf32>,
        %add3A_1265 = arith.addf %add3A_1227, %get3A_1264 : vector<16xf32>
        %get3A_1266 = arith.index_cast %add3A_1249 : i32 to index
        %get3A_1267 = arith.constant 64 : index
        %get3A_1268 = tpu.vector_load %arg10[%get3A_1266, %get3A_1267] {strides = array<i32>} : memref<200x128xf32, #tpu.memory_space<vmem>>, vector<16xf32>,
        %add3A_1269 = arith.addf %add3A_1231, %get3A_1268 : vector<16xf32>
        %get3A_1270 = arith.index_cast %add3A_1249 : i32 to index
        %get3A_1271 = arith.constant 80 : index
        %get3A_1272 = tpu.vector_load %arg10[%get3A_1270, %get3A_1271] {strides = array<i32>} : memref<200x128xf32, #tpu.memory_space<vmem>>, vector<16xf32>,
        %add3A_1273 = arith.addf %add3A_1235, %get3A_1272 : vector<16xf32>
        %get3A_1274 = arith.index_cast %add3A_1249 : i32 to index
        %get3A_1275 = arith.constant 96 : index
        %get3A_1276 = tpu.vector_load %arg10[%get3A_1274, %get3A_1275] {strides = array<i32>} : memref<200x128xf32, #tpu.memory_space<vmem>>, vector<16xf32>,
        %add3A_1277 = arith.addf %add3A_1239, %get3A_1276 : vector<16xf32>
        %get3A_1278 = arith.index_cast %add3A_1249 : i32 to index
        %get3A_1279 = arith.constant 112 : index
        %get3A_1280 = tpu.vector_load %arg10[%get3A_1278, %get3A_1279] {strides = array<i32>} : memref<200x128xf32, #tpu.memory_space<vmem>>, vector<16xf32>,
        %add3A_1281 = arith.addf %add3A_1243, %get3A_1280 : vector<16xf32>
        %mul3A_1282 = arith.constant 8 : i32
        %mul3A_1283 = arith.muli %scan3A_1197, %mul3A_1282 : i32
        %add3A_1284 = arith.constant 0 : i32
        %add3A_1285 = arith.addi %add3A_1284, %mul3A_1283 : i32
        %add3A_1286 = arith.constant 2 : i32
        %add3A_1287 = arith.addi %add3A_1285, %add3A_1286 : i32
        %get3A_1288 = arith.index_cast %add3A_1287 : i32 to index
        %get3A_1289 = arith.constant 0 : index
        %get3A_1290 = tpu.vector_load %arg10[%get3A_1288, %get3A_1289] {strides = array<i32>} : memref<200x128xf32, #tpu.memory_space<vmem>>, vector<16xf32>,
        %add3A_1291 = arith.addf %add3A_1253, %get3A_1290 : vector<16xf32>
        %get3A_1292 = arith.index_cast %add3A_1287 : i32 to index
        %get3A_1293 = arith.constant 16 : index
        %get3A_1294 = tpu.vector_load %arg10[%get3A_1292, %get3A_1293] {strides = array<i32>} : memref<200x128xf32, #tpu.memory_space<vmem>>, vector<16xf32>,
        %add3A_1295 = arith.addf %add3A_1257, %get3A_1294 : vector<16xf32>
        %get3A_1296 = arith.index_cast %add3A_1287 : i32 to index
        %get3A_1297 = arith.constant 32 : index
        %get3A_1298 = tpu.vector_load %arg10[%get3A_1296, %get3A_1297] {strides = array<i32>} : memref<200x128xf32, #tpu.memory_space<vmem>>, vector<16xf32>,
        %add3A_1299 = arith.addf %add3A_1261, %get3A_1298 : vector<16xf32>
        %get3A_1300 = arith.index_cast %add3A_1287 : i32 to index
        %get3A_1301 = arith.constant 48 : index
        %get3A_1302 = tpu.vector_load %arg10[%get3A_1300, %get3A_1301] {strides = array<i32>} : memref<200x128xf32, #tpu.memory_space<vmem>>, vector<16xf32>,
        %add3A_1303 = arith.addf %add3A_1265, %get3A_1302 : vector<16xf32>
        %get3A_1304 = arith.index_cast %add3A_1287 : i32 to index
        %get3A_1305 = arith.constant 64 : index
        %get3A_1306 = tpu.vector_load %arg10[%get3A_1304, %get3A_1305] {strides = array<i32>} : memref<200x128xf32, #tpu.memory_space<vmem>>, vector<16xf32>,
        %add3A_1307 = arith.addf %add3A_1269, %get3A_1306 : vector<16xf32>
        %get3A_1308 = arith.index_cast %add3A_1287 : i32 to index
        %get3A_1309 = arith.constant 80 : index
        %get3A_1310 = tpu.vector_load %arg10[%get3A_1308, %get3A_1309] {strides = array<i32>} : memref<200x128xf32, #tpu.memory_space<vmem>>, vector<16xf32>,
        %add3A_1311 = arith.addf %add3A_1273, %get3A_1310 : vector<16xf32>
        %get3A_1312 = arith.index_cast %add3A_1287 : i32 to index
        %get3A_1313 = arith.constant 96 : index
        %get3A_1314 = tpu.vector_load %arg10[%get3A_1312, %get3A_1313] {strides = array<i32>} : memref<200x128xf32, #tpu.memory_space<vmem>>, vector<16xf32>,
        %add3A_1315 = arith.addf %add3A_1277, %get3A_1314 : vector<16xf32>
        %get3A_1316 = arith.index_cast %add3A_1287 : i32 to index
        %get3A_1317 = arith.constant 112 : index
        %get3A_1318 = tpu.vector_load %arg10[%get3A_1316, %get3A_1317] {strides = array<i32>} : memref<200x128xf32, #tpu.memory_space<vmem>>, vector<16xf32>,
        %add3A_1319 = arith.addf %add3A_1281, %get3A_1318 : vector<16xf32>
        %mul3A_1320 = arith.constant 8 : i32
        %mul3A_1321 = arith.muli %scan3A_1197, %mul3A_1320 : i32
        %add3A_1322 = arith.constant 0 : i32
        %add3A_1323 = arith.addi %add3A_1322, %mul3A_1321 : i32
        %add3A_1324 = arith.constant 3 : i32
        %add3A_1325 = arith.addi %add3A_1323, %add3A_1324 : i32
        %get3A_1326 = arith.index_cast %add3A_1325 : i32 to index
        %get3A_1327 = arith.constant 0 : index
        %get3A_1328 = tpu.vector_load %arg10[%get3A_1326, %get3A_1327] {strides = array<i32>} : memref<200x128xf32, #tpu.memory_space<vmem>>, vector<16xf32>,
        %add3A_1329 = arith.addf %add3A_1291, %get3A_1328 : vector<16xf32>
        %get3A_1330 = arith.index_cast %add3A_1325 : i32 to index
        %get3A_1331 = arith.constant 16 : index
        %get3A_1332 = tpu.vector_load %arg10[%get3A_1330, %get3A_1331] {strides = array<i32>} : memref<200x128xf32, #tpu.memory_space<vmem>>, vector<16xf32>,
        %add3A_1333 = arith.addf %add3A_1295, %get3A_1332 : vector<16xf32>
        %get3A_1334 = arith.index_cast %add3A_1325 : i32 to index
        %get3A_1335 = arith.constant 32 : index
        %get3A_1336 = tpu.vector_load %arg10[%get3A_1334, %get3A_1335] {strides = array<i32>} : memref<200x128xf32, #tpu.memory_space<vmem>>, vector<16xf32>,
        %add3A_1337 = arith.addf %add3A_1299, %get3A_1336 : vector<16xf32>
        %get3A_1338 = arith.index_cast %add3A_1325 : i32 to index
        %get3A_1339 = arith.constant 48 : index
        %get3A_1340 = tpu.vector_load %arg10[%get3A_1338, %get3A_1339] {strides = array<i32>} : memref<200x128xf32, #tpu.memory_space<vmem>>, vector<16xf32>,
        %add3A_1341 = arith.addf %add3A_1303, %get3A_1340 : vector<16xf32>
        %get3A_1342 = arith.index_cast %add3A_1325 : i32 to index
        %get3A_1343 = arith.constant 64 : index
        %get3A_1344 = tpu.vector_load %arg10[%get3A_1342, %get3A_1343] {strides = array<i32>} : memref<200x128xf32, #tpu.memory_space<vmem>>, vector<16xf32>,
        %add3A_1345 = arith.addf %add3A_1307, %get3A_1344 : vector<16xf32>
        %get3A_1346 = arith.index_cast %add3A_1325 : i32 to index
        %get3A_1347 = arith.constant 80 : index
        %get3A_1348 = tpu.vector_load %arg10[%get3A_1346, %get3A_1347] {strides = array<i32>} : memref<200x128xf32, #tpu.memory_space<vmem>>, vector<16xf32>,
        %add3A_1349 = arith.addf %add3A_1311, %get3A_1348 : vector<16xf32>
        %get3A_1350 = arith.index_cast %add3A_1325 : i32 to index
        %get3A_1351 = arith.constant 96 : index
        %get3A_1352 = tpu.vector_load %arg10[%get3A_1350, %get3A_1351] {strides = array<i32>} : memref<200x128xf32, #tpu.memory_space<vmem>>, vector<16xf32>,
        %add3A_1353 = arith.addf %add3A_1315, %get3A_1352 : vector<16xf32>
        %get3A_1354 = arith.index_cast %add3A_1325 : i32 to index
        %get3A_1355 = arith.constant 112 : index
        %get3A_1356 = tpu.vector_load %arg10[%get3A_1354, %get3A_1355] {strides = array<i32>} : memref<200x128xf32, #tpu.memory_space<vmem>>, vector<16xf32>,
        %add3A_1357 = arith.addf %add3A_1319, %get3A_1356 : vector<16xf32>
        %mul3A_1358 = arith.constant 8 : i32
        %mul3A_1359 = arith.muli %scan3A_1197, %mul3A_1358 : i32
        %add3A_1360 = arith.constant 0 : i32
        %add3A_1361 = arith.addi %add3A_1360, %mul3A_1359 : i32
        %add3A_1362 = arith.constant 4 : i32
        %add3A_1363 = arith.addi %add3A_1361, %add3A_1362 : i32
        %get3A_1364 = arith.index_cast %add3A_1363 : i32 to index
        %get3A_1365 = arith.constant 0 : index
        %get3A_1366 = tpu.vector_load %arg10[%get3A_1364, %get3A_1365] {strides = array<i32>} : memref<200x128xf32, #tpu.memory_space<vmem>>, vector<16xf32>,
        %add3A_1367 = arith.addf %add3A_1329, %get3A_1366 : vector<16xf32>
        %get3A_1368 = arith.index_cast %add3A_1363 : i32 to index
        %get3A_1369 = arith.constant 16 : index
        %get3A_1370 = tpu.vector_load %arg10[%get3A_1368, %get3A_1369] {strides = array<i32>} : memref<200x128xf32, #tpu.memory_space<vmem>>, vector<16xf32>,
        %add3A_1371 = arith.addf %add3A_1333, %get3A_1370 : vector<16xf32>
        %get3A_1372 = arith.index_cast %add3A_1363 : i32 to index
        %get3A_1373 = arith.constant 32 : index
        %get3A_1374 = tpu.vector_load %arg10[%get3A_1372, %get3A_1373] {strides = array<i32>} : memref<200x128xf32, #tpu.memory_space<vmem>>, vector<16xf32>,
        %add3A_1375 = arith.addf %add3A_1337, %get3A_1374 : vector<16xf32>
        %get3A_1376 = arith.index_cast %add3A_1363 : i32 to index
        %get3A_1377 = arith.constant 48 : index
        %get3A_1378 = tpu.vector_load %arg10[%get3A_1376, %get3A_1377] {strides = array<i32>} : memref<200x128xf32, #tpu.memory_space<vmem>>, vector<16xf32>,
        %add3A_1379 = arith.addf %add3A_1341, %get3A_1378 : vector<16xf32>
        %get3A_1380 = arith.index_cast %add3A_1363 : i32 to index
        %get3A_1381 = arith.constant 64 : index
        %get3A_1382 = tpu.vector_load %arg10[%get3A_1380, %get3A_1381] {strides = array<i32>} : memref<200x128xf32, #tpu.memory_space<vmem>>, vector<16xf32>,
        %add3A_1383 = arith.addf %add3A_1345, %get3A_1382 : vector<16xf32>
        %get3A_1384 = arith.index_cast %add3A_1363 : i32 to index
        %get3A_1385 = arith.constant 80 : index
        %get3A_1386 = tpu.vector_load %arg10[%get3A_1384, %get3A_1385] {strides = array<i32>} : memref<200x128xf32, #tpu.memory_space<vmem>>, vector<16xf32>,
        %add3A_1387 = arith.addf %add3A_1349, %get3A_1386 : vector<16xf32>
        %get3A_1388 = arith.index_cast %add3A_1363 : i32 to index
        %get3A_1389 = arith.constant 96 : index
        %get3A_1390 = tpu.vector_load %arg10[%get3A_1388, %get3A_1389] {strides = array<i32>} : memref<200x128xf32, #tpu.memory_space<vmem>>, vector<16xf32>,
        %add3A_1391 = arith.addf %add3A_1353, %get3A_1390 : vector<16xf32>
        %get3A_1392 = arith.index_cast %add3A_1363 : i32 to index
        %get3A_1393 = arith.constant 112 : index
        %get3A_1394 = tpu.vector_load %arg10[%get3A_1392, %get3A_1393] {strides = array<i32>} : memref<200x128xf32, #tpu.memory_space<vmem>>, vector<16xf32>,
        %add3A_1395 = arith.addf %add3A_1357, %get3A_1394 : vector<16xf32>
        %mul3A_1396 = arith.constant 8 : i32
        %mul3A_1397 = arith.muli %scan3A_1197, %mul3A_1396 : i32
        %add3A_1398 = arith.constant 0 : i32
        %add3A_1399 = arith.addi %add3A_1398, %mul3A_1397 : i32
        %add3A_1400 = arith.constant 5 : i32
        %add3A_1401 = arith.addi %add3A_1399, %add3A_1400 : i32
        %get3A_1402 = arith.index_cast %add3A_1401 : i32 to index
        %get3A_1403 = arith.constant 0 : index
        %get3A_1404 = tpu.vector_load %arg10[%get3A_1402, %get3A_1403] {strides = array<i32>} : memref<200x128xf32, #tpu.memory_space<vmem>>, vector<16xf32>,
        %add3A_1405 = arith.addf %add3A_1367, %get3A_1404 : vector<16xf32>
        %get3A_1406 = arith.index_cast %add3A_1401 : i32 to index
        %get3A_1407 = arith.constant 16 : index
        %get3A_1408 = tpu.vector_load %arg10[%get3A_1406, %get3A_1407] {strides = array<i32>} : memref<200x128xf32, #tpu.memory_space<vmem>>, vector<16xf32>,
        %add3A_1409 = arith.addf %add3A_1371, %get3A_1408 : vector<16xf32>
        %get3A_1410 = arith.index_cast %add3A_1401 : i32 to index
        %get3A_1411 = arith.constant 32 : index
        %get3A_1412 = tpu.vector_load %arg10[%get3A_1410, %get3A_1411] {strides = array<i32>} : memref<200x128xf32, #tpu.memory_space<vmem>>, vector<16xf32>,
        %add3A_1413 = arith.addf %add3A_1375, %get3A_1412 : vector<16xf32>
        %get3A_1414 = arith.index_cast %add3A_1401 : i32 to index
        %get3A_1415 = arith.constant 48 : index
        %get3A_1416 = tpu.vector_load %arg10[%get3A_1414, %get3A_1415] {strides = array<i32>} : memref<200x128xf32, #tpu.memory_space<vmem>>, vector<16xf32>,
        %add3A_1417 = arith.addf %add3A_1379, %get3A_1416 : vector<16xf32>
        %get3A_1418 = arith.index_cast %add3A_1401 : i32 to index
        %get3A_1419 = arith.constant 64 : index
        %get3A_1420 = tpu.vector_load %arg10[%get3A_1418, %get3A_1419] {strides = array<i32>} : memref<200x128xf32, #tpu.memory_space<vmem>>, vector<16xf32>,
        %add3A_1421 = arith.addf %add3A_1383, %get3A_1420 : vector<16xf32>
        %get3A_1422 = arith.index_cast %add3A_1401 : i32 to index
        %get3A_1423 = arith.constant 80 : index
        %get3A_1424 = tpu.vector_load %arg10[%get3A_1422, %get3A_1423] {strides = array<i32>} : memref<200x128xf32, #tpu.memory_space<vmem>>, vector<16xf32>,
        %add3A_1425 = arith.addf %add3A_1387, %get3A_1424 : vector<16xf32>
        %get3A_1426 = arith.index_cast %add3A_1401 : i32 to index
        %get3A_1427 = arith.constant 96 : index
        %get3A_1428 = tpu.vector_load %arg10[%get3A_1426, %get3A_1427] {strides = array<i32>} : memref<200x128xf32, #tpu.memory_space<vmem>>, vector<16xf32>,
        %add3A_1429 = arith.addf %add3A_1391, %get3A_1428 : vector<16xf32>
        %get3A_1430 = arith.index_cast %add3A_1401 : i32 to index
        %get3A_1431 = arith.constant 112 : index
        %get3A_1432 = tpu.vector_load %arg10[%get3A_1430, %get3A_1431] {strides = array<i32>} : memref<200x128xf32, #tpu.memory_space<vmem>>, vector<16xf32>,
        %add3A_1433 = arith.addf %add3A_1395, %get3A_1432 : vector<16xf32>
        %mul3A_1434 = arith.constant 8 : i32
        %mul3A_1435 = arith.muli %scan3A_1197, %mul3A_1434 : i32
        %add3A_1436 = arith.constant 0 : i32
        %add3A_1437 = arith.addi %add3A_1436, %mul3A_1435 : i32
        %add3A_1438 = arith.constant 6 : i32
        %add3A_1439 = arith.addi %add3A_1437, %add3A_1438 : i32
        %get3A_1440 = arith.index_cast %add3A_1439 : i32 to index
        %get3A_1441 = arith.constant 0 : index
        %get3A_1442 = tpu.vector_load %arg10[%get3A_1440, %get3A_1441] {strides = array<i32>} : memref<200x128xf32, #tpu.memory_space<vmem>>, vector<16xf32>,
        %add3A_1443 = arith.addf %add3A_1405, %get3A_1442 : vector<16xf32>
        %get3A_1444 = arith.index_cast %add3A_1439 : i32 to index
        %get3A_1445 = arith.constant 16 : index
        %get3A_1446 = tpu.vector_load %arg10[%get3A_1444, %get3A_1445] {strides = array<i32>} : memref<200x128xf32, #tpu.memory_space<vmem>>, vector<16xf32>,
        %add3A_1447 = arith.addf %add3A_1409, %get3A_1446 : vector<16xf32>
        %get3A_1448 = arith.index_cast %add3A_1439 : i32 to index
        %get3A_1449 = arith.constant 32 : index
        %get3A_1450 = tpu.vector_load %arg10[%get3A_1448, %get3A_1449] {strides = array<i32>} : memref<200x128xf32, #tpu.memory_space<vmem>>, vector<16xf32>,
        %add3A_1451 = arith.addf %add3A_1413, %get3A_1450 : vector<16xf32>
        %get3A_1452 = arith.index_cast %add3A_1439 : i32 to index
        %get3A_1453 = arith.constant 48 : index
        %get3A_1454 = tpu.vector_load %arg10[%get3A_1452, %get3A_1453] {strides = array<i32>} : memref<200x128xf32, #tpu.memory_space<vmem>>, vector<16xf32>,
        %add3A_1455 = arith.addf %add3A_1417, %get3A_1454 : vector<16xf32>
        %get3A_1456 = arith.index_cast %add3A_1439 : i32 to index
        %get3A_1457 = arith.constant 64 : index
        %get3A_1458 = tpu.vector_load %arg10[%get3A_1456, %get3A_1457] {strides = array<i32>} : memref<200x128xf32, #tpu.memory_space<vmem>>, vector<16xf32>,
        %add3A_1459 = arith.addf %add3A_1421, %get3A_1458 : vector<16xf32>
        %get3A_1460 = arith.index_cast %add3A_1439 : i32 to index
        %get3A_1461 = arith.constant 80 : index
        %get3A_1462 = tpu.vector_load %arg10[%get3A_1460, %get3A_1461] {strides = array<i32>} : memref<200x128xf32, #tpu.memory_space<vmem>>, vector<16xf32>,
        %add3A_1463 = arith.addf %add3A_1425, %get3A_1462 : vector<16xf32>
        %get3A_1464 = arith.index_cast %add3A_1439 : i32 to index
        %get3A_1465 = arith.constant 96 : index
        %get3A_1466 = tpu.vector_load %arg10[%get3A_1464, %get3A_1465] {strides = array<i32>} : memref<200x128xf32, #tpu.memory_space<vmem>>, vector<16xf32>,
        %add3A_1467 = arith.addf %add3A_1429, %get3A_1466 : vector<16xf32>
        %get3A_1468 = arith.index_cast %add3A_1439 : i32 to index
        %get3A_1469 = arith.constant 112 : index
        %get3A_1470 = tpu.vector_load %arg10[%get3A_1468, %get3A_1469] {strides = array<i32>} : memref<200x128xf32, #tpu.memory_space<vmem>>, vector<16xf32>,
        %add3A_1471 = arith.addf %add3A_1433, %get3A_1470 : vector<16xf32>
        %mul3A_1472 = arith.constant 8 : i32
        %mul3A_1473 = arith.muli %scan3A_1197, %mul3A_1472 : i32
        %add3A_1474 = arith.constant 0 : i32
        %add3A_1475 = arith.addi %add3A_1474, %mul3A_1473 : i32
        %add3A_1476 = arith.constant 7 : i32
        %add3A_1477 = arith.addi %add3A_1475, %add3A_1476 : i32
        %get3A_1478 = arith.index_cast %add3A_1477 : i32 to index
        %get3A_1479 = arith.constant 0 : index
        %get3A_1480 = tpu.vector_load %arg10[%get3A_1478, %get3A_1479] {strides = array<i32>} : memref<200x128xf32, #tpu.memory_space<vmem>>, vector<16xf32>,
        %add3A_1481 = arith.addf %add3A_1443, %get3A_1480 : vector<16xf32>
        %get3A_1482 = arith.index_cast %add3A_1477 : i32 to index
        %get3A_1483 = arith.constant 16 : index
        %get3A_1484 = tpu.vector_load %arg10[%get3A_1482, %get3A_1483] {strides = array<i32>} : memref<200x128xf32, #tpu.memory_space<vmem>>, vector<16xf32>,
        %add3A_1485 = arith.addf %add3A_1447, %get3A_1484 : vector<16xf32>
        %get3A_1486 = arith.index_cast %add3A_1477 : i32 to index
        %get3A_1487 = arith.constant 32 : index
        %get3A_1488 = tpu.vector_load %arg10[%get3A_1486, %get3A_1487] {strides = array<i32>} : memref<200x128xf32, #tpu.memory_space<vmem>>, vector<16xf32>,
        %add3A_1489 = arith.addf %add3A_1451, %get3A_1488 : vector<16xf32>
        %get3A_1490 = arith.index_cast %add3A_1477 : i32 to index
        %get3A_1491 = arith.constant 48 : index
        %get3A_1492 = tpu.vector_load %arg10[%get3A_1490, %get3A_1491] {strides = array<i32>} : memref<200x128xf32, #tpu.memory_space<vmem>>, vector<16xf32>,
        %add3A_1493 = arith.addf %add3A_1455, %get3A_1492 : vector<16xf32>
        %get3A_1494 = arith.index_cast %add3A_1477 : i32 to index
        %get3A_1495 = arith.constant 64 : index
        %get3A_1496 = tpu.vector_load %arg10[%get3A_1494, %get3A_1495] {strides = array<i32>} : memref<200x128xf32, #tpu.memory_space<vmem>>, vector<16xf32>,
        %add3A_1497 = arith.addf %add3A_1459, %get3A_1496 : vector<16xf32>
        %get3A_1498 = arith.index_cast %add3A_1477 : i32 to index
        %get3A_1499 = arith.constant 80 : index
        %get3A_1500 = tpu.vector_load %arg10[%get3A_1498, %get3A_1499] {strides = array<i32>} : memref<200x128xf32, #tpu.memory_space<vmem>>, vector<16xf32>,
        %add3A_1501 = arith.addf %add3A_1463, %get3A_1500 : vector<16xf32>
        %get3A_1502 = arith.index_cast %add3A_1477 : i32 to index
        %get3A_1503 = arith.constant 96 : index
        %get3A_1504 = tpu.vector_load %arg10[%get3A_1502, %get3A_1503] {strides = array<i32>} : memref<200x128xf32, #tpu.memory_space<vmem>>, vector<16xf32>,
        %add3A_1505 = arith.addf %add3A_1467, %get3A_1504 : vector<16xf32>
        %get3A_1506 = arith.index_cast %add3A_1477 : i32 to index
        %get3A_1507 = arith.constant 112 : index
        %get3A_1508 = tpu.vector_load %arg10[%get3A_1506, %get3A_1507] {strides = array<i32>} : memref<200x128xf32, #tpu.memory_space<vmem>>, vector<16xf32>,
        %add3A_1509 = arith.addf %add3A_1471, %get3A_1508 : vector<16xf32>
        scf.yield %add3A_1481, %add3A_1485, %add3A_1489, %add3A_1493, %add3A_1497, %add3A_1501, %add3A_1505, %add3A_1509 : vector<16xf32>, vector<16xf32>, vector<16xf32>, vector<16xf32>, vector<16xf32>, vector<16xf32>, vector<16xf32>, vector<16xf32>
      }
      %scan3A_761 = arith.constant 13 : i32
      %dma_wait3A_762 = arith.constant 104 : i32
      %dma_wait3A_763 = arith.constant 0 : i32
      %dma_wait3A_764 = tpu.memref_slice %arg10[%dma_wait3A_762, %dma_wait3A_763] : memref<200x128xf32, #tpu.memory_space<vmem>> -> memref<96x128xf32, #tpu.memory_space<vmem>>
      %dma_wait3A_765 = arith.constant 0 : i32
      %dma_wait3A_766 = arith.constant 0 : i32
      %dma_wait3A_767 = tpu.memref_slice %arg3[%dma_wait3A_765, %dma_wait3A_766] : memref<1000000x128xf32, #tpu.memory_space<hbm>> -> memref<96x128xf32, #tpu.memory_space<hbm>>
      %dma_wait3A_768 = arith.constant 104 : i32
      %dma_wait3A_769 = arith.constant 0 : i32
      %dma_wait3A_770 = tpu.memref_slice %arg10[%dma_wait3A_768, %dma_wait3A_769] : memref<200x128xf32, #tpu.memory_space<vmem>> -> memref<96x128xf32, #tpu.memory_space<vmem>>
      %dma_wait3A_771 = arith.constant 0 : i32
      %dma_wait3A_772 = arith.constant 0 : i32
      %dma_wait3A_773 = tpu.memref_slice %arg3[%dma_wait3A_771, %dma_wait3A_772] : memref<1000000x128xf32, #tpu.memory_space<hbm>> -> memref<96x128xf32, #tpu.memory_space<hbm>>
      tpu.wait_dma2 semaphore(%arg20 : memref<!tpu.dma_semaphore, #tpu.memory_space<semaphore_mem>>) src(%dma_wait3A_773 : memref<96x128xf32, #tpu.memory_space<hbm>>) dst(%dma_wait3A_770 : memref<96x128xf32, #tpu.memory_space<vmem>>)
      %scan3A_774 = arith.constant 0 : i32
      %scan3A_775 = arith.constant 12 : i32
      %scan3A_776 = arith.addi %scan3A_774, %scan3A_775 : i32
      %scan3A_777 = arith.constant 1 : i32
      %scan3A_778:8 = scf.for %scan3A_1197 = %scan3A_774 to %scan3A_776 step %scan3A_777 iter_args(%scan3A_1198 = %scan3A_760#0, %scan3A_1199 = %scan3A_760#1, %scan3A_1200 = %scan3A_760#2, %scan3A_1201 = %scan3A_760#3, %scan3A_1202 = %scan3A_760#4, %scan3A_1203 = %scan3A_760#5, %scan3A_1204 = %scan3A_760#6, %scan3A_1205 = %scan3A_760#7) -> (vector<16xf32>, vector<16xf32>, vector<16xf32>, vector<16xf32>, vector<16xf32>, vector<16xf32>, vector<16xf32>, vector<16xf32>)  : i32 {
        %mul3A_1206 = arith.constant 8 : i32
        %mul3A_1207 = arith.muli %scan3A_1197, %mul3A_1206 : i32
        %add3A_1208 = arith.constant 104 : i32
        %add3A_1209 = arith.addi %add3A_1208, %mul3A_1207 : i32
        %add3A_1210 = arith.constant 0 : i32
        %add3A_1211 = arith.addi %add3A_1209, %add3A_1210 : i32
        %get3A_1212 = arith.index_cast %add3A_1211 : i32 to index
        %get3A_1213 = arith.constant 0 : index
        %get3A_1214 = tpu.vector_load %arg10[%get3A_1212, %get3A_1213] {strides = array<i32>} : memref<200x128xf32, #tpu.memory_space<vmem>>, vector<16xf32>,
        %add3A_1215 = arith.addf %scan3A_1198, %get3A_1214 : vector<16xf32>
        %get3A_1216 = arith.index_cast %add3A_1211 : i32 to index
        %get3A_1217 = arith.constant 16 : index
        %get3A_1218 = tpu.vector_load %arg10[%get3A_1216, %get3A_1217] {strides = array<i32>} : memref<200x128xf32, #tpu.memory_space<vmem>>, vector<16xf32>,
        %add3A_1219 = arith.addf %scan3A_1199, %get3A_1218 : vector<16xf32>
        %get3A_1220 = arith.index_cast %add3A_1211 : i32 to index
        %get3A_1221 = arith.constant 32 : index
        %get3A_1222 = tpu.vector_load %arg10[%get3A_1220, %get3A_1221] {strides = array<i32>} : memref<200x128xf32, #tpu.memory_space<vmem>>, vector<16xf32>,
        %add3A_1223 = arith.addf %scan3A_1200, %get3A_1222 : vector<16xf32>
        %get3A_1224 = arith.index_cast %add3A_1211 : i32 to index
        %get3A_1225 = arith.constant 48 : index
        %get3A_1226 = tpu.vector_load %arg10[%get3A_1224, %get3A_1225] {strides = array<i32>} : memref<200x128xf32, #tpu.memory_space<vmem>>, vector<16xf32>,
        %add3A_1227 = arith.addf %scan3A_1201, %get3A_1226 : vector<16xf32>
        %get3A_1228 = arith.index_cast %add3A_1211 : i32 to index
        %get3A_1229 = arith.constant 64 : index
        %get3A_1230 = tpu.vector_load %arg10[%get3A_1228, %get3A_1229] {strides = array<i32>} : memref<200x128xf32, #tpu.memory_space<vmem>>, vector<16xf32>,
        %add3A_1231 = arith.addf %scan3A_1202, %get3A_1230 : vector<16xf32>
        %get3A_1232 = arith.index_cast %add3A_1211 : i32 to index
        %get3A_1233 = arith.constant 80 : index
        %get3A_1234 = tpu.vector_load %arg10[%get3A_1232, %get3A_1233] {strides = array<i32>} : memref<200x128xf32, #tpu.memory_space<vmem>>, vector<16xf32>,
        %add3A_1235 = arith.addf %scan3A_1203, %get3A_1234 : vector<16xf32>
        %get3A_1236 = arith.index_cast %add3A_1211 : i32 to index
        %get3A_1237 = arith.constant 96 : index
        %get3A_1238 = tpu.vector_load %arg10[%get3A_1236, %get3A_1237] {strides = array<i32>} : memref<200x128xf32, #tpu.memory_space<vmem>>, vector<16xf32>,
        %add3A_1239 = arith.addf %scan3A_1204, %get3A_1238 : vector<16xf32>
        %get3A_1240 = arith.index_cast %add3A_1211 : i32 to index
        %get3A_1241 = arith.constant 112 : index
        %get3A_1242 = tpu.vector_load %arg10[%get3A_1240, %get3A_1241] {strides = array<i32>} : memref<200x128xf32, #tpu.memory_space<vmem>>, vector<16xf32>,
        %add3A_1243 = arith.addf %scan3A_1205, %get3A_1242 : vector<16xf32>
        %mul3A_1244 = arith.constant 8 : i32
        %mul3A_1245 = arith.muli %scan3A_1197, %mul3A_1244 : i32
        %add3A_1246 = arith.constant 104 : i32
        %add3A_1247 = arith.addi %add3A_1246, %mul3A_1245 : i32
        %add3A_1248 = arith.constant 1 : i32
        %add3A_1249 = arith.addi %add3A_1247, %add3A_1248 : i32
        %get3A_1250 = arith.index_cast %add3A_1249 : i32 to index
        %get3A_1251 = arith.constant 0 : index
        %get3A_1252 = tpu.vector_load %arg10[%get3A_1250, %get3A_1251] {strides = array<i32>} : memref<200x128xf32, #tpu.memory_space<vmem>>, vector<16xf32>,
        %add3A_1253 = arith.addf %add3A_1215, %get3A_1252 : vector<16xf32>
        %get3A_1254 = arith.index_cast %add3A_1249 : i32 to index
        %get3A_1255 = arith.constant 16 : index
        %get3A_1256 = tpu.vector_load %arg10[%get3A_1254, %get3A_1255] {strides = array<i32>} : memref<200x128xf32, #tpu.memory_space<vmem>>, vector<16xf32>,
        %add3A_1257 = arith.addf %add3A_1219, %get3A_1256 : vector<16xf32>
        %get3A_1258 = arith.index_cast %add3A_1249 : i32 to index
        %get3A_1259 = arith.constant 32 : index
        %get3A_1260 = tpu.vector_load %arg10[%get3A_1258, %get3A_1259] {strides = array<i32>} : memref<200x128xf32, #tpu.memory_space<vmem>>, vector<16xf32>,
        %add3A_1261 = arith.addf %add3A_1223, %get3A_1260 : vector<16xf32>
        %get3A_1262 = arith.index_cast %add3A_1249 : i32 to index
        %get3A_1263 = arith.constant 48 : index
        %get3A_1264 = tpu.vector_load %arg10[%get3A_1262, %get3A_1263] {strides = array<i32>} : memref<200x128xf32, #tpu.memory_space<vmem>>, vector<16xf32>,
        %add3A_1265 = arith.addf %add3A_1227, %get3A_1264 : vector<16xf32>
        %get3A_1266 = arith.index_cast %add3A_1249 : i32 to index
        %get3A_1267 = arith.constant 64 : index
        %get3A_1268 = tpu.vector_load %arg10[%get3A_1266, %get3A_1267] {strides = array<i32>} : memref<200x128xf32, #tpu.memory_space<vmem>>, vector<16xf32>,
        %add3A_1269 = arith.addf %add3A_1231, %get3A_1268 : vector<16xf32>
        %get3A_1270 = arith.index_cast %add3A_1249 : i32 to index
        %get3A_1271 = arith.constant 80 : index
        %get3A_1272 = tpu.vector_load %arg10[%get3A_1270, %get3A_1271] {strides = array<i32>} : memref<200x128xf32, #tpu.memory_space<vmem>>, vector<16xf32>,
        %add3A_1273 = arith.addf %add3A_1235, %get3A_1272 : vector<16xf32>
        %get3A_1274 = arith.index_cast %add3A_1249 : i32 to index
        %get3A_1275 = arith.constant 96 : index
        %get3A_1276 = tpu.vector_load %arg10[%get3A_1274, %get3A_1275] {strides = array<i32>} : memref<200x128xf32, #tpu.memory_space<vmem>>, vector<16xf32>,
        %add3A_1277 = arith.addf %add3A_1239, %get3A_1276 : vector<16xf32>
        %get3A_1278 = arith.index_cast %add3A_1249 : i32 to index
        %get3A_1279 = arith.constant 112 : index
        %get3A_1280 = tpu.vector_load %arg10[%get3A_1278, %get3A_1279] {strides = array<i32>} : memref<200x128xf32, #tpu.memory_space<vmem>>, vector<16xf32>,
        %add3A_1281 = arith.addf %add3A_1243, %get3A_1280 : vector<16xf32>
        %mul3A_1282 = arith.constant 8 : i32
        %mul3A_1283 = arith.muli %scan3A_1197, %mul3A_1282 : i32
        %add3A_1284 = arith.constant 104 : i32
        %add3A_1285 = arith.addi %add3A_1284, %mul3A_1283 : i32
        %add3A_1286 = arith.constant 2 : i32
        %add3A_1287 = arith.addi %add3A_1285, %add3A_1286 : i32
        %get3A_1288 = arith.index_cast %add3A_1287 : i32 to index
        %get3A_1289 = arith.constant 0 : index
        %get3A_1290 = tpu.vector_load %arg10[%get3A_1288, %get3A_1289] {strides = array<i32>} : memref<200x128xf32, #tpu.memory_space<vmem>>, vector<16xf32>,
        %add3A_1291 = arith.addf %add3A_1253, %get3A_1290 : vector<16xf32>
        %get3A_1292 = arith.index_cast %add3A_1287 : i32 to index
        %get3A_1293 = arith.constant 16 : index
        %get3A_1294 = tpu.vector_load %arg10[%get3A_1292, %get3A_1293] {strides = array<i32>} : memref<200x128xf32, #tpu.memory_space<vmem>>, vector<16xf32>,
        %add3A_1295 = arith.addf %add3A_1257, %get3A_1294 : vector<16xf32>
        %get3A_1296 = arith.index_cast %add3A_1287 : i32 to index
        %get3A_1297 = arith.constant 32 : index
        %get3A_1298 = tpu.vector_load %arg10[%get3A_1296, %get3A_1297] {strides = array<i32>} : memref<200x128xf32, #tpu.memory_space<vmem>>, vector<16xf32>,
        %add3A_1299 = arith.addf %add3A_1261, %get3A_1298 : vector<16xf32>
        %get3A_1300 = arith.index_cast %add3A_1287 : i32 to index
        %get3A_1301 = arith.constant 48 : index
        %get3A_1302 = tpu.vector_load %arg10[%get3A_1300, %get3A_1301] {strides = array<i32>} : memref<200x128xf32, #tpu.memory_space<vmem>>, vector<16xf32>,
        %add3A_1303 = arith.addf %add3A_1265, %get3A_1302 : vector<16xf32>
        %get3A_1304 = arith.index_cast %add3A_1287 : i32 to index
        %get3A_1305 = arith.constant 64 : index
        %get3A_1306 = tpu.vector_load %arg10[%get3A_1304, %get3A_1305] {strides = array<i32>} : memref<200x128xf32, #tpu.memory_space<vmem>>, vector<16xf32>,
        %add3A_1307 = arith.addf %add3A_1269, %get3A_1306 : vector<16xf32>
        %get3A_1308 = arith.index_cast %add3A_1287 : i32 to index
        %get3A_1309 = arith.constant 80 : index
        %get3A_1310 = tpu.vector_load %arg10[%get3A_1308, %get3A_1309] {strides = array<i32>} : memref<200x128xf32, #tpu.memory_space<vmem>>, vector<16xf32>,
        %add3A_1311 = arith.addf %add3A_1273, %get3A_1310 : vector<16xf32>
        %get3A_1312 = arith.index_cast %add3A_1287 : i32 to index
        %get3A_1313 = arith.constant 96 : index
        %get3A_1314 = tpu.vector_load %arg10[%get3A_1312, %get3A_1313] {strides = array<i32>} : memref<200x128xf32, #tpu.memory_space<vmem>>, vector<16xf32>,
        %add3A_1315 = arith.addf %add3A_1277, %get3A_1314 : vector<16xf32>
        %get3A_1316 = arith.index_cast %add3A_1287 : i32 to index
        %get3A_1317 = arith.constant 112 : index
        %get3A_1318 = tpu.vector_load %arg10[%get3A_1316, %get3A_1317] {strides = array<i32>} : memref<200x128xf32, #tpu.memory_space<vmem>>, vector<16xf32>,
        %add3A_1319 = arith.addf %add3A_1281, %get3A_1318 : vector<16xf32>
        %mul3A_1320 = arith.constant 8 : i32
        %mul3A_1321 = arith.muli %scan3A_1197, %mul3A_1320 : i32
        %add3A_1322 = arith.constant 104 : i32
        %add3A_1323 = arith.addi %add3A_1322, %mul3A_1321 : i32
        %add3A_1324 = arith.constant 3 : i32
        %add3A_1325 = arith.addi %add3A_1323, %add3A_1324 : i32
        %get3A_1326 = arith.index_cast %add3A_1325 : i32 to index
        %get3A_1327 = arith.constant 0 : index
        %get3A_1328 = tpu.vector_load %arg10[%get3A_1326, %get3A_1327] {strides = array<i32>} : memref<200x128xf32, #tpu.memory_space<vmem>>, vector<16xf32>,
        %add3A_1329 = arith.addf %add3A_1291, %get3A_1328 : vector<16xf32>
        %get3A_1330 = arith.index_cast %add3A_1325 : i32 to index
        %get3A_1331 = arith.constant 16 : index
        %get3A_1332 = tpu.vector_load %arg10[%get3A_1330, %get3A_1331] {strides = array<i32>} : memref<200x128xf32, #tpu.memory_space<vmem>>, vector<16xf32>,
        %add3A_1333 = arith.addf %add3A_1295, %get3A_1332 : vector<16xf32>
        %get3A_1334 = arith.index_cast %add3A_1325 : i32 to index
        %get3A_1335 = arith.constant 32 : index
        %get3A_1336 = tpu.vector_load %arg10[%get3A_1334, %get3A_1335] {strides = array<i32>} : memref<200x128xf32, #tpu.memory_space<vmem>>, vector<16xf32>,
        %add3A_1337 = arith.addf %add3A_1299, %get3A_1336 : vector<16xf32>
        %get3A_1338 = arith.index_cast %add3A_1325 : i32 to index
        %get3A_1339 = arith.constant 48 : index
        %get3A_1340 = tpu.vector_load %arg10[%get3A_1338, %get3A_1339] {strides = array<i32>} : memref<200x128xf32, #tpu.memory_space<vmem>>, vector<16xf32>,
        %add3A_1341 = arith.addf %add3A_1303, %get3A_1340 : vector<16xf32>
        %get3A_1342 = arith.index_cast %add3A_1325 : i32 to index
        %get3A_1343 = arith.constant 64 : index
        %get3A_1344 = tpu.vector_load %arg10[%get3A_1342, %get3A_1343] {strides = array<i32>} : memref<200x128xf32, #tpu.memory_space<vmem>>, vector<16xf32>,
        %add3A_1345 = arith.addf %add3A_1307, %get3A_1344 : vector<16xf32>
        %get3A_1346 = arith.index_cast %add3A_1325 : i32 to index
        %get3A_1347 = arith.constant 80 : index
        %get3A_1348 = tpu.vector_load %arg10[%get3A_1346, %get3A_1347] {strides = array<i32>} : memref<200x128xf32, #tpu.memory_space<vmem>>, vector<16xf32>,
        %add3A_1349 = arith.addf %add3A_1311, %get3A_1348 : vector<16xf32>
        %get3A_1350 = arith.index_cast %add3A_1325 : i32 to index
        %get3A_1351 = arith.constant 96 : index
        %get3A_1352 = tpu.vector_load %arg10[%get3A_1350, %get3A_1351] {strides = array<i32>} : memref<200x128xf32, #tpu.memory_space<vmem>>, vector<16xf32>,
        %add3A_1353 = arith.addf %add3A_1315, %get3A_1352 : vector<16xf32>
        %get3A_1354 = arith.index_cast %add3A_1325 : i32 to index
        %get3A_1355 = arith.constant 112 : index
        %get3A_1356 = tpu.vector_load %arg10[%get3A_1354, %get3A_1355] {strides = array<i32>} : memref<200x128xf32, #tpu.memory_space<vmem>>, vector<16xf32>,
        %add3A_1357 = arith.addf %add3A_1319, %get3A_1356 : vector<16xf32>
        %mul3A_1358 = arith.constant 8 : i32
        %mul3A_1359 = arith.muli %scan3A_1197, %mul3A_1358 : i32
        %add3A_1360 = arith.constant 104 : i32
        %add3A_1361 = arith.addi %add3A_1360, %mul3A_1359 : i32
        %add3A_1362 = arith.constant 4 : i32
        %add3A_1363 = arith.addi %add3A_1361, %add3A_1362 : i32
        %get3A_1364 = arith.index_cast %add3A_1363 : i32 to index
        %get3A_1365 = arith.constant 0 : index
        %get3A_1366 = tpu.vector_load %arg10[%get3A_1364, %get3A_1365] {strides = array<i32>} : memref<200x128xf32, #tpu.memory_space<vmem>>, vector<16xf32>,
        %add3A_1367 = arith.addf %add3A_1329, %get3A_1366 : vector<16xf32>
        %get3A_1368 = arith.index_cast %add3A_1363 : i32 to index
        %get3A_1369 = arith.constant 16 : index
        %get3A_1370 = tpu.vector_load %arg10[%get3A_1368, %get3A_1369] {strides = array<i32>} : memref<200x128xf32, #tpu.memory_space<vmem>>, vector<16xf32>,
        %add3A_1371 = arith.addf %add3A_1333, %get3A_1370 : vector<16xf32>
        %get3A_1372 = arith.index_cast %add3A_1363 : i32 to index
        %get3A_1373 = arith.constant 32 : index
        %get3A_1374 = tpu.vector_load %arg10[%get3A_1372, %get3A_1373] {strides = array<i32>} : memref<200x128xf32, #tpu.memory_space<vmem>>, vector<16xf32>,
        %add3A_1375 = arith.addf %add3A_1337, %get3A_1374 : vector<16xf32>
        %get3A_1376 = arith.index_cast %add3A_1363 : i32 to index
        %get3A_1377 = arith.constant 48 : index
        %get3A_1378 = tpu.vector_load %arg10[%get3A_1376, %get3A_1377] {strides = array<i32>} : memref<200x128xf32, #tpu.memory_space<vmem>>, vector<16xf32>,
        %add3A_1379 = arith.addf %add3A_1341, %get3A_1378 : vector<16xf32>
        %get3A_1380 = arith.index_cast %add3A_1363 : i32 to index
        %get3A_1381 = arith.constant 64 : index
        %get3A_1382 = tpu.vector_load %arg10[%get3A_1380, %get3A_1381] {strides = array<i32>} : memref<200x128xf32, #tpu.memory_space<vmem>>, vector<16xf32>,
        %add3A_1383 = arith.addf %add3A_1345, %get3A_1382 : vector<16xf32>
        %get3A_1384 = arith.index_cast %add3A_1363 : i32 to index
        %get3A_1385 = arith.constant 80 : index
        %get3A_1386 = tpu.vector_load %arg10[%get3A_1384, %get3A_1385] {strides = array<i32>} : memref<200x128xf32, #tpu.memory_space<vmem>>, vector<16xf32>,
        %add3A_1387 = arith.addf %add3A_1349, %get3A_1386 : vector<16xf32>
        %get3A_1388 = arith.index_cast %add3A_1363 : i32 to index
        %get3A_1389 = arith.constant 96 : index
        %get3A_1390 = tpu.vector_load %arg10[%get3A_1388, %get3A_1389] {strides = array<i32>} : memref<200x128xf32, #tpu.memory_space<vmem>>, vector<16xf32>,
        %add3A_1391 = arith.addf %add3A_1353, %get3A_1390 : vector<16xf32>
        %get3A_1392 = arith.index_cast %add3A_1363 : i32 to index
        %get3A_1393 = arith.constant 112 : index
        %get3A_1394 = tpu.vector_load %arg10[%get3A_1392, %get3A_1393] {strides = array<i32>} : memref<200x128xf32, #tpu.memory_space<vmem>>, vector<16xf32>,
        %add3A_1395 = arith.addf %add3A_1357, %get3A_1394 : vector<16xf32>
        %mul3A_1396 = arith.constant 8 : i32
        %mul3A_1397 = arith.muli %scan3A_1197, %mul3A_1396 : i32
        %add3A_1398 = arith.constant 104 : i32
        %add3A_1399 = arith.addi %add3A_1398, %mul3A_1397 : i32
        %add3A_1400 = arith.constant 5 : i32
        %add3A_1401 = arith.addi %add3A_1399, %add3A_1400 : i32
        %get3A_1402 = arith.index_cast %add3A_1401 : i32 to index
        %get3A_1403 = arith.constant 0 : index
        %get3A_1404 = tpu.vector_load %arg10[%get3A_1402, %get3A_1403] {strides = array<i32>} : memref<200x128xf32, #tpu.memory_space<vmem>>, vector<16xf32>,
        %add3A_1405 = arith.addf %add3A_1367, %get3A_1404 : vector<16xf32>
        %get3A_1406 = arith.index_cast %add3A_1401 : i32 to index
        %get3A_1407 = arith.constant 16 : index
        %get3A_1408 = tpu.vector_load %arg10[%get3A_1406, %get3A_1407] {strides = array<i32>} : memref<200x128xf32, #tpu.memory_space<vmem>>, vector<16xf32>,
        %add3A_1409 = arith.addf %add3A_1371, %get3A_1408 : vector<16xf32>
        %get3A_1410 = arith.index_cast %add3A_1401 : i32 to index
        %get3A_1411 = arith.constant 32 : index
        %get3A_1412 = tpu.vector_load %arg10[%get3A_1410, %get3A_1411] {strides = array<i32>} : memref<200x128xf32, #tpu.memory_space<vmem>>, vector<16xf32>,
        %add3A_1413 = arith.addf %add3A_1375, %get3A_1412 : vector<16xf32>
        %get3A_1414 = arith.index_cast %add3A_1401 : i32 to index
        %get3A_1415 = arith.constant 48 : index
        %get3A_1416 = tpu.vector_load %arg10[%get3A_1414, %get3A_1415] {strides = array<i32>} : memref<200x128xf32, #tpu.memory_space<vmem>>, vector<16xf32>,
        %add3A_1417 = arith.addf %add3A_1379, %get3A_1416 : vector<16xf32>
        %get3A_1418 = arith.index_cast %add3A_1401 : i32 to index
        %get3A_1419 = arith.constant 64 : index
        %get3A_1420 = tpu.vector_load %arg10[%get3A_1418, %get3A_1419] {strides = array<i32>} : memref<200x128xf32, #tpu.memory_space<vmem>>, vector<16xf32>,
        %add3A_1421 = arith.addf %add3A_1383, %get3A_1420 : vector<16xf32>
        %get3A_1422 = arith.index_cast %add3A_1401 : i32 to index
        %get3A_1423 = arith.constant 80 : index
        %get3A_1424 = tpu.vector_load %arg10[%get3A_1422, %get3A_1423] {strides = array<i32>} : memref<200x128xf32, #tpu.memory_space<vmem>>, vector<16xf32>,
        %add3A_1425 = arith.addf %add3A_1387, %get3A_1424 : vector<16xf32>
        %get3A_1426 = arith.index_cast %add3A_1401 : i32 to index
        %get3A_1427 = arith.constant 96 : index
        %get3A_1428 = tpu.vector_load %arg10[%get3A_1426, %get3A_1427] {strides = array<i32>} : memref<200x128xf32, #tpu.memory_space<vmem>>, vector<16xf32>,
        %add3A_1429 = arith.addf %add3A_1391, %get3A_1428 : vector<16xf32>
        %get3A_1430 = arith.index_cast %add3A_1401 : i32 to index
        %get3A_1431 = arith.constant 112 : index
        %get3A_1432 = tpu.vector_load %arg10[%get3A_1430, %get3A_1431] {strides = array<i32>} : memref<200x128xf32, #tpu.memory_space<vmem>>, vector<16xf32>,
        %add3A_1433 = arith.addf %add3A_1395, %get3A_1432 : vector<16xf32>
        %mul3A_1434 = arith.constant 8 : i32
        %mul3A_1435 = arith.muli %scan3A_1197, %mul3A_1434 : i32
        %add3A_1436 = arith.constant 104 : i32
        %add3A_1437 = arith.addi %add3A_1436, %mul3A_1435 : i32
        %add3A_1438 = arith.constant 6 : i32
        %add3A_1439 = arith.addi %add3A_1437, %add3A_1438 : i32
        %get3A_1440 = arith.index_cast %add3A_1439 : i32 to index
        %get3A_1441 = arith.constant 0 : index
        %get3A_1442 = tpu.vector_load %arg10[%get3A_1440, %get3A_1441] {strides = array<i32>} : memref<200x128xf32, #tpu.memory_space<vmem>>, vector<16xf32>,
        %add3A_1443 = arith.addf %add3A_1405, %get3A_1442 : vector<16xf32>
        %get3A_1444 = arith.index_cast %add3A_1439 : i32 to index
        %get3A_1445 = arith.constant 16 : index
        %get3A_1446 = tpu.vector_load %arg10[%get3A_1444, %get3A_1445] {strides = array<i32>} : memref<200x128xf32, #tpu.memory_space<vmem>>, vector<16xf32>,
        %add3A_1447 = arith.addf %add3A_1409, %get3A_1446 : vector<16xf32>
        %get3A_1448 = arith.index_cast %add3A_1439 : i32 to index
        %get3A_1449 = arith.constant 32 : index
        %get3A_1450 = tpu.vector_load %arg10[%get3A_1448, %get3A_1449] {strides = array<i32>} : memref<200x128xf32, #tpu.memory_space<vmem>>, vector<16xf32>,
        %add3A_1451 = arith.addf %add3A_1413, %get3A_1450 : vector<16xf32>
        %get3A_1452 = arith.index_cast %add3A_1439 : i32 to index
        %get3A_1453 = arith.constant 48 : index
        %get3A_1454 = tpu.vector_load %arg10[%get3A_1452, %get3A_1453] {strides = array<i32>} : memref<200x128xf32, #tpu.memory_space<vmem>>, vector<16xf32>,
        %add3A_1455 = arith.addf %add3A_1417, %get3A_1454 : vector<16xf32>
        %get3A_1456 = arith.index_cast %add3A_1439 : i32 to index
        %get3A_1457 = arith.constant 64 : index
        %get3A_1458 = tpu.vector_load %arg10[%get3A_1456, %get3A_1457] {strides = array<i32>} : memref<200x128xf32, #tpu.memory_space<vmem>>, vector<16xf32>,
        %add3A_1459 = arith.addf %add3A_1421, %get3A_1458 : vector<16xf32>
        %get3A_1460 = arith.index_cast %add3A_1439 : i32 to index
        %get3A_1461 = arith.constant 80 : index
        %get3A_1462 = tpu.vector_load %arg10[%get3A_1460, %get3A_1461] {strides = array<i32>} : memref<200x128xf32, #tpu.memory_space<vmem>>, vector<16xf32>,
        %add3A_1463 = arith.addf %add3A_1425, %get3A_1462 : vector<16xf32>
        %get3A_1464 = arith.index_cast %add3A_1439 : i32 to index
        %get3A_1465 = arith.constant 96 : index
        %get3A_1466 = tpu.vector_load %arg10[%get3A_1464, %get3A_1465] {strides = array<i32>} : memref<200x128xf32, #tpu.memory_space<vmem>>, vector<16xf32>,
        %add3A_1467 = arith.addf %add3A_1429, %get3A_1466 : vector<16xf32>
        %get3A_1468 = arith.index_cast %add3A_1439 : i32 to index
        %get3A_1469 = arith.constant 112 : index
        %get3A_1470 = tpu.vector_load %arg10[%get3A_1468, %get3A_1469] {strides = array<i32>} : memref<200x128xf32, #tpu.memory_space<vmem>>, vector<16xf32>,
        %add3A_1471 = arith.addf %add3A_1433, %get3A_1470 : vector<16xf32>
        %mul3A_1472 = arith.constant 8 : i32
        %mul3A_1473 = arith.muli %scan3A_1197, %mul3A_1472 : i32
        %add3A_1474 = arith.constant 104 : i32
        %add3A_1475 = arith.addi %add3A_1474, %mul3A_1473 : i32
        %add3A_1476 = arith.constant 7 : i32
        %add3A_1477 = arith.addi %add3A_1475, %add3A_1476 : i32
        %get3A_1478 = arith.index_cast %add3A_1477 : i32 to index
        %get3A_1479 = arith.constant 0 : index
        %get3A_1480 = tpu.vector_load %arg10[%get3A_1478, %get3A_1479] {strides = array<i32>} : memref<200x128xf32, #tpu.memory_space<vmem>>, vector<16xf32>,
        %add3A_1481 = arith.addf %add3A_1443, %get3A_1480 : vector<16xf32>
        %get3A_1482 = arith.index_cast %add3A_1477 : i32 to index
        %get3A_1483 = arith.constant 16 : index
        %get3A_1484 = tpu.vector_load %arg10[%get3A_1482, %get3A_1483] {strides = array<i32>} : memref<200x128xf32, #tpu.memory_space<vmem>>, vector<16xf32>,
        %add3A_1485 = arith.addf %add3A_1447, %get3A_1484 : vector<16xf32>
        %get3A_1486 = arith.index_cast %add3A_1477 : i32 to index
        %get3A_1487 = arith.constant 32 : index
        %get3A_1488 = tpu.vector_load %arg10[%get3A_1486, %get3A_1487] {strides = array<i32>} : memref<200x128xf32, #tpu.memory_space<vmem>>, vector<16xf32>,
        %add3A_1489 = arith.addf %add3A_1451, %get3A_1488 : vector<16xf32>
        %get3A_1490 = arith.index_cast %add3A_1477 : i32 to index
        %get3A_1491 = arith.constant 48 : index
        %get3A_1492 = tpu.vector_load %arg10[%get3A_1490, %get3A_1491] {strides = array<i32>} : memref<200x128xf32, #tpu.memory_space<vmem>>, vector<16xf32>,
        %add3A_1493 = arith.addf %add3A_1455, %get3A_1492 : vector<16xf32>
        %get3A_1494 = arith.index_cast %add3A_1477 : i32 to index
        %get3A_1495 = arith.constant 64 : index
        %get3A_1496 = tpu.vector_load %arg10[%get3A_1494, %get3A_1495] {strides = array<i32>} : memref<200x128xf32, #tpu.memory_space<vmem>>, vector<16xf32>,
        %add3A_1497 = arith.addf %add3A_1459, %get3A_1496 : vector<16xf32>
        %get3A_1498 = arith.index_cast %add3A_1477 : i32 to index
        %get3A_1499 = arith.constant 80 : index
        %get3A_1500 = tpu.vector_load %arg10[%get3A_1498, %get3A_1499] {strides = array<i32>} : memref<200x128xf32, #tpu.memory_space<vmem>>, vector<16xf32>,
        %add3A_1501 = arith.addf %add3A_1463, %get3A_1500 : vector<16xf32>
        %get3A_1502 = arith.index_cast %add3A_1477 : i32 to index
        %get3A_1503 = arith.constant 96 : index
        %get3A_1504 = tpu.vector_load %arg10[%get3A_1502, %get3A_1503] {strides = array<i32>} : memref<200x128xf32, #tpu.memory_space<vmem>>, vector<16xf32>,
        %add3A_1505 = arith.addf %add3A_1467, %get3A_1504 : vector<16xf32>
        %get3A_1506 = arith.index_cast %add3A_1477 : i32 to index
        %get3A_1507 = arith.constant 112 : index
        %get3A_1508 = tpu.vector_load %arg10[%get3A_1506, %get3A_1507] {strides = array<i32>} : memref<200x128xf32, #tpu.memory_space<vmem>>, vector<16xf32>,
        %add3A_1509 = arith.addf %add3A_1471, %get3A_1508 : vector<16xf32>
        scf.yield %add3A_1481, %add3A_1485, %add3A_1489, %add3A_1493, %add3A_1497, %add3A_1501, %add3A_1505, %add3A_1509 : vector<16xf32>, vector<16xf32>, vector<16xf32>, vector<16xf32>, vector<16xf32>, vector<16xf32>, vector<16xf32>, vector<16xf32>
      }
      %scan3A_779 = arith.constant 12 : i32
      %mul3A_780 = vector.broadcast %scan3A_40 : f32 to vector<16xf32>
      %mul3A_781 = arith.mulf %scan3A_778#0, %mul3A_780 : vector<16xf32>
      %get3A_782 = arith.constant 0 : index
      %get3A_783 = tpu.vector_load %arg13[%get3A_782] {strides = array<i32>} : memref<128xf32, #tpu.memory_space<vmem>>, vector<16xf32>,
      %add3A_784 = arith.addf %mul3A_781, %get3A_783 : vector<16xf32>
      %max3A_785 = arith.constant 0.000000e+00 : f32
      %max3A_786 = vector.broadcast %max3A_785 : f32 to vector<16xf32>
      %max3A_787 = arith.maximumf %add3A_784, %max3A_786 : vector<16xf32>
      %get3A_788 = arith.constant 0 : i32
      %get3A_789 = arith.index_cast %get3A_788 : i32 to index
      %get3A_790 = arith.constant 0 : index
      %get3A_791 = tpu.vector_load %arg14[%get3A_789, %get3A_790] {strides = array<i32>} : memref<2x128xf32, #tpu.memory_space<vmem>>, vector<16xf32>,
      %mul3A_792 = arith.mulf %max3A_787, %get3A_791 : vector<16xf32>
      %add3A_793 = arith.addf %broadcast_in_dim3A_743, %mul3A_792 : vector<16xf32>
      %get3A_794 = arith.constant 1 : i32
      %get3A_795 = arith.index_cast %get3A_794 : i32 to index
      %get3A_796 = arith.constant 0 : index
      %get3A_797 = tpu.vector_load %arg14[%get3A_795, %get3A_796] {strides = array<i32>} : memref<2x128xf32, #tpu.memory_space<vmem>>, vector<16xf32>,
      %mul3A_798 = arith.mulf %max3A_787, %get3A_797 : vector<16xf32>
      %add3A_799 = arith.addf %broadcast_in_dim3A_743, %mul3A_798 : vector<16xf32>
      %mul3A_800 = vector.broadcast %scan3A_40 : f32 to vector<16xf32>
      %mul3A_801 = arith.mulf %scan3A_778#1, %mul3A_800 : vector<16xf32>
      %get3A_802 = arith.constant 16 : index
      %get3A_803 = tpu.vector_load %arg13[%get3A_802] {strides = array<i32>} : memref<128xf32, #tpu.memory_space<vmem>>, vector<16xf32>,
      %add3A_804 = arith.addf %mul3A_801, %get3A_803 : vector<16xf32>
      %max3A_805 = arith.constant 0.000000e+00 : f32
      %max3A_806 = vector.broadcast %max3A_805 : f32 to vector<16xf32>
      %max3A_807 = arith.maximumf %add3A_804, %max3A_806 : vector<16xf32>
      %get3A_808 = arith.constant 0 : i32
      %get3A_809 = arith.index_cast %get3A_808 : i32 to index
      %get3A_810 = arith.constant 16 : index
      %get3A_811 = tpu.vector_load %arg14[%get3A_809, %get3A_810] {strides = array<i32>} : memref<2x128xf32, #tpu.memory_space<vmem>>, vector<16xf32>,
      %mul3A_812 = arith.mulf %max3A_807, %get3A_811 : vector<16xf32>
      %add3A_813 = arith.addf %add3A_793, %mul3A_812 : vector<16xf32>
      %get3A_814 = arith.constant 1 : i32
      %get3A_815 = arith.index_cast %get3A_814 : i32 to index
      %get3A_816 = arith.constant 16 : index
      %get3A_817 = tpu.vector_load %arg14[%get3A_815, %get3A_816] {strides = array<i32>} : memref<2x128xf32, #tpu.memory_space<vmem>>, vector<16xf32>,
      %mul3A_818 = arith.mulf %max3A_807, %get3A_817 : vector<16xf32>
      %add3A_819 = arith.addf %add3A_799, %mul3A_818 : vector<16xf32>
      %mul3A_820 = vector.broadcast %scan3A_40 : f32 to vector<16xf32>
      %mul3A_821 = arith.mulf %scan3A_778#2, %mul3A_820 : vector<16xf32>
      %get3A_822 = arith.constant 32 : index
      %get3A_823 = tpu.vector_load %arg13[%get3A_822] {strides = array<i32>} : memref<128xf32, #tpu.memory_space<vmem>>, vector<16xf32>,
      %add3A_824 = arith.addf %mul3A_821, %get3A_823 : vector<16xf32>
      %max3A_825 = arith.constant 0.000000e+00 : f32
      %max3A_826 = vector.broadcast %max3A_825 : f32 to vector<16xf32>
      %max3A_827 = arith.maximumf %add3A_824, %max3A_826 : vector<16xf32>
      %get3A_828 = arith.constant 0 : i32
      %get3A_829 = arith.index_cast %get3A_828 : i32 to index
      %get3A_830 = arith.constant 32 : index
      %get3A_831 = tpu.vector_load %arg14[%get3A_829, %get3A_830] {strides = array<i32>} : memref<2x128xf32, #tpu.memory_space<vmem>>, vector<16xf32>,
      %mul3A_832 = arith.mulf %max3A_827, %get3A_831 : vector<16xf32>
      %add3A_833 = arith.addf %add3A_813, %mul3A_832 : vector<16xf32>
      %get3A_834 = arith.constant 1 : i32
      %get3A_835 = arith.index_cast %get3A_834 : i32 to index
      %get3A_836 = arith.constant 32 : index
      %get3A_837 = tpu.vector_load %arg14[%get3A_835, %get3A_836] {strides = array<i32>} : memref<2x128xf32, #tpu.memory_space<vmem>>, vector<16xf32>,
      %mul3A_838 = arith.mulf %max3A_827, %get3A_837 : vector<16xf32>
      %add3A_839 = arith.addf %add3A_819, %mul3A_838 : vector<16xf32>
      %mul3A_840 = vector.broadcast %scan3A_40 : f32 to vector<16xf32>
      %mul3A_841 = arith.mulf %scan3A_778#3, %mul3A_840 : vector<16xf32>
      %get3A_842 = arith.constant 48 : index
      %get3A_843 = tpu.vector_load %arg13[%get3A_842] {strides = array<i32>} : memref<128xf32, #tpu.memory_space<vmem>>, vector<16xf32>,
      %add3A_844 = arith.addf %mul3A_841, %get3A_843 : vector<16xf32>
      %max3A_845 = arith.constant 0.000000e+00 : f32
      %max3A_846 = vector.broadcast %max3A_845 : f32 to vector<16xf32>
      %max3A_847 = arith.maximumf %add3A_844, %max3A_846 : vector<16xf32>
      %get3A_848 = arith.constant 0 : i32
      %get3A_849 = arith.index_cast %get3A_848 : i32 to index
      %get3A_850 = arith.constant 48 : index
      %get3A_851 = tpu.vector_load %arg14[%get3A_849, %get3A_850] {strides = array<i32>} : memref<2x128xf32, #tpu.memory_space<vmem>>, vector<16xf32>,
      %mul3A_852 = arith.mulf %max3A_847, %get3A_851 : vector<16xf32>
      %add3A_853 = arith.addf %add3A_833, %mul3A_852 : vector<16xf32>
      %get3A_854 = arith.constant 1 : i32
      %get3A_855 = arith.index_cast %get3A_854 : i32 to index
      %get3A_856 = arith.constant 48 : index
      %get3A_857 = tpu.vector_load %arg14[%get3A_855, %get3A_856] {strides = array<i32>} : memref<2x128xf32, #tpu.memory_space<vmem>>, vector<16xf32>,
      %mul3A_858 = arith.mulf %max3A_847, %get3A_857 : vector<16xf32>
      %add3A_859 = arith.addf %add3A_839, %mul3A_858 : vector<16xf32>
      %mul3A_860 = vector.broadcast %scan3A_40 : f32 to vector<16xf32>
      %mul3A_861 = arith.mulf %scan3A_778#4, %mul3A_860 : vector<16xf32>
      %get3A_862 = arith.constant 64 : index
      %get3A_863 = tpu.vector_load %arg13[%get3A_862] {strides = array<i32>} : memref<128xf32, #tpu.memory_space<vmem>>, vector<16xf32>,
      %add3A_864 = arith.addf %mul3A_861, %get3A_863 : vector<16xf32>
      %max3A_865 = arith.constant 0.000000e+00 : f32
      %max3A_866 = vector.broadcast %max3A_865 : f32 to vector<16xf32>
      %max3A_867 = arith.maximumf %add3A_864, %max3A_866 : vector<16xf32>
      %get3A_868 = arith.constant 0 : i32
      %get3A_869 = arith.index_cast %get3A_868 : i32 to index
      %get3A_870 = arith.constant 64 : index
      %get3A_871 = tpu.vector_load %arg14[%get3A_869, %get3A_870] {strides = array<i32>} : memref<2x128xf32, #tpu.memory_space<vmem>>, vector<16xf32>,
      %mul3A_872 = arith.mulf %max3A_867, %get3A_871 : vector<16xf32>
      %add3A_873 = arith.addf %add3A_853, %mul3A_872 : vector<16xf32>
      %get3A_874 = arith.constant 1 : i32
      %get3A_875 = arith.index_cast %get3A_874 : i32 to index
      %get3A_876 = arith.constant 64 : index
      %get3A_877 = tpu.vector_load %arg14[%get3A_875, %get3A_876] {strides = array<i32>} : memref<2x128xf32, #tpu.memory_space<vmem>>, vector<16xf32>,
      %mul3A_878 = arith.mulf %max3A_867, %get3A_877 : vector<16xf32>
      %add3A_879 = arith.addf %add3A_859, %mul3A_878 : vector<16xf32>
      %mul3A_880 = vector.broadcast %scan3A_40 : f32 to vector<16xf32>
      %mul3A_881 = arith.mulf %scan3A_778#5, %mul3A_880 : vector<16xf32>
      %get3A_882 = arith.constant 80 : index
      %get3A_883 = tpu.vector_load %arg13[%get3A_882] {strides = array<i32>} : memref<128xf32, #tpu.memory_space<vmem>>, vector<16xf32>,
      %add3A_884 = arith.addf %mul3A_881, %get3A_883 : vector<16xf32>
      %max3A_885 = arith.constant 0.000000e+00 : f32
      %max3A_886 = vector.broadcast %max3A_885 : f32 to vector<16xf32>
      %max3A_887 = arith.maximumf %add3A_884, %max3A_886 : vector<16xf32>
      %get3A_888 = arith.constant 0 : i32
      %get3A_889 = arith.index_cast %get3A_888 : i32 to index
      %get3A_890 = arith.constant 80 : index
      %get3A_891 = tpu.vector_load %arg14[%get3A_889, %get3A_890] {strides = array<i32>} : memref<2x128xf32, #tpu.memory_space<vmem>>, vector<16xf32>,
      %mul3A_892 = arith.mulf %max3A_887, %get3A_891 : vector<16xf32>
      %add3A_893 = arith.addf %add3A_873, %mul3A_892 : vector<16xf32>
      %get3A_894 = arith.constant 1 : i32
      %get3A_895 = arith.index_cast %get3A_894 : i32 to index
      %get3A_896 = arith.constant 80 : index
      %get3A_897 = tpu.vector_load %arg14[%get3A_895, %get3A_896] {strides = array<i32>} : memref<2x128xf32, #tpu.memory_space<vmem>>, vector<16xf32>,
      %mul3A_898 = arith.mulf %max3A_887, %get3A_897 : vector<16xf32>
      %add3A_899 = arith.addf %add3A_879, %mul3A_898 : vector<16xf32>
      %mul3A_900 = vector.broadcast %scan3A_40 : f32 to vector<16xf32>
      %mul3A_901 = arith.mulf %scan3A_778#6, %mul3A_900 : vector<16xf32>
      %get3A_902 = arith.constant 96 : index
      %get3A_903 = tpu.vector_load %arg13[%get3A_902] {strides = array<i32>} : memref<128xf32, #tpu.memory_space<vmem>>, vector<16xf32>,
      %add3A_904 = arith.addf %mul3A_901, %get3A_903 : vector<16xf32>
      %max3A_905 = arith.constant 0.000000e+00 : f32
      %max3A_906 = vector.broadcast %max3A_905 : f32 to vector<16xf32>
      %max3A_907 = arith.maximumf %add3A_904, %max3A_906 : vector<16xf32>
      %get3A_908 = arith.constant 0 : i32
      %get3A_909 = arith.index_cast %get3A_908 : i32 to index
      %get3A_910 = arith.constant 96 : index
      %get3A_911 = tpu.vector_load %arg14[%get3A_909, %get3A_910] {strides = array<i32>} : memref<2x128xf32, #tpu.memory_space<vmem>>, vector<16xf32>,
      %mul3A_912 = arith.mulf %max3A_907, %get3A_911 : vector<16xf32>
      %add3A_913 = arith.addf %add3A_893, %mul3A_912 : vector<16xf32>
      %get3A_914 = arith.constant 1 : i32
      %get3A_915 = arith.index_cast %get3A_914 : i32 to index
      %get3A_916 = arith.constant 96 : index
      %get3A_917 = tpu.vector_load %arg14[%get3A_915, %get3A_916] {strides = array<i32>} : memref<2x128xf32, #tpu.memory_space<vmem>>, vector<16xf32>,
      %mul3A_918 = arith.mulf %max3A_907, %get3A_917 : vector<16xf32>
      %add3A_919 = arith.addf %add3A_899, %mul3A_918 : vector<16xf32>
      %mul3A_920 = vector.broadcast %scan3A_40 : f32 to vector<16xf32>
      %mul3A_921 = arith.mulf %scan3A_778#7, %mul3A_920 : vector<16xf32>
      %get3A_922 = arith.constant 112 : index
      %get3A_923 = tpu.vector_load %arg13[%get3A_922] {strides = array<i32>} : memref<128xf32, #tpu.memory_space<vmem>>, vector<16xf32>,
      %add3A_924 = arith.addf %mul3A_921, %get3A_923 : vector<16xf32>
      %max3A_925 = arith.constant 0.000000e+00 : f32
      %max3A_926 = vector.broadcast %max3A_925 : f32 to vector<16xf32>
      %max3A_927 = arith.maximumf %add3A_924, %max3A_926 : vector<16xf32>
      %get3A_928 = arith.constant 0 : i32
      %get3A_929 = arith.index_cast %get3A_928 : i32 to index
      %get3A_930 = arith.constant 112 : index
      %get3A_931 = tpu.vector_load %arg14[%get3A_929, %get3A_930] {strides = array<i32>} : memref<2x128xf32, #tpu.memory_space<vmem>>, vector<16xf32>,
      %mul3A_932 = arith.mulf %max3A_927, %get3A_931 : vector<16xf32>
      %add3A_933 = arith.addf %add3A_913, %mul3A_932 : vector<16xf32>
      %get3A_934 = arith.constant 1 : i32
      %get3A_935 = arith.index_cast %get3A_934 : i32 to index
      %get3A_936 = arith.constant 112 : index
      %get3A_937 = tpu.vector_load %arg14[%get3A_935, %get3A_936] {strides = array<i32>} : memref<2x128xf32, #tpu.memory_space<vmem>>, vector<16xf32>,
      %mul3A_938 = arith.mulf %max3A_927, %get3A_937 : vector<16xf32>
      %add3A_939 = arith.addf %add3A_919, %mul3A_938 : vector<16xf32>
      %reduce_sum3A_940 = arith.constant true
      %reduce_sum3A_941 = vector.broadcast %reduce_sum3A_940 : i1 to vector<16xi1>
      %reduce_sum3A_942 = tpu.scan <sum>, %add3A_933 masked %reduce_sum3A_941 : vector<16xf32>, vector<16xi1> -> vector<16xf32>
      %reduce_sum3A_943 = vector.extract %reduce_sum3A_942[15] : f32 from vector<16xf32>
      %reduce_sum3A_944 = arith.constant true
      %reduce_sum3A_945 = vector.broadcast %reduce_sum3A_944 : i1 to vector<16xi1>
      %reduce_sum3A_946 = tpu.scan <sum>, %add3A_939 masked %reduce_sum3A_945 : vector<16xf32>, vector<16xi1> -> vector<16xf32>
      %reduce_sum3A_947 = vector.extract %reduce_sum3A_946[15] : f32 from vector<16xf32>
      %eq3A_948 = arith.constant 0 : i32
      %eq3A_949 = vector.broadcast %eq3A_948 : i32 to vector<16xi32>
      %eq3A_950 = arith.cmpi eq, %iota3A, %eq3A_949 : vector<16xi32>
      %eq3A_951 = arith.constant 1 : i32
      %eq3A_952 = vector.broadcast %eq3A_951 : i32 to vector<16xi32>
      %eq3A_953 = arith.cmpi eq, %iota3A, %eq3A_952 : vector<16xi32>
      %jit3A_954 = arith.constant 0.000000e+00 : f32
      %broadcast_in_dim3A_955 = vector.broadcast %reduce_sum3A_947 : f32 to vector<16xf32>
      %broadcast_in_dim3A_956 = vector.broadcast %jit3A_954 : f32 to vector<16xf32>
      %select_n3A_957 = arith.select %eq3A_953, %broadcast_in_dim3A_955, %broadcast_in_dim3A_956 : vector<16xi1>, vector<16xf32>
      %broadcast_in_dim3A_958 = vector.broadcast %reduce_sum3A_943 : f32 to vector<16xf32>
      %select_n3A_959 = arith.select %eq3A_950, %broadcast_in_dim3A_958, %select_n3A_957 : vector<16xi1>, vector<16xf32>
      %add3A_960 = arith.addf %select_n3A_959, %get3A_5 : vector<16xf32>
      %swap3A_961 = arith.index_cast %add3A_734 : i32 to index
      %swap3A_962 = arith.constant 0 : index
      %swap3A_963 = tpu.vector_load %arg12[%swap3A_961, %swap3A_962] {strides = array<i32>} : memref<128x16xf32, #tpu.memory_space<vmem>>, vector<16xf32>,
      tpu.vector_store %arg12[%swap3A_961, %swap3A_962], %add3A_960 {strides = array<i32>} : memref<128x16xf32, #tpu.memory_space<vmem>>, vector<16xf32>,
      %mul3A_964 = arith.constant 3 : i32
      %mul3A_965 = arith.muli %scan3A_500, %mul3A_964 : i32
      %add3A_966 = arith.constant 2 : i32
      %add3A_967 = arith.addi %mul3A_965, %add3A_966 : i32
      %add3A_968 = arith.constant 2 : i32
      %add3A_969 = arith.addi %add3A_967, %add3A_968 : i32
      %lt3A_970 = arith.constant 128 : i32
      %lt3A_971 = arith.cmpi slt, %add3A_969, %lt3A_970 : i32
      %convert_element_type3A_972 = arith.extui %lt3A_971 : i1 to i32
      %cond3A_973 = arith.constant 0 : i32
      %cond3A_974 = arith.cmpi ne, %convert_element_type3A_972, %cond3A_973 : i32
      scf.if %cond3A_974 {
        %add3A_1197 = arith.constant 2 : i32
        %add3A_1198 = arith.addi %add3A_967, %add3A_1197 : i32
        %mul3A_1199 = arith.constant 200 : i32
        %mul3A_1200 = arith.muli %add3A_1198, %mul3A_1199 : i32
        %multiple_of3A_1201 = tpu.assume_multiple %mul3A_1200, 8 : i32
        %dma_start3A_1202 = arith.constant 0 : i32
        %dma_start3A_1203 = arith.constant 0 : i32
        %dma_start3A_1204 = tpu.memref_slice %arg10[%dma_start3A_1202, %dma_start3A_1203] : memref<200x128xf32, #tpu.memory_space<vmem>> -> memref<104x128xf32, #tpu.memory_space<vmem>>
        %dma_start3A_1205 = tpu.memref_slice %arg8[%multiple_of3A_1201] : memref<25600xi32, #tpu.memory_space<vmem>> -> memref<104xi32, #tpu.memory_space<vmem>>
        %dma_start3A_1206 = arith.constant 0 : i32
        %dma_start3A_1207 = arith.constant 0 : i32
        %dma_start3A_1208 = tpu.memref_slice %arg3[%dma_start3A_1206, %dma_start3A_1207] : memref<1000000x128xf32, #tpu.memory_space<hbm>> -> memref<1000000x128xf32, #tpu.memory_space<hbm>>
        tpu.enqueue_indirect_dma source(%dma_start3A_1208 : memref<1000000x128xf32, #tpu.memory_space<hbm>>) target(%dma_start3A_1204 : memref<104x128xf32, #tpu.memory_space<vmem>>) offsets(%dma_start3A_1205 : memref<104xi32, #tpu.memory_space<vmem>>) semaphore(%arg17 : memref<!tpu.dma_semaphore, #tpu.memory_space<semaphore_mem>>)
        %mul3A_1209 = arith.constant 200 : i32
        %mul3A_1210 = arith.muli %add3A_1198, %mul3A_1209 : i32
        %add3A_1211 = arith.constant 104 : i32
        %add3A_1212 = arith.addi %mul3A_1210, %add3A_1211 : i32
        %multiple_of3A_1213 = tpu.assume_multiple %add3A_1212, 8 : i32
        %dma_start3A_1214 = arith.constant 104 : i32
        %dma_start3A_1215 = arith.constant 0 : i32
        %dma_start3A_1216 = tpu.memref_slice %arg10[%dma_start3A_1214, %dma_start3A_1215] : memref<200x128xf32, #tpu.memory_space<vmem>> -> memref<96x128xf32, #tpu.memory_space<vmem>>
        %dma_start3A_1217 = tpu.memref_slice %arg8[%multiple_of3A_1213] : memref<25600xi32, #tpu.memory_space<vmem>> -> memref<96xi32, #tpu.memory_space<vmem>>
        %dma_start3A_1218 = arith.constant 0 : i32
        %dma_start3A_1219 = arith.constant 0 : i32
        %dma_start3A_1220 = tpu.memref_slice %arg3[%dma_start3A_1218, %dma_start3A_1219] : memref<1000000x128xf32, #tpu.memory_space<hbm>> -> memref<1000000x128xf32, #tpu.memory_space<hbm>>
        tpu.enqueue_indirect_dma source(%dma_start3A_1220 : memref<1000000x128xf32, #tpu.memory_space<hbm>>) target(%dma_start3A_1216 : memref<96x128xf32, #tpu.memory_space<vmem>>) offsets(%dma_start3A_1217 : memref<96xi32, #tpu.memory_space<vmem>>) semaphore(%arg20 : memref<!tpu.dma_semaphore, #tpu.memory_space<semaphore_mem>>)
      } else {
      }
      %broadcast_in_dim3A_975 = arith.constant 0.000000e+00 : f32
      %broadcast_in_dim3A_976 = vector.broadcast %broadcast_in_dim3A_975 : f32 to vector<16xf32>
      %dma_wait3A_977 = arith.constant 0 : i32
      %dma_wait3A_978 = arith.constant 0 : i32
      %dma_wait3A_979 = tpu.memref_slice %arg11[%dma_wait3A_977, %dma_wait3A_978] : memref<200x128xf32, #tpu.memory_space<vmem>> -> memref<104x128xf32, #tpu.memory_space<vmem>>
      %dma_wait3A_980 = arith.constant 0 : i32
      %dma_wait3A_981 = arith.constant 0 : i32
      %dma_wait3A_982 = tpu.memref_slice %arg3[%dma_wait3A_980, %dma_wait3A_981] : memref<1000000x128xf32, #tpu.memory_space<hbm>> -> memref<104x128xf32, #tpu.memory_space<hbm>>
      %dma_wait3A_983 = arith.constant 0 : i32
      %dma_wait3A_984 = arith.constant 0 : i32
      %dma_wait3A_985 = tpu.memref_slice %arg11[%dma_wait3A_983, %dma_wait3A_984] : memref<200x128xf32, #tpu.memory_space<vmem>> -> memref<104x128xf32, #tpu.memory_space<vmem>>
      %dma_wait3A_986 = arith.constant 0 : i32
      %dma_wait3A_987 = arith.constant 0 : i32
      %dma_wait3A_988 = tpu.memref_slice %arg3[%dma_wait3A_986, %dma_wait3A_987] : memref<1000000x128xf32, #tpu.memory_space<hbm>> -> memref<104x128xf32, #tpu.memory_space<hbm>>
      tpu.wait_dma2 semaphore(%arg18 : memref<!tpu.dma_semaphore, #tpu.memory_space<semaphore_mem>>) src(%dma_wait3A_988 : memref<104x128xf32, #tpu.memory_space<hbm>>) dst(%dma_wait3A_985 : memref<104x128xf32, #tpu.memory_space<vmem>>)
      %scan3A_989 = arith.constant 0 : i32
      %scan3A_990 = arith.constant 13 : i32
      %scan3A_991 = arith.addi %scan3A_989, %scan3A_990 : i32
      %scan3A_992 = arith.constant 1 : i32
      %scan3A_993:8 = scf.for %scan3A_1197 = %scan3A_989 to %scan3A_991 step %scan3A_992 iter_args(%scan3A_1198 = %broadcast_in_dim3A_976, %scan3A_1199 = %broadcast_in_dim3A_976, %scan3A_1200 = %broadcast_in_dim3A_976, %scan3A_1201 = %broadcast_in_dim3A_976, %scan3A_1202 = %broadcast_in_dim3A_976, %scan3A_1203 = %broadcast_in_dim3A_976, %scan3A_1204 = %broadcast_in_dim3A_976, %scan3A_1205 = %broadcast_in_dim3A_976) -> (vector<16xf32>, vector<16xf32>, vector<16xf32>, vector<16xf32>, vector<16xf32>, vector<16xf32>, vector<16xf32>, vector<16xf32>)  : i32 {
        %mul3A_1206 = arith.constant 8 : i32
        %mul3A_1207 = arith.muli %scan3A_1197, %mul3A_1206 : i32
        %add3A_1208 = arith.constant 0 : i32
        %add3A_1209 = arith.addi %add3A_1208, %mul3A_1207 : i32
        %add3A_1210 = arith.constant 0 : i32
        %add3A_1211 = arith.addi %add3A_1209, %add3A_1210 : i32
        %get3A_1212 = arith.index_cast %add3A_1211 : i32 to index
        %get3A_1213 = arith.constant 0 : index
        %get3A_1214 = tpu.vector_load %arg11[%get3A_1212, %get3A_1213] {strides = array<i32>} : memref<200x128xf32, #tpu.memory_space<vmem>>, vector<16xf32>,
        %add3A_1215 = arith.addf %scan3A_1198, %get3A_1214 : vector<16xf32>
        %get3A_1216 = arith.index_cast %add3A_1211 : i32 to index
        %get3A_1217 = arith.constant 16 : index
        %get3A_1218 = tpu.vector_load %arg11[%get3A_1216, %get3A_1217] {strides = array<i32>} : memref<200x128xf32, #tpu.memory_space<vmem>>, vector<16xf32>,
        %add3A_1219 = arith.addf %scan3A_1199, %get3A_1218 : vector<16xf32>
        %get3A_1220 = arith.index_cast %add3A_1211 : i32 to index
        %get3A_1221 = arith.constant 32 : index
        %get3A_1222 = tpu.vector_load %arg11[%get3A_1220, %get3A_1221] {strides = array<i32>} : memref<200x128xf32, #tpu.memory_space<vmem>>, vector<16xf32>,
        %add3A_1223 = arith.addf %scan3A_1200, %get3A_1222 : vector<16xf32>
        %get3A_1224 = arith.index_cast %add3A_1211 : i32 to index
        %get3A_1225 = arith.constant 48 : index
        %get3A_1226 = tpu.vector_load %arg11[%get3A_1224, %get3A_1225] {strides = array<i32>} : memref<200x128xf32, #tpu.memory_space<vmem>>, vector<16xf32>,
        %add3A_1227 = arith.addf %scan3A_1201, %get3A_1226 : vector<16xf32>
        %get3A_1228 = arith.index_cast %add3A_1211 : i32 to index
        %get3A_1229 = arith.constant 64 : index
        %get3A_1230 = tpu.vector_load %arg11[%get3A_1228, %get3A_1229] {strides = array<i32>} : memref<200x128xf32, #tpu.memory_space<vmem>>, vector<16xf32>,
        %add3A_1231 = arith.addf %scan3A_1202, %get3A_1230 : vector<16xf32>
        %get3A_1232 = arith.index_cast %add3A_1211 : i32 to index
        %get3A_1233 = arith.constant 80 : index
        %get3A_1234 = tpu.vector_load %arg11[%get3A_1232, %get3A_1233] {strides = array<i32>} : memref<200x128xf32, #tpu.memory_space<vmem>>, vector<16xf32>,
        %add3A_1235 = arith.addf %scan3A_1203, %get3A_1234 : vector<16xf32>
        %get3A_1236 = arith.index_cast %add3A_1211 : i32 to index
        %get3A_1237 = arith.constant 96 : index
        %get3A_1238 = tpu.vector_load %arg11[%get3A_1236, %get3A_1237] {strides = array<i32>} : memref<200x128xf32, #tpu.memory_space<vmem>>, vector<16xf32>,
        %add3A_1239 = arith.addf %scan3A_1204, %get3A_1238 : vector<16xf32>
        %get3A_1240 = arith.index_cast %add3A_1211 : i32 to index
        %get3A_1241 = arith.constant 112 : index
        %get3A_1242 = tpu.vector_load %arg11[%get3A_1240, %get3A_1241] {strides = array<i32>} : memref<200x128xf32, #tpu.memory_space<vmem>>, vector<16xf32>,
        %add3A_1243 = arith.addf %scan3A_1205, %get3A_1242 : vector<16xf32>
        %mul3A_1244 = arith.constant 8 : i32
        %mul3A_1245 = arith.muli %scan3A_1197, %mul3A_1244 : i32
        %add3A_1246 = arith.constant 0 : i32
        %add3A_1247 = arith.addi %add3A_1246, %mul3A_1245 : i32
        %add3A_1248 = arith.constant 1 : i32
        %add3A_1249 = arith.addi %add3A_1247, %add3A_1248 : i32
        %get3A_1250 = arith.index_cast %add3A_1249 : i32 to index
        %get3A_1251 = arith.constant 0 : index
        %get3A_1252 = tpu.vector_load %arg11[%get3A_1250, %get3A_1251] {strides = array<i32>} : memref<200x128xf32, #tpu.memory_space<vmem>>, vector<16xf32>,
        %add3A_1253 = arith.addf %add3A_1215, %get3A_1252 : vector<16xf32>
        %get3A_1254 = arith.index_cast %add3A_1249 : i32 to index
        %get3A_1255 = arith.constant 16 : index
        %get3A_1256 = tpu.vector_load %arg11[%get3A_1254, %get3A_1255] {strides = array<i32>} : memref<200x128xf32, #tpu.memory_space<vmem>>, vector<16xf32>,
        %add3A_1257 = arith.addf %add3A_1219, %get3A_1256 : vector<16xf32>
        %get3A_1258 = arith.index_cast %add3A_1249 : i32 to index
        %get3A_1259 = arith.constant 32 : index
        %get3A_1260 = tpu.vector_load %arg11[%get3A_1258, %get3A_1259] {strides = array<i32>} : memref<200x128xf32, #tpu.memory_space<vmem>>, vector<16xf32>,
        %add3A_1261 = arith.addf %add3A_1223, %get3A_1260 : vector<16xf32>
        %get3A_1262 = arith.index_cast %add3A_1249 : i32 to index
        %get3A_1263 = arith.constant 48 : index
        %get3A_1264 = tpu.vector_load %arg11[%get3A_1262, %get3A_1263] {strides = array<i32>} : memref<200x128xf32, #tpu.memory_space<vmem>>, vector<16xf32>,
        %add3A_1265 = arith.addf %add3A_1227, %get3A_1264 : vector<16xf32>
        %get3A_1266 = arith.index_cast %add3A_1249 : i32 to index
        %get3A_1267 = arith.constant 64 : index
        %get3A_1268 = tpu.vector_load %arg11[%get3A_1266, %get3A_1267] {strides = array<i32>} : memref<200x128xf32, #tpu.memory_space<vmem>>, vector<16xf32>,
        %add3A_1269 = arith.addf %add3A_1231, %get3A_1268 : vector<16xf32>
        %get3A_1270 = arith.index_cast %add3A_1249 : i32 to index
        %get3A_1271 = arith.constant 80 : index
        %get3A_1272 = tpu.vector_load %arg11[%get3A_1270, %get3A_1271] {strides = array<i32>} : memref<200x128xf32, #tpu.memory_space<vmem>>, vector<16xf32>,
        %add3A_1273 = arith.addf %add3A_1235, %get3A_1272 : vector<16xf32>
        %get3A_1274 = arith.index_cast %add3A_1249 : i32 to index
        %get3A_1275 = arith.constant 96 : index
        %get3A_1276 = tpu.vector_load %arg11[%get3A_1274, %get3A_1275] {strides = array<i32>} : memref<200x128xf32, #tpu.memory_space<vmem>>, vector<16xf32>,
        %add3A_1277 = arith.addf %add3A_1239, %get3A_1276 : vector<16xf32>
        %get3A_1278 = arith.index_cast %add3A_1249 : i32 to index
        %get3A_1279 = arith.constant 112 : index
        %get3A_1280 = tpu.vector_load %arg11[%get3A_1278, %get3A_1279] {strides = array<i32>} : memref<200x128xf32, #tpu.memory_space<vmem>>, vector<16xf32>,
        %add3A_1281 = arith.addf %add3A_1243, %get3A_1280 : vector<16xf32>
        %mul3A_1282 = arith.constant 8 : i32
        %mul3A_1283 = arith.muli %scan3A_1197, %mul3A_1282 : i32
        %add3A_1284 = arith.constant 0 : i32
        %add3A_1285 = arith.addi %add3A_1284, %mul3A_1283 : i32
        %add3A_1286 = arith.constant 2 : i32
        %add3A_1287 = arith.addi %add3A_1285, %add3A_1286 : i32
        %get3A_1288 = arith.index_cast %add3A_1287 : i32 to index
        %get3A_1289 = arith.constant 0 : index
        %get3A_1290 = tpu.vector_load %arg11[%get3A_1288, %get3A_1289] {strides = array<i32>} : memref<200x128xf32, #tpu.memory_space<vmem>>, vector<16xf32>,
        %add3A_1291 = arith.addf %add3A_1253, %get3A_1290 : vector<16xf32>
        %get3A_1292 = arith.index_cast %add3A_1287 : i32 to index
        %get3A_1293 = arith.constant 16 : index
        %get3A_1294 = tpu.vector_load %arg11[%get3A_1292, %get3A_1293] {strides = array<i32>} : memref<200x128xf32, #tpu.memory_space<vmem>>, vector<16xf32>,
        %add3A_1295 = arith.addf %add3A_1257, %get3A_1294 : vector<16xf32>
        %get3A_1296 = arith.index_cast %add3A_1287 : i32 to index
        %get3A_1297 = arith.constant 32 : index
        %get3A_1298 = tpu.vector_load %arg11[%get3A_1296, %get3A_1297] {strides = array<i32>} : memref<200x128xf32, #tpu.memory_space<vmem>>, vector<16xf32>,
        %add3A_1299 = arith.addf %add3A_1261, %get3A_1298 : vector<16xf32>
        %get3A_1300 = arith.index_cast %add3A_1287 : i32 to index
        %get3A_1301 = arith.constant 48 : index
        %get3A_1302 = tpu.vector_load %arg11[%get3A_1300, %get3A_1301] {strides = array<i32>} : memref<200x128xf32, #tpu.memory_space<vmem>>, vector<16xf32>,
        %add3A_1303 = arith.addf %add3A_1265, %get3A_1302 : vector<16xf32>
        %get3A_1304 = arith.index_cast %add3A_1287 : i32 to index
        %get3A_1305 = arith.constant 64 : index
        %get3A_1306 = tpu.vector_load %arg11[%get3A_1304, %get3A_1305] {strides = array<i32>} : memref<200x128xf32, #tpu.memory_space<vmem>>, vector<16xf32>,
        %add3A_1307 = arith.addf %add3A_1269, %get3A_1306 : vector<16xf32>
        %get3A_1308 = arith.index_cast %add3A_1287 : i32 to index
        %get3A_1309 = arith.constant 80 : index
        %get3A_1310 = tpu.vector_load %arg11[%get3A_1308, %get3A_1309] {strides = array<i32>} : memref<200x128xf32, #tpu.memory_space<vmem>>, vector<16xf32>,
        %add3A_1311 = arith.addf %add3A_1273, %get3A_1310 : vector<16xf32>
        %get3A_1312 = arith.index_cast %add3A_1287 : i32 to index
        %get3A_1313 = arith.constant 96 : index
        %get3A_1314 = tpu.vector_load %arg11[%get3A_1312, %get3A_1313] {strides = array<i32>} : memref<200x128xf32, #tpu.memory_space<vmem>>, vector<16xf32>,
        %add3A_1315 = arith.addf %add3A_1277, %get3A_1314 : vector<16xf32>
        %get3A_1316 = arith.index_cast %add3A_1287 : i32 to index
        %get3A_1317 = arith.constant 112 : index
        %get3A_1318 = tpu.vector_load %arg11[%get3A_1316, %get3A_1317] {strides = array<i32>} : memref<200x128xf32, #tpu.memory_space<vmem>>, vector<16xf32>,
        %add3A_1319 = arith.addf %add3A_1281, %get3A_1318 : vector<16xf32>
        %mul3A_1320 = arith.constant 8 : i32
        %mul3A_1321 = arith.muli %scan3A_1197, %mul3A_1320 : i32
        %add3A_1322 = arith.constant 0 : i32
        %add3A_1323 = arith.addi %add3A_1322, %mul3A_1321 : i32
        %add3A_1324 = arith.constant 3 : i32
        %add3A_1325 = arith.addi %add3A_1323, %add3A_1324 : i32
        %get3A_1326 = arith.index_cast %add3A_1325 : i32 to index
        %get3A_1327 = arith.constant 0 : index
        %get3A_1328 = tpu.vector_load %arg11[%get3A_1326, %get3A_1327] {strides = array<i32>} : memref<200x128xf32, #tpu.memory_space<vmem>>, vector<16xf32>,
        %add3A_1329 = arith.addf %add3A_1291, %get3A_1328 : vector<16xf32>
        %get3A_1330 = arith.index_cast %add3A_1325 : i32 to index
        %get3A_1331 = arith.constant 16 : index
        %get3A_1332 = tpu.vector_load %arg11[%get3A_1330, %get3A_1331] {strides = array<i32>} : memref<200x128xf32, #tpu.memory_space<vmem>>, vector<16xf32>,
        %add3A_1333 = arith.addf %add3A_1295, %get3A_1332 : vector<16xf32>
        %get3A_1334 = arith.index_cast %add3A_1325 : i32 to index
        %get3A_1335 = arith.constant 32 : index
        %get3A_1336 = tpu.vector_load %arg11[%get3A_1334, %get3A_1335] {strides = array<i32>} : memref<200x128xf32, #tpu.memory_space<vmem>>, vector<16xf32>,
        %add3A_1337 = arith.addf %add3A_1299, %get3A_1336 : vector<16xf32>
        %get3A_1338 = arith.index_cast %add3A_1325 : i32 to index
        %get3A_1339 = arith.constant 48 : index
        %get3A_1340 = tpu.vector_load %arg11[%get3A_1338, %get3A_1339] {strides = array<i32>} : memref<200x128xf32, #tpu.memory_space<vmem>>, vector<16xf32>,
        %add3A_1341 = arith.addf %add3A_1303, %get3A_1340 : vector<16xf32>
        %get3A_1342 = arith.index_cast %add3A_1325 : i32 to index
        %get3A_1343 = arith.constant 64 : index
        %get3A_1344 = tpu.vector_load %arg11[%get3A_1342, %get3A_1343] {strides = array<i32>} : memref<200x128xf32, #tpu.memory_space<vmem>>, vector<16xf32>,
        %add3A_1345 = arith.addf %add3A_1307, %get3A_1344 : vector<16xf32>
        %get3A_1346 = arith.index_cast %add3A_1325 : i32 to index
        %get3A_1347 = arith.constant 80 : index
        %get3A_1348 = tpu.vector_load %arg11[%get3A_1346, %get3A_1347] {strides = array<i32>} : memref<200x128xf32, #tpu.memory_space<vmem>>, vector<16xf32>,
        %add3A_1349 = arith.addf %add3A_1311, %get3A_1348 : vector<16xf32>
        %get3A_1350 = arith.index_cast %add3A_1325 : i32 to index
        %get3A_1351 = arith.constant 96 : index
        %get3A_1352 = tpu.vector_load %arg11[%get3A_1350, %get3A_1351] {strides = array<i32>} : memref<200x128xf32, #tpu.memory_space<vmem>>, vector<16xf32>,
        %add3A_1353 = arith.addf %add3A_1315, %get3A_1352 : vector<16xf32>
        %get3A_1354 = arith.index_cast %add3A_1325 : i32 to index
        %get3A_1355 = arith.constant 112 : index
        %get3A_1356 = tpu.vector_load %arg11[%get3A_1354, %get3A_1355] {strides = array<i32>} : memref<200x128xf32, #tpu.memory_space<vmem>>, vector<16xf32>,
        %add3A_1357 = arith.addf %add3A_1319, %get3A_1356 : vector<16xf32>
        %mul3A_1358 = arith.constant 8 : i32
        %mul3A_1359 = arith.muli %scan3A_1197, %mul3A_1358 : i32
        %add3A_1360 = arith.constant 0 : i32
        %add3A_1361 = arith.addi %add3A_1360, %mul3A_1359 : i32
        %add3A_1362 = arith.constant 4 : i32
        %add3A_1363 = arith.addi %add3A_1361, %add3A_1362 : i32
        %get3A_1364 = arith.index_cast %add3A_1363 : i32 to index
        %get3A_1365 = arith.constant 0 : index
        %get3A_1366 = tpu.vector_load %arg11[%get3A_1364, %get3A_1365] {strides = array<i32>} : memref<200x128xf32, #tpu.memory_space<vmem>>, vector<16xf32>,
        %add3A_1367 = arith.addf %add3A_1329, %get3A_1366 : vector<16xf32>
        %get3A_1368 = arith.index_cast %add3A_1363 : i32 to index
        %get3A_1369 = arith.constant 16 : index
        %get3A_1370 = tpu.vector_load %arg11[%get3A_1368, %get3A_1369] {strides = array<i32>} : memref<200x128xf32, #tpu.memory_space<vmem>>, vector<16xf32>,
        %add3A_1371 = arith.addf %add3A_1333, %get3A_1370 : vector<16xf32>
        %get3A_1372 = arith.index_cast %add3A_1363 : i32 to index
        %get3A_1373 = arith.constant 32 : index
        %get3A_1374 = tpu.vector_load %arg11[%get3A_1372, %get3A_1373] {strides = array<i32>} : memref<200x128xf32, #tpu.memory_space<vmem>>, vector<16xf32>,
        %add3A_1375 = arith.addf %add3A_1337, %get3A_1374 : vector<16xf32>
        %get3A_1376 = arith.index_cast %add3A_1363 : i32 to index
        %get3A_1377 = arith.constant 48 : index
        %get3A_1378 = tpu.vector_load %arg11[%get3A_1376, %get3A_1377] {strides = array<i32>} : memref<200x128xf32, #tpu.memory_space<vmem>>, vector<16xf32>,
        %add3A_1379 = arith.addf %add3A_1341, %get3A_1378 : vector<16xf32>
        %get3A_1380 = arith.index_cast %add3A_1363 : i32 to index
        %get3A_1381 = arith.constant 64 : index
        %get3A_1382 = tpu.vector_load %arg11[%get3A_1380, %get3A_1381] {strides = array<i32>} : memref<200x128xf32, #tpu.memory_space<vmem>>, vector<16xf32>,
        %add3A_1383 = arith.addf %add3A_1345, %get3A_1382 : vector<16xf32>
        %get3A_1384 = arith.index_cast %add3A_1363 : i32 to index
        %get3A_1385 = arith.constant 80 : index
        %get3A_1386 = tpu.vector_load %arg11[%get3A_1384, %get3A_1385] {strides = array<i32>} : memref<200x128xf32, #tpu.memory_space<vmem>>, vector<16xf32>,
        %add3A_1387 = arith.addf %add3A_1349, %get3A_1386 : vector<16xf32>
        %get3A_1388 = arith.index_cast %add3A_1363 : i32 to index
        %get3A_1389 = arith.constant 96 : index
        %get3A_1390 = tpu.vector_load %arg11[%get3A_1388, %get3A_1389] {strides = array<i32>} : memref<200x128xf32, #tpu.memory_space<vmem>>, vector<16xf32>,
        %add3A_1391 = arith.addf %add3A_1353, %get3A_1390 : vector<16xf32>
        %get3A_1392 = arith.index_cast %add3A_1363 : i32 to index
        %get3A_1393 = arith.constant 112 : index
        %get3A_1394 = tpu.vector_load %arg11[%get3A_1392, %get3A_1393] {strides = array<i32>} : memref<200x128xf32, #tpu.memory_space<vmem>>, vector<16xf32>,
        %add3A_1395 = arith.addf %add3A_1357, %get3A_1394 : vector<16xf32>
        %mul3A_1396 = arith.constant 8 : i32
        %mul3A_1397 = arith.muli %scan3A_1197, %mul3A_1396 : i32
        %add3A_1398 = arith.constant 0 : i32
        %add3A_1399 = arith.addi %add3A_1398, %mul3A_1397 : i32
        %add3A_1400 = arith.constant 5 : i32
        %add3A_1401 = arith.addi %add3A_1399, %add3A_1400 : i32
        %get3A_1402 = arith.index_cast %add3A_1401 : i32 to index
        %get3A_1403 = arith.constant 0 : index
        %get3A_1404 = tpu.vector_load %arg11[%get3A_1402, %get3A_1403] {strides = array<i32>} : memref<200x128xf32, #tpu.memory_space<vmem>>, vector<16xf32>,
        %add3A_1405 = arith.addf %add3A_1367, %get3A_1404 : vector<16xf32>
        %get3A_1406 = arith.index_cast %add3A_1401 : i32 to index
        %get3A_1407 = arith.constant 16 : index
        %get3A_1408 = tpu.vector_load %arg11[%get3A_1406, %get3A_1407] {strides = array<i32>} : memref<200x128xf32, #tpu.memory_space<vmem>>, vector<16xf32>,
        %add3A_1409 = arith.addf %add3A_1371, %get3A_1408 : vector<16xf32>
        %get3A_1410 = arith.index_cast %add3A_1401 : i32 to index
        %get3A_1411 = arith.constant 32 : index
        %get3A_1412 = tpu.vector_load %arg11[%get3A_1410, %get3A_1411] {strides = array<i32>} : memref<200x128xf32, #tpu.memory_space<vmem>>, vector<16xf32>,
        %add3A_1413 = arith.addf %add3A_1375, %get3A_1412 : vector<16xf32>
        %get3A_1414 = arith.index_cast %add3A_1401 : i32 to index
        %get3A_1415 = arith.constant 48 : index
        %get3A_1416 = tpu.vector_load %arg11[%get3A_1414, %get3A_1415] {strides = array<i32>} : memref<200x128xf32, #tpu.memory_space<vmem>>, vector<16xf32>,
        %add3A_1417 = arith.addf %add3A_1379, %get3A_1416 : vector<16xf32>
        %get3A_1418 = arith.index_cast %add3A_1401 : i32 to index
        %get3A_1419 = arith.constant 64 : index
        %get3A_1420 = tpu.vector_load %arg11[%get3A_1418, %get3A_1419] {strides = array<i32>} : memref<200x128xf32, #tpu.memory_space<vmem>>, vector<16xf32>,
        %add3A_1421 = arith.addf %add3A_1383, %get3A_1420 : vector<16xf32>
        %get3A_1422 = arith.index_cast %add3A_1401 : i32 to index
        %get3A_1423 = arith.constant 80 : index
        %get3A_1424 = tpu.vector_load %arg11[%get3A_1422, %get3A_1423] {strides = array<i32>} : memref<200x128xf32, #tpu.memory_space<vmem>>, vector<16xf32>,
        %add3A_1425 = arith.addf %add3A_1387, %get3A_1424 : vector<16xf32>
        %get3A_1426 = arith.index_cast %add3A_1401 : i32 to index
        %get3A_1427 = arith.constant 96 : index
        %get3A_1428 = tpu.vector_load %arg11[%get3A_1426, %get3A_1427] {strides = array<i32>} : memref<200x128xf32, #tpu.memory_space<vmem>>, vector<16xf32>,
        %add3A_1429 = arith.addf %add3A_1391, %get3A_1428 : vector<16xf32>
        %get3A_1430 = arith.index_cast %add3A_1401 : i32 to index
        %get3A_1431 = arith.constant 112 : index
        %get3A_1432 = tpu.vector_load %arg11[%get3A_1430, %get3A_1431] {strides = array<i32>} : memref<200x128xf32, #tpu.memory_space<vmem>>, vector<16xf32>,
        %add3A_1433 = arith.addf %add3A_1395, %get3A_1432 : vector<16xf32>
        %mul3A_1434 = arith.constant 8 : i32
        %mul3A_1435 = arith.muli %scan3A_1197, %mul3A_1434 : i32
        %add3A_1436 = arith.constant 0 : i32
        %add3A_1437 = arith.addi %add3A_1436, %mul3A_1435 : i32
        %add3A_1438 = arith.constant 6 : i32
        %add3A_1439 = arith.addi %add3A_1437, %add3A_1438 : i32
        %get3A_1440 = arith.index_cast %add3A_1439 : i32 to index
        %get3A_1441 = arith.constant 0 : index
        %get3A_1442 = tpu.vector_load %arg11[%get3A_1440, %get3A_1441] {strides = array<i32>} : memref<200x128xf32, #tpu.memory_space<vmem>>, vector<16xf32>,
        %add3A_1443 = arith.addf %add3A_1405, %get3A_1442 : vector<16xf32>
        %get3A_1444 = arith.index_cast %add3A_1439 : i32 to index
        %get3A_1445 = arith.constant 16 : index
        %get3A_1446 = tpu.vector_load %arg11[%get3A_1444, %get3A_1445] {strides = array<i32>} : memref<200x128xf32, #tpu.memory_space<vmem>>, vector<16xf32>,
        %add3A_1447 = arith.addf %add3A_1409, %get3A_1446 : vector<16xf32>
        %get3A_1448 = arith.index_cast %add3A_1439 : i32 to index
        %get3A_1449 = arith.constant 32 : index
        %get3A_1450 = tpu.vector_load %arg11[%get3A_1448, %get3A_1449] {strides = array<i32>} : memref<200x128xf32, #tpu.memory_space<vmem>>, vector<16xf32>,
        %add3A_1451 = arith.addf %add3A_1413, %get3A_1450 : vector<16xf32>
        %get3A_1452 = arith.index_cast %add3A_1439 : i32 to index
        %get3A_1453 = arith.constant 48 : index
        %get3A_1454 = tpu.vector_load %arg11[%get3A_1452, %get3A_1453] {strides = array<i32>} : memref<200x128xf32, #tpu.memory_space<vmem>>, vector<16xf32>,
        %add3A_1455 = arith.addf %add3A_1417, %get3A_1454 : vector<16xf32>
        %get3A_1456 = arith.index_cast %add3A_1439 : i32 to index
        %get3A_1457 = arith.constant 64 : index
        %get3A_1458 = tpu.vector_load %arg11[%get3A_1456, %get3A_1457] {strides = array<i32>} : memref<200x128xf32, #tpu.memory_space<vmem>>, vector<16xf32>,
        %add3A_1459 = arith.addf %add3A_1421, %get3A_1458 : vector<16xf32>
        %get3A_1460 = arith.index_cast %add3A_1439 : i32 to index
        %get3A_1461 = arith.constant 80 : index
        %get3A_1462 = tpu.vector_load %arg11[%get3A_1460, %get3A_1461] {strides = array<i32>} : memref<200x128xf32, #tpu.memory_space<vmem>>, vector<16xf32>,
        %add3A_1463 = arith.addf %add3A_1425, %get3A_1462 : vector<16xf32>
        %get3A_1464 = arith.index_cast %add3A_1439 : i32 to index
        %get3A_1465 = arith.constant 96 : index
        %get3A_1466 = tpu.vector_load %arg11[%get3A_1464, %get3A_1465] {strides = array<i32>} : memref<200x128xf32, #tpu.memory_space<vmem>>, vector<16xf32>,
        %add3A_1467 = arith.addf %add3A_1429, %get3A_1466 : vector<16xf32>
        %get3A_1468 = arith.index_cast %add3A_1439 : i32 to index
        %get3A_1469 = arith.constant 112 : index
        %get3A_1470 = tpu.vector_load %arg11[%get3A_1468, %get3A_1469] {strides = array<i32>} : memref<200x128xf32, #tpu.memory_space<vmem>>, vector<16xf32>,
        %add3A_1471 = arith.addf %add3A_1433, %get3A_1470 : vector<16xf32>
        %mul3A_1472 = arith.constant 8 : i32
        %mul3A_1473 = arith.muli %scan3A_1197, %mul3A_1472 : i32
        %add3A_1474 = arith.constant 0 : i32
        %add3A_1475 = arith.addi %add3A_1474, %mul3A_1473 : i32
        %add3A_1476 = arith.constant 7 : i32
        %add3A_1477 = arith.addi %add3A_1475, %add3A_1476 : i32
        %get3A_1478 = arith.index_cast %add3A_1477 : i32 to index
        %get3A_1479 = arith.constant 0 : index
        %get3A_1480 = tpu.vector_load %arg11[%get3A_1478, %get3A_1479] {strides = array<i32>} : memref<200x128xf32, #tpu.memory_space<vmem>>, vector<16xf32>,
        %add3A_1481 = arith.addf %add3A_1443, %get3A_1480 : vector<16xf32>
        %get3A_1482 = arith.index_cast %add3A_1477 : i32 to index
        %get3A_1483 = arith.constant 16 : index
        %get3A_1484 = tpu.vector_load %arg11[%get3A_1482, %get3A_1483] {strides = array<i32>} : memref<200x128xf32, #tpu.memory_space<vmem>>, vector<16xf32>,
        %add3A_1485 = arith.addf %add3A_1447, %get3A_1484 : vector<16xf32>
        %get3A_1486 = arith.index_cast %add3A_1477 : i32 to index
        %get3A_1487 = arith.constant 32 : index
        %get3A_1488 = tpu.vector_load %arg11[%get3A_1486, %get3A_1487] {strides = array<i32>} : memref<200x128xf32, #tpu.memory_space<vmem>>, vector<16xf32>,
        %add3A_1489 = arith.addf %add3A_1451, %get3A_1488 : vector<16xf32>
        %get3A_1490 = arith.index_cast %add3A_1477 : i32 to index
        %get3A_1491 = arith.constant 48 : index
        %get3A_1492 = tpu.vector_load %arg11[%get3A_1490, %get3A_1491] {strides = array<i32>} : memref<200x128xf32, #tpu.memory_space<vmem>>, vector<16xf32>,
        %add3A_1493 = arith.addf %add3A_1455, %get3A_1492 : vector<16xf32>
        %get3A_1494 = arith.index_cast %add3A_1477 : i32 to index
        %get3A_1495 = arith.constant 64 : index
        %get3A_1496 = tpu.vector_load %arg11[%get3A_1494, %get3A_1495] {strides = array<i32>} : memref<200x128xf32, #tpu.memory_space<vmem>>, vector<16xf32>,
        %add3A_1497 = arith.addf %add3A_1459, %get3A_1496 : vector<16xf32>
        %get3A_1498 = arith.index_cast %add3A_1477 : i32 to index
        %get3A_1499 = arith.constant 80 : index
        %get3A_1500 = tpu.vector_load %arg11[%get3A_1498, %get3A_1499] {strides = array<i32>} : memref<200x128xf32, #tpu.memory_space<vmem>>, vector<16xf32>,
        %add3A_1501 = arith.addf %add3A_1463, %get3A_1500 : vector<16xf32>
        %get3A_1502 = arith.index_cast %add3A_1477 : i32 to index
        %get3A_1503 = arith.constant 96 : index
        %get3A_1504 = tpu.vector_load %arg11[%get3A_1502, %get3A_1503] {strides = array<i32>} : memref<200x128xf32, #tpu.memory_space<vmem>>, vector<16xf32>,
        %add3A_1505 = arith.addf %add3A_1467, %get3A_1504 : vector<16xf32>
        %get3A_1506 = arith.index_cast %add3A_1477 : i32 to index
        %get3A_1507 = arith.constant 112 : index
        %get3A_1508 = tpu.vector_load %arg11[%get3A_1506, %get3A_1507] {strides = array<i32>} : memref<200x128xf32, #tpu.memory_space<vmem>>, vector<16xf32>,
        %add3A_1509 = arith.addf %add3A_1471, %get3A_1508 : vector<16xf32>
        scf.yield %add3A_1481, %add3A_1485, %add3A_1489, %add3A_1493, %add3A_1497, %add3A_1501, %add3A_1505, %add3A_1509 : vector<16xf32>, vector<16xf32>, vector<16xf32>, vector<16xf32>, vector<16xf32>, vector<16xf32>, vector<16xf32>, vector<16xf32>
      }
      %scan3A_994 = arith.constant 13 : i32
      %dma_wait3A_995 = arith.constant 104 : i32
      %dma_wait3A_996 = arith.constant 0 : i32
      %dma_wait3A_997 = tpu.memref_slice %arg11[%dma_wait3A_995, %dma_wait3A_996] : memref<200x128xf32, #tpu.memory_space<vmem>> -> memref<96x128xf32, #tpu.memory_space<vmem>>
      %dma_wait3A_998 = arith.constant 0 : i32
      %dma_wait3A_999 = arith.constant 0 : i32
      %dma_wait3A_1000 = tpu.memref_slice %arg3[%dma_wait3A_998, %dma_wait3A_999] : memref<1000000x128xf32, #tpu.memory_space<hbm>> -> memref<96x128xf32, #tpu.memory_space<hbm>>
      %dma_wait3A_1001 = arith.constant 104 : i32
      %dma_wait3A_1002 = arith.constant 0 : i32
      %dma_wait3A_1003 = tpu.memref_slice %arg11[%dma_wait3A_1001, %dma_wait3A_1002] : memref<200x128xf32, #tpu.memory_space<vmem>> -> memref<96x128xf32, #tpu.memory_space<vmem>>
      %dma_wait3A_1004 = arith.constant 0 : i32
      %dma_wait3A_1005 = arith.constant 0 : i32
      %dma_wait3A_1006 = tpu.memref_slice %arg3[%dma_wait3A_1004, %dma_wait3A_1005] : memref<1000000x128xf32, #tpu.memory_space<hbm>> -> memref<96x128xf32, #tpu.memory_space<hbm>>
      tpu.wait_dma2 semaphore(%arg21 : memref<!tpu.dma_semaphore, #tpu.memory_space<semaphore_mem>>) src(%dma_wait3A_1006 : memref<96x128xf32, #tpu.memory_space<hbm>>) dst(%dma_wait3A_1003 : memref<96x128xf32, #tpu.memory_space<vmem>>)
      %scan3A_1007 = arith.constant 0 : i32
      %scan3A_1008 = arith.constant 12 : i32
      %scan3A_1009 = arith.addi %scan3A_1007, %scan3A_1008 : i32
      %scan3A_1010 = arith.constant 1 : i32
      %scan3A_1011:8 = scf.for %scan3A_1197 = %scan3A_1007 to %scan3A_1009 step %scan3A_1010 iter_args(%scan3A_1198 = %scan3A_993#0, %scan3A_1199 = %scan3A_993#1, %scan3A_1200 = %scan3A_993#2, %scan3A_1201 = %scan3A_993#3, %scan3A_1202 = %scan3A_993#4, %scan3A_1203 = %scan3A_993#5, %scan3A_1204 = %scan3A_993#6, %scan3A_1205 = %scan3A_993#7) -> (vector<16xf32>, vector<16xf32>, vector<16xf32>, vector<16xf32>, vector<16xf32>, vector<16xf32>, vector<16xf32>, vector<16xf32>)  : i32 {
        %mul3A_1206 = arith.constant 8 : i32
        %mul3A_1207 = arith.muli %scan3A_1197, %mul3A_1206 : i32
        %add3A_1208 = arith.constant 104 : i32
        %add3A_1209 = arith.addi %add3A_1208, %mul3A_1207 : i32
        %add3A_1210 = arith.constant 0 : i32
        %add3A_1211 = arith.addi %add3A_1209, %add3A_1210 : i32
        %get3A_1212 = arith.index_cast %add3A_1211 : i32 to index
        %get3A_1213 = arith.constant 0 : index
        %get3A_1214 = tpu.vector_load %arg11[%get3A_1212, %get3A_1213] {strides = array<i32>} : memref<200x128xf32, #tpu.memory_space<vmem>>, vector<16xf32>,
        %add3A_1215 = arith.addf %scan3A_1198, %get3A_1214 : vector<16xf32>
        %get3A_1216 = arith.index_cast %add3A_1211 : i32 to index
        %get3A_1217 = arith.constant 16 : index
        %get3A_1218 = tpu.vector_load %arg11[%get3A_1216, %get3A_1217] {strides = array<i32>} : memref<200x128xf32, #tpu.memory_space<vmem>>, vector<16xf32>,
        %add3A_1219 = arith.addf %scan3A_1199, %get3A_1218 : vector<16xf32>
        %get3A_1220 = arith.index_cast %add3A_1211 : i32 to index
        %get3A_1221 = arith.constant 32 : index
        %get3A_1222 = tpu.vector_load %arg11[%get3A_1220, %get3A_1221] {strides = array<i32>} : memref<200x128xf32, #tpu.memory_space<vmem>>, vector<16xf32>,
        %add3A_1223 = arith.addf %scan3A_1200, %get3A_1222 : vector<16xf32>
        %get3A_1224 = arith.index_cast %add3A_1211 : i32 to index
        %get3A_1225 = arith.constant 48 : index
        %get3A_1226 = tpu.vector_load %arg11[%get3A_1224, %get3A_1225] {strides = array<i32>} : memref<200x128xf32, #tpu.memory_space<vmem>>, vector<16xf32>,
        %add3A_1227 = arith.addf %scan3A_1201, %get3A_1226 : vector<16xf32>
        %get3A_1228 = arith.index_cast %add3A_1211 : i32 to index
        %get3A_1229 = arith.constant 64 : index
        %get3A_1230 = tpu.vector_load %arg11[%get3A_1228, %get3A_1229] {strides = array<i32>} : memref<200x128xf32, #tpu.memory_space<vmem>>, vector<16xf32>,
        %add3A_1231 = arith.addf %scan3A_1202, %get3A_1230 : vector<16xf32>
        %get3A_1232 = arith.index_cast %add3A_1211 : i32 to index
        %get3A_1233 = arith.constant 80 : index
        %get3A_1234 = tpu.vector_load %arg11[%get3A_1232, %get3A_1233] {strides = array<i32>} : memref<200x128xf32, #tpu.memory_space<vmem>>, vector<16xf32>,
        %add3A_1235 = arith.addf %scan3A_1203, %get3A_1234 : vector<16xf32>
        %get3A_1236 = arith.index_cast %add3A_1211 : i32 to index
        %get3A_1237 = arith.constant 96 : index
        %get3A_1238 = tpu.vector_load %arg11[%get3A_1236, %get3A_1237] {strides = array<i32>} : memref<200x128xf32, #tpu.memory_space<vmem>>, vector<16xf32>,
        %add3A_1239 = arith.addf %scan3A_1204, %get3A_1238 : vector<16xf32>
        %get3A_1240 = arith.index_cast %add3A_1211 : i32 to index
        %get3A_1241 = arith.constant 112 : index
        %get3A_1242 = tpu.vector_load %arg11[%get3A_1240, %get3A_1241] {strides = array<i32>} : memref<200x128xf32, #tpu.memory_space<vmem>>, vector<16xf32>,
        %add3A_1243 = arith.addf %scan3A_1205, %get3A_1242 : vector<16xf32>
        %mul3A_1244 = arith.constant 8 : i32
        %mul3A_1245 = arith.muli %scan3A_1197, %mul3A_1244 : i32
        %add3A_1246 = arith.constant 104 : i32
        %add3A_1247 = arith.addi %add3A_1246, %mul3A_1245 : i32
        %add3A_1248 = arith.constant 1 : i32
        %add3A_1249 = arith.addi %add3A_1247, %add3A_1248 : i32
        %get3A_1250 = arith.index_cast %add3A_1249 : i32 to index
        %get3A_1251 = arith.constant 0 : index
        %get3A_1252 = tpu.vector_load %arg11[%get3A_1250, %get3A_1251] {strides = array<i32>} : memref<200x128xf32, #tpu.memory_space<vmem>>, vector<16xf32>,
        %add3A_1253 = arith.addf %add3A_1215, %get3A_1252 : vector<16xf32>
        %get3A_1254 = arith.index_cast %add3A_1249 : i32 to index
        %get3A_1255 = arith.constant 16 : index
        %get3A_1256 = tpu.vector_load %arg11[%get3A_1254, %get3A_1255] {strides = array<i32>} : memref<200x128xf32, #tpu.memory_space<vmem>>, vector<16xf32>,
        %add3A_1257 = arith.addf %add3A_1219, %get3A_1256 : vector<16xf32>
        %get3A_1258 = arith.index_cast %add3A_1249 : i32 to index
        %get3A_1259 = arith.constant 32 : index
        %get3A_1260 = tpu.vector_load %arg11[%get3A_1258, %get3A_1259] {strides = array<i32>} : memref<200x128xf32, #tpu.memory_space<vmem>>, vector<16xf32>,
        %add3A_1261 = arith.addf %add3A_1223, %get3A_1260 : vector<16xf32>
        %get3A_1262 = arith.index_cast %add3A_1249 : i32 to index
        %get3A_1263 = arith.constant 48 : index
        %get3A_1264 = tpu.vector_load %arg11[%get3A_1262, %get3A_1263] {strides = array<i32>} : memref<200x128xf32, #tpu.memory_space<vmem>>, vector<16xf32>,
        %add3A_1265 = arith.addf %add3A_1227, %get3A_1264 : vector<16xf32>
        %get3A_1266 = arith.index_cast %add3A_1249 : i32 to index
        %get3A_1267 = arith.constant 64 : index
        %get3A_1268 = tpu.vector_load %arg11[%get3A_1266, %get3A_1267] {strides = array<i32>} : memref<200x128xf32, #tpu.memory_space<vmem>>, vector<16xf32>,
        %add3A_1269 = arith.addf %add3A_1231, %get3A_1268 : vector<16xf32>
        %get3A_1270 = arith.index_cast %add3A_1249 : i32 to index
        %get3A_1271 = arith.constant 80 : index
        %get3A_1272 = tpu.vector_load %arg11[%get3A_1270, %get3A_1271] {strides = array<i32>} : memref<200x128xf32, #tpu.memory_space<vmem>>, vector<16xf32>,
        %add3A_1273 = arith.addf %add3A_1235, %get3A_1272 : vector<16xf32>
        %get3A_1274 = arith.index_cast %add3A_1249 : i32 to index
        %get3A_1275 = arith.constant 96 : index
        %get3A_1276 = tpu.vector_load %arg11[%get3A_1274, %get3A_1275] {strides = array<i32>} : memref<200x128xf32, #tpu.memory_space<vmem>>, vector<16xf32>,
        %add3A_1277 = arith.addf %add3A_1239, %get3A_1276 : vector<16xf32>
        %get3A_1278 = arith.index_cast %add3A_1249 : i32 to index
        %get3A_1279 = arith.constant 112 : index
        %get3A_1280 = tpu.vector_load %arg11[%get3A_1278, %get3A_1279] {strides = array<i32>} : memref<200x128xf32, #tpu.memory_space<vmem>>, vector<16xf32>,
        %add3A_1281 = arith.addf %add3A_1243, %get3A_1280 : vector<16xf32>
        %mul3A_1282 = arith.constant 8 : i32
        %mul3A_1283 = arith.muli %scan3A_1197, %mul3A_1282 : i32
        %add3A_1284 = arith.constant 104 : i32
        %add3A_1285 = arith.addi %add3A_1284, %mul3A_1283 : i32
        %add3A_1286 = arith.constant 2 : i32
        %add3A_1287 = arith.addi %add3A_1285, %add3A_1286 : i32
        %get3A_1288 = arith.index_cast %add3A_1287 : i32 to index
        %get3A_1289 = arith.constant 0 : index
        %get3A_1290 = tpu.vector_load %arg11[%get3A_1288, %get3A_1289] {strides = array<i32>} : memref<200x128xf32, #tpu.memory_space<vmem>>, vector<16xf32>,
        %add3A_1291 = arith.addf %add3A_1253, %get3A_1290 : vector<16xf32>
        %get3A_1292 = arith.index_cast %add3A_1287 : i32 to index
        %get3A_1293 = arith.constant 16 : index
        %get3A_1294 = tpu.vector_load %arg11[%get3A_1292, %get3A_1293] {strides = array<i32>} : memref<200x128xf32, #tpu.memory_space<vmem>>, vector<16xf32>,
        %add3A_1295 = arith.addf %add3A_1257, %get3A_1294 : vector<16xf32>
        %get3A_1296 = arith.index_cast %add3A_1287 : i32 to index
        %get3A_1297 = arith.constant 32 : index
        %get3A_1298 = tpu.vector_load %arg11[%get3A_1296, %get3A_1297] {strides = array<i32>} : memref<200x128xf32, #tpu.memory_space<vmem>>, vector<16xf32>,
        %add3A_1299 = arith.addf %add3A_1261, %get3A_1298 : vector<16xf32>
        %get3A_1300 = arith.index_cast %add3A_1287 : i32 to index
        %get3A_1301 = arith.constant 48 : index
        %get3A_1302 = tpu.vector_load %arg11[%get3A_1300, %get3A_1301] {strides = array<i32>} : memref<200x128xf32, #tpu.memory_space<vmem>>, vector<16xf32>,
        %add3A_1303 = arith.addf %add3A_1265, %get3A_1302 : vector<16xf32>
        %get3A_1304 = arith.index_cast %add3A_1287 : i32 to index
        %get3A_1305 = arith.constant 64 : index
        %get3A_1306 = tpu.vector_load %arg11[%get3A_1304, %get3A_1305] {strides = array<i32>} : memref<200x128xf32, #tpu.memory_space<vmem>>, vector<16xf32>,
        %add3A_1307 = arith.addf %add3A_1269, %get3A_1306 : vector<16xf32>
        %get3A_1308 = arith.index_cast %add3A_1287 : i32 to index
        %get3A_1309 = arith.constant 80 : index
        %get3A_1310 = tpu.vector_load %arg11[%get3A_1308, %get3A_1309] {strides = array<i32>} : memref<200x128xf32, #tpu.memory_space<vmem>>, vector<16xf32>,
        %add3A_1311 = arith.addf %add3A_1273, %get3A_1310 : vector<16xf32>
        %get3A_1312 = arith.index_cast %add3A_1287 : i32 to index
        %get3A_1313 = arith.constant 96 : index
        %get3A_1314 = tpu.vector_load %arg11[%get3A_1312, %get3A_1313] {strides = array<i32>} : memref<200x128xf32, #tpu.memory_space<vmem>>, vector<16xf32>,
        %add3A_1315 = arith.addf %add3A_1277, %get3A_1314 : vector<16xf32>
        %get3A_1316 = arith.index_cast %add3A_1287 : i32 to index
        %get3A_1317 = arith.constant 112 : index
        %get3A_1318 = tpu.vector_load %arg11[%get3A_1316, %get3A_1317] {strides = array<i32>} : memref<200x128xf32, #tpu.memory_space<vmem>>, vector<16xf32>,
        %add3A_1319 = arith.addf %add3A_1281, %get3A_1318 : vector<16xf32>
        %mul3A_1320 = arith.constant 8 : i32
        %mul3A_1321 = arith.muli %scan3A_1197, %mul3A_1320 : i32
        %add3A_1322 = arith.constant 104 : i32
        %add3A_1323 = arith.addi %add3A_1322, %mul3A_1321 : i32
        %add3A_1324 = arith.constant 3 : i32
        %add3A_1325 = arith.addi %add3A_1323, %add3A_1324 : i32
        %get3A_1326 = arith.index_cast %add3A_1325 : i32 to index
        %get3A_1327 = arith.constant 0 : index
        %get3A_1328 = tpu.vector_load %arg11[%get3A_1326, %get3A_1327] {strides = array<i32>} : memref<200x128xf32, #tpu.memory_space<vmem>>, vector<16xf32>,
        %add3A_1329 = arith.addf %add3A_1291, %get3A_1328 : vector<16xf32>
        %get3A_1330 = arith.index_cast %add3A_1325 : i32 to index
        %get3A_1331 = arith.constant 16 : index
        %get3A_1332 = tpu.vector_load %arg11[%get3A_1330, %get3A_1331] {strides = array<i32>} : memref<200x128xf32, #tpu.memory_space<vmem>>, vector<16xf32>,
        %add3A_1333 = arith.addf %add3A_1295, %get3A_1332 : vector<16xf32>
        %get3A_1334 = arith.index_cast %add3A_1325 : i32 to index
        %get3A_1335 = arith.constant 32 : index
        %get3A_1336 = tpu.vector_load %arg11[%get3A_1334, %get3A_1335] {strides = array<i32>} : memref<200x128xf32, #tpu.memory_space<vmem>>, vector<16xf32>,
        %add3A_1337 = arith.addf %add3A_1299, %get3A_1336 : vector<16xf32>
        %get3A_1338 = arith.index_cast %add3A_1325 : i32 to index
        %get3A_1339 = arith.constant 48 : index
        %get3A_1340 = tpu.vector_load %arg11[%get3A_1338, %get3A_1339] {strides = array<i32>} : memref<200x128xf32, #tpu.memory_space<vmem>>, vector<16xf32>,
        %add3A_1341 = arith.addf %add3A_1303, %get3A_1340 : vector<16xf32>
        %get3A_1342 = arith.index_cast %add3A_1325 : i32 to index
        %get3A_1343 = arith.constant 64 : index
        %get3A_1344 = tpu.vector_load %arg11[%get3A_1342, %get3A_1343] {strides = array<i32>} : memref<200x128xf32, #tpu.memory_space<vmem>>, vector<16xf32>,
        %add3A_1345 = arith.addf %add3A_1307, %get3A_1344 : vector<16xf32>
        %get3A_1346 = arith.index_cast %add3A_1325 : i32 to index
        %get3A_1347 = arith.constant 80 : index
        %get3A_1348 = tpu.vector_load %arg11[%get3A_1346, %get3A_1347] {strides = array<i32>} : memref<200x128xf32, #tpu.memory_space<vmem>>, vector<16xf32>,
        %add3A_1349 = arith.addf %add3A_1311, %get3A_1348 : vector<16xf32>
        %get3A_1350 = arith.index_cast %add3A_1325 : i32 to index
        %get3A_1351 = arith.constant 96 : index
        %get3A_1352 = tpu.vector_load %arg11[%get3A_1350, %get3A_1351] {strides = array<i32>} : memref<200x128xf32, #tpu.memory_space<vmem>>, vector<16xf32>,
        %add3A_1353 = arith.addf %add3A_1315, %get3A_1352 : vector<16xf32>
        %get3A_1354 = arith.index_cast %add3A_1325 : i32 to index
        %get3A_1355 = arith.constant 112 : index
        %get3A_1356 = tpu.vector_load %arg11[%get3A_1354, %get3A_1355] {strides = array<i32>} : memref<200x128xf32, #tpu.memory_space<vmem>>, vector<16xf32>,
        %add3A_1357 = arith.addf %add3A_1319, %get3A_1356 : vector<16xf32>
        %mul3A_1358 = arith.constant 8 : i32
        %mul3A_1359 = arith.muli %scan3A_1197, %mul3A_1358 : i32
        %add3A_1360 = arith.constant 104 : i32
        %add3A_1361 = arith.addi %add3A_1360, %mul3A_1359 : i32
        %add3A_1362 = arith.constant 4 : i32
        %add3A_1363 = arith.addi %add3A_1361, %add3A_1362 : i32
        %get3A_1364 = arith.index_cast %add3A_1363 : i32 to index
        %get3A_1365 = arith.constant 0 : index
        %get3A_1366 = tpu.vector_load %arg11[%get3A_1364, %get3A_1365] {strides = array<i32>} : memref<200x128xf32, #tpu.memory_space<vmem>>, vector<16xf32>,
        %add3A_1367 = arith.addf %add3A_1329, %get3A_1366 : vector<16xf32>
        %get3A_1368 = arith.index_cast %add3A_1363 : i32 to index
        %get3A_1369 = arith.constant 16 : index
        %get3A_1370 = tpu.vector_load %arg11[%get3A_1368, %get3A_1369] {strides = array<i32>} : memref<200x128xf32, #tpu.memory_space<vmem>>, vector<16xf32>,
        %add3A_1371 = arith.addf %add3A_1333, %get3A_1370 : vector<16xf32>
        %get3A_1372 = arith.index_cast %add3A_1363 : i32 to index
        %get3A_1373 = arith.constant 32 : index
        %get3A_1374 = tpu.vector_load %arg11[%get3A_1372, %get3A_1373] {strides = array<i32>} : memref<200x128xf32, #tpu.memory_space<vmem>>, vector<16xf32>,
        %add3A_1375 = arith.addf %add3A_1337, %get3A_1374 : vector<16xf32>
        %get3A_1376 = arith.index_cast %add3A_1363 : i32 to index
        %get3A_1377 = arith.constant 48 : index
        %get3A_1378 = tpu.vector_load %arg11[%get3A_1376, %get3A_1377] {strides = array<i32>} : memref<200x128xf32, #tpu.memory_space<vmem>>, vector<16xf32>,
        %add3A_1379 = arith.addf %add3A_1341, %get3A_1378 : vector<16xf32>
        %get3A_1380 = arith.index_cast %add3A_1363 : i32 to index
        %get3A_1381 = arith.constant 64 : index
        %get3A_1382 = tpu.vector_load %arg11[%get3A_1380, %get3A_1381] {strides = array<i32>} : memref<200x128xf32, #tpu.memory_space<vmem>>, vector<16xf32>,
        %add3A_1383 = arith.addf %add3A_1345, %get3A_1382 : vector<16xf32>
        %get3A_1384 = arith.index_cast %add3A_1363 : i32 to index
        %get3A_1385 = arith.constant 80 : index
        %get3A_1386 = tpu.vector_load %arg11[%get3A_1384, %get3A_1385] {strides = array<i32>} : memref<200x128xf32, #tpu.memory_space<vmem>>, vector<16xf32>,
        %add3A_1387 = arith.addf %add3A_1349, %get3A_1386 : vector<16xf32>
        %get3A_1388 = arith.index_cast %add3A_1363 : i32 to index
        %get3A_1389 = arith.constant 96 : index
        %get3A_1390 = tpu.vector_load %arg11[%get3A_1388, %get3A_1389] {strides = array<i32>} : memref<200x128xf32, #tpu.memory_space<vmem>>, vector<16xf32>,
        %add3A_1391 = arith.addf %add3A_1353, %get3A_1390 : vector<16xf32>
        %get3A_1392 = arith.index_cast %add3A_1363 : i32 to index
        %get3A_1393 = arith.constant 112 : index
        %get3A_1394 = tpu.vector_load %arg11[%get3A_1392, %get3A_1393] {strides = array<i32>} : memref<200x128xf32, #tpu.memory_space<vmem>>, vector<16xf32>,
        %add3A_1395 = arith.addf %add3A_1357, %get3A_1394 : vector<16xf32>
        %mul3A_1396 = arith.constant 8 : i32
        %mul3A_1397 = arith.muli %scan3A_1197, %mul3A_1396 : i32
        %add3A_1398 = arith.constant 104 : i32
        %add3A_1399 = arith.addi %add3A_1398, %mul3A_1397 : i32
        %add3A_1400 = arith.constant 5 : i32
        %add3A_1401 = arith.addi %add3A_1399, %add3A_1400 : i32
        %get3A_1402 = arith.index_cast %add3A_1401 : i32 to index
        %get3A_1403 = arith.constant 0 : index
        %get3A_1404 = tpu.vector_load %arg11[%get3A_1402, %get3A_1403] {strides = array<i32>} : memref<200x128xf32, #tpu.memory_space<vmem>>, vector<16xf32>,
        %add3A_1405 = arith.addf %add3A_1367, %get3A_1404 : vector<16xf32>
        %get3A_1406 = arith.index_cast %add3A_1401 : i32 to index
        %get3A_1407 = arith.constant 16 : index
        %get3A_1408 = tpu.vector_load %arg11[%get3A_1406, %get3A_1407] {strides = array<i32>} : memref<200x128xf32, #tpu.memory_space<vmem>>, vector<16xf32>,
        %add3A_1409 = arith.addf %add3A_1371, %get3A_1408 : vector<16xf32>
        %get3A_1410 = arith.index_cast %add3A_1401 : i32 to index
        %get3A_1411 = arith.constant 32 : index
        %get3A_1412 = tpu.vector_load %arg11[%get3A_1410, %get3A_1411] {strides = array<i32>} : memref<200x128xf32, #tpu.memory_space<vmem>>, vector<16xf32>,
        %add3A_1413 = arith.addf %add3A_1375, %get3A_1412 : vector<16xf32>
        %get3A_1414 = arith.index_cast %add3A_1401 : i32 to index
        %get3A_1415 = arith.constant 48 : index
        %get3A_1416 = tpu.vector_load %arg11[%get3A_1414, %get3A_1415] {strides = array<i32>} : memref<200x128xf32, #tpu.memory_space<vmem>>, vector<16xf32>,
        %add3A_1417 = arith.addf %add3A_1379, %get3A_1416 : vector<16xf32>
        %get3A_1418 = arith.index_cast %add3A_1401 : i32 to index
        %get3A_1419 = arith.constant 64 : index
        %get3A_1420 = tpu.vector_load %arg11[%get3A_1418, %get3A_1419] {strides = array<i32>} : memref<200x128xf32, #tpu.memory_space<vmem>>, vector<16xf32>,
        %add3A_1421 = arith.addf %add3A_1383, %get3A_1420 : vector<16xf32>
        %get3A_1422 = arith.index_cast %add3A_1401 : i32 to index
        %get3A_1423 = arith.constant 80 : index
        %get3A_1424 = tpu.vector_load %arg11[%get3A_1422, %get3A_1423] {strides = array<i32>} : memref<200x128xf32, #tpu.memory_space<vmem>>, vector<16xf32>,
        %add3A_1425 = arith.addf %add3A_1387, %get3A_1424 : vector<16xf32>
        %get3A_1426 = arith.index_cast %add3A_1401 : i32 to index
        %get3A_1427 = arith.constant 96 : index
        %get3A_1428 = tpu.vector_load %arg11[%get3A_1426, %get3A_1427] {strides = array<i32>} : memref<200x128xf32, #tpu.memory_space<vmem>>, vector<16xf32>,
        %add3A_1429 = arith.addf %add3A_1391, %get3A_1428 : vector<16xf32>
        %get3A_1430 = arith.index_cast %add3A_1401 : i32 to index
        %get3A_1431 = arith.constant 112 : index
        %get3A_1432 = tpu.vector_load %arg11[%get3A_1430, %get3A_1431] {strides = array<i32>} : memref<200x128xf32, #tpu.memory_space<vmem>>, vector<16xf32>,
        %add3A_1433 = arith.addf %add3A_1395, %get3A_1432 : vector<16xf32>
        %mul3A_1434 = arith.constant 8 : i32
        %mul3A_1435 = arith.muli %scan3A_1197, %mul3A_1434 : i32
        %add3A_1436 = arith.constant 104 : i32
        %add3A_1437 = arith.addi %add3A_1436, %mul3A_1435 : i32
        %add3A_1438 = arith.constant 6 : i32
        %add3A_1439 = arith.addi %add3A_1437, %add3A_1438 : i32
        %get3A_1440 = arith.index_cast %add3A_1439 : i32 to index
        %get3A_1441 = arith.constant 0 : index
        %get3A_1442 = tpu.vector_load %arg11[%get3A_1440, %get3A_1441] {strides = array<i32>} : memref<200x128xf32, #tpu.memory_space<vmem>>, vector<16xf32>,
        %add3A_1443 = arith.addf %add3A_1405, %get3A_1442 : vector<16xf32>
        %get3A_1444 = arith.index_cast %add3A_1439 : i32 to index
        %get3A_1445 = arith.constant 16 : index
        %get3A_1446 = tpu.vector_load %arg11[%get3A_1444, %get3A_1445] {strides = array<i32>} : memref<200x128xf32, #tpu.memory_space<vmem>>, vector<16xf32>,
        %add3A_1447 = arith.addf %add3A_1409, %get3A_1446 : vector<16xf32>
        %get3A_1448 = arith.index_cast %add3A_1439 : i32 to index
        %get3A_1449 = arith.constant 32 : index
        %get3A_1450 = tpu.vector_load %arg11[%get3A_1448, %get3A_1449] {strides = array<i32>} : memref<200x128xf32, #tpu.memory_space<vmem>>, vector<16xf32>,
        %add3A_1451 = arith.addf %add3A_1413, %get3A_1450 : vector<16xf32>
        %get3A_1452 = arith.index_cast %add3A_1439 : i32 to index
        %get3A_1453 = arith.constant 48 : index
        %get3A_1454 = tpu.vector_load %arg11[%get3A_1452, %get3A_1453] {strides = array<i32>} : memref<200x128xf32, #tpu.memory_space<vmem>>, vector<16xf32>,
        %add3A_1455 = arith.addf %add3A_1417, %get3A_1454 : vector<16xf32>
        %get3A_1456 = arith.index_cast %add3A_1439 : i32 to index
        %get3A_1457 = arith.constant 64 : index
        %get3A_1458 = tpu.vector_load %arg11[%get3A_1456, %get3A_1457] {strides = array<i32>} : memref<200x128xf32, #tpu.memory_space<vmem>>, vector<16xf32>,
        %add3A_1459 = arith.addf %add3A_1421, %get3A_1458 : vector<16xf32>
        %get3A_1460 = arith.index_cast %add3A_1439 : i32 to index
        %get3A_1461 = arith.constant 80 : index
        %get3A_1462 = tpu.vector_load %arg11[%get3A_1460, %get3A_1461] {strides = array<i32>} : memref<200x128xf32, #tpu.memory_space<vmem>>, vector<16xf32>,
        %add3A_1463 = arith.addf %add3A_1425, %get3A_1462 : vector<16xf32>
        %get3A_1464 = arith.index_cast %add3A_1439 : i32 to index
        %get3A_1465 = arith.constant 96 : index
        %get3A_1466 = tpu.vector_load %arg11[%get3A_1464, %get3A_1465] {strides = array<i32>} : memref<200x128xf32, #tpu.memory_space<vmem>>, vector<16xf32>,
        %add3A_1467 = arith.addf %add3A_1429, %get3A_1466 : vector<16xf32>
        %get3A_1468 = arith.index_cast %add3A_1439 : i32 to index
        %get3A_1469 = arith.constant 112 : index
        %get3A_1470 = tpu.vector_load %arg11[%get3A_1468, %get3A_1469] {strides = array<i32>} : memref<200x128xf32, #tpu.memory_space<vmem>>, vector<16xf32>,
        %add3A_1471 = arith.addf %add3A_1433, %get3A_1470 : vector<16xf32>
        %mul3A_1472 = arith.constant 8 : i32
        %mul3A_1473 = arith.muli %scan3A_1197, %mul3A_1472 : i32
        %add3A_1474 = arith.constant 104 : i32
        %add3A_1475 = arith.addi %add3A_1474, %mul3A_1473 : i32
        %add3A_1476 = arith.constant 7 : i32
        %add3A_1477 = arith.addi %add3A_1475, %add3A_1476 : i32
        %get3A_1478 = arith.index_cast %add3A_1477 : i32 to index
        %get3A_1479 = arith.constant 0 : index
        %get3A_1480 = tpu.vector_load %arg11[%get3A_1478, %get3A_1479] {strides = array<i32>} : memref<200x128xf32, #tpu.memory_space<vmem>>, vector<16xf32>,
        %add3A_1481 = arith.addf %add3A_1443, %get3A_1480 : vector<16xf32>
        %get3A_1482 = arith.index_cast %add3A_1477 : i32 to index
        %get3A_1483 = arith.constant 16 : index
        %get3A_1484 = tpu.vector_load %arg11[%get3A_1482, %get3A_1483] {strides = array<i32>} : memref<200x128xf32, #tpu.memory_space<vmem>>, vector<16xf32>,
        %add3A_1485 = arith.addf %add3A_1447, %get3A_1484 : vector<16xf32>
        %get3A_1486 = arith.index_cast %add3A_1477 : i32 to index
        %get3A_1487 = arith.constant 32 : index
        %get3A_1488 = tpu.vector_load %arg11[%get3A_1486, %get3A_1487] {strides = array<i32>} : memref<200x128xf32, #tpu.memory_space<vmem>>, vector<16xf32>,
        %add3A_1489 = arith.addf %add3A_1451, %get3A_1488 : vector<16xf32>
        %get3A_1490 = arith.index_cast %add3A_1477 : i32 to index
        %get3A_1491 = arith.constant 48 : index
        %get3A_1492 = tpu.vector_load %arg11[%get3A_1490, %get3A_1491] {strides = array<i32>} : memref<200x128xf32, #tpu.memory_space<vmem>>, vector<16xf32>,
        %add3A_1493 = arith.addf %add3A_1455, %get3A_1492 : vector<16xf32>
        %get3A_1494 = arith.index_cast %add3A_1477 : i32 to index
        %get3A_1495 = arith.constant 64 : index
        %get3A_1496 = tpu.vector_load %arg11[%get3A_1494, %get3A_1495] {strides = array<i32>} : memref<200x128xf32, #tpu.memory_space<vmem>>, vector<16xf32>,
        %add3A_1497 = arith.addf %add3A_1459, %get3A_1496 : vector<16xf32>
        %get3A_1498 = arith.index_cast %add3A_1477 : i32 to index
        %get3A_1499 = arith.constant 80 : index
        %get3A_1500 = tpu.vector_load %arg11[%get3A_1498, %get3A_1499] {strides = array<i32>} : memref<200x128xf32, #tpu.memory_space<vmem>>, vector<16xf32>,
        %add3A_1501 = arith.addf %add3A_1463, %get3A_1500 : vector<16xf32>
        %get3A_1502 = arith.index_cast %add3A_1477 : i32 to index
        %get3A_1503 = arith.constant 96 : index
        %get3A_1504 = tpu.vector_load %arg11[%get3A_1502, %get3A_1503] {strides = array<i32>} : memref<200x128xf32, #tpu.memory_space<vmem>>, vector<16xf32>,
        %add3A_1505 = arith.addf %add3A_1467, %get3A_1504 : vector<16xf32>
        %get3A_1506 = arith.index_cast %add3A_1477 : i32 to index
        %get3A_1507 = arith.constant 112 : index
        %get3A_1508 = tpu.vector_load %arg11[%get3A_1506, %get3A_1507] {strides = array<i32>} : memref<200x128xf32, #tpu.memory_space<vmem>>, vector<16xf32>,
        %add3A_1509 = arith.addf %add3A_1471, %get3A_1508 : vector<16xf32>
        scf.yield %add3A_1481, %add3A_1485, %add3A_1489, %add3A_1493, %add3A_1497, %add3A_1501, %add3A_1505, %add3A_1509 : vector<16xf32>, vector<16xf32>, vector<16xf32>, vector<16xf32>, vector<16xf32>, vector<16xf32>, vector<16xf32>, vector<16xf32>
      }
      %scan3A_1012 = arith.constant 12 : i32
      %mul3A_1013 = vector.broadcast %scan3A_40 : f32 to vector<16xf32>
      %mul3A_1014 = arith.mulf %scan3A_1011#0, %mul3A_1013 : vector<16xf32>
      %get3A_1015 = arith.constant 0 : index
      %get3A_1016 = tpu.vector_load %arg13[%get3A_1015] {strides = array<i32>} : memref<128xf32, #tpu.memory_space<vmem>>, vector<16xf32>,
      %add3A_1017 = arith.addf %mul3A_1014, %get3A_1016 : vector<16xf32>
      %max3A_1018 = arith.constant 0.000000e+00 : f32
      %max3A_1019 = vector.broadcast %max3A_1018 : f32 to vector<16xf32>
      %max3A_1020 = arith.maximumf %add3A_1017, %max3A_1019 : vector<16xf32>
      %get3A_1021 = arith.constant 0 : i32
      %get3A_1022 = arith.index_cast %get3A_1021 : i32 to index
      %get3A_1023 = arith.constant 0 : index
      %get3A_1024 = tpu.vector_load %arg14[%get3A_1022, %get3A_1023] {strides = array<i32>} : memref<2x128xf32, #tpu.memory_space<vmem>>, vector<16xf32>,
      %mul3A_1025 = arith.mulf %max3A_1020, %get3A_1024 : vector<16xf32>
      %add3A_1026 = arith.addf %broadcast_in_dim3A_976, %mul3A_1025 : vector<16xf32>
      %get3A_1027 = arith.constant 1 : i32
      %get3A_1028 = arith.index_cast %get3A_1027 : i32 to index
      %get3A_1029 = arith.constant 0 : index
      %get3A_1030 = tpu.vector_load %arg14[%get3A_1028, %get3A_1029] {strides = array<i32>} : memref<2x128xf32, #tpu.memory_space<vmem>>, vector<16xf32>,
      %mul3A_1031 = arith.mulf %max3A_1020, %get3A_1030 : vector<16xf32>
      %add3A_1032 = arith.addf %broadcast_in_dim3A_976, %mul3A_1031 : vector<16xf32>
      %mul3A_1033 = vector.broadcast %scan3A_40 : f32 to vector<16xf32>
      %mul3A_1034 = arith.mulf %scan3A_1011#1, %mul3A_1033 : vector<16xf32>
      %get3A_1035 = arith.constant 16 : index
      %get3A_1036 = tpu.vector_load %arg13[%get3A_1035] {strides = array<i32>} : memref<128xf32, #tpu.memory_space<vmem>>, vector<16xf32>,
      %add3A_1037 = arith.addf %mul3A_1034, %get3A_1036 : vector<16xf32>
      %max3A_1038 = arith.constant 0.000000e+00 : f32
      %max3A_1039 = vector.broadcast %max3A_1038 : f32 to vector<16xf32>
      %max3A_1040 = arith.maximumf %add3A_1037, %max3A_1039 : vector<16xf32>
      %get3A_1041 = arith.constant 0 : i32
      %get3A_1042 = arith.index_cast %get3A_1041 : i32 to index
      %get3A_1043 = arith.constant 16 : index
      %get3A_1044 = tpu.vector_load %arg14[%get3A_1042, %get3A_1043] {strides = array<i32>} : memref<2x128xf32, #tpu.memory_space<vmem>>, vector<16xf32>,
      %mul3A_1045 = arith.mulf %max3A_1040, %get3A_1044 : vector<16xf32>
      %add3A_1046 = arith.addf %add3A_1026, %mul3A_1045 : vector<16xf32>
      %get3A_1047 = arith.constant 1 : i32
      %get3A_1048 = arith.index_cast %get3A_1047 : i32 to index
      %get3A_1049 = arith.constant 16 : index
      %get3A_1050 = tpu.vector_load %arg14[%get3A_1048, %get3A_1049] {strides = array<i32>} : memref<2x128xf32, #tpu.memory_space<vmem>>, vector<16xf32>,
      %mul3A_1051 = arith.mulf %max3A_1040, %get3A_1050 : vector<16xf32>
      %add3A_1052 = arith.addf %add3A_1032, %mul3A_1051 : vector<16xf32>
      %mul3A_1053 = vector.broadcast %scan3A_40 : f32 to vector<16xf32>
      %mul3A_1054 = arith.mulf %scan3A_1011#2, %mul3A_1053 : vector<16xf32>
      %get3A_1055 = arith.constant 32 : index
      %get3A_1056 = tpu.vector_load %arg13[%get3A_1055] {strides = array<i32>} : memref<128xf32, #tpu.memory_space<vmem>>, vector<16xf32>,
      %add3A_1057 = arith.addf %mul3A_1054, %get3A_1056 : vector<16xf32>
      %max3A_1058 = arith.constant 0.000000e+00 : f32
      %max3A_1059 = vector.broadcast %max3A_1058 : f32 to vector<16xf32>
      %max3A_1060 = arith.maximumf %add3A_1057, %max3A_1059 : vector<16xf32>
      %get3A_1061 = arith.constant 0 : i32
      %get3A_1062 = arith.index_cast %get3A_1061 : i32 to index
      %get3A_1063 = arith.constant 32 : index
      %get3A_1064 = tpu.vector_load %arg14[%get3A_1062, %get3A_1063] {strides = array<i32>} : memref<2x128xf32, #tpu.memory_space<vmem>>, vector<16xf32>,
      %mul3A_1065 = arith.mulf %max3A_1060, %get3A_1064 : vector<16xf32>
      %add3A_1066 = arith.addf %add3A_1046, %mul3A_1065 : vector<16xf32>
      %get3A_1067 = arith.constant 1 : i32
      %get3A_1068 = arith.index_cast %get3A_1067 : i32 to index
      %get3A_1069 = arith.constant 32 : index
      %get3A_1070 = tpu.vector_load %arg14[%get3A_1068, %get3A_1069] {strides = array<i32>} : memref<2x128xf32, #tpu.memory_space<vmem>>, vector<16xf32>,
      %mul3A_1071 = arith.mulf %max3A_1060, %get3A_1070 : vector<16xf32>
      %add3A_1072 = arith.addf %add3A_1052, %mul3A_1071 : vector<16xf32>
      %mul3A_1073 = vector.broadcast %scan3A_40 : f32 to vector<16xf32>
      %mul3A_1074 = arith.mulf %scan3A_1011#3, %mul3A_1073 : vector<16xf32>
      %get3A_1075 = arith.constant 48 : index
      %get3A_1076 = tpu.vector_load %arg13[%get3A_1075] {strides = array<i32>} : memref<128xf32, #tpu.memory_space<vmem>>, vector<16xf32>,
      %add3A_1077 = arith.addf %mul3A_1074, %get3A_1076 : vector<16xf32>
      %max3A_1078 = arith.constant 0.000000e+00 : f32
      %max3A_1079 = vector.broadcast %max3A_1078 : f32 to vector<16xf32>
      %max3A_1080 = arith.maximumf %add3A_1077, %max3A_1079 : vector<16xf32>
      %get3A_1081 = arith.constant 0 : i32
      %get3A_1082 = arith.index_cast %get3A_1081 : i32 to index
      %get3A_1083 = arith.constant 48 : index
      %get3A_1084 = tpu.vector_load %arg14[%get3A_1082, %get3A_1083] {strides = array<i32>} : memref<2x128xf32, #tpu.memory_space<vmem>>, vector<16xf32>,
      %mul3A_1085 = arith.mulf %max3A_1080, %get3A_1084 : vector<16xf32>
      %add3A_1086 = arith.addf %add3A_1066, %mul3A_1085 : vector<16xf32>
      %get3A_1087 = arith.constant 1 : i32
      %get3A_1088 = arith.index_cast %get3A_1087 : i32 to index
      %get3A_1089 = arith.constant 48 : index
      %get3A_1090 = tpu.vector_load %arg14[%get3A_1088, %get3A_1089] {strides = array<i32>} : memref<2x128xf32, #tpu.memory_space<vmem>>, vector<16xf32>,
      %mul3A_1091 = arith.mulf %max3A_1080, %get3A_1090 : vector<16xf32>
      %add3A_1092 = arith.addf %add3A_1072, %mul3A_1091 : vector<16xf32>
      %mul3A_1093 = vector.broadcast %scan3A_40 : f32 to vector<16xf32>
      %mul3A_1094 = arith.mulf %scan3A_1011#4, %mul3A_1093 : vector<16xf32>
      %get3A_1095 = arith.constant 64 : index
      %get3A_1096 = tpu.vector_load %arg13[%get3A_1095] {strides = array<i32>} : memref<128xf32, #tpu.memory_space<vmem>>, vector<16xf32>,
      %add3A_1097 = arith.addf %mul3A_1094, %get3A_1096 : vector<16xf32>
      %max3A_1098 = arith.constant 0.000000e+00 : f32
      %max3A_1099 = vector.broadcast %max3A_1098 : f32 to vector<16xf32>
      %max3A_1100 = arith.maximumf %add3A_1097, %max3A_1099 : vector<16xf32>
      %get3A_1101 = arith.constant 0 : i32
      %get3A_1102 = arith.index_cast %get3A_1101 : i32 to index
      %get3A_1103 = arith.constant 64 : index
      %get3A_1104 = tpu.vector_load %arg14[%get3A_1102, %get3A_1103] {strides = array<i32>} : memref<2x128xf32, #tpu.memory_space<vmem>>, vector<16xf32>,
      %mul3A_1105 = arith.mulf %max3A_1100, %get3A_1104 : vector<16xf32>
      %add3A_1106 = arith.addf %add3A_1086, %mul3A_1105 : vector<16xf32>
      %get3A_1107 = arith.constant 1 : i32
      %get3A_1108 = arith.index_cast %get3A_1107 : i32 to index
      %get3A_1109 = arith.constant 64 : index
      %get3A_1110 = tpu.vector_load %arg14[%get3A_1108, %get3A_1109] {strides = array<i32>} : memref<2x128xf32, #tpu.memory_space<vmem>>, vector<16xf32>,
      %mul3A_1111 = arith.mulf %max3A_1100, %get3A_1110 : vector<16xf32>
      %add3A_1112 = arith.addf %add3A_1092, %mul3A_1111 : vector<16xf32>
      %mul3A_1113 = vector.broadcast %scan3A_40 : f32 to vector<16xf32>
      %mul3A_1114 = arith.mulf %scan3A_1011#5, %mul3A_1113 : vector<16xf32>
      %get3A_1115 = arith.constant 80 : index
      %get3A_1116 = tpu.vector_load %arg13[%get3A_1115] {strides = array<i32>} : memref<128xf32, #tpu.memory_space<vmem>>, vector<16xf32>,
      %add3A_1117 = arith.addf %mul3A_1114, %get3A_1116 : vector<16xf32>
      %max3A_1118 = arith.constant 0.000000e+00 : f32
      %max3A_1119 = vector.broadcast %max3A_1118 : f32 to vector<16xf32>
      %max3A_1120 = arith.maximumf %add3A_1117, %max3A_1119 : vector<16xf32>
      %get3A_1121 = arith.constant 0 : i32
      %get3A_1122 = arith.index_cast %get3A_1121 : i32 to index
      %get3A_1123 = arith.constant 80 : index
      %get3A_1124 = tpu.vector_load %arg14[%get3A_1122, %get3A_1123] {strides = array<i32>} : memref<2x128xf32, #tpu.memory_space<vmem>>, vector<16xf32>,
      %mul3A_1125 = arith.mulf %max3A_1120, %get3A_1124 : vector<16xf32>
      %add3A_1126 = arith.addf %add3A_1106, %mul3A_1125 : vector<16xf32>
      %get3A_1127 = arith.constant 1 : i32
      %get3A_1128 = arith.index_cast %get3A_1127 : i32 to index
      %get3A_1129 = arith.constant 80 : index
      %get3A_1130 = tpu.vector_load %arg14[%get3A_1128, %get3A_1129] {strides = array<i32>} : memref<2x128xf32, #tpu.memory_space<vmem>>, vector<16xf32>,
      %mul3A_1131 = arith.mulf %max3A_1120, %get3A_1130 : vector<16xf32>
      %add3A_1132 = arith.addf %add3A_1112, %mul3A_1131 : vector<16xf32>
      %mul3A_1133 = vector.broadcast %scan3A_40 : f32 to vector<16xf32>
      %mul3A_1134 = arith.mulf %scan3A_1011#6, %mul3A_1133 : vector<16xf32>
      %get3A_1135 = arith.constant 96 : index
      %get3A_1136 = tpu.vector_load %arg13[%get3A_1135] {strides = array<i32>} : memref<128xf32, #tpu.memory_space<vmem>>, vector<16xf32>,
      %add3A_1137 = arith.addf %mul3A_1134, %get3A_1136 : vector<16xf32>
      %max3A_1138 = arith.constant 0.000000e+00 : f32
      %max3A_1139 = vector.broadcast %max3A_1138 : f32 to vector<16xf32>
      %max3A_1140 = arith.maximumf %add3A_1137, %max3A_1139 : vector<16xf32>
      %get3A_1141 = arith.constant 0 : i32
      %get3A_1142 = arith.index_cast %get3A_1141 : i32 to index
      %get3A_1143 = arith.constant 96 : index
      %get3A_1144 = tpu.vector_load %arg14[%get3A_1142, %get3A_1143] {strides = array<i32>} : memref<2x128xf32, #tpu.memory_space<vmem>>, vector<16xf32>,
      %mul3A_1145 = arith.mulf %max3A_1140, %get3A_1144 : vector<16xf32>
      %add3A_1146 = arith.addf %add3A_1126, %mul3A_1145 : vector<16xf32>
      %get3A_1147 = arith.constant 1 : i32
      %get3A_1148 = arith.index_cast %get3A_1147 : i32 to index
      %get3A_1149 = arith.constant 96 : index
      %get3A_1150 = tpu.vector_load %arg14[%get3A_1148, %get3A_1149] {strides = array<i32>} : memref<2x128xf32, #tpu.memory_space<vmem>>, vector<16xf32>,
      %mul3A_1151 = arith.mulf %max3A_1140, %get3A_1150 : vector<16xf32>
      %add3A_1152 = arith.addf %add3A_1132, %mul3A_1151 : vector<16xf32>
      %mul3A_1153 = vector.broadcast %scan3A_40 : f32 to vector<16xf32>
      %mul3A_1154 = arith.mulf %scan3A_1011#7, %mul3A_1153 : vector<16xf32>
      %get3A_1155 = arith.constant 112 : index
      %get3A_1156 = tpu.vector_load %arg13[%get3A_1155] {strides = array<i32>} : memref<128xf32, #tpu.memory_space<vmem>>, vector<16xf32>,
      %add3A_1157 = arith.addf %mul3A_1154, %get3A_1156 : vector<16xf32>
      %max3A_1158 = arith.constant 0.000000e+00 : f32
      %max3A_1159 = vector.broadcast %max3A_1158 : f32 to vector<16xf32>
      %max3A_1160 = arith.maximumf %add3A_1157, %max3A_1159 : vector<16xf32>
      %get3A_1161 = arith.constant 0 : i32
      %get3A_1162 = arith.index_cast %get3A_1161 : i32 to index
      %get3A_1163 = arith.constant 112 : index
      %get3A_1164 = tpu.vector_load %arg14[%get3A_1162, %get3A_1163] {strides = array<i32>} : memref<2x128xf32, #tpu.memory_space<vmem>>, vector<16xf32>,
      %mul3A_1165 = arith.mulf %max3A_1160, %get3A_1164 : vector<16xf32>
      %add3A_1166 = arith.addf %add3A_1146, %mul3A_1165 : vector<16xf32>
      %get3A_1167 = arith.constant 1 : i32
      %get3A_1168 = arith.index_cast %get3A_1167 : i32 to index
      %get3A_1169 = arith.constant 112 : index
      %get3A_1170 = tpu.vector_load %arg14[%get3A_1168, %get3A_1169] {strides = array<i32>} : memref<2x128xf32, #tpu.memory_space<vmem>>, vector<16xf32>,
      %mul3A_1171 = arith.mulf %max3A_1160, %get3A_1170 : vector<16xf32>
      %add3A_1172 = arith.addf %add3A_1152, %mul3A_1171 : vector<16xf32>
      %reduce_sum3A_1173 = arith.constant true
      %reduce_sum3A_1174 = vector.broadcast %reduce_sum3A_1173 : i1 to vector<16xi1>
      %reduce_sum3A_1175 = tpu.scan <sum>, %add3A_1166 masked %reduce_sum3A_1174 : vector<16xf32>, vector<16xi1> -> vector<16xf32>
      %reduce_sum3A_1176 = vector.extract %reduce_sum3A_1175[15] : f32 from vector<16xf32>
      %reduce_sum3A_1177 = arith.constant true
      %reduce_sum3A_1178 = vector.broadcast %reduce_sum3A_1177 : i1 to vector<16xi1>
      %reduce_sum3A_1179 = tpu.scan <sum>, %add3A_1172 masked %reduce_sum3A_1178 : vector<16xf32>, vector<16xi1> -> vector<16xf32>
      %reduce_sum3A_1180 = vector.extract %reduce_sum3A_1179[15] : f32 from vector<16xf32>
      %eq3A_1181 = arith.constant 0 : i32
      %eq3A_1182 = vector.broadcast %eq3A_1181 : i32 to vector<16xi32>
      %eq3A_1183 = arith.cmpi eq, %iota3A, %eq3A_1182 : vector<16xi32>
      %eq3A_1184 = arith.constant 1 : i32
      %eq3A_1185 = vector.broadcast %eq3A_1184 : i32 to vector<16xi32>
      %eq3A_1186 = arith.cmpi eq, %iota3A, %eq3A_1185 : vector<16xi32>
      %jit3A_1187 = arith.constant 0.000000e+00 : f32
      %broadcast_in_dim3A_1188 = vector.broadcast %reduce_sum3A_1180 : f32 to vector<16xf32>
      %broadcast_in_dim3A_1189 = vector.broadcast %jit3A_1187 : f32 to vector<16xf32>
      %select_n3A_1190 = arith.select %eq3A_1186, %broadcast_in_dim3A_1188, %broadcast_in_dim3A_1189 : vector<16xi1>, vector<16xf32>
      %broadcast_in_dim3A_1191 = vector.broadcast %reduce_sum3A_1176 : f32 to vector<16xf32>
      %select_n3A_1192 = arith.select %eq3A_1183, %broadcast_in_dim3A_1191, %select_n3A_1190 : vector<16xi1>, vector<16xf32>
      %add3A_1193 = arith.addf %select_n3A_1192, %get3A_5 : vector<16xf32>
      %swap3A_1194 = arith.index_cast %add3A_967 : i32 to index
      %swap3A_1195 = arith.constant 0 : index
      %swap3A_1196 = tpu.vector_load %arg12[%swap3A_1194, %swap3A_1195] {strides = array<i32>} : memref<128x16xf32, #tpu.memory_space<vmem>>, vector<16xf32>,
      tpu.vector_store %arg12[%swap3A_1194, %swap3A_1195], %add3A_1193 {strides = array<i32>} : memref<128x16xf32, #tpu.memory_space<vmem>>, vector<16xf32>,
    }
    %scan3A_45 = arith.constant 42 : i32
    %broadcast_in_dim3A = arith.constant 0.000000e+00 : f32
    %broadcast_in_dim3A_46 = vector.broadcast %broadcast_in_dim3A : f32 to vector<16xf32>
    %dma_wait3A = arith.constant 0 : i32
    %dma_wait3A_47 = arith.constant 0 : i32
    %dma_wait3A_48 = tpu.memref_slice %arg9[%dma_wait3A, %dma_wait3A_47] : memref<200x128xf32, #tpu.memory_space<vmem>> -> memref<104x128xf32, #tpu.memory_space<vmem>>
    %dma_wait3A_49 = arith.constant 0 : i32
    %dma_wait3A_50 = arith.constant 0 : i32
    %dma_wait3A_51 = tpu.memref_slice %arg3[%dma_wait3A_49, %dma_wait3A_50] : memref<1000000x128xf32, #tpu.memory_space<hbm>> -> memref<104x128xf32, #tpu.memory_space<hbm>>
    %dma_wait3A_52 = arith.constant 0 : i32
    %dma_wait3A_53 = arith.constant 0 : i32
    %dma_wait3A_54 = tpu.memref_slice %arg9[%dma_wait3A_52, %dma_wait3A_53] : memref<200x128xf32, #tpu.memory_space<vmem>> -> memref<104x128xf32, #tpu.memory_space<vmem>>
    %dma_wait3A_55 = arith.constant 0 : i32
    %dma_wait3A_56 = arith.constant 0 : i32
    %dma_wait3A_57 = tpu.memref_slice %arg3[%dma_wait3A_55, %dma_wait3A_56] : memref<1000000x128xf32, #tpu.memory_space<hbm>> -> memref<104x128xf32, #tpu.memory_space<hbm>>
    tpu.wait_dma2 semaphore(%arg16 : memref<!tpu.dma_semaphore, #tpu.memory_space<semaphore_mem>>) src(%dma_wait3A_57 : memref<104x128xf32, #tpu.memory_space<hbm>>) dst(%dma_wait3A_54 : memref<104x128xf32, #tpu.memory_space<vmem>>)
    %scan3A_58 = arith.constant 0 : i32
    %scan3A_59 = arith.constant 13 : i32
    %scan3A_60 = arith.addi %scan3A_58, %scan3A_59 : i32
    %scan3A_61 = arith.constant 1 : i32
    %scan3A_62:8 = scf.for %scan3A_500 = %scan3A_58 to %scan3A_60 step %scan3A_61 iter_args(%scan3A_501 = %broadcast_in_dim3A_46, %scan3A_502 = %broadcast_in_dim3A_46, %scan3A_503 = %broadcast_in_dim3A_46, %scan3A_504 = %broadcast_in_dim3A_46, %scan3A_505 = %broadcast_in_dim3A_46, %scan3A_506 = %broadcast_in_dim3A_46, %scan3A_507 = %broadcast_in_dim3A_46, %scan3A_508 = %broadcast_in_dim3A_46) -> (vector<16xf32>, vector<16xf32>, vector<16xf32>, vector<16xf32>, vector<16xf32>, vector<16xf32>, vector<16xf32>, vector<16xf32>)  : i32 {
      %mul3A_509 = arith.constant 8 : i32
      %mul3A_510 = arith.muli %scan3A_500, %mul3A_509 : i32
      %add3A_511 = arith.constant 0 : i32
      %add3A_512 = arith.addi %add3A_511, %mul3A_510 : i32
      %add3A_513 = arith.constant 0 : i32
      %add3A_514 = arith.addi %add3A_512, %add3A_513 : i32
      %get3A_515 = arith.index_cast %add3A_514 : i32 to index
      %get3A_516 = arith.constant 0 : index
      %get3A_517 = tpu.vector_load %arg9[%get3A_515, %get3A_516] {strides = array<i32>} : memref<200x128xf32, #tpu.memory_space<vmem>>, vector<16xf32>,
      %add3A_518 = arith.addf %scan3A_501, %get3A_517 : vector<16xf32>
      %get3A_519 = arith.index_cast %add3A_514 : i32 to index
      %get3A_520 = arith.constant 16 : index
      %get3A_521 = tpu.vector_load %arg9[%get3A_519, %get3A_520] {strides = array<i32>} : memref<200x128xf32, #tpu.memory_space<vmem>>, vector<16xf32>,
      %add3A_522 = arith.addf %scan3A_502, %get3A_521 : vector<16xf32>
      %get3A_523 = arith.index_cast %add3A_514 : i32 to index
      %get3A_524 = arith.constant 32 : index
      %get3A_525 = tpu.vector_load %arg9[%get3A_523, %get3A_524] {strides = array<i32>} : memref<200x128xf32, #tpu.memory_space<vmem>>, vector<16xf32>,
      %add3A_526 = arith.addf %scan3A_503, %get3A_525 : vector<16xf32>
      %get3A_527 = arith.index_cast %add3A_514 : i32 to index
      %get3A_528 = arith.constant 48 : index
      %get3A_529 = tpu.vector_load %arg9[%get3A_527, %get3A_528] {strides = array<i32>} : memref<200x128xf32, #tpu.memory_space<vmem>>, vector<16xf32>,
      %add3A_530 = arith.addf %scan3A_504, %get3A_529 : vector<16xf32>
      %get3A_531 = arith.index_cast %add3A_514 : i32 to index
      %get3A_532 = arith.constant 64 : index
      %get3A_533 = tpu.vector_load %arg9[%get3A_531, %get3A_532] {strides = array<i32>} : memref<200x128xf32, #tpu.memory_space<vmem>>, vector<16xf32>,
      %add3A_534 = arith.addf %scan3A_505, %get3A_533 : vector<16xf32>
      %get3A_535 = arith.index_cast %add3A_514 : i32 to index
      %get3A_536 = arith.constant 80 : index
      %get3A_537 = tpu.vector_load %arg9[%get3A_535, %get3A_536] {strides = array<i32>} : memref<200x128xf32, #tpu.memory_space<vmem>>, vector<16xf32>,
      %add3A_538 = arith.addf %scan3A_506, %get3A_537 : vector<16xf32>
      %get3A_539 = arith.index_cast %add3A_514 : i32 to index
      %get3A_540 = arith.constant 96 : index
      %get3A_541 = tpu.vector_load %arg9[%get3A_539, %get3A_540] {strides = array<i32>} : memref<200x128xf32, #tpu.memory_space<vmem>>, vector<16xf32>,
      %add3A_542 = arith.addf %scan3A_507, %get3A_541 : vector<16xf32>
      %get3A_543 = arith.index_cast %add3A_514 : i32 to index
      %get3A_544 = arith.constant 112 : index
      %get3A_545 = tpu.vector_load %arg9[%get3A_543, %get3A_544] {strides = array<i32>} : memref<200x128xf32, #tpu.memory_space<vmem>>, vector<16xf32>,
      %add3A_546 = arith.addf %scan3A_508, %get3A_545 : vector<16xf32>
      %mul3A_547 = arith.constant 8 : i32
      %mul3A_548 = arith.muli %scan3A_500, %mul3A_547 : i32
      %add3A_549 = arith.constant 0 : i32
      %add3A_550 = arith.addi %add3A_549, %mul3A_548 : i32
      %add3A_551 = arith.constant 1 : i32
      %add3A_552 = arith.addi %add3A_550, %add3A_551 : i32
      %get3A_553 = arith.index_cast %add3A_552 : i32 to index
      %get3A_554 = arith.constant 0 : index
      %get3A_555 = tpu.vector_load %arg9[%get3A_553, %get3A_554] {strides = array<i32>} : memref<200x128xf32, #tpu.memory_space<vmem>>, vector<16xf32>,
      %add3A_556 = arith.addf %add3A_518, %get3A_555 : vector<16xf32>
      %get3A_557 = arith.index_cast %add3A_552 : i32 to index
      %get3A_558 = arith.constant 16 : index
      %get3A_559 = tpu.vector_load %arg9[%get3A_557, %get3A_558] {strides = array<i32>} : memref<200x128xf32, #tpu.memory_space<vmem>>, vector<16xf32>,
      %add3A_560 = arith.addf %add3A_522, %get3A_559 : vector<16xf32>
      %get3A_561 = arith.index_cast %add3A_552 : i32 to index
      %get3A_562 = arith.constant 32 : index
      %get3A_563 = tpu.vector_load %arg9[%get3A_561, %get3A_562] {strides = array<i32>} : memref<200x128xf32, #tpu.memory_space<vmem>>, vector<16xf32>,
      %add3A_564 = arith.addf %add3A_526, %get3A_563 : vector<16xf32>
      %get3A_565 = arith.index_cast %add3A_552 : i32 to index
      %get3A_566 = arith.constant 48 : index
      %get3A_567 = tpu.vector_load %arg9[%get3A_565, %get3A_566] {strides = array<i32>} : memref<200x128xf32, #tpu.memory_space<vmem>>, vector<16xf32>,
      %add3A_568 = arith.addf %add3A_530, %get3A_567 : vector<16xf32>
      %get3A_569 = arith.index_cast %add3A_552 : i32 to index
      %get3A_570 = arith.constant 64 : index
      %get3A_571 = tpu.vector_load %arg9[%get3A_569, %get3A_570] {strides = array<i32>} : memref<200x128xf32, #tpu.memory_space<vmem>>, vector<16xf32>,
      %add3A_572 = arith.addf %add3A_534, %get3A_571 : vector<16xf32>
      %get3A_573 = arith.index_cast %add3A_552 : i32 to index
      %get3A_574 = arith.constant 80 : index
      %get3A_575 = tpu.vector_load %arg9[%get3A_573, %get3A_574] {strides = array<i32>} : memref<200x128xf32, #tpu.memory_space<vmem>>, vector<16xf32>,
      %add3A_576 = arith.addf %add3A_538, %get3A_575 : vector<16xf32>
      %get3A_577 = arith.index_cast %add3A_552 : i32 to index
      %get3A_578 = arith.constant 96 : index
      %get3A_579 = tpu.vector_load %arg9[%get3A_577, %get3A_578] {strides = array<i32>} : memref<200x128xf32, #tpu.memory_space<vmem>>, vector<16xf32>,
      %add3A_580 = arith.addf %add3A_542, %get3A_579 : vector<16xf32>
      %get3A_581 = arith.index_cast %add3A_552 : i32 to index
      %get3A_582 = arith.constant 112 : index
      %get3A_583 = tpu.vector_load %arg9[%get3A_581, %get3A_582] {strides = array<i32>} : memref<200x128xf32, #tpu.memory_space<vmem>>, vector<16xf32>,
      %add3A_584 = arith.addf %add3A_546, %get3A_583 : vector<16xf32>
      %mul3A_585 = arith.constant 8 : i32
      %mul3A_586 = arith.muli %scan3A_500, %mul3A_585 : i32
      %add3A_587 = arith.constant 0 : i32
      %add3A_588 = arith.addi %add3A_587, %mul3A_586 : i32
      %add3A_589 = arith.constant 2 : i32
      %add3A_590 = arith.addi %add3A_588, %add3A_589 : i32
      %get3A_591 = arith.index_cast %add3A_590 : i32 to index
      %get3A_592 = arith.constant 0 : index
      %get3A_593 = tpu.vector_load %arg9[%get3A_591, %get3A_592] {strides = array<i32>} : memref<200x128xf32, #tpu.memory_space<vmem>>, vector<16xf32>,
      %add3A_594 = arith.addf %add3A_556, %get3A_593 : vector<16xf32>
      %get3A_595 = arith.index_cast %add3A_590 : i32 to index
      %get3A_596 = arith.constant 16 : index
      %get3A_597 = tpu.vector_load %arg9[%get3A_595, %get3A_596] {strides = array<i32>} : memref<200x128xf32, #tpu.memory_space<vmem>>, vector<16xf32>,
      %add3A_598 = arith.addf %add3A_560, %get3A_597 : vector<16xf32>
      %get3A_599 = arith.index_cast %add3A_590 : i32 to index
      %get3A_600 = arith.constant 32 : index
      %get3A_601 = tpu.vector_load %arg9[%get3A_599, %get3A_600] {strides = array<i32>} : memref<200x128xf32, #tpu.memory_space<vmem>>, vector<16xf32>,
      %add3A_602 = arith.addf %add3A_564, %get3A_601 : vector<16xf32>
      %get3A_603 = arith.index_cast %add3A_590 : i32 to index
      %get3A_604 = arith.constant 48 : index
      %get3A_605 = tpu.vector_load %arg9[%get3A_603, %get3A_604] {strides = array<i32>} : memref<200x128xf32, #tpu.memory_space<vmem>>, vector<16xf32>,
      %add3A_606 = arith.addf %add3A_568, %get3A_605 : vector<16xf32>
      %get3A_607 = arith.index_cast %add3A_590 : i32 to index
      %get3A_608 = arith.constant 64 : index
      %get3A_609 = tpu.vector_load %arg9[%get3A_607, %get3A_608] {strides = array<i32>} : memref<200x128xf32, #tpu.memory_space<vmem>>, vector<16xf32>,
      %add3A_610 = arith.addf %add3A_572, %get3A_609 : vector<16xf32>
      %get3A_611 = arith.index_cast %add3A_590 : i32 to index
      %get3A_612 = arith.constant 80 : index
      %get3A_613 = tpu.vector_load %arg9[%get3A_611, %get3A_612] {strides = array<i32>} : memref<200x128xf32, #tpu.memory_space<vmem>>, vector<16xf32>,
      %add3A_614 = arith.addf %add3A_576, %get3A_613 : vector<16xf32>
      %get3A_615 = arith.index_cast %add3A_590 : i32 to index
      %get3A_616 = arith.constant 96 : index
      %get3A_617 = tpu.vector_load %arg9[%get3A_615, %get3A_616] {strides = array<i32>} : memref<200x128xf32, #tpu.memory_space<vmem>>, vector<16xf32>,
      %add3A_618 = arith.addf %add3A_580, %get3A_617 : vector<16xf32>
      %get3A_619 = arith.index_cast %add3A_590 : i32 to index
      %get3A_620 = arith.constant 112 : index
      %get3A_621 = tpu.vector_load %arg9[%get3A_619, %get3A_620] {strides = array<i32>} : memref<200x128xf32, #tpu.memory_space<vmem>>, vector<16xf32>,
      %add3A_622 = arith.addf %add3A_584, %get3A_621 : vector<16xf32>
      %mul3A_623 = arith.constant 8 : i32
      %mul3A_624 = arith.muli %scan3A_500, %mul3A_623 : i32
      %add3A_625 = arith.constant 0 : i32
      %add3A_626 = arith.addi %add3A_625, %mul3A_624 : i32
      %add3A_627 = arith.constant 3 : i32
      %add3A_628 = arith.addi %add3A_626, %add3A_627 : i32
      %get3A_629 = arith.index_cast %add3A_628 : i32 to index
      %get3A_630 = arith.constant 0 : index
      %get3A_631 = tpu.vector_load %arg9[%get3A_629, %get3A_630] {strides = array<i32>} : memref<200x128xf32, #tpu.memory_space<vmem>>, vector<16xf32>,
      %add3A_632 = arith.addf %add3A_594, %get3A_631 : vector<16xf32>
      %get3A_633 = arith.index_cast %add3A_628 : i32 to index
      %get3A_634 = arith.constant 16 : index
      %get3A_635 = tpu.vector_load %arg9[%get3A_633, %get3A_634] {strides = array<i32>} : memref<200x128xf32, #tpu.memory_space<vmem>>, vector<16xf32>,
      %add3A_636 = arith.addf %add3A_598, %get3A_635 : vector<16xf32>
      %get3A_637 = arith.index_cast %add3A_628 : i32 to index
      %get3A_638 = arith.constant 32 : index
      %get3A_639 = tpu.vector_load %arg9[%get3A_637, %get3A_638] {strides = array<i32>} : memref<200x128xf32, #tpu.memory_space<vmem>>, vector<16xf32>,
      %add3A_640 = arith.addf %add3A_602, %get3A_639 : vector<16xf32>
      %get3A_641 = arith.index_cast %add3A_628 : i32 to index
      %get3A_642 = arith.constant 48 : index
      %get3A_643 = tpu.vector_load %arg9[%get3A_641, %get3A_642] {strides = array<i32>} : memref<200x128xf32, #tpu.memory_space<vmem>>, vector<16xf32>,
      %add3A_644 = arith.addf %add3A_606, %get3A_643 : vector<16xf32>
      %get3A_645 = arith.index_cast %add3A_628 : i32 to index
      %get3A_646 = arith.constant 64 : index
      %get3A_647 = tpu.vector_load %arg9[%get3A_645, %get3A_646] {strides = array<i32>} : memref<200x128xf32, #tpu.memory_space<vmem>>, vector<16xf32>,
      %add3A_648 = arith.addf %add3A_610, %get3A_647 : vector<16xf32>
      %get3A_649 = arith.index_cast %add3A_628 : i32 to index
      %get3A_650 = arith.constant 80 : index
      %get3A_651 = tpu.vector_load %arg9[%get3A_649, %get3A_650] {strides = array<i32>} : memref<200x128xf32, #tpu.memory_space<vmem>>, vector<16xf32>,
      %add3A_652 = arith.addf %add3A_614, %get3A_651 : vector<16xf32>
      %get3A_653 = arith.index_cast %add3A_628 : i32 to index
      %get3A_654 = arith.constant 96 : index
      %get3A_655 = tpu.vector_load %arg9[%get3A_653, %get3A_654] {strides = array<i32>} : memref<200x128xf32, #tpu.memory_space<vmem>>, vector<16xf32>,
      %add3A_656 = arith.addf %add3A_618, %get3A_655 : vector<16xf32>
      %get3A_657 = arith.index_cast %add3A_628 : i32 to index
      %get3A_658 = arith.constant 112 : index
      %get3A_659 = tpu.vector_load %arg9[%get3A_657, %get3A_658] {strides = array<i32>} : memref<200x128xf32, #tpu.memory_space<vmem>>, vector<16xf32>,
      %add3A_660 = arith.addf %add3A_622, %get3A_659 : vector<16xf32>
      %mul3A_661 = arith.constant 8 : i32
      %mul3A_662 = arith.muli %scan3A_500, %mul3A_661 : i32
      %add3A_663 = arith.constant 0 : i32
      %add3A_664 = arith.addi %add3A_663, %mul3A_662 : i32
      %add3A_665 = arith.constant 4 : i32
      %add3A_666 = arith.addi %add3A_664, %add3A_665 : i32
      %get3A_667 = arith.index_cast %add3A_666 : i32 to index
      %get3A_668 = arith.constant 0 : index
      %get3A_669 = tpu.vector_load %arg9[%get3A_667, %get3A_668] {strides = array<i32>} : memref<200x128xf32, #tpu.memory_space<vmem>>, vector<16xf32>,
      %add3A_670 = arith.addf %add3A_632, %get3A_669 : vector<16xf32>
      %get3A_671 = arith.index_cast %add3A_666 : i32 to index
      %get3A_672 = arith.constant 16 : index
      %get3A_673 = tpu.vector_load %arg9[%get3A_671, %get3A_672] {strides = array<i32>} : memref<200x128xf32, #tpu.memory_space<vmem>>, vector<16xf32>,
      %add3A_674 = arith.addf %add3A_636, %get3A_673 : vector<16xf32>
      %get3A_675 = arith.index_cast %add3A_666 : i32 to index
      %get3A_676 = arith.constant 32 : index
      %get3A_677 = tpu.vector_load %arg9[%get3A_675, %get3A_676] {strides = array<i32>} : memref<200x128xf32, #tpu.memory_space<vmem>>, vector<16xf32>,
      %add3A_678 = arith.addf %add3A_640, %get3A_677 : vector<16xf32>
      %get3A_679 = arith.index_cast %add3A_666 : i32 to index
      %get3A_680 = arith.constant 48 : index
      %get3A_681 = tpu.vector_load %arg9[%get3A_679, %get3A_680] {strides = array<i32>} : memref<200x128xf32, #tpu.memory_space<vmem>>, vector<16xf32>,
      %add3A_682 = arith.addf %add3A_644, %get3A_681 : vector<16xf32>
      %get3A_683 = arith.index_cast %add3A_666 : i32 to index
      %get3A_684 = arith.constant 64 : index
      %get3A_685 = tpu.vector_load %arg9[%get3A_683, %get3A_684] {strides = array<i32>} : memref<200x128xf32, #tpu.memory_space<vmem>>, vector<16xf32>,
      %add3A_686 = arith.addf %add3A_648, %get3A_685 : vector<16xf32>
      %get3A_687 = arith.index_cast %add3A_666 : i32 to index
      %get3A_688 = arith.constant 80 : index
      %get3A_689 = tpu.vector_load %arg9[%get3A_687, %get3A_688] {strides = array<i32>} : memref<200x128xf32, #tpu.memory_space<vmem>>, vector<16xf32>,
      %add3A_690 = arith.addf %add3A_652, %get3A_689 : vector<16xf32>
      %get3A_691 = arith.index_cast %add3A_666 : i32 to index
      %get3A_692 = arith.constant 96 : index
      %get3A_693 = tpu.vector_load %arg9[%get3A_691, %get3A_692] {strides = array<i32>} : memref<200x128xf32, #tpu.memory_space<vmem>>, vector<16xf32>,
      %add3A_694 = arith.addf %add3A_656, %get3A_693 : vector<16xf32>
      %get3A_695 = arith.index_cast %add3A_666 : i32 to index
      %get3A_696 = arith.constant 112 : index
      %get3A_697 = tpu.vector_load %arg9[%get3A_695, %get3A_696] {strides = array<i32>} : memref<200x128xf32, #tpu.memory_space<vmem>>, vector<16xf32>,
      %add3A_698 = arith.addf %add3A_660, %get3A_697 : vector<16xf32>
      %mul3A_699 = arith.constant 8 : i32
      %mul3A_700 = arith.muli %scan3A_500, %mul3A_699 : i32
      %add3A_701 = arith.constant 0 : i32
      %add3A_702 = arith.addi %add3A_701, %mul3A_700 : i32
      %add3A_703 = arith.constant 5 : i32
      %add3A_704 = arith.addi %add3A_702, %add3A_703 : i32
      %get3A_705 = arith.index_cast %add3A_704 : i32 to index
      %get3A_706 = arith.constant 0 : index
      %get3A_707 = tpu.vector_load %arg9[%get3A_705, %get3A_706] {strides = array<i32>} : memref<200x128xf32, #tpu.memory_space<vmem>>, vector<16xf32>,
      %add3A_708 = arith.addf %add3A_670, %get3A_707 : vector<16xf32>
      %get3A_709 = arith.index_cast %add3A_704 : i32 to index
      %get3A_710 = arith.constant 16 : index
      %get3A_711 = tpu.vector_load %arg9[%get3A_709, %get3A_710] {strides = array<i32>} : memref<200x128xf32, #tpu.memory_space<vmem>>, vector<16xf32>,
      %add3A_712 = arith.addf %add3A_674, %get3A_711 : vector<16xf32>
      %get3A_713 = arith.index_cast %add3A_704 : i32 to index
      %get3A_714 = arith.constant 32 : index
      %get3A_715 = tpu.vector_load %arg9[%get3A_713, %get3A_714] {strides = array<i32>} : memref<200x128xf32, #tpu.memory_space<vmem>>, vector<16xf32>,
      %add3A_716 = arith.addf %add3A_678, %get3A_715 : vector<16xf32>
      %get3A_717 = arith.index_cast %add3A_704 : i32 to index
      %get3A_718 = arith.constant 48 : index
      %get3A_719 = tpu.vector_load %arg9[%get3A_717, %get3A_718] {strides = array<i32>} : memref<200x128xf32, #tpu.memory_space<vmem>>, vector<16xf32>,
      %add3A_720 = arith.addf %add3A_682, %get3A_719 : vector<16xf32>
      %get3A_721 = arith.index_cast %add3A_704 : i32 to index
      %get3A_722 = arith.constant 64 : index
      %get3A_723 = tpu.vector_load %arg9[%get3A_721, %get3A_722] {strides = array<i32>} : memref<200x128xf32, #tpu.memory_space<vmem>>, vector<16xf32>,
      %add3A_724 = arith.addf %add3A_686, %get3A_723 : vector<16xf32>
      %get3A_725 = arith.index_cast %add3A_704 : i32 to index
      %get3A_726 = arith.constant 80 : index
      %get3A_727 = tpu.vector_load %arg9[%get3A_725, %get3A_726] {strides = array<i32>} : memref<200x128xf32, #tpu.memory_space<vmem>>, vector<16xf32>,
      %add3A_728 = arith.addf %add3A_690, %get3A_727 : vector<16xf32>
      %get3A_729 = arith.index_cast %add3A_704 : i32 to index
      %get3A_730 = arith.constant 96 : index
      %get3A_731 = tpu.vector_load %arg9[%get3A_729, %get3A_730] {strides = array<i32>} : memref<200x128xf32, #tpu.memory_space<vmem>>, vector<16xf32>,
      %add3A_732 = arith.addf %add3A_694, %get3A_731 : vector<16xf32>
      %get3A_733 = arith.index_cast %add3A_704 : i32 to index
      %get3A_734 = arith.constant 112 : index
      %get3A_735 = tpu.vector_load %arg9[%get3A_733, %get3A_734] {strides = array<i32>} : memref<200x128xf32, #tpu.memory_space<vmem>>, vector<16xf32>,
      %add3A_736 = arith.addf %add3A_698, %get3A_735 : vector<16xf32>
      %mul3A_737 = arith.constant 8 : i32
      %mul3A_738 = arith.muli %scan3A_500, %mul3A_737 : i32
      %add3A_739 = arith.constant 0 : i32
      %add3A_740 = arith.addi %add3A_739, %mul3A_738 : i32
      %add3A_741 = arith.constant 6 : i32
      %add3A_742 = arith.addi %add3A_740, %add3A_741 : i32
      %get3A_743 = arith.index_cast %add3A_742 : i32 to index
      %get3A_744 = arith.constant 0 : index
      %get3A_745 = tpu.vector_load %arg9[%get3A_743, %get3A_744] {strides = array<i32>} : memref<200x128xf32, #tpu.memory_space<vmem>>, vector<16xf32>,
      %add3A_746 = arith.addf %add3A_708, %get3A_745 : vector<16xf32>
      %get3A_747 = arith.index_cast %add3A_742 : i32 to index
      %get3A_748 = arith.constant 16 : index
      %get3A_749 = tpu.vector_load %arg9[%get3A_747, %get3A_748] {strides = array<i32>} : memref<200x128xf32, #tpu.memory_space<vmem>>, vector<16xf32>,
      %add3A_750 = arith.addf %add3A_712, %get3A_749 : vector<16xf32>
      %get3A_751 = arith.index_cast %add3A_742 : i32 to index
      %get3A_752 = arith.constant 32 : index
      %get3A_753 = tpu.vector_load %arg9[%get3A_751, %get3A_752] {strides = array<i32>} : memref<200x128xf32, #tpu.memory_space<vmem>>, vector<16xf32>,
      %add3A_754 = arith.addf %add3A_716, %get3A_753 : vector<16xf32>
      %get3A_755 = arith.index_cast %add3A_742 : i32 to index
      %get3A_756 = arith.constant 48 : index
      %get3A_757 = tpu.vector_load %arg9[%get3A_755, %get3A_756] {strides = array<i32>} : memref<200x128xf32, #tpu.memory_space<vmem>>, vector<16xf32>,
      %add3A_758 = arith.addf %add3A_720, %get3A_757 : vector<16xf32>
      %get3A_759 = arith.index_cast %add3A_742 : i32 to index
      %get3A_760 = arith.constant 64 : index
      %get3A_761 = tpu.vector_load %arg9[%get3A_759, %get3A_760] {strides = array<i32>} : memref<200x128xf32, #tpu.memory_space<vmem>>, vector<16xf32>,
      %add3A_762 = arith.addf %add3A_724, %get3A_761 : vector<16xf32>
      %get3A_763 = arith.index_cast %add3A_742 : i32 to index
      %get3A_764 = arith.constant 80 : index
      %get3A_765 = tpu.vector_load %arg9[%get3A_763, %get3A_764] {strides = array<i32>} : memref<200x128xf32, #tpu.memory_space<vmem>>, vector<16xf32>,
      %add3A_766 = arith.addf %add3A_728, %get3A_765 : vector<16xf32>
      %get3A_767 = arith.index_cast %add3A_742 : i32 to index
      %get3A_768 = arith.constant 96 : index
      %get3A_769 = tpu.vector_load %arg9[%get3A_767, %get3A_768] {strides = array<i32>} : memref<200x128xf32, #tpu.memory_space<vmem>>, vector<16xf32>,
      %add3A_770 = arith.addf %add3A_732, %get3A_769 : vector<16xf32>
      %get3A_771 = arith.index_cast %add3A_742 : i32 to index
      %get3A_772 = arith.constant 112 : index
      %get3A_773 = tpu.vector_load %arg9[%get3A_771, %get3A_772] {strides = array<i32>} : memref<200x128xf32, #tpu.memory_space<vmem>>, vector<16xf32>,
      %add3A_774 = arith.addf %add3A_736, %get3A_773 : vector<16xf32>
      %mul3A_775 = arith.constant 8 : i32
      %mul3A_776 = arith.muli %scan3A_500, %mul3A_775 : i32
      %add3A_777 = arith.constant 0 : i32
      %add3A_778 = arith.addi %add3A_777, %mul3A_776 : i32
      %add3A_779 = arith.constant 7 : i32
      %add3A_780 = arith.addi %add3A_778, %add3A_779 : i32
      %get3A_781 = arith.index_cast %add3A_780 : i32 to index
      %get3A_782 = arith.constant 0 : index
      %get3A_783 = tpu.vector_load %arg9[%get3A_781, %get3A_782] {strides = array<i32>} : memref<200x128xf32, #tpu.memory_space<vmem>>, vector<16xf32>,
      %add3A_784 = arith.addf %add3A_746, %get3A_783 : vector<16xf32>
      %get3A_785 = arith.index_cast %add3A_780 : i32 to index
      %get3A_786 = arith.constant 16 : index
      %get3A_787 = tpu.vector_load %arg9[%get3A_785, %get3A_786] {strides = array<i32>} : memref<200x128xf32, #tpu.memory_space<vmem>>, vector<16xf32>,
      %add3A_788 = arith.addf %add3A_750, %get3A_787 : vector<16xf32>
      %get3A_789 = arith.index_cast %add3A_780 : i32 to index
      %get3A_790 = arith.constant 32 : index
      %get3A_791 = tpu.vector_load %arg9[%get3A_789, %get3A_790] {strides = array<i32>} : memref<200x128xf32, #tpu.memory_space<vmem>>, vector<16xf32>,
      %add3A_792 = arith.addf %add3A_754, %get3A_791 : vector<16xf32>
      %get3A_793 = arith.index_cast %add3A_780 : i32 to index
      %get3A_794 = arith.constant 48 : index
      %get3A_795 = tpu.vector_load %arg9[%get3A_793, %get3A_794] {strides = array<i32>} : memref<200x128xf32, #tpu.memory_space<vmem>>, vector<16xf32>,
      %add3A_796 = arith.addf %add3A_758, %get3A_795 : vector<16xf32>
      %get3A_797 = arith.index_cast %add3A_780 : i32 to index
      %get3A_798 = arith.constant 64 : index
      %get3A_799 = tpu.vector_load %arg9[%get3A_797, %get3A_798] {strides = array<i32>} : memref<200x128xf32, #tpu.memory_space<vmem>>, vector<16xf32>,
      %add3A_800 = arith.addf %add3A_762, %get3A_799 : vector<16xf32>
      %get3A_801 = arith.index_cast %add3A_780 : i32 to index
      %get3A_802 = arith.constant 80 : index
      %get3A_803 = tpu.vector_load %arg9[%get3A_801, %get3A_802] {strides = array<i32>} : memref<200x128xf32, #tpu.memory_space<vmem>>, vector<16xf32>,
      %add3A_804 = arith.addf %add3A_766, %get3A_803 : vector<16xf32>
      %get3A_805 = arith.index_cast %add3A_780 : i32 to index
      %get3A_806 = arith.constant 96 : index
      %get3A_807 = tpu.vector_load %arg9[%get3A_805, %get3A_806] {strides = array<i32>} : memref<200x128xf32, #tpu.memory_space<vmem>>, vector<16xf32>,
      %add3A_808 = arith.addf %add3A_770, %get3A_807 : vector<16xf32>
      %get3A_809 = arith.index_cast %add3A_780 : i32 to index
      %get3A_810 = arith.constant 112 : index
      %get3A_811 = tpu.vector_load %arg9[%get3A_809, %get3A_810] {strides = array<i32>} : memref<200x128xf32, #tpu.memory_space<vmem>>, vector<16xf32>,
      %add3A_812 = arith.addf %add3A_774, %get3A_811 : vector<16xf32>
      scf.yield %add3A_784, %add3A_788, %add3A_792, %add3A_796, %add3A_800, %add3A_804, %add3A_808, %add3A_812 : vector<16xf32>, vector<16xf32>, vector<16xf32>, vector<16xf32>, vector<16xf32>, vector<16xf32>, vector<16xf32>, vector<16xf32>
    }
    %scan3A_63 = arith.constant 13 : i32
    %dma_wait3A_64 = arith.constant 104 : i32
    %dma_wait3A_65 = arith.constant 0 : i32
    %dma_wait3A_66 = tpu.memref_slice %arg9[%dma_wait3A_64, %dma_wait3A_65] : memref<200x128xf32, #tpu.memory_space<vmem>> -> memref<96x128xf32, #tpu.memory_space<vmem>>
    %dma_wait3A_67 = arith.constant 0 : i32
    %dma_wait3A_68 = arith.constant 0 : i32
    %dma_wait3A_69 = tpu.memref_slice %arg3[%dma_wait3A_67, %dma_wait3A_68] : memref<1000000x128xf32, #tpu.memory_space<hbm>> -> memref<96x128xf32, #tpu.memory_space<hbm>>
    %dma_wait3A_70 = arith.constant 104 : i32
    %dma_wait3A_71 = arith.constant 0 : i32
    %dma_wait3A_72 = tpu.memref_slice %arg9[%dma_wait3A_70, %dma_wait3A_71] : memref<200x128xf32, #tpu.memory_space<vmem>> -> memref<96x128xf32, #tpu.memory_space<vmem>>
    %dma_wait3A_73 = arith.constant 0 : i32
    %dma_wait3A_74 = arith.constant 0 : i32
    %dma_wait3A_75 = tpu.memref_slice %arg3[%dma_wait3A_73, %dma_wait3A_74] : memref<1000000x128xf32, #tpu.memory_space<hbm>> -> memref<96x128xf32, #tpu.memory_space<hbm>>
    tpu.wait_dma2 semaphore(%arg19 : memref<!tpu.dma_semaphore, #tpu.memory_space<semaphore_mem>>) src(%dma_wait3A_75 : memref<96x128xf32, #tpu.memory_space<hbm>>) dst(%dma_wait3A_72 : memref<96x128xf32, #tpu.memory_space<vmem>>)
    %scan3A_76 = arith.constant 0 : i32
    %scan3A_77 = arith.constant 12 : i32
    %scan3A_78 = arith.addi %scan3A_76, %scan3A_77 : i32
    %scan3A_79 = arith.constant 1 : i32
    %scan3A_80:8 = scf.for %scan3A_500 = %scan3A_76 to %scan3A_78 step %scan3A_79 iter_args(%scan3A_501 = %scan3A_62#0, %scan3A_502 = %scan3A_62#1, %scan3A_503 = %scan3A_62#2, %scan3A_504 = %scan3A_62#3, %scan3A_505 = %scan3A_62#4, %scan3A_506 = %scan3A_62#5, %scan3A_507 = %scan3A_62#6, %scan3A_508 = %scan3A_62#7) -> (vector<16xf32>, vector<16xf32>, vector<16xf32>, vector<16xf32>, vector<16xf32>, vector<16xf32>, vector<16xf32>, vector<16xf32>)  : i32 {
      %mul3A_509 = arith.constant 8 : i32
      %mul3A_510 = arith.muli %scan3A_500, %mul3A_509 : i32
      %add3A_511 = arith.constant 104 : i32
      %add3A_512 = arith.addi %add3A_511, %mul3A_510 : i32
      %add3A_513 = arith.constant 0 : i32
      %add3A_514 = arith.addi %add3A_512, %add3A_513 : i32
      %get3A_515 = arith.index_cast %add3A_514 : i32 to index
      %get3A_516 = arith.constant 0 : index
      %get3A_517 = tpu.vector_load %arg9[%get3A_515, %get3A_516] {strides = array<i32>} : memref<200x128xf32, #tpu.memory_space<vmem>>, vector<16xf32>,
      %add3A_518 = arith.addf %scan3A_501, %get3A_517 : vector<16xf32>
      %get3A_519 = arith.index_cast %add3A_514 : i32 to index
      %get3A_520 = arith.constant 16 : index
      %get3A_521 = tpu.vector_load %arg9[%get3A_519, %get3A_520] {strides = array<i32>} : memref<200x128xf32, #tpu.memory_space<vmem>>, vector<16xf32>,
      %add3A_522 = arith.addf %scan3A_502, %get3A_521 : vector<16xf32>
      %get3A_523 = arith.index_cast %add3A_514 : i32 to index
      %get3A_524 = arith.constant 32 : index
      %get3A_525 = tpu.vector_load %arg9[%get3A_523, %get3A_524] {strides = array<i32>} : memref<200x128xf32, #tpu.memory_space<vmem>>, vector<16xf32>,
      %add3A_526 = arith.addf %scan3A_503, %get3A_525 : vector<16xf32>
      %get3A_527 = arith.index_cast %add3A_514 : i32 to index
      %get3A_528 = arith.constant 48 : index
      %get3A_529 = tpu.vector_load %arg9[%get3A_527, %get3A_528] {strides = array<i32>} : memref<200x128xf32, #tpu.memory_space<vmem>>, vector<16xf32>,
      %add3A_530 = arith.addf %scan3A_504, %get3A_529 : vector<16xf32>
      %get3A_531 = arith.index_cast %add3A_514 : i32 to index
      %get3A_532 = arith.constant 64 : index
      %get3A_533 = tpu.vector_load %arg9[%get3A_531, %get3A_532] {strides = array<i32>} : memref<200x128xf32, #tpu.memory_space<vmem>>, vector<16xf32>,
      %add3A_534 = arith.addf %scan3A_505, %get3A_533 : vector<16xf32>
      %get3A_535 = arith.index_cast %add3A_514 : i32 to index
      %get3A_536 = arith.constant 80 : index
      %get3A_537 = tpu.vector_load %arg9[%get3A_535, %get3A_536] {strides = array<i32>} : memref<200x128xf32, #tpu.memory_space<vmem>>, vector<16xf32>,
      %add3A_538 = arith.addf %scan3A_506, %get3A_537 : vector<16xf32>
      %get3A_539 = arith.index_cast %add3A_514 : i32 to index
      %get3A_540 = arith.constant 96 : index
      %get3A_541 = tpu.vector_load %arg9[%get3A_539, %get3A_540] {strides = array<i32>} : memref<200x128xf32, #tpu.memory_space<vmem>>, vector<16xf32>,
      %add3A_542 = arith.addf %scan3A_507, %get3A_541 : vector<16xf32>
      %get3A_543 = arith.index_cast %add3A_514 : i32 to index
      %get3A_544 = arith.constant 112 : index
      %get3A_545 = tpu.vector_load %arg9[%get3A_543, %get3A_544] {strides = array<i32>} : memref<200x128xf32, #tpu.memory_space<vmem>>, vector<16xf32>,
      %add3A_546 = arith.addf %scan3A_508, %get3A_545 : vector<16xf32>
      %mul3A_547 = arith.constant 8 : i32
      %mul3A_548 = arith.muli %scan3A_500, %mul3A_547 : i32
      %add3A_549 = arith.constant 104 : i32
      %add3A_550 = arith.addi %add3A_549, %mul3A_548 : i32
      %add3A_551 = arith.constant 1 : i32
      %add3A_552 = arith.addi %add3A_550, %add3A_551 : i32
      %get3A_553 = arith.index_cast %add3A_552 : i32 to index
      %get3A_554 = arith.constant 0 : index
      %get3A_555 = tpu.vector_load %arg9[%get3A_553, %get3A_554] {strides = array<i32>} : memref<200x128xf32, #tpu.memory_space<vmem>>, vector<16xf32>,
      %add3A_556 = arith.addf %add3A_518, %get3A_555 : vector<16xf32>
      %get3A_557 = arith.index_cast %add3A_552 : i32 to index
      %get3A_558 = arith.constant 16 : index
      %get3A_559 = tpu.vector_load %arg9[%get3A_557, %get3A_558] {strides = array<i32>} : memref<200x128xf32, #tpu.memory_space<vmem>>, vector<16xf32>,
      %add3A_560 = arith.addf %add3A_522, %get3A_559 : vector<16xf32>
      %get3A_561 = arith.index_cast %add3A_552 : i32 to index
      %get3A_562 = arith.constant 32 : index
      %get3A_563 = tpu.vector_load %arg9[%get3A_561, %get3A_562] {strides = array<i32>} : memref<200x128xf32, #tpu.memory_space<vmem>>, vector<16xf32>,
      %add3A_564 = arith.addf %add3A_526, %get3A_563 : vector<16xf32>
      %get3A_565 = arith.index_cast %add3A_552 : i32 to index
      %get3A_566 = arith.constant 48 : index
      %get3A_567 = tpu.vector_load %arg9[%get3A_565, %get3A_566] {strides = array<i32>} : memref<200x128xf32, #tpu.memory_space<vmem>>, vector<16xf32>,
      %add3A_568 = arith.addf %add3A_530, %get3A_567 : vector<16xf32>
      %get3A_569 = arith.index_cast %add3A_552 : i32 to index
      %get3A_570 = arith.constant 64 : index
      %get3A_571 = tpu.vector_load %arg9[%get3A_569, %get3A_570] {strides = array<i32>} : memref<200x128xf32, #tpu.memory_space<vmem>>, vector<16xf32>,
      %add3A_572 = arith.addf %add3A_534, %get3A_571 : vector<16xf32>
      %get3A_573 = arith.index_cast %add3A_552 : i32 to index
      %get3A_574 = arith.constant 80 : index
      %get3A_575 = tpu.vector_load %arg9[%get3A_573, %get3A_574] {strides = array<i32>} : memref<200x128xf32, #tpu.memory_space<vmem>>, vector<16xf32>,
      %add3A_576 = arith.addf %add3A_538, %get3A_575 : vector<16xf32>
      %get3A_577 = arith.index_cast %add3A_552 : i32 to index
      %get3A_578 = arith.constant 96 : index
      %get3A_579 = tpu.vector_load %arg9[%get3A_577, %get3A_578] {strides = array<i32>} : memref<200x128xf32, #tpu.memory_space<vmem>>, vector<16xf32>,
      %add3A_580 = arith.addf %add3A_542, %get3A_579 : vector<16xf32>
      %get3A_581 = arith.index_cast %add3A_552 : i32 to index
      %get3A_582 = arith.constant 112 : index
      %get3A_583 = tpu.vector_load %arg9[%get3A_581, %get3A_582] {strides = array<i32>} : memref<200x128xf32, #tpu.memory_space<vmem>>, vector<16xf32>,
      %add3A_584 = arith.addf %add3A_546, %get3A_583 : vector<16xf32>
      %mul3A_585 = arith.constant 8 : i32
      %mul3A_586 = arith.muli %scan3A_500, %mul3A_585 : i32
      %add3A_587 = arith.constant 104 : i32
      %add3A_588 = arith.addi %add3A_587, %mul3A_586 : i32
      %add3A_589 = arith.constant 2 : i32
      %add3A_590 = arith.addi %add3A_588, %add3A_589 : i32
      %get3A_591 = arith.index_cast %add3A_590 : i32 to index
      %get3A_592 = arith.constant 0 : index
      %get3A_593 = tpu.vector_load %arg9[%get3A_591, %get3A_592] {strides = array<i32>} : memref<200x128xf32, #tpu.memory_space<vmem>>, vector<16xf32>,
      %add3A_594 = arith.addf %add3A_556, %get3A_593 : vector<16xf32>
      %get3A_595 = arith.index_cast %add3A_590 : i32 to index
      %get3A_596 = arith.constant 16 : index
      %get3A_597 = tpu.vector_load %arg9[%get3A_595, %get3A_596] {strides = array<i32>} : memref<200x128xf32, #tpu.memory_space<vmem>>, vector<16xf32>,
      %add3A_598 = arith.addf %add3A_560, %get3A_597 : vector<16xf32>
      %get3A_599 = arith.index_cast %add3A_590 : i32 to index
      %get3A_600 = arith.constant 32 : index
      %get3A_601 = tpu.vector_load %arg9[%get3A_599, %get3A_600] {strides = array<i32>} : memref<200x128xf32, #tpu.memory_space<vmem>>, vector<16xf32>,
      %add3A_602 = arith.addf %add3A_564, %get3A_601 : vector<16xf32>
      %get3A_603 = arith.index_cast %add3A_590 : i32 to index
      %get3A_604 = arith.constant 48 : index
      %get3A_605 = tpu.vector_load %arg9[%get3A_603, %get3A_604] {strides = array<i32>} : memref<200x128xf32, #tpu.memory_space<vmem>>, vector<16xf32>,
      %add3A_606 = arith.addf %add3A_568, %get3A_605 : vector<16xf32>
      %get3A_607 = arith.index_cast %add3A_590 : i32 to index
      %get3A_608 = arith.constant 64 : index
      %get3A_609 = tpu.vector_load %arg9[%get3A_607, %get3A_608] {strides = array<i32>} : memref<200x128xf32, #tpu.memory_space<vmem>>, vector<16xf32>,
      %add3A_610 = arith.addf %add3A_572, %get3A_609 : vector<16xf32>
      %get3A_611 = arith.index_cast %add3A_590 : i32 to index
      %get3A_612 = arith.constant 80 : index
      %get3A_613 = tpu.vector_load %arg9[%get3A_611, %get3A_612] {strides = array<i32>} : memref<200x128xf32, #tpu.memory_space<vmem>>, vector<16xf32>,
      %add3A_614 = arith.addf %add3A_576, %get3A_613 : vector<16xf32>
      %get3A_615 = arith.index_cast %add3A_590 : i32 to index
      %get3A_616 = arith.constant 96 : index
      %get3A_617 = tpu.vector_load %arg9[%get3A_615, %get3A_616] {strides = array<i32>} : memref<200x128xf32, #tpu.memory_space<vmem>>, vector<16xf32>,
      %add3A_618 = arith.addf %add3A_580, %get3A_617 : vector<16xf32>
      %get3A_619 = arith.index_cast %add3A_590 : i32 to index
      %get3A_620 = arith.constant 112 : index
      %get3A_621 = tpu.vector_load %arg9[%get3A_619, %get3A_620] {strides = array<i32>} : memref<200x128xf32, #tpu.memory_space<vmem>>, vector<16xf32>,
      %add3A_622 = arith.addf %add3A_584, %get3A_621 : vector<16xf32>
      %mul3A_623 = arith.constant 8 : i32
      %mul3A_624 = arith.muli %scan3A_500, %mul3A_623 : i32
      %add3A_625 = arith.constant 104 : i32
      %add3A_626 = arith.addi %add3A_625, %mul3A_624 : i32
      %add3A_627 = arith.constant 3 : i32
      %add3A_628 = arith.addi %add3A_626, %add3A_627 : i32
      %get3A_629 = arith.index_cast %add3A_628 : i32 to index
      %get3A_630 = arith.constant 0 : index
      %get3A_631 = tpu.vector_load %arg9[%get3A_629, %get3A_630] {strides = array<i32>} : memref<200x128xf32, #tpu.memory_space<vmem>>, vector<16xf32>,
      %add3A_632 = arith.addf %add3A_594, %get3A_631 : vector<16xf32>
      %get3A_633 = arith.index_cast %add3A_628 : i32 to index
      %get3A_634 = arith.constant 16 : index
      %get3A_635 = tpu.vector_load %arg9[%get3A_633, %get3A_634] {strides = array<i32>} : memref<200x128xf32, #tpu.memory_space<vmem>>, vector<16xf32>,
      %add3A_636 = arith.addf %add3A_598, %get3A_635 : vector<16xf32>
      %get3A_637 = arith.index_cast %add3A_628 : i32 to index
      %get3A_638 = arith.constant 32 : index
      %get3A_639 = tpu.vector_load %arg9[%get3A_637, %get3A_638] {strides = array<i32>} : memref<200x128xf32, #tpu.memory_space<vmem>>, vector<16xf32>,
      %add3A_640 = arith.addf %add3A_602, %get3A_639 : vector<16xf32>
      %get3A_641 = arith.index_cast %add3A_628 : i32 to index
      %get3A_642 = arith.constant 48 : index
      %get3A_643 = tpu.vector_load %arg9[%get3A_641, %get3A_642] {strides = array<i32>} : memref<200x128xf32, #tpu.memory_space<vmem>>, vector<16xf32>,
      %add3A_644 = arith.addf %add3A_606, %get3A_643 : vector<16xf32>
      %get3A_645 = arith.index_cast %add3A_628 : i32 to index
      %get3A_646 = arith.constant 64 : index
      %get3A_647 = tpu.vector_load %arg9[%get3A_645, %get3A_646] {strides = array<i32>} : memref<200x128xf32, #tpu.memory_space<vmem>>, vector<16xf32>,
      %add3A_648 = arith.addf %add3A_610, %get3A_647 : vector<16xf32>
      %get3A_649 = arith.index_cast %add3A_628 : i32 to index
      %get3A_650 = arith.constant 80 : index
      %get3A_651 = tpu.vector_load %arg9[%get3A_649, %get3A_650] {strides = array<i32>} : memref<200x128xf32, #tpu.memory_space<vmem>>, vector<16xf32>,
      %add3A_652 = arith.addf %add3A_614, %get3A_651 : vector<16xf32>
      %get3A_653 = arith.index_cast %add3A_628 : i32 to index
      %get3A_654 = arith.constant 96 : index
      %get3A_655 = tpu.vector_load %arg9[%get3A_653, %get3A_654] {strides = array<i32>} : memref<200x128xf32, #tpu.memory_space<vmem>>, vector<16xf32>,
      %add3A_656 = arith.addf %add3A_618, %get3A_655 : vector<16xf32>
      %get3A_657 = arith.index_cast %add3A_628 : i32 to index
      %get3A_658 = arith.constant 112 : index
      %get3A_659 = tpu.vector_load %arg9[%get3A_657, %get3A_658] {strides = array<i32>} : memref<200x128xf32, #tpu.memory_space<vmem>>, vector<16xf32>,
      %add3A_660 = arith.addf %add3A_622, %get3A_659 : vector<16xf32>
      %mul3A_661 = arith.constant 8 : i32
      %mul3A_662 = arith.muli %scan3A_500, %mul3A_661 : i32
      %add3A_663 = arith.constant 104 : i32
      %add3A_664 = arith.addi %add3A_663, %mul3A_662 : i32
      %add3A_665 = arith.constant 4 : i32
      %add3A_666 = arith.addi %add3A_664, %add3A_665 : i32
      %get3A_667 = arith.index_cast %add3A_666 : i32 to index
      %get3A_668 = arith.constant 0 : index
      %get3A_669 = tpu.vector_load %arg9[%get3A_667, %get3A_668] {strides = array<i32>} : memref<200x128xf32, #tpu.memory_space<vmem>>, vector<16xf32>,
      %add3A_670 = arith.addf %add3A_632, %get3A_669 : vector<16xf32>
      %get3A_671 = arith.index_cast %add3A_666 : i32 to index
      %get3A_672 = arith.constant 16 : index
      %get3A_673 = tpu.vector_load %arg9[%get3A_671, %get3A_672] {strides = array<i32>} : memref<200x128xf32, #tpu.memory_space<vmem>>, vector<16xf32>,
      %add3A_674 = arith.addf %add3A_636, %get3A_673 : vector<16xf32>
      %get3A_675 = arith.index_cast %add3A_666 : i32 to index
      %get3A_676 = arith.constant 32 : index
      %get3A_677 = tpu.vector_load %arg9[%get3A_675, %get3A_676] {strides = array<i32>} : memref<200x128xf32, #tpu.memory_space<vmem>>, vector<16xf32>,
      %add3A_678 = arith.addf %add3A_640, %get3A_677 : vector<16xf32>
      %get3A_679 = arith.index_cast %add3A_666 : i32 to index
      %get3A_680 = arith.constant 48 : index
      %get3A_681 = tpu.vector_load %arg9[%get3A_679, %get3A_680] {strides = array<i32>} : memref<200x128xf32, #tpu.memory_space<vmem>>, vector<16xf32>,
      %add3A_682 = arith.addf %add3A_644, %get3A_681 : vector<16xf32>
      %get3A_683 = arith.index_cast %add3A_666 : i32 to index
      %get3A_684 = arith.constant 64 : index
      %get3A_685 = tpu.vector_load %arg9[%get3A_683, %get3A_684] {strides = array<i32>} : memref<200x128xf32, #tpu.memory_space<vmem>>, vector<16xf32>,
      %add3A_686 = arith.addf %add3A_648, %get3A_685 : vector<16xf32>
      %get3A_687 = arith.index_cast %add3A_666 : i32 to index
      %get3A_688 = arith.constant 80 : index
      %get3A_689 = tpu.vector_load %arg9[%get3A_687, %get3A_688] {strides = array<i32>} : memref<200x128xf32, #tpu.memory_space<vmem>>, vector<16xf32>,
      %add3A_690 = arith.addf %add3A_652, %get3A_689 : vector<16xf32>
      %get3A_691 = arith.index_cast %add3A_666 : i32 to index
      %get3A_692 = arith.constant 96 : index
      %get3A_693 = tpu.vector_load %arg9[%get3A_691, %get3A_692] {strides = array<i32>} : memref<200x128xf32, #tpu.memory_space<vmem>>, vector<16xf32>,
      %add3A_694 = arith.addf %add3A_656, %get3A_693 : vector<16xf32>
      %get3A_695 = arith.index_cast %add3A_666 : i32 to index
      %get3A_696 = arith.constant 112 : index
      %get3A_697 = tpu.vector_load %arg9[%get3A_695, %get3A_696] {strides = array<i32>} : memref<200x128xf32, #tpu.memory_space<vmem>>, vector<16xf32>,
      %add3A_698 = arith.addf %add3A_660, %get3A_697 : vector<16xf32>
      %mul3A_699 = arith.constant 8 : i32
      %mul3A_700 = arith.muli %scan3A_500, %mul3A_699 : i32
      %add3A_701 = arith.constant 104 : i32
      %add3A_702 = arith.addi %add3A_701, %mul3A_700 : i32
      %add3A_703 = arith.constant 5 : i32
      %add3A_704 = arith.addi %add3A_702, %add3A_703 : i32
      %get3A_705 = arith.index_cast %add3A_704 : i32 to index
      %get3A_706 = arith.constant 0 : index
      %get3A_707 = tpu.vector_load %arg9[%get3A_705, %get3A_706] {strides = array<i32>} : memref<200x128xf32, #tpu.memory_space<vmem>>, vector<16xf32>,
      %add3A_708 = arith.addf %add3A_670, %get3A_707 : vector<16xf32>
      %get3A_709 = arith.index_cast %add3A_704 : i32 to index
      %get3A_710 = arith.constant 16 : index
      %get3A_711 = tpu.vector_load %arg9[%get3A_709, %get3A_710] {strides = array<i32>} : memref<200x128xf32, #tpu.memory_space<vmem>>, vector<16xf32>,
      %add3A_712 = arith.addf %add3A_674, %get3A_711 : vector<16xf32>
      %get3A_713 = arith.index_cast %add3A_704 : i32 to index
      %get3A_714 = arith.constant 32 : index
      %get3A_715 = tpu.vector_load %arg9[%get3A_713, %get3A_714] {strides = array<i32>} : memref<200x128xf32, #tpu.memory_space<vmem>>, vector<16xf32>,
      %add3A_716 = arith.addf %add3A_678, %get3A_715 : vector<16xf32>
      %get3A_717 = arith.index_cast %add3A_704 : i32 to index
      %get3A_718 = arith.constant 48 : index
      %get3A_719 = tpu.vector_load %arg9[%get3A_717, %get3A_718] {strides = array<i32>} : memref<200x128xf32, #tpu.memory_space<vmem>>, vector<16xf32>,
      %add3A_720 = arith.addf %add3A_682, %get3A_719 : vector<16xf32>
      %get3A_721 = arith.index_cast %add3A_704 : i32 to index
      %get3A_722 = arith.constant 64 : index
      %get3A_723 = tpu.vector_load %arg9[%get3A_721, %get3A_722] {strides = array<i32>} : memref<200x128xf32, #tpu.memory_space<vmem>>, vector<16xf32>,
      %add3A_724 = arith.addf %add3A_686, %get3A_723 : vector<16xf32>
      %get3A_725 = arith.index_cast %add3A_704 : i32 to index
      %get3A_726 = arith.constant 80 : index
      %get3A_727 = tpu.vector_load %arg9[%get3A_725, %get3A_726] {strides = array<i32>} : memref<200x128xf32, #tpu.memory_space<vmem>>, vector<16xf32>,
      %add3A_728 = arith.addf %add3A_690, %get3A_727 : vector<16xf32>
      %get3A_729 = arith.index_cast %add3A_704 : i32 to index
      %get3A_730 = arith.constant 96 : index
      %get3A_731 = tpu.vector_load %arg9[%get3A_729, %get3A_730] {strides = array<i32>} : memref<200x128xf32, #tpu.memory_space<vmem>>, vector<16xf32>,
      %add3A_732 = arith.addf %add3A_694, %get3A_731 : vector<16xf32>
      %get3A_733 = arith.index_cast %add3A_704 : i32 to index
      %get3A_734 = arith.constant 112 : index
      %get3A_735 = tpu.vector_load %arg9[%get3A_733, %get3A_734] {strides = array<i32>} : memref<200x128xf32, #tpu.memory_space<vmem>>, vector<16xf32>,
      %add3A_736 = arith.addf %add3A_698, %get3A_735 : vector<16xf32>
      %mul3A_737 = arith.constant 8 : i32
      %mul3A_738 = arith.muli %scan3A_500, %mul3A_737 : i32
      %add3A_739 = arith.constant 104 : i32
      %add3A_740 = arith.addi %add3A_739, %mul3A_738 : i32
      %add3A_741 = arith.constant 6 : i32
      %add3A_742 = arith.addi %add3A_740, %add3A_741 : i32
      %get3A_743 = arith.index_cast %add3A_742 : i32 to index
      %get3A_744 = arith.constant 0 : index
      %get3A_745 = tpu.vector_load %arg9[%get3A_743, %get3A_744] {strides = array<i32>} : memref<200x128xf32, #tpu.memory_space<vmem>>, vector<16xf32>,
      %add3A_746 = arith.addf %add3A_708, %get3A_745 : vector<16xf32>
      %get3A_747 = arith.index_cast %add3A_742 : i32 to index
      %get3A_748 = arith.constant 16 : index
      %get3A_749 = tpu.vector_load %arg9[%get3A_747, %get3A_748] {strides = array<i32>} : memref<200x128xf32, #tpu.memory_space<vmem>>, vector<16xf32>,
      %add3A_750 = arith.addf %add3A_712, %get3A_749 : vector<16xf32>
      %get3A_751 = arith.index_cast %add3A_742 : i32 to index
      %get3A_752 = arith.constant 32 : index
      %get3A_753 = tpu.vector_load %arg9[%get3A_751, %get3A_752] {strides = array<i32>} : memref<200x128xf32, #tpu.memory_space<vmem>>, vector<16xf32>,
      %add3A_754 = arith.addf %add3A_716, %get3A_753 : vector<16xf32>
      %get3A_755 = arith.index_cast %add3A_742 : i32 to index
      %get3A_756 = arith.constant 48 : index
      %get3A_757 = tpu.vector_load %arg9[%get3A_755, %get3A_756] {strides = array<i32>} : memref<200x128xf32, #tpu.memory_space<vmem>>, vector<16xf32>,
      %add3A_758 = arith.addf %add3A_720, %get3A_757 : vector<16xf32>
      %get3A_759 = arith.index_cast %add3A_742 : i32 to index
      %get3A_760 = arith.constant 64 : index
      %get3A_761 = tpu.vector_load %arg9[%get3A_759, %get3A_760] {strides = array<i32>} : memref<200x128xf32, #tpu.memory_space<vmem>>, vector<16xf32>,
      %add3A_762 = arith.addf %add3A_724, %get3A_761 : vector<16xf32>
      %get3A_763 = arith.index_cast %add3A_742 : i32 to index
      %get3A_764 = arith.constant 80 : index
      %get3A_765 = tpu.vector_load %arg9[%get3A_763, %get3A_764] {strides = array<i32>} : memref<200x128xf32, #tpu.memory_space<vmem>>, vector<16xf32>,
      %add3A_766 = arith.addf %add3A_728, %get3A_765 : vector<16xf32>
      %get3A_767 = arith.index_cast %add3A_742 : i32 to index
      %get3A_768 = arith.constant 96 : index
      %get3A_769 = tpu.vector_load %arg9[%get3A_767, %get3A_768] {strides = array<i32>} : memref<200x128xf32, #tpu.memory_space<vmem>>, vector<16xf32>,
      %add3A_770 = arith.addf %add3A_732, %get3A_769 : vector<16xf32>
      %get3A_771 = arith.index_cast %add3A_742 : i32 to index
      %get3A_772 = arith.constant 112 : index
      %get3A_773 = tpu.vector_load %arg9[%get3A_771, %get3A_772] {strides = array<i32>} : memref<200x128xf32, #tpu.memory_space<vmem>>, vector<16xf32>,
      %add3A_774 = arith.addf %add3A_736, %get3A_773 : vector<16xf32>
      %mul3A_775 = arith.constant 8 : i32
      %mul3A_776 = arith.muli %scan3A_500, %mul3A_775 : i32
      %add3A_777 = arith.constant 104 : i32
      %add3A_778 = arith.addi %add3A_777, %mul3A_776 : i32
      %add3A_779 = arith.constant 7 : i32
      %add3A_780 = arith.addi %add3A_778, %add3A_779 : i32
      %get3A_781 = arith.index_cast %add3A_780 : i32 to index
      %get3A_782 = arith.constant 0 : index
      %get3A_783 = tpu.vector_load %arg9[%get3A_781, %get3A_782] {strides = array<i32>} : memref<200x128xf32, #tpu.memory_space<vmem>>, vector<16xf32>,
      %add3A_784 = arith.addf %add3A_746, %get3A_783 : vector<16xf32>
      %get3A_785 = arith.index_cast %add3A_780 : i32 to index
      %get3A_786 = arith.constant 16 : index
      %get3A_787 = tpu.vector_load %arg9[%get3A_785, %get3A_786] {strides = array<i32>} : memref<200x128xf32, #tpu.memory_space<vmem>>, vector<16xf32>,
      %add3A_788 = arith.addf %add3A_750, %get3A_787 : vector<16xf32>
      %get3A_789 = arith.index_cast %add3A_780 : i32 to index
      %get3A_790 = arith.constant 32 : index
      %get3A_791 = tpu.vector_load %arg9[%get3A_789, %get3A_790] {strides = array<i32>} : memref<200x128xf32, #tpu.memory_space<vmem>>, vector<16xf32>,
      %add3A_792 = arith.addf %add3A_754, %get3A_791 : vector<16xf32>
      %get3A_793 = arith.index_cast %add3A_780 : i32 to index
      %get3A_794 = arith.constant 48 : index
      %get3A_795 = tpu.vector_load %arg9[%get3A_793, %get3A_794] {strides = array<i32>} : memref<200x128xf32, #tpu.memory_space<vmem>>, vector<16xf32>,
      %add3A_796 = arith.addf %add3A_758, %get3A_795 : vector<16xf32>
      %get3A_797 = arith.index_cast %add3A_780 : i32 to index
      %get3A_798 = arith.constant 64 : index
      %get3A_799 = tpu.vector_load %arg9[%get3A_797, %get3A_798] {strides = array<i32>} : memref<200x128xf32, #tpu.memory_space<vmem>>, vector<16xf32>,
      %add3A_800 = arith.addf %add3A_762, %get3A_799 : vector<16xf32>
      %get3A_801 = arith.index_cast %add3A_780 : i32 to index
      %get3A_802 = arith.constant 80 : index
      %get3A_803 = tpu.vector_load %arg9[%get3A_801, %get3A_802] {strides = array<i32>} : memref<200x128xf32, #tpu.memory_space<vmem>>, vector<16xf32>,
      %add3A_804 = arith.addf %add3A_766, %get3A_803 : vector<16xf32>
      %get3A_805 = arith.index_cast %add3A_780 : i32 to index
      %get3A_806 = arith.constant 96 : index
      %get3A_807 = tpu.vector_load %arg9[%get3A_805, %get3A_806] {strides = array<i32>} : memref<200x128xf32, #tpu.memory_space<vmem>>, vector<16xf32>,
      %add3A_808 = arith.addf %add3A_770, %get3A_807 : vector<16xf32>
      %get3A_809 = arith.index_cast %add3A_780 : i32 to index
      %get3A_810 = arith.constant 112 : index
      %get3A_811 = tpu.vector_load %arg9[%get3A_809, %get3A_810] {strides = array<i32>} : memref<200x128xf32, #tpu.memory_space<vmem>>, vector<16xf32>,
      %add3A_812 = arith.addf %add3A_774, %get3A_811 : vector<16xf32>
      scf.yield %add3A_784, %add3A_788, %add3A_792, %add3A_796, %add3A_800, %add3A_804, %add3A_808, %add3A_812 : vector<16xf32>, vector<16xf32>, vector<16xf32>, vector<16xf32>, vector<16xf32>, vector<16xf32>, vector<16xf32>, vector<16xf32>
    }
    %scan3A_81 = arith.constant 12 : i32
    %mul3A_82 = arith.constant 5.000000e-03 : f32
    %mul3A_83 = vector.broadcast %mul3A_82 : f32 to vector<16xf32>
    %mul3A_84 = arith.mulf %scan3A_80#0, %mul3A_83 : vector<16xf32>
    %get3A_85 = arith.constant 0 : index
    %get3A_86 = tpu.vector_load %arg13[%get3A_85] {strides = array<i32>} : memref<128xf32, #tpu.memory_space<vmem>>, vector<16xf32>,
    %add3A_87 = arith.addf %mul3A_84, %get3A_86 : vector<16xf32>
    %max3A = arith.constant 0.000000e+00 : f32
    %max3A_88 = vector.broadcast %max3A : f32 to vector<16xf32>
    %max3A_89 = arith.maximumf %add3A_87, %max3A_88 : vector<16xf32>
    %get3A_90 = arith.constant 0 : i32
    %get3A_91 = arith.index_cast %get3A_90 : i32 to index
    %get3A_92 = arith.constant 0 : index
    %get3A_93 = tpu.vector_load %arg14[%get3A_91, %get3A_92] {strides = array<i32>} : memref<2x128xf32, #tpu.memory_space<vmem>>, vector<16xf32>,
    %mul3A_94 = arith.mulf %max3A_89, %get3A_93 : vector<16xf32>
    %add3A_95 = arith.addf %broadcast_in_dim3A_46, %mul3A_94 : vector<16xf32>
    %get3A_96 = arith.constant 1 : i32
    %get3A_97 = arith.index_cast %get3A_96 : i32 to index
    %get3A_98 = arith.constant 0 : index
    %get3A_99 = tpu.vector_load %arg14[%get3A_97, %get3A_98] {strides = array<i32>} : memref<2x128xf32, #tpu.memory_space<vmem>>, vector<16xf32>,
    %mul3A_100 = arith.mulf %max3A_89, %get3A_99 : vector<16xf32>
    %add3A_101 = arith.addf %broadcast_in_dim3A_46, %mul3A_100 : vector<16xf32>
    %mul3A_102 = arith.constant 5.000000e-03 : f32
    %mul3A_103 = vector.broadcast %mul3A_102 : f32 to vector<16xf32>
    %mul3A_104 = arith.mulf %scan3A_80#1, %mul3A_103 : vector<16xf32>
    %get3A_105 = arith.constant 16 : index
    %get3A_106 = tpu.vector_load %arg13[%get3A_105] {strides = array<i32>} : memref<128xf32, #tpu.memory_space<vmem>>, vector<16xf32>,
    %add3A_107 = arith.addf %mul3A_104, %get3A_106 : vector<16xf32>
    %max3A_108 = arith.constant 0.000000e+00 : f32
    %max3A_109 = vector.broadcast %max3A_108 : f32 to vector<16xf32>
    %max3A_110 = arith.maximumf %add3A_107, %max3A_109 : vector<16xf32>
    %get3A_111 = arith.constant 0 : i32
    %get3A_112 = arith.index_cast %get3A_111 : i32 to index
    %get3A_113 = arith.constant 16 : index
    %get3A_114 = tpu.vector_load %arg14[%get3A_112, %get3A_113] {strides = array<i32>} : memref<2x128xf32, #tpu.memory_space<vmem>>, vector<16xf32>,
    %mul3A_115 = arith.mulf %max3A_110, %get3A_114 : vector<16xf32>
    %add3A_116 = arith.addf %add3A_95, %mul3A_115 : vector<16xf32>
    %get3A_117 = arith.constant 1 : i32
    %get3A_118 = arith.index_cast %get3A_117 : i32 to index
    %get3A_119 = arith.constant 16 : index
    %get3A_120 = tpu.vector_load %arg14[%get3A_118, %get3A_119] {strides = array<i32>} : memref<2x128xf32, #tpu.memory_space<vmem>>, vector<16xf32>,
    %mul3A_121 = arith.mulf %max3A_110, %get3A_120 : vector<16xf32>
    %add3A_122 = arith.addf %add3A_101, %mul3A_121 : vector<16xf32>
    %mul3A_123 = arith.constant 5.000000e-03 : f32
    %mul3A_124 = vector.broadcast %mul3A_123 : f32 to vector<16xf32>
    %mul3A_125 = arith.mulf %scan3A_80#2, %mul3A_124 : vector<16xf32>
    %get3A_126 = arith.constant 32 : index
    %get3A_127 = tpu.vector_load %arg13[%get3A_126] {strides = array<i32>} : memref<128xf32, #tpu.memory_space<vmem>>, vector<16xf32>,
    %add3A_128 = arith.addf %mul3A_125, %get3A_127 : vector<16xf32>
    %max3A_129 = arith.constant 0.000000e+00 : f32
    %max3A_130 = vector.broadcast %max3A_129 : f32 to vector<16xf32>
    %max3A_131 = arith.maximumf %add3A_128, %max3A_130 : vector<16xf32>
    %get3A_132 = arith.constant 0 : i32
    %get3A_133 = arith.index_cast %get3A_132 : i32 to index
    %get3A_134 = arith.constant 32 : index
    %get3A_135 = tpu.vector_load %arg14[%get3A_133, %get3A_134] {strides = array<i32>} : memref<2x128xf32, #tpu.memory_space<vmem>>, vector<16xf32>,
    %mul3A_136 = arith.mulf %max3A_131, %get3A_135 : vector<16xf32>
    %add3A_137 = arith.addf %add3A_116, %mul3A_136 : vector<16xf32>
    %get3A_138 = arith.constant 1 : i32
    %get3A_139 = arith.index_cast %get3A_138 : i32 to index
    %get3A_140 = arith.constant 32 : index
    %get3A_141 = tpu.vector_load %arg14[%get3A_139, %get3A_140] {strides = array<i32>} : memref<2x128xf32, #tpu.memory_space<vmem>>, vector<16xf32>,
    %mul3A_142 = arith.mulf %max3A_131, %get3A_141 : vector<16xf32>
    %add3A_143 = arith.addf %add3A_122, %mul3A_142 : vector<16xf32>
    %mul3A_144 = arith.constant 5.000000e-03 : f32
    %mul3A_145 = vector.broadcast %mul3A_144 : f32 to vector<16xf32>
    %mul3A_146 = arith.mulf %scan3A_80#3, %mul3A_145 : vector<16xf32>
    %get3A_147 = arith.constant 48 : index
    %get3A_148 = tpu.vector_load %arg13[%get3A_147] {strides = array<i32>} : memref<128xf32, #tpu.memory_space<vmem>>, vector<16xf32>,
    %add3A_149 = arith.addf %mul3A_146, %get3A_148 : vector<16xf32>
    %max3A_150 = arith.constant 0.000000e+00 : f32
    %max3A_151 = vector.broadcast %max3A_150 : f32 to vector<16xf32>
    %max3A_152 = arith.maximumf %add3A_149, %max3A_151 : vector<16xf32>
    %get3A_153 = arith.constant 0 : i32
    %get3A_154 = arith.index_cast %get3A_153 : i32 to index
    %get3A_155 = arith.constant 48 : index
    %get3A_156 = tpu.vector_load %arg14[%get3A_154, %get3A_155] {strides = array<i32>} : memref<2x128xf32, #tpu.memory_space<vmem>>, vector<16xf32>,
    %mul3A_157 = arith.mulf %max3A_152, %get3A_156 : vector<16xf32>
    %add3A_158 = arith.addf %add3A_137, %mul3A_157 : vector<16xf32>
    %get3A_159 = arith.constant 1 : i32
    %get3A_160 = arith.index_cast %get3A_159 : i32 to index
    %get3A_161 = arith.constant 48 : index
    %get3A_162 = tpu.vector_load %arg14[%get3A_160, %get3A_161] {strides = array<i32>} : memref<2x128xf32, #tpu.memory_space<vmem>>, vector<16xf32>,
    %mul3A_163 = arith.mulf %max3A_152, %get3A_162 : vector<16xf32>
    %add3A_164 = arith.addf %add3A_143, %mul3A_163 : vector<16xf32>
    %mul3A_165 = arith.constant 5.000000e-03 : f32
    %mul3A_166 = vector.broadcast %mul3A_165 : f32 to vector<16xf32>
    %mul3A_167 = arith.mulf %scan3A_80#4, %mul3A_166 : vector<16xf32>
    %get3A_168 = arith.constant 64 : index
    %get3A_169 = tpu.vector_load %arg13[%get3A_168] {strides = array<i32>} : memref<128xf32, #tpu.memory_space<vmem>>, vector<16xf32>,
    %add3A_170 = arith.addf %mul3A_167, %get3A_169 : vector<16xf32>
    %max3A_171 = arith.constant 0.000000e+00 : f32
    %max3A_172 = vector.broadcast %max3A_171 : f32 to vector<16xf32>
    %max3A_173 = arith.maximumf %add3A_170, %max3A_172 : vector<16xf32>
    %get3A_174 = arith.constant 0 : i32
    %get3A_175 = arith.index_cast %get3A_174 : i32 to index
    %get3A_176 = arith.constant 64 : index
    %get3A_177 = tpu.vector_load %arg14[%get3A_175, %get3A_176] {strides = array<i32>} : memref<2x128xf32, #tpu.memory_space<vmem>>, vector<16xf32>,
    %mul3A_178 = arith.mulf %max3A_173, %get3A_177 : vector<16xf32>
    %add3A_179 = arith.addf %add3A_158, %mul3A_178 : vector<16xf32>
    %get3A_180 = arith.constant 1 : i32
    %get3A_181 = arith.index_cast %get3A_180 : i32 to index
    %get3A_182 = arith.constant 64 : index
    %get3A_183 = tpu.vector_load %arg14[%get3A_181, %get3A_182] {strides = array<i32>} : memref<2x128xf32, #tpu.memory_space<vmem>>, vector<16xf32>,
    %mul3A_184 = arith.mulf %max3A_173, %get3A_183 : vector<16xf32>
    %add3A_185 = arith.addf %add3A_164, %mul3A_184 : vector<16xf32>
    %mul3A_186 = arith.constant 5.000000e-03 : f32
    %mul3A_187 = vector.broadcast %mul3A_186 : f32 to vector<16xf32>
    %mul3A_188 = arith.mulf %scan3A_80#5, %mul3A_187 : vector<16xf32>
    %get3A_189 = arith.constant 80 : index
    %get3A_190 = tpu.vector_load %arg13[%get3A_189] {strides = array<i32>} : memref<128xf32, #tpu.memory_space<vmem>>, vector<16xf32>,
    %add3A_191 = arith.addf %mul3A_188, %get3A_190 : vector<16xf32>
    %max3A_192 = arith.constant 0.000000e+00 : f32
    %max3A_193 = vector.broadcast %max3A_192 : f32 to vector<16xf32>
    %max3A_194 = arith.maximumf %add3A_191, %max3A_193 : vector<16xf32>
    %get3A_195 = arith.constant 0 : i32
    %get3A_196 = arith.index_cast %get3A_195 : i32 to index
    %get3A_197 = arith.constant 80 : index
    %get3A_198 = tpu.vector_load %arg14[%get3A_196, %get3A_197] {strides = array<i32>} : memref<2x128xf32, #tpu.memory_space<vmem>>, vector<16xf32>,
    %mul3A_199 = arith.mulf %max3A_194, %get3A_198 : vector<16xf32>
    %add3A_200 = arith.addf %add3A_179, %mul3A_199 : vector<16xf32>
    %get3A_201 = arith.constant 1 : i32
    %get3A_202 = arith.index_cast %get3A_201 : i32 to index
    %get3A_203 = arith.constant 80 : index
    %get3A_204 = tpu.vector_load %arg14[%get3A_202, %get3A_203] {strides = array<i32>} : memref<2x128xf32, #tpu.memory_space<vmem>>, vector<16xf32>,
    %mul3A_205 = arith.mulf %max3A_194, %get3A_204 : vector<16xf32>
    %add3A_206 = arith.addf %add3A_185, %mul3A_205 : vector<16xf32>
    %mul3A_207 = arith.constant 5.000000e-03 : f32
    %mul3A_208 = vector.broadcast %mul3A_207 : f32 to vector<16xf32>
    %mul3A_209 = arith.mulf %scan3A_80#6, %mul3A_208 : vector<16xf32>
    %get3A_210 = arith.constant 96 : index
    %get3A_211 = tpu.vector_load %arg13[%get3A_210] {strides = array<i32>} : memref<128xf32, #tpu.memory_space<vmem>>, vector<16xf32>,
    %add3A_212 = arith.addf %mul3A_209, %get3A_211 : vector<16xf32>
    %max3A_213 = arith.constant 0.000000e+00 : f32
    %max3A_214 = vector.broadcast %max3A_213 : f32 to vector<16xf32>
    %max3A_215 = arith.maximumf %add3A_212, %max3A_214 : vector<16xf32>
    %get3A_216 = arith.constant 0 : i32
    %get3A_217 = arith.index_cast %get3A_216 : i32 to index
    %get3A_218 = arith.constant 96 : index
    %get3A_219 = tpu.vector_load %arg14[%get3A_217, %get3A_218] {strides = array<i32>} : memref<2x128xf32, #tpu.memory_space<vmem>>, vector<16xf32>,
    %mul3A_220 = arith.mulf %max3A_215, %get3A_219 : vector<16xf32>
    %add3A_221 = arith.addf %add3A_200, %mul3A_220 : vector<16xf32>
    %get3A_222 = arith.constant 1 : i32
    %get3A_223 = arith.index_cast %get3A_222 : i32 to index
    %get3A_224 = arith.constant 96 : index
    %get3A_225 = tpu.vector_load %arg14[%get3A_223, %get3A_224] {strides = array<i32>} : memref<2x128xf32, #tpu.memory_space<vmem>>, vector<16xf32>,
    %mul3A_226 = arith.mulf %max3A_215, %get3A_225 : vector<16xf32>
    %add3A_227 = arith.addf %add3A_206, %mul3A_226 : vector<16xf32>
    %mul3A_228 = arith.constant 5.000000e-03 : f32
    %mul3A_229 = vector.broadcast %mul3A_228 : f32 to vector<16xf32>
    %mul3A_230 = arith.mulf %scan3A_80#7, %mul3A_229 : vector<16xf32>
    %get3A_231 = arith.constant 112 : index
    %get3A_232 = tpu.vector_load %arg13[%get3A_231] {strides = array<i32>} : memref<128xf32, #tpu.memory_space<vmem>>, vector<16xf32>,
    %add3A_233 = arith.addf %mul3A_230, %get3A_232 : vector<16xf32>
    %max3A_234 = arith.constant 0.000000e+00 : f32
    %max3A_235 = vector.broadcast %max3A_234 : f32 to vector<16xf32>
    %max3A_236 = arith.maximumf %add3A_233, %max3A_235 : vector<16xf32>
    %get3A_237 = arith.constant 0 : i32
    %get3A_238 = arith.index_cast %get3A_237 : i32 to index
    %get3A_239 = arith.constant 112 : index
    %get3A_240 = tpu.vector_load %arg14[%get3A_238, %get3A_239] {strides = array<i32>} : memref<2x128xf32, #tpu.memory_space<vmem>>, vector<16xf32>,
    %mul3A_241 = arith.mulf %max3A_236, %get3A_240 : vector<16xf32>
    %add3A_242 = arith.addf %add3A_221, %mul3A_241 : vector<16xf32>
    %get3A_243 = arith.constant 1 : i32
    %get3A_244 = arith.index_cast %get3A_243 : i32 to index
    %get3A_245 = arith.constant 112 : index
    %get3A_246 = tpu.vector_load %arg14[%get3A_244, %get3A_245] {strides = array<i32>} : memref<2x128xf32, #tpu.memory_space<vmem>>, vector<16xf32>,
    %mul3A_247 = arith.mulf %max3A_236, %get3A_246 : vector<16xf32>
    %add3A_248 = arith.addf %add3A_227, %mul3A_247 : vector<16xf32>
    %reduce_sum3A = arith.constant true
    %reduce_sum3A_249 = vector.broadcast %reduce_sum3A : i1 to vector<16xi1>
    %reduce_sum3A_250 = tpu.scan <sum>, %add3A_242 masked %reduce_sum3A_249 : vector<16xf32>, vector<16xi1> -> vector<16xf32>
    %reduce_sum3A_251 = vector.extract %reduce_sum3A_250[15] : f32 from vector<16xf32>
    %reduce_sum3A_252 = arith.constant true
    %reduce_sum3A_253 = vector.broadcast %reduce_sum3A_252 : i1 to vector<16xi1>
    %reduce_sum3A_254 = tpu.scan <sum>, %add3A_248 masked %reduce_sum3A_253 : vector<16xf32>, vector<16xi1> -> vector<16xf32>
    %reduce_sum3A_255 = vector.extract %reduce_sum3A_254[15] : f32 from vector<16xf32>
    %eq3A = arith.constant 0 : i32
    %eq3A_256 = vector.broadcast %eq3A : i32 to vector<16xi32>
    %eq3A_257 = arith.cmpi eq, %iota3A, %eq3A_256 : vector<16xi32>
    %eq3A_258 = arith.constant 1 : i32
    %eq3A_259 = vector.broadcast %eq3A_258 : i32 to vector<16xi32>
    %eq3A_260 = arith.cmpi eq, %iota3A, %eq3A_259 : vector<16xi32>
    %jit3A = arith.constant 0.000000e+00 : f32
    %broadcast_in_dim3A_261 = vector.broadcast %reduce_sum3A_255 : f32 to vector<16xf32>
    %broadcast_in_dim3A_262 = vector.broadcast %jit3A : f32 to vector<16xf32>
    %select_n3A = arith.select %eq3A_260, %broadcast_in_dim3A_261, %broadcast_in_dim3A_262 : vector<16xi1>, vector<16xf32>
    %broadcast_in_dim3A_263 = vector.broadcast %reduce_sum3A_251 : f32 to vector<16xf32>
    %select_n3A_264 = arith.select %eq3A_257, %broadcast_in_dim3A_263, %select_n3A : vector<16xi1>, vector<16xf32>
    %add3A_265 = arith.addf %select_n3A_264, %get3A_5 : vector<16xf32>
    %swap3A = arith.constant 126 : i32
    %swap3A_266 = arith.index_cast %swap3A : i32 to index
    %swap3A_267 = arith.constant 0 : index
    %swap3A_268 = tpu.vector_load %arg12[%swap3A_266, %swap3A_267] {strides = array<i32>} : memref<128x16xf32, #tpu.memory_space<vmem>>, vector<16xf32>,
    tpu.vector_store %arg12[%swap3A_266, %swap3A_267], %add3A_265 {strides = array<i32>} : memref<128x16xf32, #tpu.memory_space<vmem>>, vector<16xf32>,
    %broadcast_in_dim3A_269 = arith.constant 0.000000e+00 : f32
    %broadcast_in_dim3A_270 = vector.broadcast %broadcast_in_dim3A_269 : f32 to vector<16xf32>
    %dma_wait3A_271 = arith.constant 0 : i32
    %dma_wait3A_272 = arith.constant 0 : i32
    %dma_wait3A_273 = tpu.memref_slice %arg10[%dma_wait3A_271, %dma_wait3A_272] : memref<200x128xf32, #tpu.memory_space<vmem>> -> memref<104x128xf32, #tpu.memory_space<vmem>>
    %dma_wait3A_274 = arith.constant 0 : i32
    %dma_wait3A_275 = arith.constant 0 : i32
    %dma_wait3A_276 = tpu.memref_slice %arg3[%dma_wait3A_274, %dma_wait3A_275] : memref<1000000x128xf32, #tpu.memory_space<hbm>> -> memref<104x128xf32, #tpu.memory_space<hbm>>
    %dma_wait3A_277 = arith.constant 0 : i32
    %dma_wait3A_278 = arith.constant 0 : i32
    %dma_wait3A_279 = tpu.memref_slice %arg10[%dma_wait3A_277, %dma_wait3A_278] : memref<200x128xf32, #tpu.memory_space<vmem>> -> memref<104x128xf32, #tpu.memory_space<vmem>>
    %dma_wait3A_280 = arith.constant 0 : i32
    %dma_wait3A_281 = arith.constant 0 : i32
    %dma_wait3A_282 = tpu.memref_slice %arg3[%dma_wait3A_280, %dma_wait3A_281] : memref<1000000x128xf32, #tpu.memory_space<hbm>> -> memref<104x128xf32, #tpu.memory_space<hbm>>
    tpu.wait_dma2 semaphore(%arg17 : memref<!tpu.dma_semaphore, #tpu.memory_space<semaphore_mem>>) src(%dma_wait3A_282 : memref<104x128xf32, #tpu.memory_space<hbm>>) dst(%dma_wait3A_279 : memref<104x128xf32, #tpu.memory_space<vmem>>)
    %scan3A_283 = arith.constant 0 : i32
    %scan3A_284 = arith.constant 13 : i32
    %scan3A_285 = arith.addi %scan3A_283, %scan3A_284 : i32
    %scan3A_286 = arith.constant 1 : i32
    %scan3A_287:8 = scf.for %scan3A_500 = %scan3A_283 to %scan3A_285 step %scan3A_286 iter_args(%scan3A_501 = %broadcast_in_dim3A_270, %scan3A_502 = %broadcast_in_dim3A_270, %scan3A_503 = %broadcast_in_dim3A_270, %scan3A_504 = %broadcast_in_dim3A_270, %scan3A_505 = %broadcast_in_dim3A_270, %scan3A_506 = %broadcast_in_dim3A_270, %scan3A_507 = %broadcast_in_dim3A_270, %scan3A_508 = %broadcast_in_dim3A_270) -> (vector<16xf32>, vector<16xf32>, vector<16xf32>, vector<16xf32>, vector<16xf32>, vector<16xf32>, vector<16xf32>, vector<16xf32>)  : i32 {
      %mul3A_509 = arith.constant 8 : i32
      %mul3A_510 = arith.muli %scan3A_500, %mul3A_509 : i32
      %add3A_511 = arith.constant 0 : i32
      %add3A_512 = arith.addi %add3A_511, %mul3A_510 : i32
      %add3A_513 = arith.constant 0 : i32
      %add3A_514 = arith.addi %add3A_512, %add3A_513 : i32
      %get3A_515 = arith.index_cast %add3A_514 : i32 to index
      %get3A_516 = arith.constant 0 : index
      %get3A_517 = tpu.vector_load %arg10[%get3A_515, %get3A_516] {strides = array<i32>} : memref<200x128xf32, #tpu.memory_space<vmem>>, vector<16xf32>,
      %add3A_518 = arith.addf %scan3A_501, %get3A_517 : vector<16xf32>
      %get3A_519 = arith.index_cast %add3A_514 : i32 to index
      %get3A_520 = arith.constant 16 : index
      %get3A_521 = tpu.vector_load %arg10[%get3A_519, %get3A_520] {strides = array<i32>} : memref<200x128xf32, #tpu.memory_space<vmem>>, vector<16xf32>,
      %add3A_522 = arith.addf %scan3A_502, %get3A_521 : vector<16xf32>
      %get3A_523 = arith.index_cast %add3A_514 : i32 to index
      %get3A_524 = arith.constant 32 : index
      %get3A_525 = tpu.vector_load %arg10[%get3A_523, %get3A_524] {strides = array<i32>} : memref<200x128xf32, #tpu.memory_space<vmem>>, vector<16xf32>,
      %add3A_526 = arith.addf %scan3A_503, %get3A_525 : vector<16xf32>
      %get3A_527 = arith.index_cast %add3A_514 : i32 to index
      %get3A_528 = arith.constant 48 : index
      %get3A_529 = tpu.vector_load %arg10[%get3A_527, %get3A_528] {strides = array<i32>} : memref<200x128xf32, #tpu.memory_space<vmem>>, vector<16xf32>,
      %add3A_530 = arith.addf %scan3A_504, %get3A_529 : vector<16xf32>
      %get3A_531 = arith.index_cast %add3A_514 : i32 to index
      %get3A_532 = arith.constant 64 : index
      %get3A_533 = tpu.vector_load %arg10[%get3A_531, %get3A_532] {strides = array<i32>} : memref<200x128xf32, #tpu.memory_space<vmem>>, vector<16xf32>,
      %add3A_534 = arith.addf %scan3A_505, %get3A_533 : vector<16xf32>
      %get3A_535 = arith.index_cast %add3A_514 : i32 to index
      %get3A_536 = arith.constant 80 : index
      %get3A_537 = tpu.vector_load %arg10[%get3A_535, %get3A_536] {strides = array<i32>} : memref<200x128xf32, #tpu.memory_space<vmem>>, vector<16xf32>,
      %add3A_538 = arith.addf %scan3A_506, %get3A_537 : vector<16xf32>
      %get3A_539 = arith.index_cast %add3A_514 : i32 to index
      %get3A_540 = arith.constant 96 : index
      %get3A_541 = tpu.vector_load %arg10[%get3A_539, %get3A_540] {strides = array<i32>} : memref<200x128xf32, #tpu.memory_space<vmem>>, vector<16xf32>,
      %add3A_542 = arith.addf %scan3A_507, %get3A_541 : vector<16xf32>
      %get3A_543 = arith.index_cast %add3A_514 : i32 to index
      %get3A_544 = arith.constant 112 : index
      %get3A_545 = tpu.vector_load %arg10[%get3A_543, %get3A_544] {strides = array<i32>} : memref<200x128xf32, #tpu.memory_space<vmem>>, vector<16xf32>,
      %add3A_546 = arith.addf %scan3A_508, %get3A_545 : vector<16xf32>
      %mul3A_547 = arith.constant 8 : i32
      %mul3A_548 = arith.muli %scan3A_500, %mul3A_547 : i32
      %add3A_549 = arith.constant 0 : i32
      %add3A_550 = arith.addi %add3A_549, %mul3A_548 : i32
      %add3A_551 = arith.constant 1 : i32
      %add3A_552 = arith.addi %add3A_550, %add3A_551 : i32
      %get3A_553 = arith.index_cast %add3A_552 : i32 to index
      %get3A_554 = arith.constant 0 : index
      %get3A_555 = tpu.vector_load %arg10[%get3A_553, %get3A_554] {strides = array<i32>} : memref<200x128xf32, #tpu.memory_space<vmem>>, vector<16xf32>,
      %add3A_556 = arith.addf %add3A_518, %get3A_555 : vector<16xf32>
      %get3A_557 = arith.index_cast %add3A_552 : i32 to index
      %get3A_558 = arith.constant 16 : index
      %get3A_559 = tpu.vector_load %arg10[%get3A_557, %get3A_558] {strides = array<i32>} : memref<200x128xf32, #tpu.memory_space<vmem>>, vector<16xf32>,
      %add3A_560 = arith.addf %add3A_522, %get3A_559 : vector<16xf32>
      %get3A_561 = arith.index_cast %add3A_552 : i32 to index
      %get3A_562 = arith.constant 32 : index
      %get3A_563 = tpu.vector_load %arg10[%get3A_561, %get3A_562] {strides = array<i32>} : memref<200x128xf32, #tpu.memory_space<vmem>>, vector<16xf32>,
      %add3A_564 = arith.addf %add3A_526, %get3A_563 : vector<16xf32>
      %get3A_565 = arith.index_cast %add3A_552 : i32 to index
      %get3A_566 = arith.constant 48 : index
      %get3A_567 = tpu.vector_load %arg10[%get3A_565, %get3A_566] {strides = array<i32>} : memref<200x128xf32, #tpu.memory_space<vmem>>, vector<16xf32>,
      %add3A_568 = arith.addf %add3A_530, %get3A_567 : vector<16xf32>
      %get3A_569 = arith.index_cast %add3A_552 : i32 to index
      %get3A_570 = arith.constant 64 : index
      %get3A_571 = tpu.vector_load %arg10[%get3A_569, %get3A_570] {strides = array<i32>} : memref<200x128xf32, #tpu.memory_space<vmem>>, vector<16xf32>,
      %add3A_572 = arith.addf %add3A_534, %get3A_571 : vector<16xf32>
      %get3A_573 = arith.index_cast %add3A_552 : i32 to index
      %get3A_574 = arith.constant 80 : index
      %get3A_575 = tpu.vector_load %arg10[%get3A_573, %get3A_574] {strides = array<i32>} : memref<200x128xf32, #tpu.memory_space<vmem>>, vector<16xf32>,
      %add3A_576 = arith.addf %add3A_538, %get3A_575 : vector<16xf32>
      %get3A_577 = arith.index_cast %add3A_552 : i32 to index
      %get3A_578 = arith.constant 96 : index
      %get3A_579 = tpu.vector_load %arg10[%get3A_577, %get3A_578] {strides = array<i32>} : memref<200x128xf32, #tpu.memory_space<vmem>>, vector<16xf32>,
      %add3A_580 = arith.addf %add3A_542, %get3A_579 : vector<16xf32>
      %get3A_581 = arith.index_cast %add3A_552 : i32 to index
      %get3A_582 = arith.constant 112 : index
      %get3A_583 = tpu.vector_load %arg10[%get3A_581, %get3A_582] {strides = array<i32>} : memref<200x128xf32, #tpu.memory_space<vmem>>, vector<16xf32>,
      %add3A_584 = arith.addf %add3A_546, %get3A_583 : vector<16xf32>
      %mul3A_585 = arith.constant 8 : i32
      %mul3A_586 = arith.muli %scan3A_500, %mul3A_585 : i32
      %add3A_587 = arith.constant 0 : i32
      %add3A_588 = arith.addi %add3A_587, %mul3A_586 : i32
      %add3A_589 = arith.constant 2 : i32
      %add3A_590 = arith.addi %add3A_588, %add3A_589 : i32
      %get3A_591 = arith.index_cast %add3A_590 : i32 to index
      %get3A_592 = arith.constant 0 : index
      %get3A_593 = tpu.vector_load %arg10[%get3A_591, %get3A_592] {strides = array<i32>} : memref<200x128xf32, #tpu.memory_space<vmem>>, vector<16xf32>,
      %add3A_594 = arith.addf %add3A_556, %get3A_593 : vector<16xf32>
      %get3A_595 = arith.index_cast %add3A_590 : i32 to index
      %get3A_596 = arith.constant 16 : index
      %get3A_597 = tpu.vector_load %arg10[%get3A_595, %get3A_596] {strides = array<i32>} : memref<200x128xf32, #tpu.memory_space<vmem>>, vector<16xf32>,
      %add3A_598 = arith.addf %add3A_560, %get3A_597 : vector<16xf32>
      %get3A_599 = arith.index_cast %add3A_590 : i32 to index
      %get3A_600 = arith.constant 32 : index
      %get3A_601 = tpu.vector_load %arg10[%get3A_599, %get3A_600] {strides = array<i32>} : memref<200x128xf32, #tpu.memory_space<vmem>>, vector<16xf32>,
      %add3A_602 = arith.addf %add3A_564, %get3A_601 : vector<16xf32>
      %get3A_603 = arith.index_cast %add3A_590 : i32 to index
      %get3A_604 = arith.constant 48 : index
      %get3A_605 = tpu.vector_load %arg10[%get3A_603, %get3A_604] {strides = array<i32>} : memref<200x128xf32, #tpu.memory_space<vmem>>, vector<16xf32>,
      %add3A_606 = arith.addf %add3A_568, %get3A_605 : vector<16xf32>
      %get3A_607 = arith.index_cast %add3A_590 : i32 to index
      %get3A_608 = arith.constant 64 : index
      %get3A_609 = tpu.vector_load %arg10[%get3A_607, %get3A_608] {strides = array<i32>} : memref<200x128xf32, #tpu.memory_space<vmem>>, vector<16xf32>,
      %add3A_610 = arith.addf %add3A_572, %get3A_609 : vector<16xf32>
      %get3A_611 = arith.index_cast %add3A_590 : i32 to index
      %get3A_612 = arith.constant 80 : index
      %get3A_613 = tpu.vector_load %arg10[%get3A_611, %get3A_612] {strides = array<i32>} : memref<200x128xf32, #tpu.memory_space<vmem>>, vector<16xf32>,
      %add3A_614 = arith.addf %add3A_576, %get3A_613 : vector<16xf32>
      %get3A_615 = arith.index_cast %add3A_590 : i32 to index
      %get3A_616 = arith.constant 96 : index
      %get3A_617 = tpu.vector_load %arg10[%get3A_615, %get3A_616] {strides = array<i32>} : memref<200x128xf32, #tpu.memory_space<vmem>>, vector<16xf32>,
      %add3A_618 = arith.addf %add3A_580, %get3A_617 : vector<16xf32>
      %get3A_619 = arith.index_cast %add3A_590 : i32 to index
      %get3A_620 = arith.constant 112 : index
      %get3A_621 = tpu.vector_load %arg10[%get3A_619, %get3A_620] {strides = array<i32>} : memref<200x128xf32, #tpu.memory_space<vmem>>, vector<16xf32>,
      %add3A_622 = arith.addf %add3A_584, %get3A_621 : vector<16xf32>
      %mul3A_623 = arith.constant 8 : i32
      %mul3A_624 = arith.muli %scan3A_500, %mul3A_623 : i32
      %add3A_625 = arith.constant 0 : i32
      %add3A_626 = arith.addi %add3A_625, %mul3A_624 : i32
      %add3A_627 = arith.constant 3 : i32
      %add3A_628 = arith.addi %add3A_626, %add3A_627 : i32
      %get3A_629 = arith.index_cast %add3A_628 : i32 to index
      %get3A_630 = arith.constant 0 : index
      %get3A_631 = tpu.vector_load %arg10[%get3A_629, %get3A_630] {strides = array<i32>} : memref<200x128xf32, #tpu.memory_space<vmem>>, vector<16xf32>,
      %add3A_632 = arith.addf %add3A_594, %get3A_631 : vector<16xf32>
      %get3A_633 = arith.index_cast %add3A_628 : i32 to index
      %get3A_634 = arith.constant 16 : index
      %get3A_635 = tpu.vector_load %arg10[%get3A_633, %get3A_634] {strides = array<i32>} : memref<200x128xf32, #tpu.memory_space<vmem>>, vector<16xf32>,
      %add3A_636 = arith.addf %add3A_598, %get3A_635 : vector<16xf32>
      %get3A_637 = arith.index_cast %add3A_628 : i32 to index
      %get3A_638 = arith.constant 32 : index
      %get3A_639 = tpu.vector_load %arg10[%get3A_637, %get3A_638] {strides = array<i32>} : memref<200x128xf32, #tpu.memory_space<vmem>>, vector<16xf32>,
      %add3A_640 = arith.addf %add3A_602, %get3A_639 : vector<16xf32>
      %get3A_641 = arith.index_cast %add3A_628 : i32 to index
      %get3A_642 = arith.constant 48 : index
      %get3A_643 = tpu.vector_load %arg10[%get3A_641, %get3A_642] {strides = array<i32>} : memref<200x128xf32, #tpu.memory_space<vmem>>, vector<16xf32>,
      %add3A_644 = arith.addf %add3A_606, %get3A_643 : vector<16xf32>
      %get3A_645 = arith.index_cast %add3A_628 : i32 to index
      %get3A_646 = arith.constant 64 : index
      %get3A_647 = tpu.vector_load %arg10[%get3A_645, %get3A_646] {strides = array<i32>} : memref<200x128xf32, #tpu.memory_space<vmem>>, vector<16xf32>,
      %add3A_648 = arith.addf %add3A_610, %get3A_647 : vector<16xf32>
      %get3A_649 = arith.index_cast %add3A_628 : i32 to index
      %get3A_650 = arith.constant 80 : index
      %get3A_651 = tpu.vector_load %arg10[%get3A_649, %get3A_650] {strides = array<i32>} : memref<200x128xf32, #tpu.memory_space<vmem>>, vector<16xf32>,
      %add3A_652 = arith.addf %add3A_614, %get3A_651 : vector<16xf32>
      %get3A_653 = arith.index_cast %add3A_628 : i32 to index
      %get3A_654 = arith.constant 96 : index
      %get3A_655 = tpu.vector_load %arg10[%get3A_653, %get3A_654] {strides = array<i32>} : memref<200x128xf32, #tpu.memory_space<vmem>>, vector<16xf32>,
      %add3A_656 = arith.addf %add3A_618, %get3A_655 : vector<16xf32>
      %get3A_657 = arith.index_cast %add3A_628 : i32 to index
      %get3A_658 = arith.constant 112 : index
      %get3A_659 = tpu.vector_load %arg10[%get3A_657, %get3A_658] {strides = array<i32>} : memref<200x128xf32, #tpu.memory_space<vmem>>, vector<16xf32>,
      %add3A_660 = arith.addf %add3A_622, %get3A_659 : vector<16xf32>
      %mul3A_661 = arith.constant 8 : i32
      %mul3A_662 = arith.muli %scan3A_500, %mul3A_661 : i32
      %add3A_663 = arith.constant 0 : i32
      %add3A_664 = arith.addi %add3A_663, %mul3A_662 : i32
      %add3A_665 = arith.constant 4 : i32
      %add3A_666 = arith.addi %add3A_664, %add3A_665 : i32
      %get3A_667 = arith.index_cast %add3A_666 : i32 to index
      %get3A_668 = arith.constant 0 : index
      %get3A_669 = tpu.vector_load %arg10[%get3A_667, %get3A_668] {strides = array<i32>} : memref<200x128xf32, #tpu.memory_space<vmem>>, vector<16xf32>,
      %add3A_670 = arith.addf %add3A_632, %get3A_669 : vector<16xf32>
      %get3A_671 = arith.index_cast %add3A_666 : i32 to index
      %get3A_672 = arith.constant 16 : index
      %get3A_673 = tpu.vector_load %arg10[%get3A_671, %get3A_672] {strides = array<i32>} : memref<200x128xf32, #tpu.memory_space<vmem>>, vector<16xf32>,
      %add3A_674 = arith.addf %add3A_636, %get3A_673 : vector<16xf32>
      %get3A_675 = arith.index_cast %add3A_666 : i32 to index
      %get3A_676 = arith.constant 32 : index
      %get3A_677 = tpu.vector_load %arg10[%get3A_675, %get3A_676] {strides = array<i32>} : memref<200x128xf32, #tpu.memory_space<vmem>>, vector<16xf32>,
      %add3A_678 = arith.addf %add3A_640, %get3A_677 : vector<16xf32>
      %get3A_679 = arith.index_cast %add3A_666 : i32 to index
      %get3A_680 = arith.constant 48 : index
      %get3A_681 = tpu.vector_load %arg10[%get3A_679, %get3A_680] {strides = array<i32>} : memref<200x128xf32, #tpu.memory_space<vmem>>, vector<16xf32>,
      %add3A_682 = arith.addf %add3A_644, %get3A_681 : vector<16xf32>
      %get3A_683 = arith.index_cast %add3A_666 : i32 to index
      %get3A_684 = arith.constant 64 : index
      %get3A_685 = tpu.vector_load %arg10[%get3A_683, %get3A_684] {strides = array<i32>} : memref<200x128xf32, #tpu.memory_space<vmem>>, vector<16xf32>,
      %add3A_686 = arith.addf %add3A_648, %get3A_685 : vector<16xf32>
      %get3A_687 = arith.index_cast %add3A_666 : i32 to index
      %get3A_688 = arith.constant 80 : index
      %get3A_689 = tpu.vector_load %arg10[%get3A_687, %get3A_688] {strides = array<i32>} : memref<200x128xf32, #tpu.memory_space<vmem>>, vector<16xf32>,
      %add3A_690 = arith.addf %add3A_652, %get3A_689 : vector<16xf32>
      %get3A_691 = arith.index_cast %add3A_666 : i32 to index
      %get3A_692 = arith.constant 96 : index
      %get3A_693 = tpu.vector_load %arg10[%get3A_691, %get3A_692] {strides = array<i32>} : memref<200x128xf32, #tpu.memory_space<vmem>>, vector<16xf32>,
      %add3A_694 = arith.addf %add3A_656, %get3A_693 : vector<16xf32>
      %get3A_695 = arith.index_cast %add3A_666 : i32 to index
      %get3A_696 = arith.constant 112 : index
      %get3A_697 = tpu.vector_load %arg10[%get3A_695, %get3A_696] {strides = array<i32>} : memref<200x128xf32, #tpu.memory_space<vmem>>, vector<16xf32>,
      %add3A_698 = arith.addf %add3A_660, %get3A_697 : vector<16xf32>
      %mul3A_699 = arith.constant 8 : i32
      %mul3A_700 = arith.muli %scan3A_500, %mul3A_699 : i32
      %add3A_701 = arith.constant 0 : i32
      %add3A_702 = arith.addi %add3A_701, %mul3A_700 : i32
      %add3A_703 = arith.constant 5 : i32
      %add3A_704 = arith.addi %add3A_702, %add3A_703 : i32
      %get3A_705 = arith.index_cast %add3A_704 : i32 to index
      %get3A_706 = arith.constant 0 : index
      %get3A_707 = tpu.vector_load %arg10[%get3A_705, %get3A_706] {strides = array<i32>} : memref<200x128xf32, #tpu.memory_space<vmem>>, vector<16xf32>,
      %add3A_708 = arith.addf %add3A_670, %get3A_707 : vector<16xf32>
      %get3A_709 = arith.index_cast %add3A_704 : i32 to index
      %get3A_710 = arith.constant 16 : index
      %get3A_711 = tpu.vector_load %arg10[%get3A_709, %get3A_710] {strides = array<i32>} : memref<200x128xf32, #tpu.memory_space<vmem>>, vector<16xf32>,
      %add3A_712 = arith.addf %add3A_674, %get3A_711 : vector<16xf32>
      %get3A_713 = arith.index_cast %add3A_704 : i32 to index
      %get3A_714 = arith.constant 32 : index
      %get3A_715 = tpu.vector_load %arg10[%get3A_713, %get3A_714] {strides = array<i32>} : memref<200x128xf32, #tpu.memory_space<vmem>>, vector<16xf32>,
      %add3A_716 = arith.addf %add3A_678, %get3A_715 : vector<16xf32>
      %get3A_717 = arith.index_cast %add3A_704 : i32 to index
      %get3A_718 = arith.constant 48 : index
      %get3A_719 = tpu.vector_load %arg10[%get3A_717, %get3A_718] {strides = array<i32>} : memref<200x128xf32, #tpu.memory_space<vmem>>, vector<16xf32>,
      %add3A_720 = arith.addf %add3A_682, %get3A_719 : vector<16xf32>
      %get3A_721 = arith.index_cast %add3A_704 : i32 to index
      %get3A_722 = arith.constant 64 : index
      %get3A_723 = tpu.vector_load %arg10[%get3A_721, %get3A_722] {strides = array<i32>} : memref<200x128xf32, #tpu.memory_space<vmem>>, vector<16xf32>,
      %add3A_724 = arith.addf %add3A_686, %get3A_723 : vector<16xf32>
      %get3A_725 = arith.index_cast %add3A_704 : i32 to index
      %get3A_726 = arith.constant 80 : index
      %get3A_727 = tpu.vector_load %arg10[%get3A_725, %get3A_726] {strides = array<i32>} : memref<200x128xf32, #tpu.memory_space<vmem>>, vector<16xf32>,
      %add3A_728 = arith.addf %add3A_690, %get3A_727 : vector<16xf32>
      %get3A_729 = arith.index_cast %add3A_704 : i32 to index
      %get3A_730 = arith.constant 96 : index
      %get3A_731 = tpu.vector_load %arg10[%get3A_729, %get3A_730] {strides = array<i32>} : memref<200x128xf32, #tpu.memory_space<vmem>>, vector<16xf32>,
      %add3A_732 = arith.addf %add3A_694, %get3A_731 : vector<16xf32>
      %get3A_733 = arith.index_cast %add3A_704 : i32 to index
      %get3A_734 = arith.constant 112 : index
      %get3A_735 = tpu.vector_load %arg10[%get3A_733, %get3A_734] {strides = array<i32>} : memref<200x128xf32, #tpu.memory_space<vmem>>, vector<16xf32>,
      %add3A_736 = arith.addf %add3A_698, %get3A_735 : vector<16xf32>
      %mul3A_737 = arith.constant 8 : i32
      %mul3A_738 = arith.muli %scan3A_500, %mul3A_737 : i32
      %add3A_739 = arith.constant 0 : i32
      %add3A_740 = arith.addi %add3A_739, %mul3A_738 : i32
      %add3A_741 = arith.constant 6 : i32
      %add3A_742 = arith.addi %add3A_740, %add3A_741 : i32
      %get3A_743 = arith.index_cast %add3A_742 : i32 to index
      %get3A_744 = arith.constant 0 : index
      %get3A_745 = tpu.vector_load %arg10[%get3A_743, %get3A_744] {strides = array<i32>} : memref<200x128xf32, #tpu.memory_space<vmem>>, vector<16xf32>,
      %add3A_746 = arith.addf %add3A_708, %get3A_745 : vector<16xf32>
      %get3A_747 = arith.index_cast %add3A_742 : i32 to index
      %get3A_748 = arith.constant 16 : index
      %get3A_749 = tpu.vector_load %arg10[%get3A_747, %get3A_748] {strides = array<i32>} : memref<200x128xf32, #tpu.memory_space<vmem>>, vector<16xf32>,
      %add3A_750 = arith.addf %add3A_712, %get3A_749 : vector<16xf32>
      %get3A_751 = arith.index_cast %add3A_742 : i32 to index
      %get3A_752 = arith.constant 32 : index
      %get3A_753 = tpu.vector_load %arg10[%get3A_751, %get3A_752] {strides = array<i32>} : memref<200x128xf32, #tpu.memory_space<vmem>>, vector<16xf32>,
      %add3A_754 = arith.addf %add3A_716, %get3A_753 : vector<16xf32>
      %get3A_755 = arith.index_cast %add3A_742 : i32 to index
      %get3A_756 = arith.constant 48 : index
      %get3A_757 = tpu.vector_load %arg10[%get3A_755, %get3A_756] {strides = array<i32>} : memref<200x128xf32, #tpu.memory_space<vmem>>, vector<16xf32>,
      %add3A_758 = arith.addf %add3A_720, %get3A_757 : vector<16xf32>
      %get3A_759 = arith.index_cast %add3A_742 : i32 to index
      %get3A_760 = arith.constant 64 : index
      %get3A_761 = tpu.vector_load %arg10[%get3A_759, %get3A_760] {strides = array<i32>} : memref<200x128xf32, #tpu.memory_space<vmem>>, vector<16xf32>,
      %add3A_762 = arith.addf %add3A_724, %get3A_761 : vector<16xf32>
      %get3A_763 = arith.index_cast %add3A_742 : i32 to index
      %get3A_764 = arith.constant 80 : index
      %get3A_765 = tpu.vector_load %arg10[%get3A_763, %get3A_764] {strides = array<i32>} : memref<200x128xf32, #tpu.memory_space<vmem>>, vector<16xf32>,
      %add3A_766 = arith.addf %add3A_728, %get3A_765 : vector<16xf32>
      %get3A_767 = arith.index_cast %add3A_742 : i32 to index
      %get3A_768 = arith.constant 96 : index
      %get3A_769 = tpu.vector_load %arg10[%get3A_767, %get3A_768] {strides = array<i32>} : memref<200x128xf32, #tpu.memory_space<vmem>>, vector<16xf32>,
      %add3A_770 = arith.addf %add3A_732, %get3A_769 : vector<16xf32>
      %get3A_771 = arith.index_cast %add3A_742 : i32 to index
      %get3A_772 = arith.constant 112 : index
      %get3A_773 = tpu.vector_load %arg10[%get3A_771, %get3A_772] {strides = array<i32>} : memref<200x128xf32, #tpu.memory_space<vmem>>, vector<16xf32>,
      %add3A_774 = arith.addf %add3A_736, %get3A_773 : vector<16xf32>
      %mul3A_775 = arith.constant 8 : i32
      %mul3A_776 = arith.muli %scan3A_500, %mul3A_775 : i32
      %add3A_777 = arith.constant 0 : i32
      %add3A_778 = arith.addi %add3A_777, %mul3A_776 : i32
      %add3A_779 = arith.constant 7 : i32
      %add3A_780 = arith.addi %add3A_778, %add3A_779 : i32
      %get3A_781 = arith.index_cast %add3A_780 : i32 to index
      %get3A_782 = arith.constant 0 : index
      %get3A_783 = tpu.vector_load %arg10[%get3A_781, %get3A_782] {strides = array<i32>} : memref<200x128xf32, #tpu.memory_space<vmem>>, vector<16xf32>,
      %add3A_784 = arith.addf %add3A_746, %get3A_783 : vector<16xf32>
      %get3A_785 = arith.index_cast %add3A_780 : i32 to index
      %get3A_786 = arith.constant 16 : index
      %get3A_787 = tpu.vector_load %arg10[%get3A_785, %get3A_786] {strides = array<i32>} : memref<200x128xf32, #tpu.memory_space<vmem>>, vector<16xf32>,
      %add3A_788 = arith.addf %add3A_750, %get3A_787 : vector<16xf32>
      %get3A_789 = arith.index_cast %add3A_780 : i32 to index
      %get3A_790 = arith.constant 32 : index
      %get3A_791 = tpu.vector_load %arg10[%get3A_789, %get3A_790] {strides = array<i32>} : memref<200x128xf32, #tpu.memory_space<vmem>>, vector<16xf32>,
      %add3A_792 = arith.addf %add3A_754, %get3A_791 : vector<16xf32>
      %get3A_793 = arith.index_cast %add3A_780 : i32 to index
      %get3A_794 = arith.constant 48 : index
      %get3A_795 = tpu.vector_load %arg10[%get3A_793, %get3A_794] {strides = array<i32>} : memref<200x128xf32, #tpu.memory_space<vmem>>, vector<16xf32>,
      %add3A_796 = arith.addf %add3A_758, %get3A_795 : vector<16xf32>
      %get3A_797 = arith.index_cast %add3A_780 : i32 to index
      %get3A_798 = arith.constant 64 : index
      %get3A_799 = tpu.vector_load %arg10[%get3A_797, %get3A_798] {strides = array<i32>} : memref<200x128xf32, #tpu.memory_space<vmem>>, vector<16xf32>,
      %add3A_800 = arith.addf %add3A_762, %get3A_799 : vector<16xf32>
      %get3A_801 = arith.index_cast %add3A_780 : i32 to index
      %get3A_802 = arith.constant 80 : index
      %get3A_803 = tpu.vector_load %arg10[%get3A_801, %get3A_802] {strides = array<i32>} : memref<200x128xf32, #tpu.memory_space<vmem>>, vector<16xf32>,
      %add3A_804 = arith.addf %add3A_766, %get3A_803 : vector<16xf32>
      %get3A_805 = arith.index_cast %add3A_780 : i32 to index
      %get3A_806 = arith.constant 96 : index
      %get3A_807 = tpu.vector_load %arg10[%get3A_805, %get3A_806] {strides = array<i32>} : memref<200x128xf32, #tpu.memory_space<vmem>>, vector<16xf32>,
      %add3A_808 = arith.addf %add3A_770, %get3A_807 : vector<16xf32>
      %get3A_809 = arith.index_cast %add3A_780 : i32 to index
      %get3A_810 = arith.constant 112 : index
      %get3A_811 = tpu.vector_load %arg10[%get3A_809, %get3A_810] {strides = array<i32>} : memref<200x128xf32, #tpu.memory_space<vmem>>, vector<16xf32>,
      %add3A_812 = arith.addf %add3A_774, %get3A_811 : vector<16xf32>
      scf.yield %add3A_784, %add3A_788, %add3A_792, %add3A_796, %add3A_800, %add3A_804, %add3A_808, %add3A_812 : vector<16xf32>, vector<16xf32>, vector<16xf32>, vector<16xf32>, vector<16xf32>, vector<16xf32>, vector<16xf32>, vector<16xf32>
    }
    %scan3A_288 = arith.constant 13 : i32
    %dma_wait3A_289 = arith.constant 104 : i32
    %dma_wait3A_290 = arith.constant 0 : i32
    %dma_wait3A_291 = tpu.memref_slice %arg10[%dma_wait3A_289, %dma_wait3A_290] : memref<200x128xf32, #tpu.memory_space<vmem>> -> memref<96x128xf32, #tpu.memory_space<vmem>>
    %dma_wait3A_292 = arith.constant 0 : i32
    %dma_wait3A_293 = arith.constant 0 : i32
    %dma_wait3A_294 = tpu.memref_slice %arg3[%dma_wait3A_292, %dma_wait3A_293] : memref<1000000x128xf32, #tpu.memory_space<hbm>> -> memref<96x128xf32, #tpu.memory_space<hbm>>
    %dma_wait3A_295 = arith.constant 104 : i32
    %dma_wait3A_296 = arith.constant 0 : i32
    %dma_wait3A_297 = tpu.memref_slice %arg10[%dma_wait3A_295, %dma_wait3A_296] : memref<200x128xf32, #tpu.memory_space<vmem>> -> memref<96x128xf32, #tpu.memory_space<vmem>>
    %dma_wait3A_298 = arith.constant 0 : i32
    %dma_wait3A_299 = arith.constant 0 : i32
    %dma_wait3A_300 = tpu.memref_slice %arg3[%dma_wait3A_298, %dma_wait3A_299] : memref<1000000x128xf32, #tpu.memory_space<hbm>> -> memref<96x128xf32, #tpu.memory_space<hbm>>
    tpu.wait_dma2 semaphore(%arg20 : memref<!tpu.dma_semaphore, #tpu.memory_space<semaphore_mem>>) src(%dma_wait3A_300 : memref<96x128xf32, #tpu.memory_space<hbm>>) dst(%dma_wait3A_297 : memref<96x128xf32, #tpu.memory_space<vmem>>)
    %scan3A_301 = arith.constant 0 : i32
    %scan3A_302 = arith.constant 12 : i32
    %scan3A_303 = arith.addi %scan3A_301, %scan3A_302 : i32
    %scan3A_304 = arith.constant 1 : i32
    %scan3A_305:8 = scf.for %scan3A_500 = %scan3A_301 to %scan3A_303 step %scan3A_304 iter_args(%scan3A_501 = %scan3A_287#0, %scan3A_502 = %scan3A_287#1, %scan3A_503 = %scan3A_287#2, %scan3A_504 = %scan3A_287#3, %scan3A_505 = %scan3A_287#4, %scan3A_506 = %scan3A_287#5, %scan3A_507 = %scan3A_287#6, %scan3A_508 = %scan3A_287#7) -> (vector<16xf32>, vector<16xf32>, vector<16xf32>, vector<16xf32>, vector<16xf32>, vector<16xf32>, vector<16xf32>, vector<16xf32>)  : i32 {
      %mul3A_509 = arith.constant 8 : i32
      %mul3A_510 = arith.muli %scan3A_500, %mul3A_509 : i32
      %add3A_511 = arith.constant 104 : i32
      %add3A_512 = arith.addi %add3A_511, %mul3A_510 : i32
      %add3A_513 = arith.constant 0 : i32
      %add3A_514 = arith.addi %add3A_512, %add3A_513 : i32
      %get3A_515 = arith.index_cast %add3A_514 : i32 to index
      %get3A_516 = arith.constant 0 : index
      %get3A_517 = tpu.vector_load %arg10[%get3A_515, %get3A_516] {strides = array<i32>} : memref<200x128xf32, #tpu.memory_space<vmem>>, vector<16xf32>,
      %add3A_518 = arith.addf %scan3A_501, %get3A_517 : vector<16xf32>
      %get3A_519 = arith.index_cast %add3A_514 : i32 to index
      %get3A_520 = arith.constant 16 : index
      %get3A_521 = tpu.vector_load %arg10[%get3A_519, %get3A_520] {strides = array<i32>} : memref<200x128xf32, #tpu.memory_space<vmem>>, vector<16xf32>,
      %add3A_522 = arith.addf %scan3A_502, %get3A_521 : vector<16xf32>
      %get3A_523 = arith.index_cast %add3A_514 : i32 to index
      %get3A_524 = arith.constant 32 : index
      %get3A_525 = tpu.vector_load %arg10[%get3A_523, %get3A_524] {strides = array<i32>} : memref<200x128xf32, #tpu.memory_space<vmem>>, vector<16xf32>,
      %add3A_526 = arith.addf %scan3A_503, %get3A_525 : vector<16xf32>
      %get3A_527 = arith.index_cast %add3A_514 : i32 to index
      %get3A_528 = arith.constant 48 : index
      %get3A_529 = tpu.vector_load %arg10[%get3A_527, %get3A_528] {strides = array<i32>} : memref<200x128xf32, #tpu.memory_space<vmem>>, vector<16xf32>,
      %add3A_530 = arith.addf %scan3A_504, %get3A_529 : vector<16xf32>
      %get3A_531 = arith.index_cast %add3A_514 : i32 to index
      %get3A_532 = arith.constant 64 : index
      %get3A_533 = tpu.vector_load %arg10[%get3A_531, %get3A_532] {strides = array<i32>} : memref<200x128xf32, #tpu.memory_space<vmem>>, vector<16xf32>,
      %add3A_534 = arith.addf %scan3A_505, %get3A_533 : vector<16xf32>
      %get3A_535 = arith.index_cast %add3A_514 : i32 to index
      %get3A_536 = arith.constant 80 : index
      %get3A_537 = tpu.vector_load %arg10[%get3A_535, %get3A_536] {strides = array<i32>} : memref<200x128xf32, #tpu.memory_space<vmem>>, vector<16xf32>,
      %add3A_538 = arith.addf %scan3A_506, %get3A_537 : vector<16xf32>
      %get3A_539 = arith.index_cast %add3A_514 : i32 to index
      %get3A_540 = arith.constant 96 : index
      %get3A_541 = tpu.vector_load %arg10[%get3A_539, %get3A_540] {strides = array<i32>} : memref<200x128xf32, #tpu.memory_space<vmem>>, vector<16xf32>,
      %add3A_542 = arith.addf %scan3A_507, %get3A_541 : vector<16xf32>
      %get3A_543 = arith.index_cast %add3A_514 : i32 to index
      %get3A_544 = arith.constant 112 : index
      %get3A_545 = tpu.vector_load %arg10[%get3A_543, %get3A_544] {strides = array<i32>} : memref<200x128xf32, #tpu.memory_space<vmem>>, vector<16xf32>,
      %add3A_546 = arith.addf %scan3A_508, %get3A_545 : vector<16xf32>
      %mul3A_547 = arith.constant 8 : i32
      %mul3A_548 = arith.muli %scan3A_500, %mul3A_547 : i32
      %add3A_549 = arith.constant 104 : i32
      %add3A_550 = arith.addi %add3A_549, %mul3A_548 : i32
      %add3A_551 = arith.constant 1 : i32
      %add3A_552 = arith.addi %add3A_550, %add3A_551 : i32
      %get3A_553 = arith.index_cast %add3A_552 : i32 to index
      %get3A_554 = arith.constant 0 : index
      %get3A_555 = tpu.vector_load %arg10[%get3A_553, %get3A_554] {strides = array<i32>} : memref<200x128xf32, #tpu.memory_space<vmem>>, vector<16xf32>,
      %add3A_556 = arith.addf %add3A_518, %get3A_555 : vector<16xf32>
      %get3A_557 = arith.index_cast %add3A_552 : i32 to index
      %get3A_558 = arith.constant 16 : index
      %get3A_559 = tpu.vector_load %arg10[%get3A_557, %get3A_558] {strides = array<i32>} : memref<200x128xf32, #tpu.memory_space<vmem>>, vector<16xf32>,
      %add3A_560 = arith.addf %add3A_522, %get3A_559 : vector<16xf32>
      %get3A_561 = arith.index_cast %add3A_552 : i32 to index
      %get3A_562 = arith.constant 32 : index
      %get3A_563 = tpu.vector_load %arg10[%get3A_561, %get3A_562] {strides = array<i32>} : memref<200x128xf32, #tpu.memory_space<vmem>>, vector<16xf32>,
      %add3A_564 = arith.addf %add3A_526, %get3A_563 : vector<16xf32>
      %get3A_565 = arith.index_cast %add3A_552 : i32 to index
      %get3A_566 = arith.constant 48 : index
      %get3A_567 = tpu.vector_load %arg10[%get3A_565, %get3A_566] {strides = array<i32>} : memref<200x128xf32, #tpu.memory_space<vmem>>, vector<16xf32>,
      %add3A_568 = arith.addf %add3A_530, %get3A_567 : vector<16xf32>
      %get3A_569 = arith.index_cast %add3A_552 : i32 to index
      %get3A_570 = arith.constant 64 : index
      %get3A_571 = tpu.vector_load %arg10[%get3A_569, %get3A_570] {strides = array<i32>} : memref<200x128xf32, #tpu.memory_space<vmem>>, vector<16xf32>,
      %add3A_572 = arith.addf %add3A_534, %get3A_571 : vector<16xf32>
      %get3A_573 = arith.index_cast %add3A_552 : i32 to index
      %get3A_574 = arith.constant 80 : index
      %get3A_575 = tpu.vector_load %arg10[%get3A_573, %get3A_574] {strides = array<i32>} : memref<200x128xf32, #tpu.memory_space<vmem>>, vector<16xf32>,
      %add3A_576 = arith.addf %add3A_538, %get3A_575 : vector<16xf32>
      %get3A_577 = arith.index_cast %add3A_552 : i32 to index
      %get3A_578 = arith.constant 96 : index
      %get3A_579 = tpu.vector_load %arg10[%get3A_577, %get3A_578] {strides = array<i32>} : memref<200x128xf32, #tpu.memory_space<vmem>>, vector<16xf32>,
      %add3A_580 = arith.addf %add3A_542, %get3A_579 : vector<16xf32>
      %get3A_581 = arith.index_cast %add3A_552 : i32 to index
      %get3A_582 = arith.constant 112 : index
      %get3A_583 = tpu.vector_load %arg10[%get3A_581, %get3A_582] {strides = array<i32>} : memref<200x128xf32, #tpu.memory_space<vmem>>, vector<16xf32>,
      %add3A_584 = arith.addf %add3A_546, %get3A_583 : vector<16xf32>
      %mul3A_585 = arith.constant 8 : i32
      %mul3A_586 = arith.muli %scan3A_500, %mul3A_585 : i32
      %add3A_587 = arith.constant 104 : i32
      %add3A_588 = arith.addi %add3A_587, %mul3A_586 : i32
      %add3A_589 = arith.constant 2 : i32
      %add3A_590 = arith.addi %add3A_588, %add3A_589 : i32
      %get3A_591 = arith.index_cast %add3A_590 : i32 to index
      %get3A_592 = arith.constant 0 : index
      %get3A_593 = tpu.vector_load %arg10[%get3A_591, %get3A_592] {strides = array<i32>} : memref<200x128xf32, #tpu.memory_space<vmem>>, vector<16xf32>,
      %add3A_594 = arith.addf %add3A_556, %get3A_593 : vector<16xf32>
      %get3A_595 = arith.index_cast %add3A_590 : i32 to index
      %get3A_596 = arith.constant 16 : index
      %get3A_597 = tpu.vector_load %arg10[%get3A_595, %get3A_596] {strides = array<i32>} : memref<200x128xf32, #tpu.memory_space<vmem>>, vector<16xf32>,
      %add3A_598 = arith.addf %add3A_560, %get3A_597 : vector<16xf32>
      %get3A_599 = arith.index_cast %add3A_590 : i32 to index
      %get3A_600 = arith.constant 32 : index
      %get3A_601 = tpu.vector_load %arg10[%get3A_599, %get3A_600] {strides = array<i32>} : memref<200x128xf32, #tpu.memory_space<vmem>>, vector<16xf32>,
      %add3A_602 = arith.addf %add3A_564, %get3A_601 : vector<16xf32>
      %get3A_603 = arith.index_cast %add3A_590 : i32 to index
      %get3A_604 = arith.constant 48 : index
      %get3A_605 = tpu.vector_load %arg10[%get3A_603, %get3A_604] {strides = array<i32>} : memref<200x128xf32, #tpu.memory_space<vmem>>, vector<16xf32>,
      %add3A_606 = arith.addf %add3A_568, %get3A_605 : vector<16xf32>
      %get3A_607 = arith.index_cast %add3A_590 : i32 to index
      %get3A_608 = arith.constant 64 : index
      %get3A_609 = tpu.vector_load %arg10[%get3A_607, %get3A_608] {strides = array<i32>} : memref<200x128xf32, #tpu.memory_space<vmem>>, vector<16xf32>,
      %add3A_610 = arith.addf %add3A_572, %get3A_609 : vector<16xf32>
      %get3A_611 = arith.index_cast %add3A_590 : i32 to index
      %get3A_612 = arith.constant 80 : index
      %get3A_613 = tpu.vector_load %arg10[%get3A_611, %get3A_612] {strides = array<i32>} : memref<200x128xf32, #tpu.memory_space<vmem>>, vector<16xf32>,
      %add3A_614 = arith.addf %add3A_576, %get3A_613 : vector<16xf32>
      %get3A_615 = arith.index_cast %add3A_590 : i32 to index
      %get3A_616 = arith.constant 96 : index
      %get3A_617 = tpu.vector_load %arg10[%get3A_615, %get3A_616] {strides = array<i32>} : memref<200x128xf32, #tpu.memory_space<vmem>>, vector<16xf32>,
      %add3A_618 = arith.addf %add3A_580, %get3A_617 : vector<16xf32>
      %get3A_619 = arith.index_cast %add3A_590 : i32 to index
      %get3A_620 = arith.constant 112 : index
      %get3A_621 = tpu.vector_load %arg10[%get3A_619, %get3A_620] {strides = array<i32>} : memref<200x128xf32, #tpu.memory_space<vmem>>, vector<16xf32>,
      %add3A_622 = arith.addf %add3A_584, %get3A_621 : vector<16xf32>
      %mul3A_623 = arith.constant 8 : i32
      %mul3A_624 = arith.muli %scan3A_500, %mul3A_623 : i32
      %add3A_625 = arith.constant 104 : i32
      %add3A_626 = arith.addi %add3A_625, %mul3A_624 : i32
      %add3A_627 = arith.constant 3 : i32
      %add3A_628 = arith.addi %add3A_626, %add3A_627 : i32
      %get3A_629 = arith.index_cast %add3A_628 : i32 to index
      %get3A_630 = arith.constant 0 : index
      %get3A_631 = tpu.vector_load %arg10[%get3A_629, %get3A_630] {strides = array<i32>} : memref<200x128xf32, #tpu.memory_space<vmem>>, vector<16xf32>,
      %add3A_632 = arith.addf %add3A_594, %get3A_631 : vector<16xf32>
      %get3A_633 = arith.index_cast %add3A_628 : i32 to index
      %get3A_634 = arith.constant 16 : index
      %get3A_635 = tpu.vector_load %arg10[%get3A_633, %get3A_634] {strides = array<i32>} : memref<200x128xf32, #tpu.memory_space<vmem>>, vector<16xf32>,
      %add3A_636 = arith.addf %add3A_598, %get3A_635 : vector<16xf32>
      %get3A_637 = arith.index_cast %add3A_628 : i32 to index
      %get3A_638 = arith.constant 32 : index
      %get3A_639 = tpu.vector_load %arg10[%get3A_637, %get3A_638] {strides = array<i32>} : memref<200x128xf32, #tpu.memory_space<vmem>>, vector<16xf32>,
      %add3A_640 = arith.addf %add3A_602, %get3A_639 : vector<16xf32>
      %get3A_641 = arith.index_cast %add3A_628 : i32 to index
      %get3A_642 = arith.constant 48 : index
      %get3A_643 = tpu.vector_load %arg10[%get3A_641, %get3A_642] {strides = array<i32>} : memref<200x128xf32, #tpu.memory_space<vmem>>, vector<16xf32>,
      %add3A_644 = arith.addf %add3A_606, %get3A_643 : vector<16xf32>
      %get3A_645 = arith.index_cast %add3A_628 : i32 to index
      %get3A_646 = arith.constant 64 : index
      %get3A_647 = tpu.vector_load %arg10[%get3A_645, %get3A_646] {strides = array<i32>} : memref<200x128xf32, #tpu.memory_space<vmem>>, vector<16xf32>,
      %add3A_648 = arith.addf %add3A_610, %get3A_647 : vector<16xf32>
      %get3A_649 = arith.index_cast %add3A_628 : i32 to index
      %get3A_650 = arith.constant 80 : index
      %get3A_651 = tpu.vector_load %arg10[%get3A_649, %get3A_650] {strides = array<i32>} : memref<200x128xf32, #tpu.memory_space<vmem>>, vector<16xf32>,
      %add3A_652 = arith.addf %add3A_614, %get3A_651 : vector<16xf32>
      %get3A_653 = arith.index_cast %add3A_628 : i32 to index
      %get3A_654 = arith.constant 96 : index
      %get3A_655 = tpu.vector_load %arg10[%get3A_653, %get3A_654] {strides = array<i32>} : memref<200x128xf32, #tpu.memory_space<vmem>>, vector<16xf32>,
      %add3A_656 = arith.addf %add3A_618, %get3A_655 : vector<16xf32>
      %get3A_657 = arith.index_cast %add3A_628 : i32 to index
      %get3A_658 = arith.constant 112 : index
      %get3A_659 = tpu.vector_load %arg10[%get3A_657, %get3A_658] {strides = array<i32>} : memref<200x128xf32, #tpu.memory_space<vmem>>, vector<16xf32>,
      %add3A_660 = arith.addf %add3A_622, %get3A_659 : vector<16xf32>
      %mul3A_661 = arith.constant 8 : i32
      %mul3A_662 = arith.muli %scan3A_500, %mul3A_661 : i32
      %add3A_663 = arith.constant 104 : i32
      %add3A_664 = arith.addi %add3A_663, %mul3A_662 : i32
      %add3A_665 = arith.constant 4 : i32
      %add3A_666 = arith.addi %add3A_664, %add3A_665 : i32
      %get3A_667 = arith.index_cast %add3A_666 : i32 to index
      %get3A_668 = arith.constant 0 : index
      %get3A_669 = tpu.vector_load %arg10[%get3A_667, %get3A_668] {strides = array<i32>} : memref<200x128xf32, #tpu.memory_space<vmem>>, vector<16xf32>,
      %add3A_670 = arith.addf %add3A_632, %get3A_669 : vector<16xf32>
      %get3A_671 = arith.index_cast %add3A_666 : i32 to index
      %get3A_672 = arith.constant 16 : index
      %get3A_673 = tpu.vector_load %arg10[%get3A_671, %get3A_672] {strides = array<i32>} : memref<200x128xf32, #tpu.memory_space<vmem>>, vector<16xf32>,
      %add3A_674 = arith.addf %add3A_636, %get3A_673 : vector<16xf32>
      %get3A_675 = arith.index_cast %add3A_666 : i32 to index
      %get3A_676 = arith.constant 32 : index
      %get3A_677 = tpu.vector_load %arg10[%get3A_675, %get3A_676] {strides = array<i32>} : memref<200x128xf32, #tpu.memory_space<vmem>>, vector<16xf32>,
      %add3A_678 = arith.addf %add3A_640, %get3A_677 : vector<16xf32>
      %get3A_679 = arith.index_cast %add3A_666 : i32 to index
      %get3A_680 = arith.constant 48 : index
      %get3A_681 = tpu.vector_load %arg10[%get3A_679, %get3A_680] {strides = array<i32>} : memref<200x128xf32, #tpu.memory_space<vmem>>, vector<16xf32>,
      %add3A_682 = arith.addf %add3A_644, %get3A_681 : vector<16xf32>
      %get3A_683 = arith.index_cast %add3A_666 : i32 to index
      %get3A_684 = arith.constant 64 : index
      %get3A_685 = tpu.vector_load %arg10[%get3A_683, %get3A_684] {strides = array<i32>} : memref<200x128xf32, #tpu.memory_space<vmem>>, vector<16xf32>,
      %add3A_686 = arith.addf %add3A_648, %get3A_685 : vector<16xf32>
      %get3A_687 = arith.index_cast %add3A_666 : i32 to index
      %get3A_688 = arith.constant 80 : index
      %get3A_689 = tpu.vector_load %arg10[%get3A_687, %get3A_688] {strides = array<i32>} : memref<200x128xf32, #tpu.memory_space<vmem>>, vector<16xf32>,
      %add3A_690 = arith.addf %add3A_652, %get3A_689 : vector<16xf32>
      %get3A_691 = arith.index_cast %add3A_666 : i32 to index
      %get3A_692 = arith.constant 96 : index
      %get3A_693 = tpu.vector_load %arg10[%get3A_691, %get3A_692] {strides = array<i32>} : memref<200x128xf32, #tpu.memory_space<vmem>>, vector<16xf32>,
      %add3A_694 = arith.addf %add3A_656, %get3A_693 : vector<16xf32>
      %get3A_695 = arith.index_cast %add3A_666 : i32 to index
      %get3A_696 = arith.constant 112 : index
      %get3A_697 = tpu.vector_load %arg10[%get3A_695, %get3A_696] {strides = array<i32>} : memref<200x128xf32, #tpu.memory_space<vmem>>, vector<16xf32>,
      %add3A_698 = arith.addf %add3A_660, %get3A_697 : vector<16xf32>
      %mul3A_699 = arith.constant 8 : i32
      %mul3A_700 = arith.muli %scan3A_500, %mul3A_699 : i32
      %add3A_701 = arith.constant 104 : i32
      %add3A_702 = arith.addi %add3A_701, %mul3A_700 : i32
      %add3A_703 = arith.constant 5 : i32
      %add3A_704 = arith.addi %add3A_702, %add3A_703 : i32
      %get3A_705 = arith.index_cast %add3A_704 : i32 to index
      %get3A_706 = arith.constant 0 : index
      %get3A_707 = tpu.vector_load %arg10[%get3A_705, %get3A_706] {strides = array<i32>} : memref<200x128xf32, #tpu.memory_space<vmem>>, vector<16xf32>,
      %add3A_708 = arith.addf %add3A_670, %get3A_707 : vector<16xf32>
      %get3A_709 = arith.index_cast %add3A_704 : i32 to index
      %get3A_710 = arith.constant 16 : index
      %get3A_711 = tpu.vector_load %arg10[%get3A_709, %get3A_710] {strides = array<i32>} : memref<200x128xf32, #tpu.memory_space<vmem>>, vector<16xf32>,
      %add3A_712 = arith.addf %add3A_674, %get3A_711 : vector<16xf32>
      %get3A_713 = arith.index_cast %add3A_704 : i32 to index
      %get3A_714 = arith.constant 32 : index
      %get3A_715 = tpu.vector_load %arg10[%get3A_713, %get3A_714] {strides = array<i32>} : memref<200x128xf32, #tpu.memory_space<vmem>>, vector<16xf32>,
      %add3A_716 = arith.addf %add3A_678, %get3A_715 : vector<16xf32>
      %get3A_717 = arith.index_cast %add3A_704 : i32 to index
      %get3A_718 = arith.constant 48 : index
      %get3A_719 = tpu.vector_load %arg10[%get3A_717, %get3A_718] {strides = array<i32>} : memref<200x128xf32, #tpu.memory_space<vmem>>, vector<16xf32>,
      %add3A_720 = arith.addf %add3A_682, %get3A_719 : vector<16xf32>
      %get3A_721 = arith.index_cast %add3A_704 : i32 to index
      %get3A_722 = arith.constant 64 : index
      %get3A_723 = tpu.vector_load %arg10[%get3A_721, %get3A_722] {strides = array<i32>} : memref<200x128xf32, #tpu.memory_space<vmem>>, vector<16xf32>,
      %add3A_724 = arith.addf %add3A_686, %get3A_723 : vector<16xf32>
      %get3A_725 = arith.index_cast %add3A_704 : i32 to index
      %get3A_726 = arith.constant 80 : index
      %get3A_727 = tpu.vector_load %arg10[%get3A_725, %get3A_726] {strides = array<i32>} : memref<200x128xf32, #tpu.memory_space<vmem>>, vector<16xf32>,
      %add3A_728 = arith.addf %add3A_690, %get3A_727 : vector<16xf32>
      %get3A_729 = arith.index_cast %add3A_704 : i32 to index
      %get3A_730 = arith.constant 96 : index
      %get3A_731 = tpu.vector_load %arg10[%get3A_729, %get3A_730] {strides = array<i32>} : memref<200x128xf32, #tpu.memory_space<vmem>>, vector<16xf32>,
      %add3A_732 = arith.addf %add3A_694, %get3A_731 : vector<16xf32>
      %get3A_733 = arith.index_cast %add3A_704 : i32 to index
      %get3A_734 = arith.constant 112 : index
      %get3A_735 = tpu.vector_load %arg10[%get3A_733, %get3A_734] {strides = array<i32>} : memref<200x128xf32, #tpu.memory_space<vmem>>, vector<16xf32>,
      %add3A_736 = arith.addf %add3A_698, %get3A_735 : vector<16xf32>
      %mul3A_737 = arith.constant 8 : i32
      %mul3A_738 = arith.muli %scan3A_500, %mul3A_737 : i32
      %add3A_739 = arith.constant 104 : i32
      %add3A_740 = arith.addi %add3A_739, %mul3A_738 : i32
      %add3A_741 = arith.constant 6 : i32
      %add3A_742 = arith.addi %add3A_740, %add3A_741 : i32
      %get3A_743 = arith.index_cast %add3A_742 : i32 to index
      %get3A_744 = arith.constant 0 : index
      %get3A_745 = tpu.vector_load %arg10[%get3A_743, %get3A_744] {strides = array<i32>} : memref<200x128xf32, #tpu.memory_space<vmem>>, vector<16xf32>,
      %add3A_746 = arith.addf %add3A_708, %get3A_745 : vector<16xf32>
      %get3A_747 = arith.index_cast %add3A_742 : i32 to index
      %get3A_748 = arith.constant 16 : index
      %get3A_749 = tpu.vector_load %arg10[%get3A_747, %get3A_748] {strides = array<i32>} : memref<200x128xf32, #tpu.memory_space<vmem>>, vector<16xf32>,
      %add3A_750 = arith.addf %add3A_712, %get3A_749 : vector<16xf32>
      %get3A_751 = arith.index_cast %add3A_742 : i32 to index
      %get3A_752 = arith.constant 32 : index
      %get3A_753 = tpu.vector_load %arg10[%get3A_751, %get3A_752] {strides = array<i32>} : memref<200x128xf32, #tpu.memory_space<vmem>>, vector<16xf32>,
      %add3A_754 = arith.addf %add3A_716, %get3A_753 : vector<16xf32>
      %get3A_755 = arith.index_cast %add3A_742 : i32 to index
      %get3A_756 = arith.constant 48 : index
      %get3A_757 = tpu.vector_load %arg10[%get3A_755, %get3A_756] {strides = array<i32>} : memref<200x128xf32, #tpu.memory_space<vmem>>, vector<16xf32>,
      %add3A_758 = arith.addf %add3A_720, %get3A_757 : vector<16xf32>
      %get3A_759 = arith.index_cast %add3A_742 : i32 to index
      %get3A_760 = arith.constant 64 : index
      %get3A_761 = tpu.vector_load %arg10[%get3A_759, %get3A_760] {strides = array<i32>} : memref<200x128xf32, #tpu.memory_space<vmem>>, vector<16xf32>,
      %add3A_762 = arith.addf %add3A_724, %get3A_761 : vector<16xf32>
      %get3A_763 = arith.index_cast %add3A_742 : i32 to index
      %get3A_764 = arith.constant 80 : index
      %get3A_765 = tpu.vector_load %arg10[%get3A_763, %get3A_764] {strides = array<i32>} : memref<200x128xf32, #tpu.memory_space<vmem>>, vector<16xf32>,
      %add3A_766 = arith.addf %add3A_728, %get3A_765 : vector<16xf32>
      %get3A_767 = arith.index_cast %add3A_742 : i32 to index
      %get3A_768 = arith.constant 96 : index
      %get3A_769 = tpu.vector_load %arg10[%get3A_767, %get3A_768] {strides = array<i32>} : memref<200x128xf32, #tpu.memory_space<vmem>>, vector<16xf32>,
      %add3A_770 = arith.addf %add3A_732, %get3A_769 : vector<16xf32>
      %get3A_771 = arith.index_cast %add3A_742 : i32 to index
      %get3A_772 = arith.constant 112 : index
      %get3A_773 = tpu.vector_load %arg10[%get3A_771, %get3A_772] {strides = array<i32>} : memref<200x128xf32, #tpu.memory_space<vmem>>, vector<16xf32>,
      %add3A_774 = arith.addf %add3A_736, %get3A_773 : vector<16xf32>
      %mul3A_775 = arith.constant 8 : i32
      %mul3A_776 = arith.muli %scan3A_500, %mul3A_775 : i32
      %add3A_777 = arith.constant 104 : i32
      %add3A_778 = arith.addi %add3A_777, %mul3A_776 : i32
      %add3A_779 = arith.constant 7 : i32
      %add3A_780 = arith.addi %add3A_778, %add3A_779 : i32
      %get3A_781 = arith.index_cast %add3A_780 : i32 to index
      %get3A_782 = arith.constant 0 : index
      %get3A_783 = tpu.vector_load %arg10[%get3A_781, %get3A_782] {strides = array<i32>} : memref<200x128xf32, #tpu.memory_space<vmem>>, vector<16xf32>,
      %add3A_784 = arith.addf %add3A_746, %get3A_783 : vector<16xf32>
      %get3A_785 = arith.index_cast %add3A_780 : i32 to index
      %get3A_786 = arith.constant 16 : index
      %get3A_787 = tpu.vector_load %arg10[%get3A_785, %get3A_786] {strides = array<i32>} : memref<200x128xf32, #tpu.memory_space<vmem>>, vector<16xf32>,
      %add3A_788 = arith.addf %add3A_750, %get3A_787 : vector<16xf32>
      %get3A_789 = arith.index_cast %add3A_780 : i32 to index
      %get3A_790 = arith.constant 32 : index
      %get3A_791 = tpu.vector_load %arg10[%get3A_789, %get3A_790] {strides = array<i32>} : memref<200x128xf32, #tpu.memory_space<vmem>>, vector<16xf32>,
      %add3A_792 = arith.addf %add3A_754, %get3A_791 : vector<16xf32>
      %get3A_793 = arith.index_cast %add3A_780 : i32 to index
      %get3A_794 = arith.constant 48 : index
      %get3A_795 = tpu.vector_load %arg10[%get3A_793, %get3A_794] {strides = array<i32>} : memref<200x128xf32, #tpu.memory_space<vmem>>, vector<16xf32>,
      %add3A_796 = arith.addf %add3A_758, %get3A_795 : vector<16xf32>
      %get3A_797 = arith.index_cast %add3A_780 : i32 to index
      %get3A_798 = arith.constant 64 : index
      %get3A_799 = tpu.vector_load %arg10[%get3A_797, %get3A_798] {strides = array<i32>} : memref<200x128xf32, #tpu.memory_space<vmem>>, vector<16xf32>,
      %add3A_800 = arith.addf %add3A_762, %get3A_799 : vector<16xf32>
      %get3A_801 = arith.index_cast %add3A_780 : i32 to index
      %get3A_802 = arith.constant 80 : index
      %get3A_803 = tpu.vector_load %arg10[%get3A_801, %get3A_802] {strides = array<i32>} : memref<200x128xf32, #tpu.memory_space<vmem>>, vector<16xf32>,
      %add3A_804 = arith.addf %add3A_766, %get3A_803 : vector<16xf32>
      %get3A_805 = arith.index_cast %add3A_780 : i32 to index
      %get3A_806 = arith.constant 96 : index
      %get3A_807 = tpu.vector_load %arg10[%get3A_805, %get3A_806] {strides = array<i32>} : memref<200x128xf32, #tpu.memory_space<vmem>>, vector<16xf32>,
      %add3A_808 = arith.addf %add3A_770, %get3A_807 : vector<16xf32>
      %get3A_809 = arith.index_cast %add3A_780 : i32 to index
      %get3A_810 = arith.constant 112 : index
      %get3A_811 = tpu.vector_load %arg10[%get3A_809, %get3A_810] {strides = array<i32>} : memref<200x128xf32, #tpu.memory_space<vmem>>, vector<16xf32>,
      %add3A_812 = arith.addf %add3A_774, %get3A_811 : vector<16xf32>
      scf.yield %add3A_784, %add3A_788, %add3A_792, %add3A_796, %add3A_800, %add3A_804, %add3A_808, %add3A_812 : vector<16xf32>, vector<16xf32>, vector<16xf32>, vector<16xf32>, vector<16xf32>, vector<16xf32>, vector<16xf32>, vector<16xf32>
    }
    %scan3A_306 = arith.constant 12 : i32
    %mul3A_307 = arith.constant 5.000000e-03 : f32
    %mul3A_308 = vector.broadcast %mul3A_307 : f32 to vector<16xf32>
    %mul3A_309 = arith.mulf %scan3A_305#0, %mul3A_308 : vector<16xf32>
    %get3A_310 = arith.constant 0 : index
    %get3A_311 = tpu.vector_load %arg13[%get3A_310] {strides = array<i32>} : memref<128xf32, #tpu.memory_space<vmem>>, vector<16xf32>,
    %add3A_312 = arith.addf %mul3A_309, %get3A_311 : vector<16xf32>
    %max3A_313 = arith.constant 0.000000e+00 : f32
    %max3A_314 = vector.broadcast %max3A_313 : f32 to vector<16xf32>
    %max3A_315 = arith.maximumf %add3A_312, %max3A_314 : vector<16xf32>
    %get3A_316 = arith.constant 0 : i32
    %get3A_317 = arith.index_cast %get3A_316 : i32 to index
    %get3A_318 = arith.constant 0 : index
    %get3A_319 = tpu.vector_load %arg14[%get3A_317, %get3A_318] {strides = array<i32>} : memref<2x128xf32, #tpu.memory_space<vmem>>, vector<16xf32>,
    %mul3A_320 = arith.mulf %max3A_315, %get3A_319 : vector<16xf32>
    %add3A_321 = arith.addf %broadcast_in_dim3A_270, %mul3A_320 : vector<16xf32>
    %get3A_322 = arith.constant 1 : i32
    %get3A_323 = arith.index_cast %get3A_322 : i32 to index
    %get3A_324 = arith.constant 0 : index
    %get3A_325 = tpu.vector_load %arg14[%get3A_323, %get3A_324] {strides = array<i32>} : memref<2x128xf32, #tpu.memory_space<vmem>>, vector<16xf32>,
    %mul3A_326 = arith.mulf %max3A_315, %get3A_325 : vector<16xf32>
    %add3A_327 = arith.addf %broadcast_in_dim3A_270, %mul3A_326 : vector<16xf32>
    %mul3A_328 = arith.constant 5.000000e-03 : f32
    %mul3A_329 = vector.broadcast %mul3A_328 : f32 to vector<16xf32>
    %mul3A_330 = arith.mulf %scan3A_305#1, %mul3A_329 : vector<16xf32>
    %get3A_331 = arith.constant 16 : index
    %get3A_332 = tpu.vector_load %arg13[%get3A_331] {strides = array<i32>} : memref<128xf32, #tpu.memory_space<vmem>>, vector<16xf32>,
    %add3A_333 = arith.addf %mul3A_330, %get3A_332 : vector<16xf32>
    %max3A_334 = arith.constant 0.000000e+00 : f32
    %max3A_335 = vector.broadcast %max3A_334 : f32 to vector<16xf32>
    %max3A_336 = arith.maximumf %add3A_333, %max3A_335 : vector<16xf32>
    %get3A_337 = arith.constant 0 : i32
    %get3A_338 = arith.index_cast %get3A_337 : i32 to index
    %get3A_339 = arith.constant 16 : index
    %get3A_340 = tpu.vector_load %arg14[%get3A_338, %get3A_339] {strides = array<i32>} : memref<2x128xf32, #tpu.memory_space<vmem>>, vector<16xf32>,
    %mul3A_341 = arith.mulf %max3A_336, %get3A_340 : vector<16xf32>
    %add3A_342 = arith.addf %add3A_321, %mul3A_341 : vector<16xf32>
    %get3A_343 = arith.constant 1 : i32
    %get3A_344 = arith.index_cast %get3A_343 : i32 to index
    %get3A_345 = arith.constant 16 : index
    %get3A_346 = tpu.vector_load %arg14[%get3A_344, %get3A_345] {strides = array<i32>} : memref<2x128xf32, #tpu.memory_space<vmem>>, vector<16xf32>,
    %mul3A_347 = arith.mulf %max3A_336, %get3A_346 : vector<16xf32>
    %add3A_348 = arith.addf %add3A_327, %mul3A_347 : vector<16xf32>
    %mul3A_349 = arith.constant 5.000000e-03 : f32
    %mul3A_350 = vector.broadcast %mul3A_349 : f32 to vector<16xf32>
    %mul3A_351 = arith.mulf %scan3A_305#2, %mul3A_350 : vector<16xf32>
    %get3A_352 = arith.constant 32 : index
    %get3A_353 = tpu.vector_load %arg13[%get3A_352] {strides = array<i32>} : memref<128xf32, #tpu.memory_space<vmem>>, vector<16xf32>,
    %add3A_354 = arith.addf %mul3A_351, %get3A_353 : vector<16xf32>
    %max3A_355 = arith.constant 0.000000e+00 : f32
    %max3A_356 = vector.broadcast %max3A_355 : f32 to vector<16xf32>
    %max3A_357 = arith.maximumf %add3A_354, %max3A_356 : vector<16xf32>
    %get3A_358 = arith.constant 0 : i32
    %get3A_359 = arith.index_cast %get3A_358 : i32 to index
    %get3A_360 = arith.constant 32 : index
    %get3A_361 = tpu.vector_load %arg14[%get3A_359, %get3A_360] {strides = array<i32>} : memref<2x128xf32, #tpu.memory_space<vmem>>, vector<16xf32>,
    %mul3A_362 = arith.mulf %max3A_357, %get3A_361 : vector<16xf32>
    %add3A_363 = arith.addf %add3A_342, %mul3A_362 : vector<16xf32>
    %get3A_364 = arith.constant 1 : i32
    %get3A_365 = arith.index_cast %get3A_364 : i32 to index
    %get3A_366 = arith.constant 32 : index
    %get3A_367 = tpu.vector_load %arg14[%get3A_365, %get3A_366] {strides = array<i32>} : memref<2x128xf32, #tpu.memory_space<vmem>>, vector<16xf32>,
    %mul3A_368 = arith.mulf %max3A_357, %get3A_367 : vector<16xf32>
    %add3A_369 = arith.addf %add3A_348, %mul3A_368 : vector<16xf32>
    %mul3A_370 = arith.constant 5.000000e-03 : f32
    %mul3A_371 = vector.broadcast %mul3A_370 : f32 to vector<16xf32>
    %mul3A_372 = arith.mulf %scan3A_305#3, %mul3A_371 : vector<16xf32>
    %get3A_373 = arith.constant 48 : index
    %get3A_374 = tpu.vector_load %arg13[%get3A_373] {strides = array<i32>} : memref<128xf32, #tpu.memory_space<vmem>>, vector<16xf32>,
    %add3A_375 = arith.addf %mul3A_372, %get3A_374 : vector<16xf32>
    %max3A_376 = arith.constant 0.000000e+00 : f32
    %max3A_377 = vector.broadcast %max3A_376 : f32 to vector<16xf32>
    %max3A_378 = arith.maximumf %add3A_375, %max3A_377 : vector<16xf32>
    %get3A_379 = arith.constant 0 : i32
    %get3A_380 = arith.index_cast %get3A_379 : i32 to index
    %get3A_381 = arith.constant 48 : index
    %get3A_382 = tpu.vector_load %arg14[%get3A_380, %get3A_381] {strides = array<i32>} : memref<2x128xf32, #tpu.memory_space<vmem>>, vector<16xf32>,
    %mul3A_383 = arith.mulf %max3A_378, %get3A_382 : vector<16xf32>
    %add3A_384 = arith.addf %add3A_363, %mul3A_383 : vector<16xf32>
    %get3A_385 = arith.constant 1 : i32
    %get3A_386 = arith.index_cast %get3A_385 : i32 to index
    %get3A_387 = arith.constant 48 : index
    %get3A_388 = tpu.vector_load %arg14[%get3A_386, %get3A_387] {strides = array<i32>} : memref<2x128xf32, #tpu.memory_space<vmem>>, vector<16xf32>,
    %mul3A_389 = arith.mulf %max3A_378, %get3A_388 : vector<16xf32>
    %add3A_390 = arith.addf %add3A_369, %mul3A_389 : vector<16xf32>
    %mul3A_391 = arith.constant 5.000000e-03 : f32
    %mul3A_392 = vector.broadcast %mul3A_391 : f32 to vector<16xf32>
    %mul3A_393 = arith.mulf %scan3A_305#4, %mul3A_392 : vector<16xf32>
    %get3A_394 = arith.constant 64 : index
    %get3A_395 = tpu.vector_load %arg13[%get3A_394] {strides = array<i32>} : memref<128xf32, #tpu.memory_space<vmem>>, vector<16xf32>,
    %add3A_396 = arith.addf %mul3A_393, %get3A_395 : vector<16xf32>
    %max3A_397 = arith.constant 0.000000e+00 : f32
    %max3A_398 = vector.broadcast %max3A_397 : f32 to vector<16xf32>
    %max3A_399 = arith.maximumf %add3A_396, %max3A_398 : vector<16xf32>
    %get3A_400 = arith.constant 0 : i32
    %get3A_401 = arith.index_cast %get3A_400 : i32 to index
    %get3A_402 = arith.constant 64 : index
    %get3A_403 = tpu.vector_load %arg14[%get3A_401, %get3A_402] {strides = array<i32>} : memref<2x128xf32, #tpu.memory_space<vmem>>, vector<16xf32>,
    %mul3A_404 = arith.mulf %max3A_399, %get3A_403 : vector<16xf32>
    %add3A_405 = arith.addf %add3A_384, %mul3A_404 : vector<16xf32>
    %get3A_406 = arith.constant 1 : i32
    %get3A_407 = arith.index_cast %get3A_406 : i32 to index
    %get3A_408 = arith.constant 64 : index
    %get3A_409 = tpu.vector_load %arg14[%get3A_407, %get3A_408] {strides = array<i32>} : memref<2x128xf32, #tpu.memory_space<vmem>>, vector<16xf32>,
    %mul3A_410 = arith.mulf %max3A_399, %get3A_409 : vector<16xf32>
    %add3A_411 = arith.addf %add3A_390, %mul3A_410 : vector<16xf32>
    %mul3A_412 = arith.constant 5.000000e-03 : f32
    %mul3A_413 = vector.broadcast %mul3A_412 : f32 to vector<16xf32>
    %mul3A_414 = arith.mulf %scan3A_305#5, %mul3A_413 : vector<16xf32>
    %get3A_415 = arith.constant 80 : index
    %get3A_416 = tpu.vector_load %arg13[%get3A_415] {strides = array<i32>} : memref<128xf32, #tpu.memory_space<vmem>>, vector<16xf32>,
    %add3A_417 = arith.addf %mul3A_414, %get3A_416 : vector<16xf32>
    %max3A_418 = arith.constant 0.000000e+00 : f32
    %max3A_419 = vector.broadcast %max3A_418 : f32 to vector<16xf32>
    %max3A_420 = arith.maximumf %add3A_417, %max3A_419 : vector<16xf32>
    %get3A_421 = arith.constant 0 : i32
    %get3A_422 = arith.index_cast %get3A_421 : i32 to index
    %get3A_423 = arith.constant 80 : index
    %get3A_424 = tpu.vector_load %arg14[%get3A_422, %get3A_423] {strides = array<i32>} : memref<2x128xf32, #tpu.memory_space<vmem>>, vector<16xf32>,
    %mul3A_425 = arith.mulf %max3A_420, %get3A_424 : vector<16xf32>
    %add3A_426 = arith.addf %add3A_405, %mul3A_425 : vector<16xf32>
    %get3A_427 = arith.constant 1 : i32
    %get3A_428 = arith.index_cast %get3A_427 : i32 to index
    %get3A_429 = arith.constant 80 : index
    %get3A_430 = tpu.vector_load %arg14[%get3A_428, %get3A_429] {strides = array<i32>} : memref<2x128xf32, #tpu.memory_space<vmem>>, vector<16xf32>,
    %mul3A_431 = arith.mulf %max3A_420, %get3A_430 : vector<16xf32>
    %add3A_432 = arith.addf %add3A_411, %mul3A_431 : vector<16xf32>
    %mul3A_433 = arith.constant 5.000000e-03 : f32
    %mul3A_434 = vector.broadcast %mul3A_433 : f32 to vector<16xf32>
    %mul3A_435 = arith.mulf %scan3A_305#6, %mul3A_434 : vector<16xf32>
    %get3A_436 = arith.constant 96 : index
    %get3A_437 = tpu.vector_load %arg13[%get3A_436] {strides = array<i32>} : memref<128xf32, #tpu.memory_space<vmem>>, vector<16xf32>,
    %add3A_438 = arith.addf %mul3A_435, %get3A_437 : vector<16xf32>
    %max3A_439 = arith.constant 0.000000e+00 : f32
    %max3A_440 = vector.broadcast %max3A_439 : f32 to vector<16xf32>
    %max3A_441 = arith.maximumf %add3A_438, %max3A_440 : vector<16xf32>
    %get3A_442 = arith.constant 0 : i32
    %get3A_443 = arith.index_cast %get3A_442 : i32 to index
    %get3A_444 = arith.constant 96 : index
    %get3A_445 = tpu.vector_load %arg14[%get3A_443, %get3A_444] {strides = array<i32>} : memref<2x128xf32, #tpu.memory_space<vmem>>, vector<16xf32>,
    %mul3A_446 = arith.mulf %max3A_441, %get3A_445 : vector<16xf32>
    %add3A_447 = arith.addf %add3A_426, %mul3A_446 : vector<16xf32>
    %get3A_448 = arith.constant 1 : i32
    %get3A_449 = arith.index_cast %get3A_448 : i32 to index
    %get3A_450 = arith.constant 96 : index
    %get3A_451 = tpu.vector_load %arg14[%get3A_449, %get3A_450] {strides = array<i32>} : memref<2x128xf32, #tpu.memory_space<vmem>>, vector<16xf32>,
    %mul3A_452 = arith.mulf %max3A_441, %get3A_451 : vector<16xf32>
    %add3A_453 = arith.addf %add3A_432, %mul3A_452 : vector<16xf32>
    %mul3A_454 = arith.constant 5.000000e-03 : f32
    %mul3A_455 = vector.broadcast %mul3A_454 : f32 to vector<16xf32>
    %mul3A_456 = arith.mulf %scan3A_305#7, %mul3A_455 : vector<16xf32>
    %get3A_457 = arith.constant 112 : index
    %get3A_458 = tpu.vector_load %arg13[%get3A_457] {strides = array<i32>} : memref<128xf32, #tpu.memory_space<vmem>>, vector<16xf32>,
    %add3A_459 = arith.addf %mul3A_456, %get3A_458 : vector<16xf32>
    %max3A_460 = arith.constant 0.000000e+00 : f32
    %max3A_461 = vector.broadcast %max3A_460 : f32 to vector<16xf32>
    %max3A_462 = arith.maximumf %add3A_459, %max3A_461 : vector<16xf32>
    %get3A_463 = arith.constant 0 : i32
    %get3A_464 = arith.index_cast %get3A_463 : i32 to index
    %get3A_465 = arith.constant 112 : index
    %get3A_466 = tpu.vector_load %arg14[%get3A_464, %get3A_465] {strides = array<i32>} : memref<2x128xf32, #tpu.memory_space<vmem>>, vector<16xf32>,
    %mul3A_467 = arith.mulf %max3A_462, %get3A_466 : vector<16xf32>
    %add3A_468 = arith.addf %add3A_447, %mul3A_467 : vector<16xf32>
    %get3A_469 = arith.constant 1 : i32
    %get3A_470 = arith.index_cast %get3A_469 : i32 to index
    %get3A_471 = arith.constant 112 : index
    %get3A_472 = tpu.vector_load %arg14[%get3A_470, %get3A_471] {strides = array<i32>} : memref<2x128xf32, #tpu.memory_space<vmem>>, vector<16xf32>,
    %mul3A_473 = arith.mulf %max3A_462, %get3A_472 : vector<16xf32>
    %add3A_474 = arith.addf %add3A_453, %mul3A_473 : vector<16xf32>
    %reduce_sum3A_475 = arith.constant true
    %reduce_sum3A_476 = vector.broadcast %reduce_sum3A_475 : i1 to vector<16xi1>
    %reduce_sum3A_477 = tpu.scan <sum>, %add3A_468 masked %reduce_sum3A_476 : vector<16xf32>, vector<16xi1> -> vector<16xf32>
    %reduce_sum3A_478 = vector.extract %reduce_sum3A_477[15] : f32 from vector<16xf32>
    %reduce_sum3A_479 = arith.constant true
    %reduce_sum3A_480 = vector.broadcast %reduce_sum3A_479 : i1 to vector<16xi1>
    %reduce_sum3A_481 = tpu.scan <sum>, %add3A_474 masked %reduce_sum3A_480 : vector<16xf32>, vector<16xi1> -> vector<16xf32>
    %reduce_sum3A_482 = vector.extract %reduce_sum3A_481[15] : f32 from vector<16xf32>
    %eq3A_483 = arith.constant 0 : i32
    %eq3A_484 = vector.broadcast %eq3A_483 : i32 to vector<16xi32>
    %eq3A_485 = arith.cmpi eq, %iota3A, %eq3A_484 : vector<16xi32>
    %eq3A_486 = arith.constant 1 : i32
    %eq3A_487 = vector.broadcast %eq3A_486 : i32 to vector<16xi32>
    %eq3A_488 = arith.cmpi eq, %iota3A, %eq3A_487 : vector<16xi32>
    %jit3A_489 = arith.constant 0.000000e+00 : f32
    %broadcast_in_dim3A_490 = vector.broadcast %reduce_sum3A_482 : f32 to vector<16xf32>
    %broadcast_in_dim3A_491 = vector.broadcast %jit3A_489 : f32 to vector<16xf32>
    %select_n3A_492 = arith.select %eq3A_488, %broadcast_in_dim3A_490, %broadcast_in_dim3A_491 : vector<16xi1>, vector<16xf32>
    %broadcast_in_dim3A_493 = vector.broadcast %reduce_sum3A_478 : f32 to vector<16xf32>
    %select_n3A_494 = arith.select %eq3A_485, %broadcast_in_dim3A_493, %select_n3A_492 : vector<16xi1>, vector<16xf32>
    %add3A_495 = arith.addf %select_n3A_494, %get3A_5 : vector<16xf32>
    %swap3A_496 = arith.constant 127 : i32
    %swap3A_497 = arith.index_cast %swap3A_496 : i32 to index
    %swap3A_498 = arith.constant 0 : index
    %swap3A_499 = tpu.vector_load %arg12[%swap3A_497, %swap3A_498] {strides = array<i32>} : memref<128x16xf32, #tpu.memory_space<vmem>>, vector<16xf32>,
    tpu.vector_store %arg12[%swap3A_497, %swap3A_498], %add3A_495 {strides = array<i32>} : memref<128x16xf32, #tpu.memory_space<vmem>>, vector<16xf32>,
    "tpu.region"() ({
      %run_scoped3A = tpu.sem_alloc : memref<!tpu.dma_semaphore, #tpu.memory_space<semaphore_mem>>
      %dma_start3A_500 = arith.constant 0 : i32
      %dma_start3A_501 = tpu.memref_slice %arg7[%mul3A_2, %dma_start3A_500] : memref<4096x16xf32, #tpu.memory_space<hbm>> -> memref<128x16xf32, #tpu.memory_space<hbm>>
      %dma_start3A_502 = arith.constant 0 : i32
      %dma_start3A_503 = tpu.memref_slice %arg7[%mul3A_2, %dma_start3A_502] : memref<4096x16xf32, #tpu.memory_space<hbm>> -> memref<128x16xf32, #tpu.memory_space<hbm>>
      tpu.enqueue_dma source(%arg12 : memref<128x16xf32, #tpu.memory_space<vmem>>) target(%dma_start3A_503 : memref<128x16xf32, #tpu.memory_space<hbm>>) target_semaphore(%run_scoped3A : memref<!tpu.dma_semaphore, #tpu.memory_space<semaphore_mem>>)
      %dma_wait3A_504 = arith.constant 0 : i32
      %dma_wait3A_505 = tpu.memref_slice %arg7[%mul3A_2, %dma_wait3A_504] : memref<4096x16xf32, #tpu.memory_space<hbm>> -> memref<128x16xf32, #tpu.memory_space<hbm>>
      %dma_wait3A_506 = arith.constant 0 : i32
      %dma_wait3A_507 = tpu.memref_slice %arg7[%mul3A_2, %dma_wait3A_506] : memref<4096x16xf32, #tpu.memory_space<hbm>> -> memref<128x16xf32, #tpu.memory_space<hbm>>
      tpu.wait_dma2 semaphore(%run_scoped3A : memref<!tpu.dma_semaphore, #tpu.memory_space<semaphore_mem>>) src(%arg12 : memref<128x16xf32, #tpu.memory_space<vmem>>) dst(%dma_wait3A_507 : memref<128x16xf32, #tpu.memory_space<hbm>>)
      tpu.yield
    }) : () -> ()
    return
  }
}

</mosaic_0001>

<sc_bundles>
// kernel: kernel.3.cloned.1.call-start
scs
__scs_entry_jumppad:
0x0: {  	(pc) =	sbr.rel $0x88, $3  }
0x1: {  	(tag) =	ssettag $0x0;
	lr =	simm.s32 $0x1  }
0x2: {  	[smem:$0x3F9B] =	sst lr;
	_ =	strace $0xD0000000  }
0x3: {  	_ = 	snop  }
0x4: {  	_ = 	snop  }
0x5: {  	_ = 	snop  }
0x6: {  	_ = 	snop  }
0x7: {  	_ = 	snop  }
__scs_overlays_trampoline_lowered:
0x8: {  	[smem:$0x3FAA] =	sst s0  }
0x9: {  	[smem:$0x3FAB] =	sst s1  }
0xa: {  	[smem:$0x3FAC] =	sst s2  }
0xb: {  	[smem:$0x3FAD] =	sst s3  }
0xc: {  	[smem:$0x3FAE] =	sst s4  }
0xd: {  	[smem:$0x3FAF] =	sst s5  }
0xe: {  	[smem:$0x3FB0] =	sst s6  }
0xf: {  	[smem:$0x3FB1] =	sst s7  }
0x10: {  	[smem:$0x3FB2] =	sst s8  }
0x11: {  	[smem:$0x3FB3] =	sst s9;
	s0 =	simm.s32 @!p0 $0x0  }
0x12: {  	s1 =	sld [smem:$0x3F99];
	s0 =	simm.s32 @p0 $0x1  }
0x13: {  	[smem:$0x3FB4] =	sst s0;
	s0 =	simm.s32 @!p1 $0x0  }
0x14: {  	s2 =	sld [smem:$0x3F98];
	s0 =	simm.s32 @p1 $0x1  }
0x15: {  	[smem:$0x3FB5] =	sst s0;
	s0 =	simm.s32 @!p2 $0x0  }
0x16: {  	s3 =	sld [smem:$0x3FDB];
	s0 =	simm.s32 @p2 $0x1  }
0x17: {  	s4 =	simm.s32 $0x1BF5;
	[smem:$0x3FB7] =	sst s0  }
0x18: {  	s0 =	sld [smem:$0x3F9A];
	_ =	swait.ge [sflag:s4], $0x0  }
0x19: {  	s7 =	sld [smem:$0x3F9B]  }
0x1a: {  	s8 =	sadd.s32 $0xFFFFE003, lr  }
0x1b: {  	s9 =	sadd.s32 $0xFFFFFEF7, lr;
	s5 =	simm.s32 $0xFFFFFFFF;
	p2 =	slt.u32 s8, $0xFFFFF086  }
0x1c: {  	p1 =	slt.u32 s9, $0xF7A;
	s5 =	simm.s32 @!p2 $0x0  }
0x1d: {  	s5 =	simm.s32 @p1 $0x1;
	p0 =	seq.s32 s7, s2  }
0x1e: {  	s7 =	smul.u32 @!p0 $0xF7A, s2;
	p2 =	seq.s32 @!p0 s5, $0x0  }
0x1f: {  	s9 =	smul.u32 $0xF7A, s1;
	s8 =	simm.s32 @!p0 $0x1BF5;
	p2 =	por !p2, p0  }
0x20: {  	[sflag:s8] =	ssyncset.s32 @!p0 $0xFFFFF086;
	s6 =	sadd.s32 @!p0 s3, s7;
	s7 =	simm.s32 @!p0 $0x108  }
0x21: {  	s3 =	sadd.s32 s3, s9;
	s6 =	sadd.s32 @!p0 $0x88, s6;
	s7 =	simm.s32 @p2 $0x1082  }
0x22: {  	[simem:s7], [sflag:s8] =	dma.local @!p0 [hbm:s6], $0xF7A  }
0x23: {  	s9 =	sor.u32 $0xD0000000, s2;
	s6 =	simm.s32 $0x108;
	_ =	swait.ge @!p0 [sflag:s8], $0x0  }
0x24: {  	s3 =	sadd.s32 $0x88, s3;
	s6 =	simm.s32 @!p1 $0x1082;
	[sflag:s4] =	ssyncset.s32 $0xFFFFF086  }
0x25: {  	[simem:s6], [sflag:s4] =	dma.local [hbm:s3], $0xF7A  }
0x26: {  	[smem:$0x3F9B] =	sst s1;
	(tag) =	ssettag s2;
	_ =	strace s9  }
0x27: {  	s1 =	sld [smem:$0x3FAB]  }
0x28: {  	s2 =	sld [smem:$0x3FAC]  }
0x29: {  	s4 =	sld [smem:$0x3FAE]  }
0x2a: {  	p0 =	seq.s32 s5, $0x0;
	s5 =	sld [smem:$0x3FAF]  }
0x2b: {  	s6 =	sld [smem:$0x3FB0]  }
0x2c: {  	s7 =	sld [smem:$0x3FB1]  }
0x2d: {  	s3 =	simm.s32 $0x108;
	s8 =	sld [smem:$0x3FB2]  }
0x2e: {  	s3 =	simm.s32 @!p0 $0x1082;
	s9 =	sld [smem:$0x3FB3]  }
0x2f: {  	lr =	sadd.s32 s0, s3;
	s0 =	sld [smem:$0x3FAA]  }
0x30: {  	s3 =	sld [smem:$0x3FAD]  }
0x31: {  	[smem:$0x3FB6] =	sst s10  }
0x32: {  	s10 =	sld [smem:$0x3FB4];
	_ =	sdelay $0x3  }
0x33: {  	p0 =	seq.s32 s10, $0x1;
	s10 =	sld [smem:$0x3FB6];
	_ =	sdelay $0x3  }
0x34: {  	[smem:$0x3FB6] =	sst s10  }
0x35: {  	s10 =	sld [smem:$0x3FB5];
	_ =	sdelay $0x3  }
0x36: {  	p1 =	seq.s32 s10, $0x1;
	s10 =	sld [smem:$0x3FB6];
	_ =	sdelay $0x3  }
0x37: {  	[smem:$0x3FB6] =	sst s10  }
0x38: {  	s10 =	sld [smem:$0x3FB7]  }
0x39: {  	_ = 	snop;
	(pc) =	sbr.ind lr, $3  }
0x3a: {  	_ = 	snop  }
0x3b: {  	_ = 	snop  }
0x3c: {  	p2 =	seq.s32 s10, $0x1;
	s10 =	sld [smem:$0x3FB6]  }
0x3d: {  	_ =	shalt  }
0x3e: {  	_ =	shalt  }
0x3f: {  	_ =	shalt  }
0x40: {  	_ =	shalt  }
0x41: {  	_ =	shalt  }
0x42: {  	_ =	shalt  }
0x43: {  	_ =	shalt  }
0x44: {  	_ =	shalt  }
0x45: {  	_ =	shalt  }
0x46: {  	_ =	shalt  }
0x47: {  	_ =	shalt  }
0x48: {  	_ =	shalt  }
0x49: {  	_ =	shalt  }
0x4a: {  	_ =	shalt  }
0x4b: {  	_ =	shalt  }
0x4c: {  	_ =	shalt  }
0x4d: {  	_ =	shalt  }
0x4e: {  	_ =	shalt  }
0x4f: {  	_ =	shalt  }
0x50: {  	_ =	shalt  }
0x51: {  	_ =	shalt  }
0x52: {  	_ =	shalt  }
0x53: {  	_ =	shalt  }
0x54: {  	_ =	shalt  }
0x55: {  	_ =	shalt  }
0x56: {  	_ =	shalt  }
0x57: {  	_ =	shalt  }
0x58: {  	_ =	shalt  }
0x59: {  	_ =	shalt  }
0x5a: {  	_ =	shalt  }
0x5b: {  	_ =	shalt  }
0x5c: {  	_ =	shalt  }
0x5d: {  	_ =	shalt  }
0x5e: {  	_ =	shalt  }
0x5f: {  	_ =	shalt  }
0x60: {  	_ =	shalt  }
0x61: {  	_ =	shalt  }
0x62: {  	_ =	shalt  }
0x63: {  	_ =	shalt  }
0x64: {  	_ =	shalt  }
0x65: {  	_ =	shalt  }
0x66: {  	_ =	shalt  }
0x67: {  	_ =	shalt  }
0x68: {  	_ =	shalt  }
0x69: {  	_ =	shalt  }
0x6a: {  	_ =	shalt  }
0x6b: {  	_ =	shalt  }
0x6c: {  	_ =	shalt  }
0x6d: {  	_ =	shalt  }
0x6e: {  	_ =	shalt  }
0x6f: {  	_ =	shalt  }
0x70: {  	_ =	shalt  }
0x71: {  	_ =	shalt  }
0x72: {  	_ =	shalt  }
0x73: {  	_ =	shalt  }
0x74: {  	_ =	shalt  }
0x75: {  	_ =	shalt  }
0x76: {  	_ =	shalt  }
0x77: {  	_ =	shalt  }
0x78: {  	_ =	shalt  }
0x79: {  	_ =	shalt  }
0x7a: {  	_ =	shalt  }
0x7b: {  	_ =	shalt  }
0x7c: {  	_ =	shalt  }
0x7d: {  	_ =	shalt  }
0x7e: {  	_ =	shalt  }
0x7f: {  	_ =	shalt  }
0x80: {  	_ =	shalt  }
0x81: {  	_ =	shalt  }
0x82: {  	_ =	shalt  }
0x83: {  	_ =	shalt  }
0x84: {  	_ =	shalt  }
0x85: {  	_ =	shalt  }
0x86: {  	_ =	shalt  }
0x87: {  	_ =	shalt  }
.Lfunc_end0:
.L_simem_size_0:
called_computation_lowered:
.L_overlay_start_0:
0x88: {  	s2 =	sld [smem:$0x3FD9]  }
0x89: {  	s3 =	sld [smem:$0x3FFE];
	_ =	sdelay $0x1  }
0x8a: {  	s1 =	srdreg.scid  }
0x8b: {  	s0 =	sand.u32 $0x1, s1  }
0x8c: {  	s17 =	sshll.u32 s0, $0xA;
	s2 =	sadd.s32 s3, s2  }
0x8d: {  	s2 =	sadd.s32 s2, s17  }
0x8e: {  	[smem:$0x3FC2] =	sst s2  }
0x8f: {  	_ = 	snop  }
0x90: {  	s2 =	sld [smem:$0x3FC6]  }
0x91: {  	s18 =	sld [smem:$0x3FC5]  }
0x92: {  	s4 =	sld [smem:$0x3FD0];
	(tm) =	ssettm $0x1  }
0x93: {  	s5 =	sld [smem:$0x3FFB];
	_ =	sdelay $0x3  }
0x94: {  	_ =	strace s5  }
0x95: {  	s5 =	sld [smem:$0x3FFC];
	_ =	sdelay $0x3  }
0x96: {  	_ =	strace s5  }
0x97: {  	s5 =	sld [smem:$0x3FFD];
	_ =	sdelay $0x3  }
0x98: {  	_ =	strace s5  }
0x99: {  	_ =	strace $0x8FFFFFFF  }
0x9a: {  	s19 =	sld [smem:$0x3FDB];
	_ =	sdelay $0x1  }
0x9b: {  	s6 =	simm.s32 $_scs_section_size  }
0x9c: {  	s7 =	simm.s32 $_size__tile_overlayer_lowered;
	s8 =	simm.s32 $_tile_overlayer_lowered  }
0x9d: {  	s22 =	simm.s32 $0x1BFF;
	s21 =	sshll.u32 s8, $0x1;
	s5 =	sadd.s32 s6, s19  }
0x9e: {  	s9 =	simm.s32 $0x0;
	s20 =	sshll.u32 s7, $0x1;
	s7 =	sadd.s32 s21, s5  }
0x9f: {  	[timem:s9], [sflag:s22] =	dma.local [hbm:s7], s20  }
0xa0: {  	_ =	swait.ge [sflag:s22], s20  }
0xa1: {  	s6 =	ssub.s32 $0x0, s20;
	[sflag:s22] =	ssyncset.done $0x0  }
0xa2: {  	[sflag:s22] =	ssyncadd.s32 s6;
	_ =	sdelay $0x1  }
0xa3: {  	s23 =	simm.s32 $0x1B8B  }
0xa4: {  	_ =	swait.ge [sflag:s23], $0x1  }
0xa5: {  	[sflag:s23] =	ssyncset.done $0x0  }
0xa6: {  	s25 =	simm.s32 $0x1B8E;
	s24 =	sld [smem:$0x3FFE];
	[sflag:s23] =	ssyncadd.s32 $0xFFFFFFFF  }
0xa7: {  	s26 =	simm.s32 $execute0_lowered;
	[smem:$0x3FD2] =	sst s25  }
0xa8: {  	s7 =	sshll.u32 s26, $0x1;
	_ =	strace $0x80000046;
	[dreg:$0x1] =	wrdreg $0xFFFFFFFF  }
0xa9: {  	s28 =	simm.s32 $_size_execute0_lowered;
	s5 =	sadd.s32 s5, s7;
	[dreg:$0x0] =	wrdreg $0x0  }
0xaa: {  	s7 =	sshll.u32 s28, $0x1;
	[dreg:$0x2] =	wrdreg s5  }
0xab: {  	[dreg:$0x3] =	wrdreg s7  }
0xac: {  	[dreg:$0x4] =	wrdreg $0xC0  }
0xad: {  	_ =	task [dreg:s9], $0x5FFFF  }
0xae: {  	[dreg:$0x1] =	wrdreg $0xFFFFFFFF  }
0xaf: {  	[dreg:$0x0] =	wrdreg $0x60  }
0xb0: {  	[dreg:$0x2] =	wrdreg s24  }
0xb1: {  	[dreg:$0x3] =	wrdreg s2  }
0xb2: {  	[dreg:$0x4] =	wrdreg s18  }
0xb3: {  	[dreg:$0x5] =	wrdreg s4  }
0xb4: {  	[dreg:$0x6] =	wrdreg $0x9  }
0xb5: {  	_ =	task.clear_ibuf [dreg:s9], $0x7FFFF;
	_ =	strace $0x90000046  }
0xb6: {  	s29 =	simm.s32 $0x9;
	_ =	strace $0x80000048  }
0xb7: {  	_ =	swait.ge [sflag:s29], $0x1  }
0xb8: {  	[sflag:s29] =	ssyncadd.s32 $0xFFFFFFFF  }
0xb9: {  	_ =	strace $0x90000048  }
0xba: {  	_ =	sfence  }
0xbb: {  	s30 =	sld [smem:$0x0];
	_ =	sdelay $0x2  }
0xbc: {  	s31 =	sshll.u32 s1, $0xD;
	s1 =	sshrl.u32 s1, $0x2  }
0xbd: {  	s3 =	sand.u32 $0x4000, s31;
	s1 =	sadd.s32 s1, s30  }
0xbe: {  	s0 =	sor.u32 s3, s0;
	s1 =	sshll.u32 s1, $0x11  }
0xbf: {  	s0 =	sor.u32 s1, s0  }
0xc0: {  	s0 =	sadd.s32 $0x8F2B, s0  }
0xc1: {  	[sflag:s0] =	ssyncadd.remote.s32 $0x1  }
0xc2: {  	_ =	sfence.sel $0xFFFF  }
0xc3: {  	[dreg:$0x0] =	wrdreg $0xFFFFFFFF;
	(pc) =	sbr.abs _section_cstart, $3  }
0xc4: {  	[dreg:$0x1] =	wrdreg $0xFFFFFFFF  }
0xc5: {  	_ =	task.clear_ibuf [dreg:s9], $0x2FFFF;
	_ =	strace $0x9FFFFFFF  }
0xc6: {  	(tm) =	ssettm $0x7FFFFFFF  }
0xc7: {  	_ =	shalt  }
tec
execute0_lowered:
.L_overlay_start_1:
0x0: {  	(tag) =	ssettag $0x1  }
0x1: {  	s0 =	rddreg [dreg:$0x0]  }
0x2: {  	s1 =	srdreg.scid;
	s2 =	stileid.u32;
	s5 =	simm.s32 $0x0  }
0x3: {  	s10 =	simm.s32 $0x7;
	s13 =	simm.s32 $0x19980;
	s14 =	simm.s32 $0x68  }
0x4: {  	s15 =	simm.s32 $0x6400;
	s16 =	simm.s32 $0x60;
	s17 =	simm.s32 $0x9800  }
0x5: {  	s18 =	simm.s32 $0xC8;
	s19 =	simm.s32 $0xC800;
	s20 =	simm.s32 $0x130  }
0x6: {  	s21 =	simm.s32 $0xFC00;
	s22 =	simm.s32 $0x12C00;
	s23 =	simm.s32 $0x16000  }
0x7: {  	s24 =	simm.s32 $0x1;
	s25 =	simm.s32 $0x4;
	s26 =	simm.s32 $0x2  }
0x8: {  	s28 =	simm.s32 $0x5;
	s29 =	simm.s32 $0x3;
	s30 =	simm.s32 $0x6  }
0x9: {  	s31 =	simm.s32 $0x19000;
	s1 =	sand.u32 $0x1, s1;
	s2 =	sshll.u32 s2, $0x1  }
0xa: {  	[smem:$0x7FF] =	sst s5;
	s2 =	sor.u32 s1, s2;
	s1 =	ssub.s32 $0x2, s1  }
0xb: {  	s6 =	sadd.s32 $0x19600, s0;
	s3 =	smul.u32 $0xC80, s2;
	s4 =	sshrl.u32 s1, $0x1  }
0xc: {  	_ =	strace $0x80000047;
	s2 =	sshll.u32 s2, $0x8;
	s1 =	ssub.s32 s1, s4  }
0xd: {  	s3 =	sadd.s32 s3, s0;
	s0 =	sadd.s32 s2, s0;
	s9 =	smax.u32 s1, $0x1  }
0xe: {  	vm0 =	vcmask $0x704;
	vm1 =	vcmask $0x3F04;
	s2 =	simm.s32 $0x0;
	s7 =	sadd.s32 $0x600, s3;
	s8 =	sadd.s32 $0xF5BA00, s0  }
.LBB2_1:
0xf: {  	[tilespmem:s5], [sflag:$0x7] =	stream.linear.gather [hbm4b:s7+s5], $0x6400, $0x38;
	[tilespmem:$0x19990] =	vst v63  }
0x10: {  	_ =	swait.ge [sflag:s10], $0x6400  }
0x11: {  	[sflag:s10] =	ssyncset.done $0x0  }
0x12: {  	[sflag:s10] =	ssyncadd.s32 $0xFFFF9C00  }
0x13: {  	s1 =	simm.s32 $0x19800;
	s0 =	rddreg [dreg:$0x1]  }
0x14: {  	[tilespmem:s1], [sflag:$0x7] =	stream.linear.gather [hbm4b:s0+s5], $0x80, $0x38;
	[tilespmem:$0x19990] =	vst v63  }
0x15: {  	_ =	swait.ge [sflag:s10], $0x80  }
0x16: {  	[sflag:s10] =	ssyncset.done $0x0  }
0x17: {  	[sflag:s10] =	ssyncadd.s32 $0xFFFFFF80  }
0x18: {  	s11 =	simm.s32 $0x19880;
	s4 =	rddreg [dreg:$0x2]  }
0x19: {  	[tilespmem:s11], [sflag:$0x7] =	stream.linear.gather [hbm4b:s4+s5], $0x100, $0x38;
	[tilespmem:$0x19990] =	vst v63  }
0x1a: {  	_ =	swait.ge [sflag:s10], $0x100  }
0x1b: {  	[sflag:s10] =	ssyncset.done $0x0  }
0x1c: {  	[sflag:s10] =	ssyncadd.s32 $0xFFFFFF00  }
0x1d: {  	s12 =	rddreg [dreg:$0x3]  }
0x1e: {  	[tilespmem:s13], [sflag:$0x7] =	stream.linear.gather [hbm4b:s12+s5], $0x10, $0x38;
	[tilespmem:$0x19990] =	vst v63  }
0x1f: {  	_ =	swait.ge [sflag:s10], $0x10  }
0x20: {  	[sflag:s10] =	ssyncset.done $0x0  }
0x21: {  	[sflag:s10] =	ssyncadd.s32 $0xFFFFFFF0  }
0x22: {  	v0 =	vld [tilespmem:$0x19980];
	[tilespmem:s15], [sflag:$0x1] =	stream.indirect.gather [hbm4b:s6+s14], $0x80, s5, s14, $0xb8  }
0x23: {  	_ = 	snop  }
0x24: {  	[tilespmem:s17], [sflag:$0x4] =	stream.indirect.gather [hbm4b:s6+s16], $0x80, s14, s16, $0xb8;
	[tilespmem:$0x19990] =	vst v63  }
0x25: {  	_ = 	snop  }
0x26: {  	[tilespmem:s19], [sflag:$0x2] =	stream.indirect.gather [hbm4b:s6+s14], $0x80, s18, s14, $0xb8;
	[tilespmem:$0x19990] =	vst v63  }
0x27: {  	s0 =	simm.s32 $0x0;
	[tilespmem:$0x1FFF0] =	vst v0  }
0x28: {  	[tilespmem:s21], [sflag:$0x5] =	stream.indirect.gather [hbm4b:s6+s16], $0x80, s20, s16, $0xb8;
	[tilespmem:$0x19990] =	vst v63  }
.LBB2_2:
0x29: {  	s1 =	smul.u32 $0x3, s0;
	_ =	sdelay $0x1  }
0x2a: {  	s1 =	sadd.s32 $0x2, s1  }
0x2b: {  	s3 =	smul.u32 $0x320, s1;
	_ =	sdelay $0x1  }
0x2c: {  	s3 =	sshra.s32 s3, $0x2  }
0x2d: {  	[tilespmem:s22], [sflag:$0x3] =	stream.indirect.gather [hbm4b:s6+s14], $0x80, s3, s14, $0xb8;
	[tilespmem:$0x19990] =	vst v63  }
0x2e: {  	s3 =	sadd.s32 $0x68, s3  }
0x2f: {  	[tilespmem:s23], [sflag:$0x6] =	stream.indirect.gather [hbm4b:s6+s16], $0x80, s3, s16, $0xb8;
	[tilespmem:$0x19990] =	vst v63  }
0x30: {  	_ =	swait.ge [sflag:s24], $0x3400  }
0x31: {  	[sflag:s24] =	ssyncset.done $0x0  }
0x32: {  	s3 =	simm.s32 $0x0;
	[sflag:s24] =	ssyncadd.s32 $0xFFFFCC00  }
0x33: {  	v16 =	vld [tilespmem:s3+$0x6780]  }
0x34: {  	v18 =	vld [tilespmem:s3+$0x6790]  }
0x35: {  	v19 =	vld [tilespmem:s3+$0x67A0]  }
0x36: {  	v20 =	vld [tilespmem:s3+$0x67B0]  }
0x37: {  	v3 =	vld [tilespmem:s3+$0x67C0]  }
0x38: {  	v4 =	vld [tilespmem:s3+$0x67D0]  }
0x39: {  	v10 =	vld [tilespmem:s3+$0x6700]  }
0x3a: {  	v30 =	vld [tilespmem:s3+$0x6710]  }
0x3b: {  	v28 =	vld [tilespmem:s3+$0x6720]  }
0x3c: {  	v29 =	vld [tilespmem:s3+$0x6730]  }
0x3d: {  	v7 =	vld [tilespmem:s3+$0x6740]  }
0x3e: {  	v8 =	vld [tilespmem:s3+$0x6750]  }
0x3f: {  	v1 =	vld [tilespmem:s3+$0x6680]  }
0x40: {  	v2 =	vld [tilespmem:s3+$0x6690]  }
0x41: {  	v5 =	vld [tilespmem:s3+$0x66A0]  }
0x42: {  	v6 =	vld [tilespmem:s3+$0x66B0]  }
0x43: {  	v11 =	vld [tilespmem:s3+$0x66C0]  }
0x44: {  	v12 =	vld [tilespmem:s3+$0x66D0]  }
0x45: {  	v9 =	vld [tilespmem:s3+$0x6600]  }
0x46: {  	v13 =	vld [tilespmem:s3+$0x6610]  }
0x47: {  	v14 =	vld [tilespmem:s3+$0x6620]  }
0x48: {  	v15 =	vld [tilespmem:s3+$0x6630]  }
0x49: {  	v21 =	vld [tilespmem:s3+$0x6640]  }
0x4a: {  	v17 =	vld [tilespmem:s3+$0x6580]  }
0x4b: {  	v24 =	vld [tilespmem:s3+$0x6590]  }
0x4c: {  	v25 =	vld [tilespmem:s3+$0x6500]  }
0x4d: {  	v26 =	vld [tilespmem:s3+$0x6510]  }
0x4e: {  	v22 =	vld [tilespmem:s3+$0x6480]  }
0x4f: {  	v27 =	vld [tilespmem:s3+$0x6490]  }
0x50: {  	v31 =	vld [tilespmem:s3+$0x6400]  }
0x51: {  	v32 =	vld [tilespmem:s3+$0x6410]  }
0x52: {  	v33 =	vld [tilespmem:s3+$0x6420]  }
0x53: {  	v34 =	vld [tilespmem:s3+$0x6430]  }
0x54: {  	v35 =	vld [tilespmem:s3+$0x64A0]  }
0x55: {  	v36 =	vld [tilespmem:s3+$0x64B0]  }
0x56: {  	v37 =	vld [tilespmem:s3+$0x6520]  }
0x57: {  	v23 =	vimm.f32 $0.0e+00;
	v38 =	vld [tilespmem:s3+$0x6530]  }
0x58: {  	v39 =	vld [tilespmem:s3+$0x65A0];
	v31 =	vadd.f32 v31, v23;
	v32 =	vadd.f32 v32, v23  }
0x59: {  	v61 =	vld [tilespmem:s3+$0x65B0];
	v33 =	vadd.f32 v33, v23;
	v34 =	vadd.f32 v34, v23  }
0x5a: {  	v40 =	vld [tilespmem:s3+$0x6440];
	v31 =	vadd.f32 v22, v31;
	v27 =	vadd.f32 v27, v32  }
0x5b: {  	v41 =	vld [tilespmem:s3+$0x6450];
	v33 =	vadd.f32 v35, v33;
	v36 =	vadd.f32 v36, v34  }
0x5c: {  	v42 =	vld [tilespmem:s3+$0x6460];
	v25 =	vadd.f32 v25, v31;
	v26 =	vadd.f32 v26, v27  }
0x5d: {  	v22 =	vld [tilespmem:s3+$0x6650];
	v27 =	vadd.f32 v37, v33;
	v31 =	vadd.f32 v38, v36  }
0x5e: {  	v34 =	vld [tilespmem:s3+$0x65C0];
	v17 =	vadd.f32 v17, v25;
	v24 =	vadd.f32 v24, v26  }
0x5f: {  	v35 =	vld [tilespmem:s3+$0x65D0];
	v62 =	vadd.f32 v39, v27;
	v63 =	vadd.f32 v61, v31  }
0x60: {  	v36 =	vld [tilespmem:s3+$0x6540];
	v9 =	vadd.f32 v9, v17;
	v13 =	vadd.f32 v13, v24  }
0x61: {  	v32 =	vimm.f32 $0.0e+00;
	v37 =	vld [tilespmem:s3+$0x6550];
	v14 =	vadd.f32 v14, v62;
	v15 =	vadd.f32 v15, v63  }
0x62: {  	v38 =	vld [tilespmem:s3+$0x64C0];
	v33 =	vimm.f32 $0.0e+00;
	v43 =	vadd.f32 v1, v9;
	v44 =	vadd.f32 v2, v13  }
0x63: {  	s4 =	simm.s32 $0x1000;
	v39 =	vld [tilespmem:s3+$0x64D0];
	v31 =	vimm.f32 $0.0e+00;
	v45 =	vadd.f32 v5, v14;
	v46 =	vadd.f32 v6, v15  }
.LBB2_3:
0x64: {  	p0 =	sne.s32 s4, $0xC000;
	v9 =	vld [tilespmem:s3+$0x6470];
	v1 =	vadd.f32 v10, v43;
	v2 =	vadd.f32 v30, v44  }
0x65: {  	v10 =	vld [tilespmem:s3+$0x64E0];
	v5 =	vadd.f32 v28, v45;
	v6 =	vadd.f32 v29, v46  }
0x66: {  	v13 =	vld [tilespmem:s3+$0x64F0];
	v1 =	vadd.f32 v16, v1;
	v2 =	vadd.f32 v18, v2  }
0x67: {  	v14 =	vld [tilespmem:s3+$0x6560];
	v5 =	vadd.f32 v19, v5;
	v6 =	vadd.f32 v20, v6  }
0x68: {  	v15 =	vadd.f32 v40, v23;
	v16 =	vadd.f32 v41, v33;
	v17 =	vld [tilespmem:s3+$0x6570]  }
0x69: {  	v18 =	vadd.f32 v42, v31;
	v9 =	vadd.f32 v9, v32;
	v19 =	vld [tilespmem:s3+$0x65E0]  }
0x6a: {  	v15 =	vadd.f32 v38, v15;
	v16 =	vadd.f32 v39, v16;
	v20 =	vld [tilespmem:s3+$0x65F0]  }
0x6b: {  	v10 =	vadd.f32 v10, v18;
	v9 =	vadd.f32 v13, v9;
	v13 =	vld [tilespmem:s3+$0x6660]  }
0x6c: {  	v15 =	vadd.f32 v36, v15;
	v16 =	vadd.f32 v37, v16;
	v18 =	vld [tilespmem:s3+$0x6670]  }
0x6d: {  	v10 =	vadd.f32 v14, v10;
	v9 =	vadd.f32 v17, v9;
	v14 =	vld [tilespmem:s3+$0x66E0]  }
0x6e: {  	v15 =	vadd.f32 v34, v15;
	v16 =	vadd.f32 v35, v16;
	v17 =	vld [tilespmem:s3+$0x66F0]  }
0x6f: {  	v10 =	vadd.f32 v19, v10;
	v9 =	vadd.f32 v20, v9;
	v20 =	vld [tilespmem:s3+$0x6760]  }
0x70: {  	v15 =	vadd.f32 v21, v15;
	v16 =	vadd.f32 v22, v16;
	v21 =	vld [tilespmem:s3+$0x6770]  }
0x71: {  	v10 =	vadd.f32 v13, v10;
	v9 =	vadd.f32 v18, v9;
	v13 =	vld [tilespmem:s3+$0x67E0]  }
0x72: {  	v11 =	vadd.f32 v11, v15;
	v12 =	vadd.f32 v12, v16;
	v15 =	vld [tilespmem:s3+$0x67F0];
	s3 =	sshra.s32 s4, $0x2  }
0x73: {  	v10 =	vadd.f32 v14, v10;
	v16 =	vld [tilespmem:s3+$0x6780];
	v9 =	vadd.f32 v17, v9  }
0x74: {  	v7 =	vadd.f32 v7, v11;
	v8 =	vadd.f32 v8, v12;
	v18 =	vld [tilespmem:s3+$0x6790]  }
0x75: {  	v10 =	vadd.f32 v20, v10;
	v19 =	vld [tilespmem:s3+$0x67A0];
	v9 =	vadd.f32 v21, v9  }
0x76: {  	v23 =	vadd.f32 v3, v7;
	v33 =	vadd.f32 v4, v8;
	v20 =	vld [tilespmem:s3+$0x67B0]  }
0x77: {  	v31 =	vadd.f32 v13, v10;
	v3 =	vld [tilespmem:s3+$0x67C0];
	v32 =	vadd.f32 v15, v9  }
0x78: {  	v4 =	vld [tilespmem:s3+$0x67D0]  }
0x79: {  	v10 =	vld [tilespmem:s3+$0x6700]  }
0x7a: {  	v30 =	vld [tilespmem:s3+$0x6710]  }
0x7b: {  	v28 =	vld [tilespmem:s3+$0x6720]  }
0x7c: {  	v29 =	vld [tilespmem:s3+$0x6730]  }
0x7d: {  	v7 =	vld [tilespmem:s3+$0x6740]  }
0x7e: {  	v8 =	vld [tilespmem:s3+$0x6750]  }
0x7f: {  	v9 =	vld [tilespmem:s3+$0x6680]  }
0x80: {  	v13 =	vld [tilespmem:s3+$0x6690]  }
0x81: {  	v14 =	vld [tilespmem:s3+$0x66A0]  }
0x82: {  	v15 =	vld [tilespmem:s3+$0x66B0]  }
0x83: {  	v11 =	vld [tilespmem:s3+$0x66C0]  }
0x84: {  	v12 =	vld [tilespmem:s3+$0x66D0]  }
0x85: {  	v17 =	vld [tilespmem:s3+$0x6600]  }
0x86: {  	v24 =	vld [tilespmem:s3+$0x6610]  }
0x87: {  	v25 =	vld [tilespmem:s3+$0x6620]  }
0x88: {  	v26 =	vld [tilespmem:s3+$0x6630]  }
0x89: {  	v21 =	vld [tilespmem:s3+$0x6640]  }
0x8a: {  	v22 =	vld [tilespmem:s3+$0x6650]  }
0x8b: {  	v27 =	vld [tilespmem:s3+$0x6580]  }
0x8c: {  	v38 =	vld [tilespmem:s3+$0x6590]  }
0x8d: {  	v35 =	vld [tilespmem:s3+$0x6500]  }
0x8e: {  	v36 =	vld [tilespmem:s3+$0x6510]  }
0x8f: {  	v34 =	vld [tilespmem:s3+$0x6480]  }
0x90: {  	v37 =	vld [tilespmem:s3+$0x6490]  }
0x91: {  	v39 =	vld [tilespmem:s3+$0x6400]  }
0x92: {  	v40 =	vld [tilespmem:s3+$0x6410]  }
0x93: {  	v41 =	vld [tilespmem:s3+$0x6420]  }
0x94: {  	v42 =	vld [tilespmem:s3+$0x6430]  }
0x95: {  	v43 =	vld [tilespmem:s3+$0x64A0]  }
0x96: {  	v44 =	vld [tilespmem:s3+$0x64B0]  }
0x97: {  	v45 =	vld [tilespmem:s3+$0x6520]  }
0x98: {  	v1 =	vadd.f32 v39, v1;
	v2 =	vadd.f32 v40, v2;
	v39 =	vld [tilespmem:s3+$0x6530]  }
0x99: {  	v5 =	vadd.f32 v41, v5;
	v6 =	vadd.f32 v42, v6;
	v40 =	vld [tilespmem:s3+$0x65A0]  }
0x9a: {  	v1 =	vadd.f32 v34, v1;
	v2 =	vadd.f32 v37, v2;
	v41 =	vld [tilespmem:s3+$0x65B0]  }
0x9b: {  	v5 =	vadd.f32 v43, v5;
	v6 =	vadd.f32 v44, v6;
	v34 =	vld [tilespmem:s3+$0x65C0]  }
0x9c: {  	v1 =	vadd.f32 v35, v1;
	v2 =	vadd.f32 v36, v2;
	v35 =	vld [tilespmem:s3+$0x65D0]  }
0x9d: {  	v5 =	vadd.f32 v45, v5;
	v6 =	vadd.f32 v39, v6;
	v36 =	vld [tilespmem:s3+$0x6540]  }
0x9e: {  	v1 =	vadd.f32 v27, v1;
	v2 =	vadd.f32 v38, v2;
	v37 =	vld [tilespmem:s3+$0x6550]  }
.Ltmp0:
0x9f: {  	v5 =	vadd.f32 v40, v5;
	v38 =	vld [tilespmem:s3+$0x64C0];
	v6 =	vadd.f32 v41, v6;
	(pc) =	sbr.rel @p0 .LBB2_3-.Ltmp0, $4  }
0xa0: {  	v1 =	vadd.f32 v17, v1;
	v2 =	vadd.f32 v24, v2;
	v39 =	vld [tilespmem:s3+$0x64D0]  }
0xa1: {  	v5 =	vadd.f32 v25, v5;
	v40 =	vld [tilespmem:s3+$0x6440];
	v6 =	vadd.f32 v26, v6  }
0xa2: {  	v43 =	vadd.f32 v9, v1;
	v44 =	vadd.f32 v13, v2;
	v41 =	vld [tilespmem:s3+$0x6450]  }
0xa3: {  	s4 =	sadd.s32 $0x1000, s4;
	v45 =	vadd.f32 v14, v5;
	v42 =	vld [tilespmem:s3+$0x6460];
	v46 =	vadd.f32 v15, v6  }
0xa4: {  	v47 =	vld [tilespmem:s3+$0x6470]  }
0xa5: {  	v48 =	vld [tilespmem:s3+$0x64E0]  }
0xa6: {  	v49 =	vld [tilespmem:s3+$0x64F0]  }
0xa7: {  	v50 =	vld [tilespmem:s3+$0x6560]  }
0xa8: {  	v51 =	vld [tilespmem:s3+$0x6570]  }
0xa9: {  	v52 =	vld [tilespmem:s3+$0x65E0]  }
0xaa: {  	v53 =	vld [tilespmem:s3+$0x65F0]  }
0xab: {  	v54 =	vld [tilespmem:s3+$0x6660]  }
0xac: {  	v55 =	vld [tilespmem:s3+$0x6670]  }
0xad: {  	v56 =	vld [tilespmem:s3+$0x66E0]  }
0xae: {  	v57 =	vld [tilespmem:s3+$0x66F0]  }
0xaf: {  	v58 =	vld [tilespmem:s3+$0x6760]  }
0xb0: {  	v59 =	vld [tilespmem:s3+$0x6770]  }
0xb1: {  	v60 =	vld [tilespmem:s3+$0x67E0]  }
0xb2: {  	v61 =	vld [tilespmem:s3+$0x67F0];
	_ =	swait.ge [sflag:s25], $0x3000  }
0xb3: {  	[sflag:s25] =	ssyncset.done $0x0  }
0xb4: {  	s3 =	simm.s32 $0x0;
	[sflag:s25] =	ssyncadd.s32 $0xFFFFD000  }
0xb5: {  	v13 =	vld [tilespmem:s3+$0x9B80]  }
0xb6: {  	v14 =	vld [tilespmem:s3+$0x9B90]  }
0xb7: {  	v15 =	vld [tilespmem:s3+$0x9BA0]  }
0xb8: {  	v17 =	vld [tilespmem:s3+$0x9BB0]  }
0xb9: {  	v2 =	vld [tilespmem:s3+$0x9BC0]  }
0xba: {  	v1 =	vld [tilespmem:s3+$0x9BD0]  }
0xbb: {  	v25 =	vld [tilespmem:s3+$0x9B00]  }
0xbc: {  	v27 =	vld [tilespmem:s3+$0x9B10]  }
0xbd: {  	v24 =	vld [tilespmem:s3+$0x9B20]  }
0xbe: {  	v26 =	vld [tilespmem:s3+$0x9B30]  }
0xbf: {  	v5 =	vld [tilespmem:s3+$0x9B40]  }
0xc0: {  	v6 =	vld [tilespmem:s3+$0x9B50]  }
0xc1: {  	v62 =	vld [tilespmem:s3+$0x9A80]  }
0xc2: {  	v43 =	vadd.f32 v10, v43;
	v63 =	vld [tilespmem:s3+$0x9A90]  }
0xc3: {  	v30 =	vadd.f32 v30, v44;
	v28 =	vadd.f32 v28, v45;
	v0 =	vld [tilespmem:s3+$0x9AA0]  }
0xc4: {  	v29 =	vadd.f32 v29, v46;
	v43 =	vadd.f32 v16, v43;
	v9 =	vld [tilespmem:s3+$0x9AB0]  }
0xc5: {  	v30 =	vadd.f32 v18, v30;
	v18 =	vadd.f32 v40, v23;
	v10 =	vld [tilespmem:s3+$0x9AD0]  }
0xc6: {  	v44 =	vld [tilespmem:s3+$0x9A00];
	v19 =	vadd.f32 v19, v28;
	v20 =	vadd.f32 v20, v29  }
0xc7: {  	v45 =	vld [tilespmem:s3+$0x9A10];
	v23 =	vadd.f32 v41, v33;
	v28 =	vadd.f32 v42, v31  }
0xc8: {  	v46 =	vld [tilespmem:s3+$0x9A20];
	v31 =	vadd.f32 v38, v18;
	v29 =	vadd.f32 v47, v32  }
0xc9: {  	v41 =	vld [tilespmem:s3+$0x9A30];
	v23 =	vadd.f32 v39, v23;
	v28 =	vadd.f32 v48, v28  }
0xca: {  	v16 =	vld [tilespmem:s3+$0x9A40];
	v31 =	vadd.f32 v36, v31;
	v29 =	vadd.f32 v49, v29  }
0xcb: {  	v23 =	vadd.f32 v37, v23;
	v49 =	vld [tilespmem:s3+$0x9990];
	v28 =	vadd.f32 v50, v28  }
0xcc: {  	v50 =	vld [tilespmem:s3+$0x9900];
	v31 =	vadd.f32 v34, v31;
	v29 =	vadd.f32 v51, v29  }
0xcd: {  	v23 =	vadd.f32 v35, v23;
	v51 =	vld [tilespmem:s3+$0x9910];
	v28 =	vadd.f32 v52, v28  }
0xce: {  	v21 =	vadd.f32 v21, v31;
	v31 =	vld [tilespmem:s3+$0x9800];
	v29 =	vadd.f32 v53, v29  }
0xcf: {  	v53 =	vld [tilespmem:s3+$0x9880];
	v22 =	vadd.f32 v22, v23  }
0xd0: {  	v23 =	vld [tilespmem:s3+$0x9890];
	v28 =	vadd.f32 v54, v28;
	v29 =	vadd.f32 v55, v29  }
0xd1: {  	v11 =	vadd.f32 v11, v21;
	v21 =	vld [tilespmem:s3+$0x9810];
	v12 =	vadd.f32 v12, v22  }
0xd2: {  	v22 =	vadd.f32 v56, v28;
	v28 =	vadd.f32 v57, v29;
	v29 =	vld [tilespmem:s3+$0x9820]  }
0xd3: {  	v7 =	vadd.f32 v7, v11;
	v11 =	vld [tilespmem:s3+$0x9830];
	v8 =	vadd.f32 v8, v12  }
0xd4: {  	v12 =	vadd.f32 v58, v22;
	v22 =	vadd.f32 v59, v28;
	v28 =	vld [tilespmem:s3+$0x98A0]  }
0xd5: {  	v3 =	vadd.f32 v3, v7;
	v4 =	vadd.f32 v4, v8;
	v59 =	vld [tilespmem:s3+$0x98B0]  }
0xd6: {  	v21 =	vadd.f32 v21, v30;
	v8 =	vadd.f32 v61, v22;
	v22 =	vld [tilespmem:s3+$0x9920]  }
0xd7: {  	v30 =	vld [tilespmem:s3+$0x9930];
	v7 =	vadd.f32 v60, v12;
	v19 =	vadd.f32 v29, v19  }
0xd8: {  	v12 =	vadd.f32 v31, v43;
	v11 =	vadd.f32 v11, v20;
	v20 =	vld [tilespmem:s3+$0x99A0]  }
0xd9: {  	v31 =	vld [tilespmem:s3+$0x99B0];
	v21 =	vadd.f32 v23, v21;
	v19 =	vadd.f32 v28, v19  }
0xda: {  	v33 =	vld [tilespmem:s3+$0x9860];
	v23 =	vadd.f32 v59, v11  }
0xdb: {  	v48 =	vld [tilespmem:s3+$0x9980];
	v21 =	vadd.f32 v51, v21;
	v19 =	vadd.f32 v22, v19  }
0xdc: {  	v18 =	vld [tilespmem:s3+$0x9A50];
	v12 =	vadd.f32 v53, v12;
	v22 =	vadd.f32 v30, v23  }
0xdd: {  	[tilespmem:$0x1FFE0] =	vst v9;
	v9 =	vld [tilespmem:s3+$0x9AC0];
	v21 =	vadd.f32 v49, v21;
	v19 =	vadd.f32 v20, v19  }
0xde: {  	v11 =	vld [tilespmem:s3+$0x99C0];
	v29 =	vadd.f32 v50, v12;
	v20 =	vadd.f32 v31, v22  }
0xdf: {  	v12 =	vld [tilespmem:s3+$0x99D0];
	v21 =	vadd.f32 v45, v21;
	v60 =	vadd.f32 v46, v19  }
0xe0: {  	v28 =	vld [tilespmem:s3+$0x9950];
	v32 =	vadd.f32 v48, v29;
	v61 =	vadd.f32 v41, v20  }
0xe1: {  	v20 =	vadd.f32 v63, v21;
	v21 =	vadd.f32 v0, v60;
	v0 =	vld [tilespmem:$0x1FFE0]  }
0xe2: {  	v23 =	vld [tilespmem:s3+$0x9940]  }
0xe3: {  	v29 =	vld [tilespmem:s3+$0x98C0];
	v22 =	vadd.f32 v44, v32  }
0xe4: {  	v30 =	vld [tilespmem:s3+$0x98D0]  }
0xe5: {  	v31 =	vld [tilespmem:s3+$0x9840];
	v19 =	vadd.f32 v62, v22  }
0xe6: {  	s4 =	simm.s32 $0x1000;
	v32 =	vld [tilespmem:s3+$0x9850];
	v22 =	vadd.f32 v0, v61  }
.LBB2_5:
0xe7: {  	p0 =	sne.s32 s4, $0xB000;
	v0 =	vld [tilespmem:s3+$0x9870];
	v19 =	vadd.f32 v25, v19;
	v20 =	vadd.f32 v27, v20  }
0xe8: {  	v25 =	vld [tilespmem:s3+$0x98E0];
	v21 =	vadd.f32 v24, v21;
	v22 =	vadd.f32 v26, v22  }
0xe9: {  	v24 =	vld [tilespmem:s3+$0x98F0];
	v19 =	vadd.f32 v13, v19;
	v20 =	vadd.f32 v14, v20  }
0xea: {  	v13 =	vld [tilespmem:s3+$0x9960];
	v21 =	vadd.f32 v15, v21;
	v22 =	vadd.f32 v17, v22  }
0xeb: {  	v3 =	vadd.f32 v31, v3;
	v4 =	vadd.f32 v32, v4;
	v14 =	vld [tilespmem:s3+$0x9970]  }
0xec: {  	v7 =	vadd.f32 v33, v7;
	v0 =	vadd.f32 v0, v8;
	v8 =	vld [tilespmem:s3+$0x99E0]  }
0xed: {  	v3 =	vadd.f32 v29, v3;
	v4 =	vadd.f32 v30, v4;
	v15 =	vld [tilespmem:s3+$0x99F0]  }
0xee: {  	v7 =	vadd.f32 v25, v7;
	v0 =	vadd.f32 v24, v0;
	v17 =	vld [tilespmem:s3+$0x9A60]  }
0xef: {  	v3 =	vadd.f32 v23, v3;
	v4 =	vadd.f32 v28, v4;
	v23 =	vld [tilespmem:s3+$0x9A70]  }
0xf0: {  	v7 =	vadd.f32 v13, v7;
	v0 =	vadd.f32 v14, v0;
	v14 =	vld [tilespmem:s3+$0x9AE0]  }
0xf1: {  	v3 =	vadd.f32 v11, v3;
	v4 =	vadd.f32 v12, v4;
	v11 =	vld [tilespmem:s3+$0x9AF0]  }
0xf2: {  	v7 =	vadd.f32 v8, v7;
	v0 =	vadd.f32 v15, v0;
	v8 =	vld [tilespmem:s3+$0x9B60]  }
0xf3: {  	v3 =	vadd.f32 v16, v3;
	v4 =	vadd.f32 v18, v4;
	v12 =	vld [tilespmem:s3+$0x9B70]  }
0xf4: {  	v7 =	vadd.f32 v17, v7;
	v0 =	vadd.f32 v23, v0;
	v16 =	vld [tilespmem:s3+$0x9BE0]  }
0xf5: {  	v3 =	vadd.f32 v9, v3;
	v4 =	vadd.f32 v10, v4;
	v9 =	vld [tilespmem:s3+$0x9BF0];
	s3 =	sshra.s32 s4, $0x2  }
0xf6: {  	v7 =	vadd.f32 v14, v7;
	v13 =	vld [tilespmem:s3+$0x9B80];
	v0 =	vadd.f32 v11, v0  }
0xf7: {  	v3 =	vadd.f32 v5, v3;
	v4 =	vadd.f32 v6, v4;
	v14 =	vld [tilespmem:s3+$0x9B90]  }
0xf8: {  	v5 =	vadd.f32 v8, v7;
	v15 =	vld [tilespmem:s3+$0x9BA0];
	v0 =	vadd.f32 v12, v0  }
0xf9: {  	v3 =	vadd.f32 v2, v3;
	v4 =	vadd.f32 v1, v4;
	v17 =	vld [tilespmem:s3+$0x9BB0]  }
0xfa: {  	v7 =	vadd.f32 v16, v5;
	v2 =	vld [tilespmem:s3+$0x9BC0];
	v8 =	vadd.f32 v9, v0  }
0xfb: {  	v1 =	vld [tilespmem:s3+$0x9BD0]  }
0xfc: {  	v25 =	vld [tilespmem:s3+$0x9B00]  }
0xfd: {  	v27 =	vld [tilespmem:s3+$0x9B10]  }
0xfe: {  	v24 =	vld [tilespmem:s3+$0x9B20]  }
0xff: {  	v26 =	vld [tilespmem:s3+$0x9B30]  }
0x100: {  	v5 =	vld [tilespmem:s3+$0x9B40]  }
0x101: {  	v6 =	vld [tilespmem:s3+$0x9B50]  }
0x102: {  	v0 =	vld [tilespmem:s3+$0x9A80]  }
0x103: {  	v33 =	vld [tilespmem:s3+$0x9A90]  }
0x104: {  	v34 =	vld [tilespmem:s3+$0x9AA0]  }
0x105: {  	v35 =	vld [tilespmem:s3+$0x9AB0]  }
0x106: {  	v9 =	vld [tilespmem:s3+$0x9AC0]  }
0x107: {  	v10 =	vld [tilespmem:s3+$0x9AD0]  }
0x108: {  	v31 =	vld [tilespmem:s3+$0x9A00]  }
0x109: {  	v32 =	vld [tilespmem:s3+$0x9A10]  }
0x10a: {  	v36 =	vld [tilespmem:s3+$0x9A20]  }
0x10b: {  	v37 =	vld [tilespmem:s3+$0x9A30]  }
0x10c: {  	v16 =	vld [tilespmem:s3+$0x9A40]  }
0x10d: {  	v18 =	vld [tilespmem:s3+$0x9A50]  }
0x10e: {  	v29 =	vld [tilespmem:s3+$0x9980]  }
0x10f: {  	v30 =	vld [tilespmem:s3+$0x9990]  }
0x110: {  	v12 =	vld [tilespmem:s3+$0x9900]  }
0x111: {  	v23 =	vld [tilespmem:s3+$0x9910]  }
0x112: {  	v11 =	vld [tilespmem:s3+$0x9880]  }
0x113: {  	v28 =	vld [tilespmem:s3+$0x9890]  }
0x114: {  	v38 =	vld [tilespmem:s3+$0x9800]  }
0x115: {  	v39 =	vld [tilespmem:s3+$0x9810]  }
0x116: {  	v40 =	vld [tilespmem:s3+$0x9820]  }
0x117: {  	v41 =	vld [tilespmem:s3+$0x9830]  }
0x118: {  	v42 =	vld [tilespmem:s3+$0x98A0]  }
0x119: {  	v43 =	vld [tilespmem:s3+$0x98B0]  }
0x11a: {  	v44 =	vld [tilespmem:s3+$0x9920]  }
0x11b: {  	v19 =	vadd.f32 v38, v19;
	v20 =	vadd.f32 v39, v20;
	v38 =	vld [tilespmem:s3+$0x9930]  }
0x11c: {  	v21 =	vadd.f32 v40, v21;
	v22 =	vadd.f32 v41, v22;
	v39 =	vld [tilespmem:s3+$0x99A0]  }
0x11d: {  	v19 =	vadd.f32 v11, v19;
	v20 =	vadd.f32 v28, v20;
	v40 =	vld [tilespmem:s3+$0x99B0]  }
0x11e: {  	v21 =	vadd.f32 v42, v21;
	v22 =	vadd.f32 v43, v22;
	v11 =	vld [tilespmem:s3+$0x99C0]  }
0x11f: {  	v19 =	vadd.f32 v12, v19;
	v20 =	vadd.f32 v23, v20;
	v12 =	vld [tilespmem:s3+$0x99D0]  }
0x120: {  	v21 =	vadd.f32 v44, v21;
	v22 =	vadd.f32 v38, v22;
	v23 =	vld [tilespmem:s3+$0x9940]  }
0x121: {  	v19 =	vadd.f32 v29, v19;
	v20 =	vadd.f32 v30, v20;
	v28 =	vld [tilespmem:s3+$0x9950]  }
.Ltmp1:
0x122: {  	v21 =	vadd.f32 v39, v21;
	v29 =	vld [tilespmem:s3+$0x98C0];
	v22 =	vadd.f32 v40, v22;
	(pc) =	sbr.rel @p0 .LBB2_5-.Ltmp1, $4  }
0x123: {  	v19 =	vadd.f32 v31, v19;
	v20 =	vadd.f32 v32, v20;
	v30 =	vld [tilespmem:s3+$0x98D0]  }
0x124: {  	v21 =	vadd.f32 v36, v21;
	v31 =	vld [tilespmem:s3+$0x9840];
	v22 =	vadd.f32 v37, v22  }
0x125: {  	v19 =	vadd.f32 v0, v19;
	v20 =	vadd.f32 v33, v20;
	v32 =	vld [tilespmem:s3+$0x9850]  }
0x126: {  	s4 =	sadd.s32 $0x1000, s4;
	v21 =	vadd.f32 v34, v21;
	v33 =	vld [tilespmem:s3+$0x9860];
	v22 =	vadd.f32 v35, v22  }
0x127: {  	v0 =	vld [tilespmem:s3+$0x9870]  }
0x128: {  	v34 =	vld [tilespmem:s3+$0x98E0]  }
0x129: {  	v35 =	vld [tilespmem:s3+$0x98F0]  }
0x12a: {  	v36 =	vld [tilespmem:s3+$0x9960]  }
0x12b: {  	v37 =	vld [tilespmem:s3+$0x9970]  }
0x12c: {  	v38 =	vld [tilespmem:s3+$0x99E0]  }
0x12d: {  	v19 =	vadd.f32 v25, v19;
	v20 =	vadd.f32 v27, v20;
	v48 =	vld [tilespmem:s3+$0x99F0]  }
0x12e: {  	v49 =	vld [tilespmem:s3+$0x9A60];
	v21 =	vadd.f32 v24, v21;
	v22 =	vadd.f32 v26, v22  }
0x12f: {  	v50 =	vld [tilespmem:s3+$0x9BE0];
	v13 =	vadd.f32 v13, v19;
	v14 =	vadd.f32 v14, v20  }
0x130: {  	v27 =	vld [tilespmem:$0x19800];
	v3 =	vadd.f32 v31, v3;
	v15 =	vadd.f32 v15, v21  }
0x131: {  	v19 =	vld [tilespmem:s3+$0x9A70];
	v17 =	vadd.f32 v17, v22;
	v4 =	vadd.f32 v32, v4  }
0x132: {  	v20 =	vld [tilespmem:s3+$0x9AE0];
	v7 =	vadd.f32 v33, v7;
	v3 =	vadd.f32 v29, v3  }
0x133: {  	v21 =	vld [tilespmem:s3+$0x9AF0];
	v0 =	vadd.f32 v0, v8;
	v4 =	vadd.f32 v30, v4  }
0x134: {  	v22 =	vld [tilespmem:s3+$0x9B70];
	v7 =	vadd.f32 v34, v7;
	v3 =	vadd.f32 v23, v3  }
0x135: {  	v8 =	vld [tilespmem:s3+$0x9B60];
	v0 =	vadd.f32 v35, v0;
	v4 =	vadd.f32 v28, v4  }
0x136: {  	v23 =	vld [tilespmem:s3+$0x9BF0];
	v7 =	vadd.f32 v36, v7;
	v3 =	vadd.f32 v11, v3  }
0x137: {  	v11 =	vld [tilespmem:$0x19880];
	v0 =	vadd.f32 v37, v0;
	v4 =	vadd.f32 v12, v4  }
0x138: {  	v12 =	vld [tilespmem:$0x19900];
	v7 =	vadd.f32 v38, v7;
	v3 =	vadd.f32 v16, v3  }
0x139: {  	v16 =	vld [tilespmem:$0x19810];
	v0 =	vadd.f32 v48, v0;
	v4 =	vadd.f32 v18, v4  }
0x13a: {  	v18 =	vld [tilespmem:$0x19890];
	v7 =	vadd.f32 v49, v7;
	v3 =	vadd.f32 v9, v3  }
0x13b: {  	v9 =	vld [tilespmem:$0x19910];
	v0 =	vadd.f32 v19, v0;
	v4 =	vadd.f32 v10, v4  }
0x13c: {  	v10 =	vmul.f32 $4.999999890e-03, v13;
	v13 =	vld [tilespmem:$0x19820];
	v7 =	vadd.f32 v20, v7;
	v3 =	vadd.f32 v5, v3  }
0x13d: {  	v5 =	vld [tilespmem:$0x198A0];
	v0 =	vadd.f32 v21, v0;
	v4 =	vadd.f32 v6, v4  }
0x13e: {  	v6 =	vadd.f32 v8, v7;
	v7 =	vadd.f32 v27, v10;
	v8 =	vmul.f32 $4.999999890e-03, v14;
	v10 =	vld [tilespmem:$0x19920]  }
0x13f: {  	v2 =	vadd.f32 v2, v3;
	v3 =	vld [tilespmem:$0x19830];
	v14 =	vmul.f32 $4.999999890e-03, v15  }
0x140: {  	v15 =	vld [tilespmem:$0x198B0];
	v0 =	vadd.f32 v22, v0;
	v7 =	vmax.f32 v7, $0.0e+00;
	v8 =	vadd.f32 v16, v8  }
0x141: {  	v1 =	vadd.f32 v1, v4;
	v6 =	vadd.f32 v50, v6;
	v4 =	vmul.f32 v7, v11;
	v11 =	vld [tilespmem:$0x19930]  }
0x142: {  	v7 =	vmul.f32 v12, v7;
	v12 =	vadd.f32 v13, v14;
	v14 =	vld [tilespmem:$0x19840];
	v8 =	vmax.f32 v8, $0.0e+00  }
0x143: {  	v13 =	vmul.f32 $4.999999890e-03, v17;
	v17 =	vld [tilespmem:$0x198C0];
	v4 =	vadd.f32 $0.0e+00, v4;
	v16 =	vmul.f32 v8, v18  }
0x144: {  	v7 =	vadd.f32 $0.0e+00, v7;
	v8 =	vmul.f32 v9, v8;
	v9 =	vmax.f32 v12, $0.0e+00;
	v12 =	vld [tilespmem:$0x19940]  }
0x145: {  	v3 =	vadd.f32 v3, v13;
	v13 =	vld [tilespmem:$0x19850];
	v5 =	vmul.f32 v9, v5;
	v4 =	vadd.f32 v16, v4  }
0x146: {  	v2 =	vmul.f32 $4.999999890e-03, v2;
	v0 =	vadd.f32 v23, v0;
	v7 =	vadd.f32 v8, v7;
	v8 =	vld [tilespmem:$0x198D0]  }
0x147: {  	v3 =	vmax.f32 v3, $0.0e+00;
	v4 =	vadd.f32 v5, v4;
	v5 =	vmul.f32 v10, v9;
	v10 =	vld [tilespmem:$0x19860]  }
0x148: {  	v1 =	vmul.f32 $4.999999890e-03, v1;
	v2 =	vadd.f32 v14, v2;
	v14 =	vld [tilespmem:$0x19950];
	v9 =	vmul.f32 v3, v15  }
0x149: {  	v6 =	vmul.f32 $4.999999890e-03, v6;
	v3 =	vmul.f32 v11, v3;
	v5 =	vadd.f32 v5, v7;
	v7 =	vld [tilespmem:$0x19870]  }
0x14a: {  	v2 =	vmax.f32 v2, $0.0e+00;
	v1 =	vadd.f32 v13, v1;
	v4 =	vadd.f32 v9, v4;
	v9 =	vld [tilespmem:$0x198E0]  }
0x14b: {  	v11 =	vld [tilespmem:$0x19960];
	v3 =	vadd.f32 v3, v5;
	v5 =	vmul.f32 v2, v17;
	v2 =	vmul.f32 v12, v2  }
0x14c: {  	v0 =	vmul.f32 $4.999999890e-03, v0;
	v1 =	vmax.f32 v1, $0.0e+00;
	v6 =	vadd.f32 v10, v6;
	v10 =	vld [tilespmem:$0x198F0]  }
0x14d: {  	v4 =	vadd.f32 v5, v4;
	v2 =	vadd.f32 v2, v3;
	v3 =	vmul.f32 v1, v8;
	v5 =	vld [tilespmem:$0x19970]  }
0x14e: {  	v1 =	vmul.f32 v14, v1;
	v6 =	vmax.f32 v6, $0.0e+00;
	v0 =	vadd.f32 v7, v0  }
0x14f: {  	v3 =	vadd.f32 v3, v4;
	v4 =	vmul.f32 v6, v9  }
0x150: {  	v1 =	vadd.f32 v1, v2;
	v2 =	vmul.f32 v11, v6;
	v0 =	vmax.f32 v0, $0.0e+00  }
0x151: {  	v3 =	vadd.f32 v4, v3;
	v4 =	vmul.f32 v0, v10  }
0x152: {  	v1 =	vadd.f32 v2, v1;
	v0 =	vmul.f32 v5, v0  }
0x153: {  	v2 =	vadd.f32 v4, v3  }
0x154: {  	v0 =	vadd.f32 v0, v1  }
0x155: {  	(xrf2) =	vadd.scan.msk.f32 $0xffff, v2  }
0x156: {  	(xrf2) =	vadd.scan.msk.f32 $0xffff, v0;
	_ =	sdelay $0x8  }
0x157: {  	v0, _, _ =	vpop (xrf2)  }
0x158: {  	v1, _, _ =	vpop (xrf2)  }
0x159: {  	v1 =	vbroadcast v1, $0xF  }
0x15a: {  	v0 =	vbroadcast v0, $0xF  }
0x15b: {  	v1 =	vnsel vm0, $0x0, v1  }
0x15c: {  	v0 =	vsel vm1, v1, v0;
	v1 =	vld [tilespmem:$0x1FFF0];
	_ =	sdelay $0x2  }
0x15d: {  	s4 =	smul.u32 $0xC0, s0  }
0x15e: {  	s11 =	smul.u32 $0x960, s0  }
0x15f: {  	v0 =	vadd.f32 v0, v1  }
0x160: {  	s4 =	sshra.s32 s4, $0x2;
	s3 =	sshra.s32 s11, $0x2  }
0x161: {  	s11 =	sadd.s32 $0x258, s3;
	[tilespmem:s4+$0x19000] =	vst v0  }
0x162: {  	[tilespmem:s15], [sflag:$0x1] =	stream.indirect.gather [hbm4b:s6+s14], $0x80, s11, s14, $0xb8;
	[tilespmem:$0x19990] =	vst v63  }
0x163: {  	s12 =	sadd.s32 $0x2C0, s3  }
0x164: {  	[tilespmem:s17], [sflag:$0x4] =	stream.indirect.gather [hbm4b:s6+s16], $0x80, s12, s16, $0xb8;
	[tilespmem:$0x19990] =	vst v63  }
0x165: {  	_ =	swait.ge [sflag:s26], $0x3400  }
0x166: {  	[sflag:s26] =	ssyncset.done $0x0  }
0x167: {  	s11 =	simm.s32 $0x0;
	[sflag:s26] =	ssyncadd.s32 $0xFFFFCC00  }
0x168: {  	v16 =	vld [tilespmem:s11+$0xCB80]  }
0x169: {  	v18 =	vld [tilespmem:s11+$0xCB90]  }
0x16a: {  	v19 =	vld [tilespmem:s11+$0xCBA0]  }
0x16b: {  	v20 =	vld [tilespmem:s11+$0xCBB0]  }
0x16c: {  	v3 =	vld [tilespmem:s11+$0xCBC0]  }
0x16d: {  	v4 =	vld [tilespmem:s11+$0xCBD0]  }
0x16e: {  	v10 =	vld [tilespmem:s11+$0xCB00]  }
0x16f: {  	v30 =	vld [tilespmem:s11+$0xCB10]  }
0x170: {  	v28 =	vld [tilespmem:s11+$0xCB20]  }
0x171: {  	v29 =	vld [tilespmem:s11+$0xCB30]  }
0x172: {  	v7 =	vld [tilespmem:s11+$0xCB40]  }
0x173: {  	v8 =	vld [tilespmem:s11+$0xCB50]  }
0x174: {  	v0 =	vld [tilespmem:s11+$0xCA80]  }
0x175: {  	v1 =	vld [tilespmem:s11+$0xCA90]  }
0x176: {  	v2 =	vld [tilespmem:s11+$0xCAA0]  }
0x177: {  	v5 =	vld [tilespmem:s11+$0xCAB0]  }
0x178: {  	v11 =	vld [tilespmem:s11+$0xCAC0]  }
0x179: {  	v12 =	vld [tilespmem:s11+$0xCAD0]  }
0x17a: {  	v6 =	vld [tilespmem:s11+$0xCA00]  }
0x17b: {  	v9 =	vld [tilespmem:s11+$0xCA10]  }
0x17c: {  	v13 =	vld [tilespmem:s11+$0xCA20]  }
0x17d: {  	v14 =	vld [tilespmem:s11+$0xCA30]  }
0x17e: {  	v21 =	vld [tilespmem:s11+$0xCA40]  }
0x17f: {  	v15 =	vld [tilespmem:s11+$0xC980]  }
0x180: {  	v17 =	vld [tilespmem:s11+$0xC990]  }
0x181: {  	v51 =	vld [tilespmem:s11+$0xC900]  }
0x182: {  	v52 =	vld [tilespmem:s11+$0xC910]  }
0x183: {  	v22 =	vld [tilespmem:s11+$0xC880]  }
0x184: {  	v53 =	vld [tilespmem:s11+$0xC890]  }
0x185: {  	v27 =	vld [tilespmem:s11+$0xC800]  }
0x186: {  	v31 =	vld [tilespmem:s11+$0xC810]  }
0x187: {  	v54 =	vld [tilespmem:s11+$0xC820]  }
0x188: {  	v55 =	vld [tilespmem:s11+$0xC830]  }
0x189: {  	v56 =	vld [tilespmem:s11+$0xC8A0]  }
0x18a: {  	v57 =	vld [tilespmem:s11+$0xC8B0]  }
0x18b: {  	v58 =	vld [tilespmem:s11+$0xC920]  }
0x18c: {  	v23 =	vimm.f32 $0.0e+00;
	v59 =	vld [tilespmem:s11+$0xC930]  }
0x18d: {  	v60 =	vld [tilespmem:s11+$0xC9A0];
	v27 =	vadd.f32 v27, v23;
	v31 =	vadd.f32 v31, v23  }
0x18e: {  	v34 =	vld [tilespmem:s11+$0xC9C0];
	v32 =	vadd.f32 v54, v23;
	v33 =	vadd.f32 v55, v23  }
0x18f: {  	v27 =	vadd.f32 v22, v27;
	v26 =	vadd.f32 v53, v31;
	v31 =	vld [tilespmem:s11+$0xC9B0]  }
0x190: {  	v35 =	vld [tilespmem:s11+$0xC9D0];
	v32 =	vadd.f32 v56, v32;
	v33 =	vadd.f32 v57, v33  }
0x191: {  	v36 =	vld [tilespmem:s11+$0xC940];
	v24 =	vadd.f32 v51, v27;
	v25 =	vadd.f32 v52, v26  }
0x192: {  	v37 =	vld [tilespmem:s11+$0xC950];
	v61 =	vadd.f32 v58, v32;
	v27 =	vadd.f32 v59, v33  }
0x193: {  	v38 =	vld [tilespmem:s11+$0xC8C0];
	v15 =	vadd.f32 v15, v24;
	v17 =	vadd.f32 v17, v25  }
0x194: {  	v39 =	vld [tilespmem:s11+$0xC8D0];
	v62 =	vadd.f32 v60, v61;
	v63 =	vadd.f32 v31, v27  }
0x195: {  	v40 =	vld [tilespmem:s11+$0xC840];
	v6 =	vadd.f32 v6, v15;
	v9 =	vadd.f32 v9, v17  }
0x196: {  	v41 =	vld [tilespmem:s11+$0xC850];
	v33 =	vimm.f32 $0.0e+00;
	v13 =	vadd.f32 v13, v62;
	v14 =	vadd.f32 v14, v63  }
0x197: {  	v42 =	vld [tilespmem:s11+$0xC860];
	v32 =	vimm.f32 $0.0e+00;
	v43 =	vadd.f32 v0, v6;
	v44 =	vadd.f32 v1, v9  }
0x198: {  	s12 =	simm.s32 $0x1000;
	v22 =	vld [tilespmem:s11+$0xCA50];
	v31 =	vimm.f32 $0.0e+00;
	v45 =	vadd.f32 v2, v13;
	v46 =	vadd.f32 v5, v14  }
.LBB2_7:
0x199: {  	p0 =	sne.s32 s12, $0xC000;
	v0 =	vld [tilespmem:s11+$0xC870];
	v1 =	vadd.f32 v10, v43;
	v2 =	vadd.f32 v30, v44  }
0x19a: {  	v9 =	vld [tilespmem:s11+$0xC8E0];
	v5 =	vadd.f32 v28, v45;
	v6 =	vadd.f32 v29, v46  }
0x19b: {  	v10 =	vld [tilespmem:s11+$0xC8F0];
	v1 =	vadd.f32 v16, v1;
	v2 =	vadd.f32 v18, v2  }
0x19c: {  	v13 =	vld [tilespmem:s11+$0xC960];
	v5 =	vadd.f32 v19, v5;
	v6 =	vadd.f32 v20, v6  }
0x19d: {  	v14 =	vadd.f32 v40, v23;
	v15 =	vadd.f32 v41, v33;
	v16 =	vld [tilespmem:s11+$0xC970]  }
0x19e: {  	v17 =	vadd.f32 v42, v31;
	v0 =	vadd.f32 v0, v32;
	v18 =	vld [tilespmem:s11+$0xC9E0]  }
0x19f: {  	v14 =	vadd.f32 v38, v14;
	v15 =	vadd.f32 v39, v15;
	v19 =	vld [tilespmem:s11+$0xC9F0]  }
0x1a0: {  	v9 =	vadd.f32 v9, v17;
	v0 =	vadd.f32 v10, v0;
	v10 =	vld [tilespmem:s11+$0xCA60]  }
0x1a1: {  	v14 =	vadd.f32 v36, v14;
	v15 =	vadd.f32 v37, v15;
	v17 =	vld [tilespmem:s11+$0xCA70]  }
0x1a2: {  	v9 =	vadd.f32 v13, v9;
	v0 =	vadd.f32 v16, v0;
	v13 =	vld [tilespmem:s11+$0xCAE0]  }
0x1a3: {  	v14 =	vadd.f32 v34, v14;
	v15 =	vadd.f32 v35, v15;
	v20 =	vld [tilespmem:s11+$0xCAF0]  }
0x1a4: {  	v9 =	vadd.f32 v18, v9;
	v0 =	vadd.f32 v19, v0;
	v23 =	vld [tilespmem:s11+$0xCB60]  }
0x1a5: {  	v14 =	vadd.f32 v21, v14;
	v15 =	vadd.f32 v22, v15;
	v21 =	vld [tilespmem:s11+$0xCB70]  }
0x1a6: {  	v9 =	vadd.f32 v10, v9;
	v0 =	vadd.f32 v17, v0;
	v10 =	vld [tilespmem:s11+$0xCBE0]  }
0x1a7: {  	v11 =	vadd.f32 v11, v14;
	v12 =	vadd.f32 v12, v15;
	v14 =	vld [tilespmem:s11+$0xCBF0];
	s11 =	sshra.s32 s12, $0x2  }
0x1a8: {  	v9 =	vadd.f32 v13, v9;
	v16 =	vld [tilespmem:s11+$0xCB80];
	v0 =	vadd.f32 v20, v0  }
0x1a9: {  	v7 =	vadd.f32 v7, v11;
	v8 =	vadd.f32 v8, v12;
	v18 =	vld [tilespmem:s11+$0xCB90]  }
0x1aa: {  	v9 =	vadd.f32 v23, v9;
	v19 =	vld [tilespmem:s11+$0xCBA0];
	v0 =	vadd.f32 v21, v0  }
0x1ab: {  	v23 =	vadd.f32 v3, v7;
	v33 =	vadd.f32 v4, v8;
	v20 =	vld [tilespmem:s11+$0xCBB0]  }
0x1ac: {  	v31 =	vadd.f32 v10, v9;
	v3 =	vld [tilespmem:s11+$0xCBC0];
	v32 =	vadd.f32 v14, v0  }
0x1ad: {  	v4 =	vld [tilespmem:s11+$0xCBD0]  }
0x1ae: {  	v10 =	vld [tilespmem:s11+$0xCB00]  }
0x1af: {  	v30 =	vld [tilespmem:s11+$0xCB10]  }
0x1b0: {  	v28 =	vld [tilespmem:s11+$0xCB20]  }
0x1b1: {  	v29 =	vld [tilespmem:s11+$0xCB30]  }
0x1b2: {  	v7 =	vld [tilespmem:s11+$0xCB40]  }
0x1b3: {  	v8 =	vld [tilespmem:s11+$0xCB50]  }
0x1b4: {  	v0 =	vld [tilespmem:s11+$0xCA80]  }
0x1b5: {  	v9 =	vld [tilespmem:s11+$0xCA90]  }
0x1b6: {  	v13 =	vld [tilespmem:s11+$0xCAA0]  }
0x1b7: {  	v14 =	vld [tilespmem:s11+$0xCAB0]  }
0x1b8: {  	v11 =	vld [tilespmem:s11+$0xCAC0]  }
0x1b9: {  	v12 =	vld [tilespmem:s11+$0xCAD0]  }
0x1ba: {  	v15 =	vld [tilespmem:s11+$0xCA00]  }
0x1bb: {  	v17 =	vld [tilespmem:s11+$0xCA10]  }
0x1bc: {  	v24 =	vld [tilespmem:s11+$0xCA20]  }
0x1bd: {  	v25 =	vld [tilespmem:s11+$0xCA30]  }
0x1be: {  	v21 =	vld [tilespmem:s11+$0xCA40]  }
0x1bf: {  	v22 =	vld [tilespmem:s11+$0xCA50]  }
0x1c0: {  	v26 =	vld [tilespmem:s11+$0xC980]  }
0x1c1: {  	v27 =	vld [tilespmem:s11+$0xC990]  }
0x1c2: {  	v35 =	vld [tilespmem:s11+$0xC900]  }
0x1c3: {  	v36 =	vld [tilespmem:s11+$0xC910]  }
0x1c4: {  	v34 =	vld [tilespmem:s11+$0xC880]  }
0x1c5: {  	v37 =	vld [tilespmem:s11+$0xC890]  }
0x1c6: {  	v38 =	vld [tilespmem:s11+$0xC800]  }
0x1c7: {  	v39 =	vld [tilespmem:s11+$0xC810]  }
0x1c8: {  	v40 =	vld [tilespmem:s11+$0xC820]  }
0x1c9: {  	v41 =	vld [tilespmem:s11+$0xC830]  }
0x1ca: {  	v42 =	vld [tilespmem:s11+$0xC8A0]  }
0x1cb: {  	v43 =	vld [tilespmem:s11+$0xC8B0]  }
0x1cc: {  	v44 =	vld [tilespmem:s11+$0xC920]  }
0x1cd: {  	v1 =	vadd.f32 v38, v1;
	v2 =	vadd.f32 v39, v2;
	v38 =	vld [tilespmem:s11+$0xC930]  }
0x1ce: {  	v5 =	vadd.f32 v40, v5;
	v6 =	vadd.f32 v41, v6;
	v39 =	vld [tilespmem:s11+$0xC9A0]  }
0x1cf: {  	v1 =	vadd.f32 v34, v1;
	v2 =	vadd.f32 v37, v2;
	v40 =	vld [tilespmem:s11+$0xC9B0]  }
0x1d0: {  	v5 =	vadd.f32 v42, v5;
	v6 =	vadd.f32 v43, v6;
	v34 =	vld [tilespmem:s11+$0xC9C0]  }
0x1d1: {  	v1 =	vadd.f32 v35, v1;
	v2 =	vadd.f32 v36, v2;
	v35 =	vld [tilespmem:s11+$0xC9D0]  }
0x1d2: {  	v5 =	vadd.f32 v44, v5;
	v6 =	vadd.f32 v38, v6;
	v36 =	vld [tilespmem:s11+$0xC940]  }
0x1d3: {  	v1 =	vadd.f32 v26, v1;
	v2 =	vadd.f32 v27, v2;
	v37 =	vld [tilespmem:s11+$0xC950]  }
.Ltmp2:
0x1d4: {  	v5 =	vadd.f32 v39, v5;
	v38 =	vld [tilespmem:s11+$0xC8C0];
	v6 =	vadd.f32 v40, v6;
	(pc) =	sbr.rel @p0 .LBB2_7-.Ltmp2, $4  }
0x1d5: {  	v1 =	vadd.f32 v15, v1;
	v2 =	vadd.f32 v17, v2;
	v39 =	vld [tilespmem:s11+$0xC8D0]  }
0x1d6: {  	v5 =	vadd.f32 v24, v5;
	v40 =	vld [tilespmem:s11+$0xC840];
	v6 =	vadd.f32 v25, v6  }
0x1d7: {  	v43 =	vadd.f32 v0, v1;
	v44 =	vadd.f32 v9, v2;
	v41 =	vld [tilespmem:s11+$0xC850]  }
0x1d8: {  	s12 =	sadd.s32 $0x1000, s12;
	v45 =	vadd.f32 v13, v5;
	v42 =	vld [tilespmem:s11+$0xC860];
	v46 =	vadd.f32 v14, v6  }
0x1d9: {  	v0 =	vld [tilespmem:s11+$0xC870]  }
0x1da: {  	v47 =	vld [tilespmem:s11+$0xC8E0]  }
0x1db: {  	v48 =	vld [tilespmem:s11+$0xC8F0]  }
0x1dc: {  	v49 =	vld [tilespmem:s11+$0xC960]  }
0x1dd: {  	v50 =	vld [tilespmem:s11+$0xC970]  }
0x1de: {  	v51 =	vld [tilespmem:s11+$0xC9E0]  }
0x1df: {  	v52 =	vld [tilespmem:s11+$0xC9F0]  }
0x1e0: {  	v53 =	vld [tilespmem:s11+$0xCA60]  }
0x1e1: {  	v54 =	vld [tilespmem:s11+$0xCA70]  }
0x1e2: {  	v55 =	vld [tilespmem:s11+$0xCAE0]  }
0x1e3: {  	v56 =	vld [tilespmem:s11+$0xCAF0]  }
0x1e4: {  	v57 =	vld [tilespmem:s11+$0xCB60]  }
0x1e5: {  	v58 =	vld [tilespmem:s11+$0xCB70]  }
0x1e6: {  	v59 =	vld [tilespmem:s11+$0xCBE0]  }
0x1e7: {  	v60 =	vld [tilespmem:s11+$0xCBF0];
	_ =	swait.ge [sflag:s28], $0x3000  }
0x1e8: {  	[sflag:s28] =	ssyncset.done $0x0  }
0x1e9: {  	s11 =	simm.s32 $0x0;
	[sflag:s28] =	ssyncadd.s32 $0xFFFFD000  }
0x1ea: {  	v13 =	vld [tilespmem:s11+$0xFF80]  }
0x1eb: {  	v14 =	vld [tilespmem:s11+$0xFF90]  }
0x1ec: {  	v15 =	vld [tilespmem:s11+$0xFFA0]  }
0x1ed: {  	v17 =	vld [tilespmem:s11+$0xFFB0]  }
0x1ee: {  	v2 =	vld [tilespmem:s11+$0xFFC0]  }
0x1ef: {  	v1 =	vld [tilespmem:s11+$0xFFD0]  }
0x1f0: {  	v25 =	vld [tilespmem:s11+$0xFF00]  }
0x1f1: {  	v27 =	vld [tilespmem:s11+$0xFF10]  }
0x1f2: {  	v24 =	vld [tilespmem:s11+$0xFF20]  }
0x1f3: {  	v26 =	vld [tilespmem:s11+$0xFF30]  }
0x1f4: {  	v5 =	vld [tilespmem:s11+$0xFF40]  }
0x1f5: {  	v6 =	vld [tilespmem:s11+$0xFF50]  }
0x1f6: {  	v61 =	vld [tilespmem:s11+$0xFE80]  }
0x1f7: {  	v43 =	vadd.f32 v10, v43;
	v62 =	vld [tilespmem:s11+$0xFE90]  }
0x1f8: {  	v30 =	vadd.f32 v30, v44;
	v28 =	vadd.f32 v28, v45;
	v63 =	vld [tilespmem:s11+$0xFEA0]  }
0x1f9: {  	v29 =	vadd.f32 v29, v46;
	v43 =	vadd.f32 v16, v43;
	v9 =	vld [tilespmem:s11+$0xFEB0]  }
0x1fa: {  	v30 =	vadd.f32 v18, v30;
	v18 =	vadd.f32 v40, v23;
	v10 =	vld [tilespmem:s11+$0xFED0]  }
0x1fb: {  	v44 =	vld [tilespmem:s11+$0xFE00];
	v19 =	vadd.f32 v19, v28;
	v20 =	vadd.f32 v20, v29  }
0x1fc: {  	v45 =	vld [tilespmem:s11+$0xFE10];
	v23 =	vadd.f32 v41, v33;
	v28 =	vadd.f32 v42, v31  }
0x1fd: {  	v46 =	vld [tilespmem:s11+$0xFE20];
	v29 =	vadd.f32 v38, v18;
	v0 =	vadd.f32 v0, v32  }
0x1fe: {  	v41 =	vld [tilespmem:s11+$0xFE30];
	v23 =	vadd.f32 v39, v23;
	v28 =	vadd.f32 v47, v28  }
0x1ff: {  	v31 =	vld [tilespmem:s11+$0xFD80];
	v29 =	vadd.f32 v36, v29;
	v0 =	vadd.f32 v48, v0  }
0x200: {  	v23 =	vadd.f32 v37, v23;
	v48 =	vld [tilespmem:s11+$0xFD90];
	v28 =	vadd.f32 v49, v28  }
0x201: {  	v49 =	vld [tilespmem:s11+$0xFD00];
	v29 =	vadd.f32 v34, v29;
	v0 =	vadd.f32 v50, v0  }
0x202: {  	v23 =	vadd.f32 v35, v23;
	v50 =	vld [tilespmem:s11+$0xFD10];
	v28 =	vadd.f32 v51, v28  }
0x203: {  	v21 =	vadd.f32 v21, v29;
	v29 =	vld [tilespmem:s11+$0xFC00];
	v0 =	vadd.f32 v52, v0  }
0x204: {  	v52 =	vld [tilespmem:s11+$0xFC80];
	v22 =	vadd.f32 v22, v23;
	v28 =	vadd.f32 v53, v28  }
0x205: {  	v23 =	vld [tilespmem:s11+$0xFC90];
	v11 =	vadd.f32 v11, v21;
	v0 =	vadd.f32 v54, v0  }
0x206: {  	v21 =	vld [tilespmem:s11+$0xFC10];
	v12 =	vadd.f32 v12, v22;
	v22 =	vadd.f32 v55, v28  }
0x207: {  	v28 =	vld [tilespmem:s11+$0xFC20];
	v7 =	vadd.f32 v7, v11;
	v0 =	vadd.f32 v56, v0  }
0x208: {  	v11 =	vld [tilespmem:s11+$0xFC30];
	v8 =	vadd.f32 v8, v12;
	v12 =	vadd.f32 v57, v22  }
0x209: {  	v22 =	vld [tilespmem:s11+$0xFCA0];
	v3 =	vadd.f32 v3, v7;
	v0 =	vadd.f32 v58, v0  }
0x20a: {  	v4 =	vadd.f32 v4, v8;
	v58 =	vld [tilespmem:s11+$0xFCB0];
	v7 =	vadd.f32 v59, v12  }
0x20b: {  	v12 =	vadd.f32 v29, v43;
	v8 =	vadd.f32 v60, v0;
	v0 =	vld [tilespmem:s11+$0xFD20]  }
0x20c: {  	v21 =	vadd.f32 v21, v30;
	v29 =	vld [tilespmem:s11+$0xFD30];
	v19 =	vadd.f32 v28, v19  }
0x20d: {  	v11 =	vadd.f32 v11, v20;
	v20 =	vld [tilespmem:s11+$0xFDA0];
	v12 =	vadd.f32 v52, v12  }
0x20e: {  	v30 =	vld [tilespmem:s11+$0xFDB0];
	v21 =	vadd.f32 v23, v21;
	v19 =	vadd.f32 v22, v19  }
0x20f: {  	v16 =	vld [tilespmem:s11+$0xFE40];
	v22 =	vadd.f32 v58, v11;
	v35 =	vadd.f32 v49, v12  }
0x210: {  	v33 =	vld [tilespmem:s11+$0xFC60];
	v21 =	vadd.f32 v50, v21;
	v0 =	vadd.f32 v0, v19  }
0x211: {  	v18 =	vld [tilespmem:s11+$0xFE50];
	v19 =	vadd.f32 v29, v22;
	v22 =	vadd.f32 v31, v35  }
0x212: {  	v32 =	vld [tilespmem:s11+$0xFC50];
	v21 =	vadd.f32 v48, v21;
	v0 =	vadd.f32 v20, v0  }
0x213: {  	[tilespmem:$0x1FFD0] =	vst v9;
	v9 =	vld [tilespmem:s11+$0xFEC0];
	v19 =	vadd.f32 v30, v19;
	v20 =	vadd.f32 v44, v22  }
0x214: {  	v23 =	vld [tilespmem:s11+$0xFD40];
	v21 =	vadd.f32 v45, v21;
	v0 =	vadd.f32 v46, v0  }
0x215: {  	v28 =	vld [tilespmem:s11+$0xFD50];
	v22 =	vadd.f32 v41, v19;
	v19 =	vadd.f32 v61, v20  }
0x216: {  	v20 =	vadd.f32 v62, v21;
	v21 =	vadd.f32 v63, v0;
	v0 =	vld [tilespmem:$0x1FFD0]  }
0x217: {  	v11 =	vld [tilespmem:s11+$0xFDC0]  }
0x218: {  	v12 =	vld [tilespmem:s11+$0xFDD0]  }
0x219: {  	v29 =	vld [tilespmem:s11+$0xFCC0]  }
0x21a: {  	v31 =	vld [tilespmem:s11+$0xFC40]  }
0x21b: {  	s12 =	simm.s32 $0x1000;
	v30 =	vld [tilespmem:s11+$0xFCD0];
	v22 =	vadd.f32 v0, v22  }
.LBB2_9:
0x21c: {  	p0 =	sne.s32 s12, $0xB000;
	v0 =	vld [tilespmem:s11+$0xFC70];
	v19 =	vadd.f32 v25, v19;
	v20 =	vadd.f32 v27, v20  }
0x21d: {  	v25 =	vld [tilespmem:s11+$0xFCE0];
	v21 =	vadd.f32 v24, v21;
	v22 =	vadd.f32 v26, v22  }
0x21e: {  	v24 =	vld [tilespmem:s11+$0xFCF0];
	v19 =	vadd.f32 v13, v19;
	v20 =	vadd.f32 v14, v20  }
0x21f: {  	v13 =	vld [tilespmem:s11+$0xFD60];
	v21 =	vadd.f32 v15, v21;
	v22 =	vadd.f32 v17, v22  }
0x220: {  	v3 =	vadd.f32 v31, v3;
	v4 =	vadd.f32 v32, v4;
	v14 =	vld [tilespmem:s11+$0xFD70]  }
0x221: {  	v7 =	vadd.f32 v33, v7;
	v0 =	vadd.f32 v0, v8;
	v8 =	vld [tilespmem:s11+$0xFDE0]  }
0x222: {  	v3 =	vadd.f32 v29, v3;
	v4 =	vadd.f32 v30, v4;
	v15 =	vld [tilespmem:s11+$0xFDF0]  }
0x223: {  	v7 =	vadd.f32 v25, v7;
	v0 =	vadd.f32 v24, v0;
	v17 =	vld [tilespmem:s11+$0xFE60]  }
0x224: {  	v3 =	vadd.f32 v23, v3;
	v4 =	vadd.f32 v28, v4;
	v23 =	vld [tilespmem:s11+$0xFE70]  }
0x225: {  	v7 =	vadd.f32 v13, v7;
	v0 =	vadd.f32 v14, v0;
	v14 =	vld [tilespmem:s11+$0xFEE0]  }
0x226: {  	v3 =	vadd.f32 v11, v3;
	v4 =	vadd.f32 v12, v4;
	v11 =	vld [tilespmem:s11+$0xFEF0]  }
0x227: {  	v7 =	vadd.f32 v8, v7;
	v0 =	vadd.f32 v15, v0;
	v8 =	vld [tilespmem:s11+$0xFF60]  }
0x228: {  	v3 =	vadd.f32 v16, v3;
	v4 =	vadd.f32 v18, v4;
	v12 =	vld [tilespmem:s11+$0xFF70]  }
0x229: {  	v7 =	vadd.f32 v17, v7;
	v0 =	vadd.f32 v23, v0;
	v16 =	vld [tilespmem:s11+$0xFFE0]  }
0x22a: {  	v3 =	vadd.f32 v9, v3;
	v4 =	vadd.f32 v10, v4;
	v9 =	vld [tilespmem:s11+$0xFFF0];
	s11 =	sshra.s32 s12, $0x2  }
0x22b: {  	v7 =	vadd.f32 v14, v7;
	v13 =	vld [tilespmem:s11+$0xFF80];
	v0 =	vadd.f32 v11, v0  }
0x22c: {  	v3 =	vadd.f32 v5, v3;
	v4 =	vadd.f32 v6, v4;
	v14 =	vld [tilespmem:s11+$0xFF90]  }
0x22d: {  	v5 =	vadd.f32 v8, v7;
	v15 =	vld [tilespmem:s11+$0xFFA0];
	v0 =	vadd.f32 v12, v0  }
0x22e: {  	v3 =	vadd.f32 v2, v3;
	v4 =	vadd.f32 v1, v4;
	v17 =	vld [tilespmem:s11+$0xFFB0]  }
0x22f: {  	v7 =	vadd.f32 v16, v5;
	v2 =	vld [tilespmem:s11+$0xFFC0];
	v8 =	vadd.f32 v9, v0  }
0x230: {  	v1 =	vld [tilespmem:s11+$0xFFD0]  }
0x231: {  	v25 =	vld [tilespmem:s11+$0xFF00]  }
0x232: {  	v27 =	vld [tilespmem:s11+$0xFF10]  }
0x233: {  	v24 =	vld [tilespmem:s11+$0xFF20]  }
0x234: {  	v26 =	vld [tilespmem:s11+$0xFF30]  }
0x235: {  	v5 =	vld [tilespmem:s11+$0xFF40]  }
0x236: {  	v6 =	vld [tilespmem:s11+$0xFF50]  }
0x237: {  	v0 =	vld [tilespmem:s11+$0xFE80]  }
0x238: {  	v33 =	vld [tilespmem:s11+$0xFE90]  }
0x239: {  	v34 =	vld [tilespmem:s11+$0xFEA0]  }
0x23a: {  	v35 =	vld [tilespmem:s11+$0xFEB0]  }
0x23b: {  	v9 =	vld [tilespmem:s11+$0xFEC0]  }
0x23c: {  	v10 =	vld [tilespmem:s11+$0xFED0]  }
0x23d: {  	v31 =	vld [tilespmem:s11+$0xFE00]  }
0x23e: {  	v32 =	vld [tilespmem:s11+$0xFE10]  }
0x23f: {  	v36 =	vld [tilespmem:s11+$0xFE20]  }
0x240: {  	v37 =	vld [tilespmem:s11+$0xFE30]  }
0x241: {  	v16 =	vld [tilespmem:s11+$0xFE40]  }
0x242: {  	v18 =	vld [tilespmem:s11+$0xFE50]  }
0x243: {  	v29 =	vld [tilespmem:s11+$0xFD80]  }
0x244: {  	v30 =	vld [tilespmem:s11+$0xFD90]  }
0x245: {  	v12 =	vld [tilespmem:s11+$0xFD00]  }
0x246: {  	v23 =	vld [tilespmem:s11+$0xFD10]  }
0x247: {  	v11 =	vld [tilespmem:s11+$0xFC80]  }
0x248: {  	v28 =	vld [tilespmem:s11+$0xFC90]  }
0x249: {  	v38 =	vld [tilespmem:s11+$0xFC00]  }
0x24a: {  	v39 =	vld [tilespmem:s11+$0xFC10]  }
0x24b: {  	v40 =	vld [tilespmem:s11+$0xFC20]  }
0x24c: {  	v41 =	vld [tilespmem:s11+$0xFC30]  }
0x24d: {  	v42 =	vld [tilespmem:s11+$0xFCA0]  }
0x24e: {  	v43 =	vld [tilespmem:s11+$0xFCB0]  }
0x24f: {  	v44 =	vld [tilespmem:s11+$0xFD20]  }
0x250: {  	v19 =	vadd.f32 v38, v19;
	v20 =	vadd.f32 v39, v20;
	v38 =	vld [tilespmem:s11+$0xFD30]  }
0x251: {  	v21 =	vadd.f32 v40, v21;
	v22 =	vadd.f32 v41, v22;
	v39 =	vld [tilespmem:s11+$0xFDA0]  }
0x252: {  	v19 =	vadd.f32 v11, v19;
	v20 =	vadd.f32 v28, v20;
	v40 =	vld [tilespmem:s11+$0xFDB0]  }
0x253: {  	v21 =	vadd.f32 v42, v21;
	v22 =	vadd.f32 v43, v22;
	v11 =	vld [tilespmem:s11+$0xFDC0]  }
0x254: {  	v19 =	vadd.f32 v12, v19;
	v20 =	vadd.f32 v23, v20;
	v12 =	vld [tilespmem:s11+$0xFDD0]  }
0x255: {  	v21 =	vadd.f32 v44, v21;
	v22 =	vadd.f32 v38, v22;
	v23 =	vld [tilespmem:s11+$0xFD40]  }
0x256: {  	v19 =	vadd.f32 v29, v19;
	v20 =	vadd.f32 v30, v20;
	v28 =	vld [tilespmem:s11+$0xFD50]  }
.Ltmp3:
0x257: {  	v21 =	vadd.f32 v39, v21;
	v29 =	vld [tilespmem:s11+$0xFCC0];
	v22 =	vadd.f32 v40, v22;
	(pc) =	sbr.rel @p0 .LBB2_9-.Ltmp3, $4  }
0x258: {  	v19 =	vadd.f32 v31, v19;
	v20 =	vadd.f32 v32, v20;
	v30 =	vld [tilespmem:s11+$0xFCD0]  }
0x259: {  	v21 =	vadd.f32 v36, v21;
	v31 =	vld [tilespmem:s11+$0xFC40];
	v22 =	vadd.f32 v37, v22  }
0x25a: {  	v19 =	vadd.f32 v0, v19;
	v20 =	vadd.f32 v33, v20;
	v32 =	vld [tilespmem:s11+$0xFC50]  }
0x25b: {  	s12 =	sadd.s32 $0x1000, s12;
	v21 =	vadd.f32 v34, v21;
	v33 =	vld [tilespmem:s11+$0xFC60];
	v22 =	vadd.f32 v35, v22  }
0x25c: {  	v0 =	vld [tilespmem:s11+$0xFC70]  }
0x25d: {  	v34 =	vld [tilespmem:s11+$0xFCE0]  }
0x25e: {  	v35 =	vld [tilespmem:s11+$0xFCF0]  }
0x25f: {  	v36 =	vld [tilespmem:s11+$0xFD60]  }
0x260: {  	v37 =	vld [tilespmem:s11+$0xFD70]  }
0x261: {  	v38 =	vld [tilespmem:s11+$0xFDE0]  }
0x262: {  	v19 =	vadd.f32 v25, v19;
	v20 =	vadd.f32 v27, v20;
	v48 =	vld [tilespmem:s11+$0xFDF0]  }
0x263: {  	v49 =	vld [tilespmem:s11+$0xFE60];
	v21 =	vadd.f32 v24, v21;
	v22 =	vadd.f32 v26, v22  }
0x264: {  	v50 =	vld [tilespmem:s11+$0xFFE0];
	v13 =	vadd.f32 v13, v19;
	v14 =	vadd.f32 v14, v20  }
0x265: {  	v27 =	vld [tilespmem:$0x19800];
	v3 =	vadd.f32 v31, v3;
	v15 =	vadd.f32 v15, v21  }
0x266: {  	v19 =	vld [tilespmem:s11+$0xFE70];
	v17 =	vadd.f32 v17, v22;
	v4 =	vadd.f32 v32, v4  }
0x267: {  	v20 =	vld [tilespmem:s11+$0xFEE0];
	v7 =	vadd.f32 v33, v7;
	v3 =	vadd.f32 v29, v3  }
0x268: {  	v21 =	vld [tilespmem:s11+$0xFEF0];
	v0 =	vadd.f32 v0, v8;
	v4 =	vadd.f32 v30, v4  }
0x269: {  	v22 =	vld [tilespmem:s11+$0xFF70];
	v7 =	vadd.f32 v34, v7;
	v3 =	vadd.f32 v23, v3  }
0x26a: {  	v8 =	vld [tilespmem:s11+$0xFF60];
	v0 =	vadd.f32 v35, v0;
	v4 =	vadd.f32 v28, v4  }
0x26b: {  	v23 =	vld [tilespmem:s11+$0xFFF0];
	v7 =	vadd.f32 v36, v7;
	v3 =	vadd.f32 v11, v3  }
0x26c: {  	v11 =	vld [tilespmem:$0x19880];
	v0 =	vadd.f32 v37, v0;
	v4 =	vadd.f32 v12, v4  }
0x26d: {  	v12 =	vld [tilespmem:$0x19900];
	v7 =	vadd.f32 v38, v7;
	v3 =	vadd.f32 v16, v3  }
0x26e: {  	v16 =	vld [tilespmem:$0x19810];
	v0 =	vadd.f32 v48, v0;
	v4 =	vadd.f32 v18, v4  }
0x26f: {  	v18 =	vld [tilespmem:$0x19890];
	v7 =	vadd.f32 v49, v7;
	v3 =	vadd.f32 v9, v3  }
0x270: {  	v9 =	vld [tilespmem:$0x19910];
	v0 =	vadd.f32 v19, v0;
	v4 =	vadd.f32 v10, v4  }
0x271: {  	v10 =	vmul.f32 $4.999999890e-03, v13;
	v13 =	vld [tilespmem:$0x19820];
	v7 =	vadd.f32 v20, v7;
	v3 =	vadd.f32 v5, v3  }
0x272: {  	v5 =	vld [tilespmem:$0x198A0];
	v0 =	vadd.f32 v21, v0;
	v4 =	vadd.f32 v6, v4  }
0x273: {  	v6 =	vadd.f32 v8, v7;
	v7 =	vadd.f32 v27, v10;
	v8 =	vmul.f32 $4.999999890e-03, v14;
	v10 =	vld [tilespmem:$0x19920]  }
0x274: {  	v2 =	vadd.f32 v2, v3;
	v3 =	vld [tilespmem:$0x19830];
	v14 =	vmul.f32 $4.999999890e-03, v15  }
0x275: {  	v15 =	vld [tilespmem:$0x198B0];
	v0 =	vadd.f32 v22, v0;
	v7 =	vmax.f32 v7, $0.0e+00;
	v8 =	vadd.f32 v16, v8  }
0x276: {  	v1 =	vadd.f32 v1, v4;
	v6 =	vadd.f32 v50, v6;
	v4 =	vmul.f32 v7, v11;
	v11 =	vld [tilespmem:$0x19930]  }
0x277: {  	v7 =	vmul.f32 v12, v7;
	v12 =	vadd.f32 v13, v14;
	v14 =	vld [tilespmem:$0x19840];
	v8 =	vmax.f32 v8, $0.0e+00  }
0x278: {  	v13 =	vmul.f32 $4.999999890e-03, v17;
	v17 =	vld [tilespmem:$0x198C0];
	v4 =	vadd.f32 $0.0e+00, v4;
	v16 =	vmul.f32 v8, v18  }
0x279: {  	v7 =	vadd.f32 $0.0e+00, v7;
	v8 =	vmul.f32 v9, v8;
	v9 =	vmax.f32 v12, $0.0e+00;
	v12 =	vld [tilespmem:$0x19940]  }
0x27a: {  	v3 =	vadd.f32 v3, v13;
	v13 =	vld [tilespmem:$0x19850];
	v5 =	vmul.f32 v9, v5;
	v4 =	vadd.f32 v16, v4  }
0x27b: {  	v2 =	vmul.f32 $4.999999890e-03, v2;
	v0 =	vadd.f32 v23, v0;
	v7 =	vadd.f32 v8, v7;
	v8 =	vld [tilespmem:$0x198D0]  }
0x27c: {  	v3 =	vmax.f32 v3, $0.0e+00;
	v4 =	vadd.f32 v5, v4;
	v5 =	vmul.f32 v10, v9;
	v10 =	vld [tilespmem:$0x19860]  }
0x27d: {  	v1 =	vmul.f32 $4.999999890e-03, v1;
	v2 =	vadd.f32 v14, v2;
	v14 =	vld [tilespmem:$0x19950];
	v9 =	vmul.f32 v3, v15  }
0x27e: {  	v6 =	vmul.f32 $4.999999890e-03, v6;
	v3 =	vmul.f32 v11, v3;
	v5 =	vadd.f32 v5, v7;
	v7 =	vld [tilespmem:$0x19870]  }
0x27f: {  	v2 =	vmax.f32 v2, $0.0e+00;
	v1 =	vadd.f32 v13, v1;
	v4 =	vadd.f32 v9, v4;
	v9 =	vld [tilespmem:$0x198E0]  }
0x280: {  	v11 =	vld [tilespmem:$0x19960];
	v3 =	vadd.f32 v3, v5;
	v5 =	vmul.f32 v2, v17;
	v2 =	vmul.f32 v12, v2  }
0x281: {  	v0 =	vmul.f32 $4.999999890e-03, v0;
	v1 =	vmax.f32 v1, $0.0e+00;
	v6 =	vadd.f32 v10, v6;
	v10 =	vld [tilespmem:$0x198F0]  }
0x282: {  	v4 =	vadd.f32 v5, v4;
	v2 =	vadd.f32 v2, v3;
	v3 =	vmul.f32 v1, v8;
	v5 =	vld [tilespmem:$0x19970]  }
0x283: {  	v1 =	vmul.f32 v14, v1;
	v6 =	vmax.f32 v6, $0.0e+00;
	v0 =	vadd.f32 v7, v0  }
0x284: {  	v3 =	vadd.f32 v3, v4;
	v4 =	vmul.f32 v6, v9  }
0x285: {  	v1 =	vadd.f32 v1, v2;
	v2 =	vmul.f32 v11, v6;
	v0 =	vmax.f32 v0, $0.0e+00  }
0x286: {  	v3 =	vadd.f32 v4, v3;
	v4 =	vmul.f32 v0, v10  }
0x287: {  	v1 =	vadd.f32 v2, v1;
	v0 =	vmul.f32 v5, v0  }
0x288: {  	v2 =	vadd.f32 v4, v3  }
0x289: {  	v0 =	vadd.f32 v0, v1  }
0x28a: {  	(xrf2) =	vadd.scan.msk.f32 $0xffff, v2  }
0x28b: {  	(xrf2) =	vadd.scan.msk.f32 $0xffff, v0;
	_ =	sdelay $0x8  }
0x28c: {  	v0, _, _ =	vpop (xrf2)  }
0x28d: {  	v1, _, _ =	vpop (xrf2)  }
0x28e: {  	v1 =	vbroadcast v1, $0xF  }
0x28f: {  	v0 =	vbroadcast v0, $0xF  }
0x290: {  	v1 =	vnsel vm0, $0x0, v1  }
0x291: {  	v0 =	vsel vm1, v1, v0;
	v1 =	vld [tilespmem:$0x1FFF0];
	_ =	sdelay $0x4  }
0x292: {  	v0 =	vadd.f32 v0, v1;
	_ =	sdelay $0x1  }
0x293: {  	s11 =	sadd.s32 $0x320, s3;
	[tilespmem:s4+$0x19010] =	vst v0  }
0x294: {  	[tilespmem:s19], [sflag:$0x2] =	stream.indirect.gather [hbm4b:s6+s14], $0x80, s11, s14, $0xb8;
	[tilespmem:$0x19990] =	vst v63  }
0x295: {  	s12 =	sadd.s32 $0x388, s3  }
0x296: {  	[tilespmem:s21], [sflag:$0x5] =	stream.indirect.gather [hbm4b:s6+s16], $0x80, s12, s16, $0xb8;
	[tilespmem:$0x19990] =	vst v63  }
0x297: {  	_ =	swait.ge [sflag:s29], $0x3400  }
0x298: {  	[sflag:s29] =	ssyncset.done $0x0  }
0x299: {  	s3 =	simm.s32 $0x0;
	[sflag:s29] =	ssyncadd.s32 $0xFFFFCC00  }
0x29a: {  	v16 =	vld [tilespmem:s3+$0x12F80]  }
0x29b: {  	v18 =	vld [tilespmem:s3+$0x12F90]  }
0x29c: {  	v19 =	vld [tilespmem:s3+$0x12FA0]  }
0x29d: {  	v20 =	vld [tilespmem:s3+$0x12FB0]  }
0x29e: {  	v3 =	vld [tilespmem:s3+$0x12FC0]  }
0x29f: {  	v4 =	vld [tilespmem:s3+$0x12FD0]  }
0x2a0: {  	v10 =	vld [tilespmem:s3+$0x12F00]  }
0x2a1: {  	v30 =	vld [tilespmem:s3+$0x12F10]  }
0x2a2: {  	v28 =	vld [tilespmem:s3+$0x12F20]  }
0x2a3: {  	v29 =	vld [tilespmem:s3+$0x12F30]  }
0x2a4: {  	v7 =	vld [tilespmem:s3+$0x12F40]  }
0x2a5: {  	v8 =	vld [tilespmem:s3+$0x12F50]  }
0x2a6: {  	v0 =	vld [tilespmem:s3+$0x12E80]  }
0x2a7: {  	v1 =	vld [tilespmem:s3+$0x12E90]  }
0x2a8: {  	v2 =	vld [tilespmem:s3+$0x12EA0]  }
0x2a9: {  	v5 =	vld [tilespmem:s3+$0x12EB0]  }
0x2aa: {  	v11 =	vld [tilespmem:s3+$0x12EC0]  }
0x2ab: {  	v12 =	vld [tilespmem:s3+$0x12ED0]  }
0x2ac: {  	v6 =	vld [tilespmem:s3+$0x12E00]  }
0x2ad: {  	v9 =	vld [tilespmem:s3+$0x12E10]  }
0x2ae: {  	v13 =	vld [tilespmem:s3+$0x12E20]  }
0x2af: {  	v14 =	vld [tilespmem:s3+$0x12E30]  }
0x2b0: {  	v21 =	vld [tilespmem:s3+$0x12E40]  }
0x2b1: {  	v15 =	vld [tilespmem:s3+$0x12D80]  }
0x2b2: {  	v17 =	vld [tilespmem:s3+$0x12D90]  }
0x2b3: {  	v51 =	vld [tilespmem:s3+$0x12D00]  }
0x2b4: {  	v52 =	vld [tilespmem:s3+$0x12D10]  }
0x2b5: {  	v22 =	vld [tilespmem:s3+$0x12C80]  }
0x2b6: {  	v53 =	vld [tilespmem:s3+$0x12C90]  }
0x2b7: {  	v27 =	vld [tilespmem:s3+$0x12C00]  }
0x2b8: {  	v31 =	vld [tilespmem:s3+$0x12C10]  }
0x2b9: {  	v54 =	vld [tilespmem:s3+$0x12C20]  }
0x2ba: {  	v55 =	vld [tilespmem:s3+$0x12C30]  }
0x2bb: {  	v56 =	vld [tilespmem:s3+$0x12CA0]  }
0x2bc: {  	v57 =	vld [tilespmem:s3+$0x12CB0]  }
0x2bd: {  	v58 =	vld [tilespmem:s3+$0x12D20]  }
0x2be: {  	v23 =	vimm.f32 $0.0e+00;
	v59 =	vld [tilespmem:s3+$0x12D30]  }
0x2bf: {  	v60 =	vld [tilespmem:s3+$0x12DA0];
	v27 =	vadd.f32 v27, v23;
	v31 =	vadd.f32 v31, v23  }
0x2c0: {  	v34 =	vld [tilespmem:s3+$0x12DC0];
	v32 =	vadd.f32 v54, v23;
	v33 =	vadd.f32 v55, v23  }
0x2c1: {  	v27 =	vadd.f32 v22, v27;
	v26 =	vadd.f32 v53, v31;
	v31 =	vld [tilespmem:s3+$0x12DB0]  }
0x2c2: {  	v35 =	vld [tilespmem:s3+$0x12DD0];
	v32 =	vadd.f32 v56, v32;
	v33 =	vadd.f32 v57, v33  }
0x2c3: {  	v36 =	vld [tilespmem:s3+$0x12D40];
	v24 =	vadd.f32 v51, v27;
	v25 =	vadd.f32 v52, v26  }
0x2c4: {  	v37 =	vld [tilespmem:s3+$0x12D50];
	v61 =	vadd.f32 v58, v32;
	v27 =	vadd.f32 v59, v33  }
0x2c5: {  	v38 =	vld [tilespmem:s3+$0x12CC0];
	v15 =	vadd.f32 v15, v24;
	v17 =	vadd.f32 v17, v25  }
0x2c6: {  	v39 =	vld [tilespmem:s3+$0x12CD0];
	v62 =	vadd.f32 v60, v61;
	v63 =	vadd.f32 v31, v27  }
0x2c7: {  	v40 =	vld [tilespmem:s3+$0x12C40];
	v6 =	vadd.f32 v6, v15;
	v9 =	vadd.f32 v9, v17  }
0x2c8: {  	v41 =	vld [tilespmem:s3+$0x12C50];
	v33 =	vimm.f32 $0.0e+00;
	v13 =	vadd.f32 v13, v62;
	v14 =	vadd.f32 v14, v63  }
0x2c9: {  	v42 =	vld [tilespmem:s3+$0x12C60];
	v32 =	vimm.f32 $0.0e+00;
	v43 =	vadd.f32 v0, v6;
	v44 =	vadd.f32 v1, v9  }
0x2ca: {  	s4 =	simm.s32 $0x1000;
	v22 =	vld [tilespmem:s3+$0x12E50];
	v31 =	vimm.f32 $0.0e+00;
	v45 =	vadd.f32 v2, v13;
	v46 =	vadd.f32 v5, v14  }
.LBB2_11:
0x2cb: {  	p0 =	sne.s32 s4, $0xC000;
	v0 =	vld [tilespmem:s3+$0x12C70];
	v1 =	vadd.f32 v10, v43;
	v2 =	vadd.f32 v30, v44  }
0x2cc: {  	v9 =	vld [tilespmem:s3+$0x12CE0];
	v5 =	vadd.f32 v28, v45;
	v6 =	vadd.f32 v29, v46  }
0x2cd: {  	v10 =	vld [tilespmem:s3+$0x12CF0];
	v1 =	vadd.f32 v16, v1;
	v2 =	vadd.f32 v18, v2  }
0x2ce: {  	v13 =	vld [tilespmem:s3+$0x12D60];
	v5 =	vadd.f32 v19, v5;
	v6 =	vadd.f32 v20, v6  }
0x2cf: {  	v14 =	vadd.f32 v40, v23;
	v15 =	vadd.f32 v41, v33;
	v16 =	vld [tilespmem:s3+$0x12D70]  }
0x2d0: {  	v17 =	vadd.f32 v42, v31;
	v0 =	vadd.f32 v0, v32;
	v18 =	vld [tilespmem:s3+$0x12DE0]  }
0x2d1: {  	v14 =	vadd.f32 v38, v14;
	v15 =	vadd.f32 v39, v15;
	v19 =	vld [tilespmem:s3+$0x12DF0]  }
0x2d2: {  	v9 =	vadd.f32 v9, v17;
	v0 =	vadd.f32 v10, v0;
	v10 =	vld [tilespmem:s3+$0x12E60]  }
0x2d3: {  	v14 =	vadd.f32 v36, v14;
	v15 =	vadd.f32 v37, v15;
	v17 =	vld [tilespmem:s3+$0x12E70]  }
0x2d4: {  	v9 =	vadd.f32 v13, v9;
	v0 =	vadd.f32 v16, v0;
	v13 =	vld [tilespmem:s3+$0x12EE0]  }
0x2d5: {  	v14 =	vadd.f32 v34, v14;
	v15 =	vadd.f32 v35, v15;
	v20 =	vld [tilespmem:s3+$0x12EF0]  }
0x2d6: {  	v9 =	vadd.f32 v18, v9;
	v0 =	vadd.f32 v19, v0;
	v23 =	vld [tilespmem:s3+$0x12F60]  }
0x2d7: {  	v14 =	vadd.f32 v21, v14;
	v15 =	vadd.f32 v22, v15;
	v21 =	vld [tilespmem:s3+$0x12F70]  }
0x2d8: {  	v9 =	vadd.f32 v10, v9;
	v0 =	vadd.f32 v17, v0;
	v10 =	vld [tilespmem:s3+$0x12FE0]  }
0x2d9: {  	v11 =	vadd.f32 v11, v14;
	v12 =	vadd.f32 v12, v15;
	v14 =	vld [tilespmem:s3+$0x12FF0];
	s3 =	sshra.s32 s4, $0x2  }
0x2da: {  	v9 =	vadd.f32 v13, v9;
	v16 =	vld [tilespmem:s3+$0x12F80];
	v0 =	vadd.f32 v20, v0  }
0x2db: {  	v7 =	vadd.f32 v7, v11;
	v8 =	vadd.f32 v8, v12;
	v18 =	vld [tilespmem:s3+$0x12F90]  }
0x2dc: {  	v9 =	vadd.f32 v23, v9;
	v19 =	vld [tilespmem:s3+$0x12FA0];
	v0 =	vadd.f32 v21, v0  }
0x2dd: {  	v23 =	vadd.f32 v3, v7;
	v33 =	vadd.f32 v4, v8;
	v20 =	vld [tilespmem:s3+$0x12FB0]  }
0x2de: {  	v31 =	vadd.f32 v10, v9;
	v3 =	vld [tilespmem:s3+$0x12FC0];
	v32 =	vadd.f32 v14, v0  }
0x2df: {  	v4 =	vld [tilespmem:s3+$0x12FD0]  }
0x2e0: {  	v10 =	vld [tilespmem:s3+$0x12F00]  }
0x2e1: {  	v30 =	vld [tilespmem:s3+$0x12F10]  }
0x2e2: {  	v28 =	vld [tilespmem:s3+$0x12F20]  }
0x2e3: {  	v29 =	vld [tilespmem:s3+$0x12F30]  }
0x2e4: {  	v7 =	vld [tilespmem:s3+$0x12F40]  }
0x2e5: {  	v8 =	vld [tilespmem:s3+$0x12F50]  }
0x2e6: {  	v0 =	vld [tilespmem:s3+$0x12E80]  }
0x2e7: {  	v9 =	vld [tilespmem:s3+$0x12E90]  }
0x2e8: {  	v13 =	vld [tilespmem:s3+$0x12EA0]  }
0x2e9: {  	v14 =	vld [tilespmem:s3+$0x12EB0]  }
0x2ea: {  	v11 =	vld [tilespmem:s3+$0x12EC0]  }
0x2eb: {  	v12 =	vld [tilespmem:s3+$0x12ED0]  }
0x2ec: {  	v15 =	vld [tilespmem:s3+$0x12E00]  }
0x2ed: {  	v17 =	vld [tilespmem:s3+$0x12E10]  }
0x2ee: {  	v24 =	vld [tilespmem:s3+$0x12E20]  }
0x2ef: {  	v25 =	vld [tilespmem:s3+$0x12E30]  }
0x2f0: {  	v21 =	vld [tilespmem:s3+$0x12E40]  }
0x2f1: {  	v22 =	vld [tilespmem:s3+$0x12E50]  }
0x2f2: {  	v26 =	vld [tilespmem:s3+$0x12D80]  }
0x2f3: {  	v27 =	vld [tilespmem:s3+$0x12D90]  }
0x2f4: {  	v35 =	vld [tilespmem:s3+$0x12D00]  }
0x2f5: {  	v36 =	vld [tilespmem:s3+$0x12D10]  }
0x2f6: {  	v34 =	vld [tilespmem:s3+$0x12C80]  }
0x2f7: {  	v37 =	vld [tilespmem:s3+$0x12C90]  }
0x2f8: {  	v38 =	vld [tilespmem:s3+$0x12C00]  }
0x2f9: {  	v39 =	vld [tilespmem:s3+$0x12C10]  }
0x2fa: {  	v40 =	vld [tilespmem:s3+$0x12C20]  }
0x2fb: {  	v41 =	vld [tilespmem:s3+$0x12C30]  }
0x2fc: {  	v42 =	vld [tilespmem:s3+$0x12CA0]  }
0x2fd: {  	v43 =	vld [tilespmem:s3+$0x12CB0]  }
0x2fe: {  	v44 =	vld [tilespmem:s3+$0x12D20]  }
0x2ff: {  	v1 =	vadd.f32 v38, v1;
	v2 =	vadd.f32 v39, v2;
	v38 =	vld [tilespmem:s3+$0x12D30]  }
0x300: {  	v5 =	vadd.f32 v40, v5;
	v6 =	vadd.f32 v41, v6;
	v39 =	vld [tilespmem:s3+$0x12DA0]  }
0x301: {  	v1 =	vadd.f32 v34, v1;
	v2 =	vadd.f32 v37, v2;
	v40 =	vld [tilespmem:s3+$0x12DB0]  }
0x302: {  	v5 =	vadd.f32 v42, v5;
	v6 =	vadd.f32 v43, v6;
	v34 =	vld [tilespmem:s3+$0x12DC0]  }
0x303: {  	v1 =	vadd.f32 v35, v1;
	v2 =	vadd.f32 v36, v2;
	v35 =	vld [tilespmem:s3+$0x12DD0]  }
0x304: {  	v5 =	vadd.f32 v44, v5;
	v6 =	vadd.f32 v38, v6;
	v36 =	vld [tilespmem:s3+$0x12D40]  }
0x305: {  	v1 =	vadd.f32 v26, v1;
	v2 =	vadd.f32 v27, v2;
	v37 =	vld [tilespmem:s3+$0x12D50]  }
.Ltmp4:
0x306: {  	v5 =	vadd.f32 v39, v5;
	v38 =	vld [tilespmem:s3+$0x12CC0];
	v6 =	vadd.f32 v40, v6;
	(pc) =	sbr.rel @p0 .LBB2_11-.Ltmp4, $4  }
0x307: {  	v1 =	vadd.f32 v15, v1;
	v2 =	vadd.f32 v17, v2;
	v39 =	vld [tilespmem:s3+$0x12CD0]  }
0x308: {  	v5 =	vadd.f32 v24, v5;
	v40 =	vld [tilespmem:s3+$0x12C40];
	v6 =	vadd.f32 v25, v6  }
0x309: {  	v43 =	vadd.f32 v0, v1;
	v44 =	vadd.f32 v9, v2;
	v41 =	vld [tilespmem:s3+$0x12C50]  }
0x30a: {  	s4 =	sadd.s32 $0x1000, s4;
	v45 =	vadd.f32 v13, v5;
	v42 =	vld [tilespmem:s3+$0x12C60];
	v46 =	vadd.f32 v14, v6  }
0x30b: {  	v0 =	vld [tilespmem:s3+$0x12C70]  }
0x30c: {  	v47 =	vld [tilespmem:s3+$0x12CE0]  }
0x30d: {  	v48 =	vld [tilespmem:s3+$0x12CF0]  }
0x30e: {  	v49 =	vld [tilespmem:s3+$0x12D60]  }
0x30f: {  	v50 =	vld [tilespmem:s3+$0x12D70]  }
0x310: {  	v51 =	vld [tilespmem:s3+$0x12DE0]  }
0x311: {  	v52 =	vld [tilespmem:s3+$0x12DF0]  }
0x312: {  	v53 =	vld [tilespmem:s3+$0x12E60]  }
0x313: {  	v54 =	vld [tilespmem:s3+$0x12E70]  }
0x314: {  	v55 =	vld [tilespmem:s3+$0x12EE0]  }
0x315: {  	v56 =	vld [tilespmem:s3+$0x12EF0]  }
0x316: {  	v57 =	vld [tilespmem:s3+$0x12F60]  }
0x317: {  	v58 =	vld [tilespmem:s3+$0x12F70]  }
0x318: {  	v59 =	vld [tilespmem:s3+$0x12FE0]  }
0x319: {  	v60 =	vld [tilespmem:s3+$0x12FF0];
	_ =	swait.ge [sflag:s30], $0x3000  }
0x31a: {  	[sflag:s30] =	ssyncset.done $0x0  }
0x31b: {  	s3 =	simm.s32 $0x0;
	[sflag:s30] =	ssyncadd.s32 $0xFFFFD000  }
0x31c: {  	v13 =	vld [tilespmem:s3+$0x16380]  }
0x31d: {  	v14 =	vld [tilespmem:s3+$0x16390]  }
0x31e: {  	v15 =	vld [tilespmem:s3+$0x163A0]  }
0x31f: {  	v17 =	vld [tilespmem:s3+$0x163B0]  }
0x320: {  	v2 =	vld [tilespmem:s3+$0x163C0]  }
0x321: {  	v1 =	vld [tilespmem:s3+$0x163D0]  }
0x322: {  	v25 =	vld [tilespmem:s3+$0x16300]  }
0x323: {  	v27 =	vld [tilespmem:s3+$0x16310]  }
0x324: {  	v24 =	vld [tilespmem:s3+$0x16320]  }
0x325: {  	v26 =	vld [tilespmem:s3+$0x16330]  }
0x326: {  	v5 =	vld [tilespmem:s3+$0x16340]  }
0x327: {  	v6 =	vld [tilespmem:s3+$0x16350]  }
0x328: {  	v61 =	vld [tilespmem:s3+$0x16280]  }
0x329: {  	v43 =	vadd.f32 v10, v43;
	v62 =	vld [tilespmem:s3+$0x16290]  }
0x32a: {  	v30 =	vadd.f32 v30, v44;
	v28 =	vadd.f32 v28, v45;
	v63 =	vld [tilespmem:s3+$0x162A0]  }
0x32b: {  	v29 =	vadd.f32 v29, v46;
	v43 =	vadd.f32 v16, v43;
	v9 =	vld [tilespmem:s3+$0x162B0]  }
0x32c: {  	v30 =	vadd.f32 v18, v30;
	v18 =	vadd.f32 v40, v23;
	v10 =	vld [tilespmem:s3+$0x162D0]  }
0x32d: {  	v44 =	vld [tilespmem:s3+$0x16200];
	v19 =	vadd.f32 v19, v28;
	v20 =	vadd.f32 v20, v29  }
0x32e: {  	v45 =	vld [tilespmem:s3+$0x16210];
	v23 =	vadd.f32 v41, v33;
	v28 =	vadd.f32 v42, v31  }
0x32f: {  	v46 =	vld [tilespmem:s3+$0x16220];
	v29 =	vadd.f32 v38, v18;
	v0 =	vadd.f32 v0, v32  }
0x330: {  	v41 =	vld [tilespmem:s3+$0x16230];
	v23 =	vadd.f32 v39, v23;
	v28 =	vadd.f32 v47, v28  }
0x331: {  	v31 =	vld [tilespmem:s3+$0x16180];
	v29 =	vadd.f32 v36, v29;
	v0 =	vadd.f32 v48, v0  }
0x332: {  	v23 =	vadd.f32 v37, v23;
	v48 =	vld [tilespmem:s3+$0x16190];
	v28 =	vadd.f32 v49, v28  }
0x333: {  	v49 =	vld [tilespmem:s3+$0x16100];
	v29 =	vadd.f32 v34, v29;
	v0 =	vadd.f32 v50, v0  }
0x334: {  	v23 =	vadd.f32 v35, v23;
	v50 =	vld [tilespmem:s3+$0x16110];
	v28 =	vadd.f32 v51, v28  }
0x335: {  	v21 =	vadd.f32 v21, v29;
	v29 =	vld [tilespmem:s3+$0x16000];
	v0 =	vadd.f32 v52, v0  }
0x336: {  	v52 =	vld [tilespmem:s3+$0x16080];
	v22 =	vadd.f32 v22, v23;
	v28 =	vadd.f32 v53, v28  }
0x337: {  	v23 =	vld [tilespmem:s3+$0x16090];
	v11 =	vadd.f32 v11, v21;
	v0 =	vadd.f32 v54, v0  }
0x338: {  	v21 =	vld [tilespmem:s3+$0x16010];
	v12 =	vadd.f32 v12, v22;
	v22 =	vadd.f32 v55, v28  }
0x339: {  	v28 =	vld [tilespmem:s3+$0x16020];
	v7 =	vadd.f32 v7, v11;
	v0 =	vadd.f32 v56, v0  }
0x33a: {  	v11 =	vld [tilespmem:s3+$0x16030];
	v8 =	vadd.f32 v8, v12;
	v12 =	vadd.f32 v57, v22  }
0x33b: {  	v22 =	vld [tilespmem:s3+$0x160A0];
	v3 =	vadd.f32 v3, v7;
	v0 =	vadd.f32 v58, v0  }
0x33c: {  	v4 =	vadd.f32 v4, v8;
	v58 =	vld [tilespmem:s3+$0x160B0];
	v7 =	vadd.f32 v59, v12  }
0x33d: {  	v12 =	vadd.f32 v29, v43;
	v8 =	vadd.f32 v60, v0;
	v0 =	vld [tilespmem:s3+$0x16120]  }
0x33e: {  	v21 =	vadd.f32 v21, v30;
	v29 =	vld [tilespmem:s3+$0x16130];
	v19 =	vadd.f32 v28, v19  }
0x33f: {  	v11 =	vadd.f32 v11, v20;
	v20 =	vld [tilespmem:s3+$0x161A0];
	v12 =	vadd.f32 v52, v12  }
0x340: {  	v30 =	vld [tilespmem:s3+$0x161B0];
	v21 =	vadd.f32 v23, v21;
	v19 =	vadd.f32 v22, v19  }
0x341: {  	v16 =	vld [tilespmem:s3+$0x16240];
	v22 =	vadd.f32 v58, v11;
	v35 =	vadd.f32 v49, v12  }
0x342: {  	v33 =	vld [tilespmem:s3+$0x16060];
	v21 =	vadd.f32 v50, v21;
	v0 =	vadd.f32 v0, v19  }
0x343: {  	v18 =	vld [tilespmem:s3+$0x16250];
	v19 =	vadd.f32 v29, v22;
	v22 =	vadd.f32 v31, v35  }
0x344: {  	v32 =	vld [tilespmem:s3+$0x16050];
	v21 =	vadd.f32 v48, v21;
	v0 =	vadd.f32 v20, v0  }
0x345: {  	[tilespmem:$0x1FFC0] =	vst v9;
	v9 =	vld [tilespmem:s3+$0x162C0];
	v19 =	vadd.f32 v30, v19;
	v20 =	vadd.f32 v44, v22  }
0x346: {  	v23 =	vld [tilespmem:s3+$0x16140];
	v21 =	vadd.f32 v45, v21;
	v0 =	vadd.f32 v46, v0  }
0x347: {  	v28 =	vld [tilespmem:s3+$0x16150];
	v22 =	vadd.f32 v41, v19;
	v19 =	vadd.f32 v61, v20  }
0x348: {  	v20 =	vadd.f32 v62, v21;
	v21 =	vadd.f32 v63, v0;
	v0 =	vld [tilespmem:$0x1FFC0]  }
0x349: {  	v11 =	vld [tilespmem:s3+$0x161C0]  }
0x34a: {  	v12 =	vld [tilespmem:s3+$0x161D0]  }
0x34b: {  	v29 =	vld [tilespmem:s3+$0x160C0]  }
0x34c: {  	v31 =	vld [tilespmem:s3+$0x16040]  }
0x34d: {  	s4 =	simm.s32 $0x1000;
	v30 =	vld [tilespmem:s3+$0x160D0];
	v22 =	vadd.f32 v0, v22  }
.LBB2_13:
0x34e: {  	p0 =	sne.s32 s4, $0xB000;
	v0 =	vld [tilespmem:s3+$0x16070];
	v19 =	vadd.f32 v25, v19;
	v20 =	vadd.f32 v27, v20  }
0x34f: {  	v25 =	vld [tilespmem:s3+$0x160E0];
	v21 =	vadd.f32 v24, v21;
	v22 =	vadd.f32 v26, v22  }
0x350: {  	v24 =	vld [tilespmem:s3+$0x160F0];
	v19 =	vadd.f32 v13, v19;
	v20 =	vadd.f32 v14, v20  }
0x351: {  	v13 =	vld [tilespmem:s3+$0x16160];
	v21 =	vadd.f32 v15, v21;
	v22 =	vadd.f32 v17, v22  }
0x352: {  	v3 =	vadd.f32 v31, v3;
	v4 =	vadd.f32 v32, v4;
	v14 =	vld [tilespmem:s3+$0x16170]  }
0x353: {  	v7 =	vadd.f32 v33, v7;
	v0 =	vadd.f32 v0, v8;
	v8 =	vld [tilespmem:s3+$0x161E0]  }
0x354: {  	v3 =	vadd.f32 v29, v3;
	v4 =	vadd.f32 v30, v4;
	v15 =	vld [tilespmem:s3+$0x161F0]  }
0x355: {  	v7 =	vadd.f32 v25, v7;
	v0 =	vadd.f32 v24, v0;
	v17 =	vld [tilespmem:s3+$0x16260]  }
0x356: {  	v3 =	vadd.f32 v23, v3;
	v4 =	vadd.f32 v28, v4;
	v23 =	vld [tilespmem:s3+$0x16270]  }
0x357: {  	v7 =	vadd.f32 v13, v7;
	v0 =	vadd.f32 v14, v0;
	v14 =	vld [tilespmem:s3+$0x162E0]  }
0x358: {  	v3 =	vadd.f32 v11, v3;
	v4 =	vadd.f32 v12, v4;
	v11 =	vld [tilespmem:s3+$0x162F0]  }
0x359: {  	v7 =	vadd.f32 v8, v7;
	v0 =	vadd.f32 v15, v0;
	v8 =	vld [tilespmem:s3+$0x16360]  }
0x35a: {  	v3 =	vadd.f32 v16, v3;
	v4 =	vadd.f32 v18, v4;
	v12 =	vld [tilespmem:s3+$0x16370]  }
0x35b: {  	v7 =	vadd.f32 v17, v7;
	v0 =	vadd.f32 v23, v0;
	v16 =	vld [tilespmem:s3+$0x163E0]  }
0x35c: {  	v3 =	vadd.f32 v9, v3;
	v4 =	vadd.f32 v10, v4;
	v9 =	vld [tilespmem:s3+$0x163F0];
	s3 =	sshra.s32 s4, $0x2  }
0x35d: {  	v7 =	vadd.f32 v14, v7;
	v13 =	vld [tilespmem:s3+$0x16380];
	v0 =	vadd.f32 v11, v0  }
0x35e: {  	v3 =	vadd.f32 v5, v3;
	v4 =	vadd.f32 v6, v4;
	v14 =	vld [tilespmem:s3+$0x16390]  }
0x35f: {  	v5 =	vadd.f32 v8, v7;
	v15 =	vld [tilespmem:s3+$0x163A0];
	v0 =	vadd.f32 v12, v0  }
0x360: {  	v3 =	vadd.f32 v2, v3;
	v4 =	vadd.f32 v1, v4;
	v17 =	vld [tilespmem:s3+$0x163B0]  }
0x361: {  	v7 =	vadd.f32 v16, v5;
	v2 =	vld [tilespmem:s3+$0x163C0];
	v8 =	vadd.f32 v9, v0  }
0x362: {  	v1 =	vld [tilespmem:s3+$0x163D0]  }
0x363: {  	v25 =	vld [tilespmem:s3+$0x16300]  }
0x364: {  	v27 =	vld [tilespmem:s3+$0x16310]  }
0x365: {  	v24 =	vld [tilespmem:s3+$0x16320]  }
0x366: {  	v26 =	vld [tilespmem:s3+$0x16330]  }
0x367: {  	v5 =	vld [tilespmem:s3+$0x16340]  }
0x368: {  	v6 =	vld [tilespmem:s3+$0x16350]  }
0x369: {  	v0 =	vld [tilespmem:s3+$0x16280]  }
0x36a: {  	v33 =	vld [tilespmem:s3+$0x16290]  }
0x36b: {  	v34 =	vld [tilespmem:s3+$0x162A0]  }
0x36c: {  	v35 =	vld [tilespmem:s3+$0x162B0]  }
0x36d: {  	v9 =	vld [tilespmem:s3+$0x162C0]  }
0x36e: {  	v10 =	vld [tilespmem:s3+$0x162D0]  }
0x36f: {  	v31 =	vld [tilespmem:s3+$0x16200]  }
0x370: {  	v32 =	vld [tilespmem:s3+$0x16210]  }
0x371: {  	v36 =	vld [tilespmem:s3+$0x16220]  }
0x372: {  	v37 =	vld [tilespmem:s3+$0x16230]  }
0x373: {  	v16 =	vld [tilespmem:s3+$0x16240]  }
0x374: {  	v18 =	vld [tilespmem:s3+$0x16250]  }
0x375: {  	v29 =	vld [tilespmem:s3+$0x16180]  }
0x376: {  	v30 =	vld [tilespmem:s3+$0x16190]  }
0x377: {  	v12 =	vld [tilespmem:s3+$0x16100]  }
0x378: {  	v23 =	vld [tilespmem:s3+$0x16110]  }
0x379: {  	v11 =	vld [tilespmem:s3+$0x16080]  }
0x37a: {  	v28 =	vld [tilespmem:s3+$0x16090]  }
0x37b: {  	v38 =	vld [tilespmem:s3+$0x16000]  }
0x37c: {  	v39 =	vld [tilespmem:s3+$0x16010]  }
0x37d: {  	v40 =	vld [tilespmem:s3+$0x16020]  }
0x37e: {  	v41 =	vld [tilespmem:s3+$0x16030]  }
0x37f: {  	v42 =	vld [tilespmem:s3+$0x160A0]  }
0x380: {  	v43 =	vld [tilespmem:s3+$0x160B0]  }
0x381: {  	v44 =	vld [tilespmem:s3+$0x16120]  }
0x382: {  	v19 =	vadd.f32 v38, v19;
	v20 =	vadd.f32 v39, v20;
	v38 =	vld [tilespmem:s3+$0x16130]  }
0x383: {  	v21 =	vadd.f32 v40, v21;
	v22 =	vadd.f32 v41, v22;
	v39 =	vld [tilespmem:s3+$0x161A0]  }
0x384: {  	v19 =	vadd.f32 v11, v19;
	v20 =	vadd.f32 v28, v20;
	v40 =	vld [tilespmem:s3+$0x161B0]  }
0x385: {  	v21 =	vadd.f32 v42, v21;
	v22 =	vadd.f32 v43, v22;
	v11 =	vld [tilespmem:s3+$0x161C0]  }
0x386: {  	v19 =	vadd.f32 v12, v19;
	v20 =	vadd.f32 v23, v20;
	v12 =	vld [tilespmem:s3+$0x161D0]  }
0x387: {  	v21 =	vadd.f32 v44, v21;
	v22 =	vadd.f32 v38, v22;
	v23 =	vld [tilespmem:s3+$0x16140]  }
0x388: {  	v19 =	vadd.f32 v29, v19;
	v20 =	vadd.f32 v30, v20;
	v28 =	vld [tilespmem:s3+$0x16150]  }
.Ltmp5:
0x389: {  	v21 =	vadd.f32 v39, v21;
	v29 =	vld [tilespmem:s3+$0x160C0];
	v22 =	vadd.f32 v40, v22;
	(pc) =	sbr.rel @p0 .LBB2_13-.Ltmp5, $4  }
0x38a: {  	v19 =	vadd.f32 v31, v19;
	v20 =	vadd.f32 v32, v20;
	v30 =	vld [tilespmem:s3+$0x160D0]  }
0x38b: {  	v21 =	vadd.f32 v36, v21;
	v31 =	vld [tilespmem:s3+$0x16040];
	v22 =	vadd.f32 v37, v22  }
0x38c: {  	v19 =	vadd.f32 v0, v19;
	v20 =	vadd.f32 v33, v20;
	v32 =	vld [tilespmem:s3+$0x16050]  }
0x38d: {  	s4 =	sadd.s32 $0x1000, s4;
	v21 =	vadd.f32 v34, v21;
	v33 =	vld [tilespmem:s3+$0x16060];
	v22 =	vadd.f32 v35, v22  }
0x38e: {  	v0 =	vld [tilespmem:s3+$0x16070]  }
0x38f: {  	v34 =	vld [tilespmem:s3+$0x160E0]  }
0x390: {  	v35 =	vld [tilespmem:s3+$0x160F0]  }
0x391: {  	v36 =	vld [tilespmem:s3+$0x16160]  }
0x392: {  	v37 =	vld [tilespmem:s3+$0x16170]  }
0x393: {  	v38 =	vld [tilespmem:s3+$0x161E0]  }
0x394: {  	v49 =	vld [tilespmem:s3+$0x161F0]  }
0x395: {  	v50 =	vld [tilespmem:s3+$0x16260]  }
0x396: {  	v19 =	vadd.f32 v25, v19;
	v51 =	vld [tilespmem:s3+$0x16270]  }
0x397: {  	v20 =	vadd.f32 v27, v20;
	v52 =	vld [tilespmem:s3+$0x162E0];
	v21 =	vadd.f32 v24, v21  }
0x398: {  	v53 =	vld [tilespmem:s3+$0x162F0];
	v22 =	vadd.f32 v26, v22;
	v13 =	vadd.f32 v13, v19  }
0x399: {  	v58 =	vld [tilespmem:$0x19800];
	v14 =	vadd.f32 v14, v20;
	v3 =	vadd.f32 v31, v3  }
0x39a: {  	v54 =	vld [tilespmem:s3+$0x16360];
	v15 =	vadd.f32 v15, v21;
	v17 =	vadd.f32 v17, v22  }
0x39b: {  	v61 =	vld [tilespmem:$0x19810];
	v4 =	vadd.f32 v32, v4;
	v7 =	vadd.f32 v33, v7  }
0x39c: {  	v55 =	vld [tilespmem:s3+$0x16370];
	v3 =	vadd.f32 v29, v3;
	v21 =	vmul.f32 $4.999999890e-03, v13;
	v0 =	vadd.f32 v0, v8  }
0x39d: {  	v24 =	vld [tilespmem:$0x19820];
	v4 =	vadd.f32 v30, v4;
	v7 =	vadd.f32 v34, v7  }
0x39e: {  	v56 =	vld [tilespmem:s3+$0x163E0];
	v30 =	vmul.f32 $4.999999890e-03, v14;
	v3 =	vadd.f32 v23, v3;
	v29 =	vadd.f32 v58, v21  }
0x39f: {  	v62 =	vld [tilespmem:$0x19890];
	v0 =	vadd.f32 v35, v0;
	v4 =	vadd.f32 v28, v4  }
0x3a0: {  	v63 =	vld [tilespmem:$0x19910];
	v33 =	vmul.f32 $4.999999890e-03, v15;
	v8 =	vadd.f32 v61, v30;
	v7 =	vadd.f32 v36, v7  }
0x3a1: {  	v57 =	vld [tilespmem:s3+$0x163F0];
	v3 =	vadd.f32 v11, v3;
	v0 =	vadd.f32 v37, v0  }
0x3a2: {  	v31 =	vld [tilespmem:$0x19920];
	v4 =	vadd.f32 v12, v4;
	v37 =	vadd.f32 v24, v33  }
0x3a3: {  	v25 =	vld [tilespmem:$0x198A0];
	v8 =	vmax.f32 v8, $0.0e+00;
	v7 =	vadd.f32 v38, v7;
	v3 =	vadd.f32 v16, v3  }
0x3a4: {  	v59 =	vld [tilespmem:$0x19880];
	v38 =	vmul.f32 $4.999999890e-03, v17;
	v40 =	vmul.f32 v8, v62;
	v0 =	vadd.f32 v49, v0  }
0x3a5: {  	v32 =	vld [tilespmem:$0x19830];
	v8 =	vmul.f32 v63, v8;
	v4 =	vadd.f32 v18, v4;
	v7 =	vadd.f32 v50, v7  }
0x3a6: {  	v60 =	vld [tilespmem:$0x19900];
	v42 =	vmax.f32 v37, $0.0e+00;
	v3 =	vadd.f32 v9, v3;
	v0 =	vadd.f32 v51, v0  }
0x3a7: {  	v39 =	vld [tilespmem:$0x19840];
	v46 =	vmul.f32 v31, v42;
	v4 =	vadd.f32 v10, v4;
	v7 =	vadd.f32 v52, v7  }
0x3a8: {  	v34 =	vld [tilespmem:$0x198B0];
	v3 =	vadd.f32 v5, v3;
	v5 =	vmul.f32 v42, v25;
	v0 =	vadd.f32 v53, v0  }
0x3a9: {  	v41 =	vld [tilespmem:$0x198C0];
	v4 =	vadd.f32 v6, v4;
	v28 =	vadd.f32 v54, v7;
	v7 =	vmax.f32 v29, $0.0e+00  }
0x3aa: {  	v36 =	vld [tilespmem:$0x19930];
	v2 =	vadd.f32 v2, v3;
	v3 =	vadd.f32 v32, v38;
	v35 =	vmul.f32 v7, v59  }
0x3ab: {  	v44 =	vld [tilespmem:$0x19850];
	v0 =	vadd.f32 v55, v0;
	v1 =	vadd.f32 v1, v4;
	v7 =	vmul.f32 v60, v7  }
0x3ac: {  	v43 =	vld [tilespmem:$0x19940];
	v6 =	vadd.f32 v56, v28;
	v3 =	vmax.f32 v3, $0.0e+00;
	v4 =	vadd.f32 $0.0e+00, v35  }
0x3ad: {  	v48 =	vld [tilespmem:$0x19860];
	v2 =	vmul.f32 $4.999999890e-03, v2;
	v7 =	vadd.f32 $0.0e+00, v7;
	v47 =	vmul.f32 v3, v34  }
0x3ae: {  	v45 =	vld [tilespmem:$0x198D0];
	v0 =	vadd.f32 v57, v0;
	v1 =	vmul.f32 $4.999999890e-03, v1;
	v4 =	vadd.f32 v40, v4  }
0x3af: {  	v50 =	vld [tilespmem:$0x19870];
	v3 =	vmul.f32 v36, v3;
	v2 =	vadd.f32 v39, v2;
	v7 =	vadd.f32 v8, v7  }
0x3b0: {  	v49 =	vld [tilespmem:$0x19950];
	v6 =	vmul.f32 $4.999999890e-03, v6;
	v1 =	vadd.f32 v44, v1;
	v4 =	vadd.f32 v5, v4  }
0x3b1: {  	v51 =	vld [tilespmem:$0x198E0];
	v0 =	vmul.f32 $4.999999890e-03, v0;
	v2 =	vmax.f32 v2, $0.0e+00;
	v5 =	vadd.f32 v46, v7  }
0x3b2: {  	v53 =	vld [tilespmem:$0x19960];
	v6 =	vadd.f32 v48, v6;
	v52 =	vmul.f32 v2, v41;
	v4 =	vadd.f32 v47, v4  }
0x3b3: {  	v54 =	vld [tilespmem:$0x198F0];
	v2 =	vmul.f32 v43, v2;
	v1 =	vmax.f32 v1, $0.0e+00;
	v3 =	vadd.f32 v3, v5  }
0x3b4: {  	v56 =	vld [tilespmem:$0x19970];
	v0 =	vadd.f32 v50, v0;
	v55 =	vmul.f32 v1, v45;
	v4 =	vadd.f32 v52, v4  }
0x3b5: {  	v1 =	vmul.f32 v49, v1;
	v6 =	vmax.f32 v6, $0.0e+00;
	v2 =	vadd.f32 v2, v3  }
0x3b6: {  	v57 =	vmul.f32 v6, v51;
	v3 =	vadd.f32 v55, v4  }
0x3b7: {  	v58 =	vmul.f32 v53, v6;
	v0 =	vmax.f32 v0, $0.0e+00;
	v1 =	vadd.f32 v1, v2  }
0x3b8: {  	v59 =	vmul.f32 v0, v54;
	v3 =	vadd.f32 v57, v3  }
0x3b9: {  	v0 =	vmul.f32 v56, v0;
	v1 =	vadd.f32 v58, v1  }
0x3ba: {  	v60 =	vadd.f32 v59, v3  }
0x3bb: {  	v0 =	vadd.f32 v0, v1  }
0x3bc: {  	(xrf2) =	vadd.scan.msk.f32 $0xffff, v60  }
0x3bd: {  	(xrf2) =	vadd.scan.msk.f32 $0xffff, v0;
	_ =	sdelay $0x8  }
0x3be: {  	v61, _, _ =	vpop (xrf2)  }
0x3bf: {  	v63 =	vld [tilespmem:$0x1FFF0];
	v62, _, _ =	vpop (xrf2)  }
0x3c0: {  	s0 =	sadd.s32 $0x1, s0;
	v1 =	vbroadcast v62, $0xF  }
0x3c1: {  	p0 =	sne.s32 s0, $0x2A;
	v0 =	vbroadcast v61, $0xF  }
.Ltmp6:
0x3c2: {  	v1 =	vnsel vm0, $0x0, v1;
	(pc) =	sbr.rel @p0 .LBB2_2-.Ltmp6, $4  }
0x3c3: {  	v0 =	vsel vm1, v1, v0  }
0x3c4: {  	s1 =	sshll.u32 s1, $0x4;
	v0 =	vadd.f32 v0, v63  }
0x3c5: {  	s1 =	sand.u32 $0x3FFFFFF0, s1  }
0x3c6: {  	[tilespmem:s1+$0x19000] =	vst v0  }
0x3c7: {  	_ =	swait.ge [sflag:s24], $0x3400  }
0x3c8: {  	[sflag:s24] =	ssyncset.done $0x0  }
0x3c9: {  	s0 =	simm.s32 $0x0;
	[sflag:s24] =	ssyncadd.s32 $0xFFFFCC00  }
0x3ca: {  	v16 =	vld [tilespmem:s0+$0x6780]  }
0x3cb: {  	v18 =	vld [tilespmem:s0+$0x6790]  }
0x3cc: {  	v19 =	vld [tilespmem:s0+$0x67A0]  }
0x3cd: {  	v20 =	vld [tilespmem:s0+$0x67B0]  }
0x3ce: {  	v3 =	vld [tilespmem:s0+$0x67C0]  }
0x3cf: {  	v4 =	vld [tilespmem:s0+$0x67D0]  }
0x3d0: {  	v10 =	vld [tilespmem:s0+$0x6700]  }
0x3d1: {  	v30 =	vld [tilespmem:s0+$0x6710]  }
0x3d2: {  	v28 =	vld [tilespmem:s0+$0x6720]  }
0x3d3: {  	v29 =	vld [tilespmem:s0+$0x6730]  }
0x3d4: {  	v7 =	vld [tilespmem:s0+$0x6740]  }
0x3d5: {  	v8 =	vld [tilespmem:s0+$0x6750]  }
0x3d6: {  	v0 =	vld [tilespmem:s0+$0x6680]  }
0x3d7: {  	v1 =	vld [tilespmem:s0+$0x6690]  }
0x3d8: {  	v2 =	vld [tilespmem:s0+$0x66A0]  }
0x3d9: {  	v5 =	vld [tilespmem:s0+$0x66B0]  }
0x3da: {  	v11 =	vld [tilespmem:s0+$0x66C0]  }
0x3db: {  	v12 =	vld [tilespmem:s0+$0x66D0]  }
0x3dc: {  	v6 =	vld [tilespmem:s0+$0x6600]  }
0x3dd: {  	v9 =	vld [tilespmem:s0+$0x6610]  }
0x3de: {  	v13 =	vld [tilespmem:s0+$0x6620]  }
0x3df: {  	v14 =	vld [tilespmem:s0+$0x6630]  }
0x3e0: {  	v21 =	vld [tilespmem:s0+$0x6640]  }
0x3e1: {  	v15 =	vld [tilespmem:s0+$0x6580]  }
0x3e2: {  	v17 =	vld [tilespmem:s0+$0x6590]  }
0x3e3: {  	v24 =	vld [tilespmem:s0+$0x6500]  }
0x3e4: {  	v25 =	vld [tilespmem:s0+$0x6510]  }
0x3e5: {  	v22 =	vld [tilespmem:s0+$0x6480]  }
0x3e6: {  	v26 =	vld [tilespmem:s0+$0x6490]  }
0x3e7: {  	v27 =	vld [tilespmem:s0+$0x6400]  }
0x3e8: {  	v31 =	vld [tilespmem:s0+$0x6410]  }
0x3e9: {  	v32 =	vld [tilespmem:s0+$0x6420]  }
0x3ea: {  	v33 =	vld [tilespmem:s0+$0x6430]  }
0x3eb: {  	v34 =	vld [tilespmem:s0+$0x64A0]  }
0x3ec: {  	v35 =	vld [tilespmem:s0+$0x64B0]  }
0x3ed: {  	v36 =	vld [tilespmem:s0+$0x6520]  }
0x3ee: {  	v23 =	vimm.f32 $0.0e+00;
	v37 =	vld [tilespmem:s0+$0x6530]  }
0x3ef: {  	v38 =	vld [tilespmem:s0+$0x65A0];
	v27 =	vadd.f32 v27, v23;
	v31 =	vadd.f32 v31, v23  }
0x3f0: {  	v39 =	vld [tilespmem:s0+$0x64D0];
	v32 =	vadd.f32 v32, v23;
	v33 =	vadd.f32 v33, v23  }
0x3f1: {  	v27 =	vadd.f32 v22, v27;
	v26 =	vadd.f32 v26, v31;
	v31 =	vld [tilespmem:s0+$0x65B0]  }
0x3f2: {  	v40 =	vld [tilespmem:s0+$0x6440];
	v32 =	vadd.f32 v34, v32;
	v33 =	vadd.f32 v35, v33  }
0x3f3: {  	v41 =	vld [tilespmem:s0+$0x6450];
	v24 =	vadd.f32 v24, v27;
	v25 =	vadd.f32 v25, v26  }
0x3f4: {  	v42 =	vld [tilespmem:s0+$0x6460];
	v61 =	vadd.f32 v36, v32;
	v27 =	vadd.f32 v37, v33  }
0x3f5: {  	v22 =	vld [tilespmem:s0+$0x6650];
	v15 =	vadd.f32 v15, v24;
	v17 =	vadd.f32 v17, v25  }
0x3f6: {  	v34 =	vld [tilespmem:s0+$0x65C0];
	v62 =	vadd.f32 v38, v61;
	v63 =	vadd.f32 v31, v27  }
0x3f7: {  	v35 =	vld [tilespmem:s0+$0x65D0];
	v6 =	vadd.f32 v6, v15;
	v9 =	vadd.f32 v9, v17  }
0x3f8: {  	v36 =	vld [tilespmem:s0+$0x6540];
	v33 =	vimm.f32 $0.0e+00;
	v13 =	vadd.f32 v13, v62;
	v14 =	vadd.f32 v14, v63  }
0x3f9: {  	v37 =	vld [tilespmem:s0+$0x6550];
	v32 =	vimm.f32 $0.0e+00;
	v43 =	vadd.f32 v0, v6;
	v44 =	vadd.f32 v1, v9  }
0x3fa: {  	s1 =	simm.s32 $0x1000;
	v38 =	vld [tilespmem:s0+$0x64C0];
	v31 =	vimm.f32 $0.0e+00;
	v45 =	vadd.f32 v2, v13;
	v46 =	vadd.f32 v5, v14  }
.LBB2_16:
0x3fb: {  	p0 =	sne.s32 s1, $0xC000;
	v0 =	vld [tilespmem:s0+$0x6470];
	v1 =	vadd.f32 v10, v43;
	v2 =	vadd.f32 v30, v44  }
0x3fc: {  	v9 =	vld [tilespmem:s0+$0x64E0];
	v5 =	vadd.f32 v28, v45;
	v6 =	vadd.f32 v29, v46  }
0x3fd: {  	v10 =	vld [tilespmem:s0+$0x64F0];
	v1 =	vadd.f32 v16, v1;
	v2 =	vadd.f32 v18, v2  }
0x3fe: {  	v13 =	vld [tilespmem:s0+$0x6560];
	v5 =	vadd.f32 v19, v5;
	v6 =	vadd.f32 v20, v6  }
0x3ff: {  	v14 =	vadd.f32 v40, v23;
	v15 =	vadd.f32 v41, v33;
	v16 =	vld [tilespmem:s0+$0x6570]  }
0x400: {  	v17 =	vadd.f32 v42, v31;
	v0 =	vadd.f32 v0, v32;
	v18 =	vld [tilespmem:s0+$0x65E0]  }
0x401: {  	v14 =	vadd.f32 v38, v14;
	v15 =	vadd.f32 v39, v15;
	v19 =	vld [tilespmem:s0+$0x65F0]  }
0x402: {  	v9 =	vadd.f32 v9, v17;
	v0 =	vadd.f32 v10, v0;
	v10 =	vld [tilespmem:s0+$0x6660]  }
0x403: {  	v14 =	vadd.f32 v36, v14;
	v15 =	vadd.f32 v37, v15;
	v17 =	vld [tilespmem:s0+$0x6670]  }
0x404: {  	v9 =	vadd.f32 v13, v9;
	v0 =	vadd.f32 v16, v0;
	v13 =	vld [tilespmem:s0+$0x66E0]  }
0x405: {  	v14 =	vadd.f32 v34, v14;
	v15 =	vadd.f32 v35, v15;
	v20 =	vld [tilespmem:s0+$0x66F0]  }
0x406: {  	v9 =	vadd.f32 v18, v9;
	v0 =	vadd.f32 v19, v0;
	v23 =	vld [tilespmem:s0+$0x6760]  }
0x407: {  	v14 =	vadd.f32 v21, v14;
	v15 =	vadd.f32 v22, v15;
	v21 =	vld [tilespmem:s0+$0x6770]  }
0x408: {  	v9 =	vadd.f32 v10, v9;
	v0 =	vadd.f32 v17, v0;
	v10 =	vld [tilespmem:s0+$0x67E0]  }
0x409: {  	v11 =	vadd.f32 v11, v14;
	v12 =	vadd.f32 v12, v15;
	v14 =	vld [tilespmem:s0+$0x67F0];
	s0 =	sshra.s32 s1, $0x2  }
0x40a: {  	v9 =	vadd.f32 v13, v9;
	v16 =	vld [tilespmem:s0+$0x6780];
	v0 =	vadd.f32 v20, v0  }
0x40b: {  	v7 =	vadd.f32 v7, v11;
	v8 =	vadd.f32 v8, v12;
	v18 =	vld [tilespmem:s0+$0x6790]  }
0x40c: {  	v9 =	vadd.f32 v23, v9;
	v19 =	vld [tilespmem:s0+$0x67A0];
	v0 =	vadd.f32 v21, v0  }
0x40d: {  	v23 =	vadd.f32 v3, v7;
	v33 =	vadd.f32 v4, v8;
	v20 =	vld [tilespmem:s0+$0x67B0]  }
0x40e: {  	v31 =	vadd.f32 v10, v9;
	v3 =	vld [tilespmem:s0+$0x67C0];
	v32 =	vadd.f32 v14, v0  }
0x40f: {  	v4 =	vld [tilespmem:s0+$0x67D0]  }
0x410: {  	v10 =	vld [tilespmem:s0+$0x6700]  }
0x411: {  	v30 =	vld [tilespmem:s0+$0x6710]  }
0x412: {  	v28 =	vld [tilespmem:s0+$0x6720]  }
0x413: {  	v29 =	vld [tilespmem:s0+$0x6730]  }
0x414: {  	v7 =	vld [tilespmem:s0+$0x6740]  }
0x415: {  	v8 =	vld [tilespmem:s0+$0x6750]  }
0x416: {  	v0 =	vld [tilespmem:s0+$0x6680]  }
0x417: {  	v9 =	vld [tilespmem:s0+$0x6690]  }
0x418: {  	v13 =	vld [tilespmem:s0+$0x66A0]  }
0x419: {  	v14 =	vld [tilespmem:s0+$0x66B0]  }
0x41a: {  	v11 =	vld [tilespmem:s0+$0x66C0]  }
0x41b: {  	v12 =	vld [tilespmem:s0+$0x66D0]  }
0x41c: {  	v15 =	vld [tilespmem:s0+$0x6600]  }
0x41d: {  	v17 =	vld [tilespmem:s0+$0x6610]  }
0x41e: {  	v24 =	vld [tilespmem:s0+$0x6620]  }
0x41f: {  	v25 =	vld [tilespmem:s0+$0x6630]  }
0x420: {  	v21 =	vld [tilespmem:s0+$0x6640]  }
0x421: {  	v22 =	vld [tilespmem:s0+$0x6650]  }
0x422: {  	v26 =	vld [tilespmem:s0+$0x6580]  }
0x423: {  	v27 =	vld [tilespmem:s0+$0x6590]  }
0x424: {  	v35 =	vld [tilespmem:s0+$0x6500]  }
0x425: {  	v36 =	vld [tilespmem:s0+$0x6510]  }
0x426: {  	v34 =	vld [tilespmem:s0+$0x6480]  }
0x427: {  	v37 =	vld [tilespmem:s0+$0x6490]  }
0x428: {  	v38 =	vld [tilespmem:s0+$0x6400]  }
0x429: {  	v39 =	vld [tilespmem:s0+$0x6410]  }
0x42a: {  	v40 =	vld [tilespmem:s0+$0x6420]  }
0x42b: {  	v41 =	vld [tilespmem:s0+$0x6430]  }
0x42c: {  	v42 =	vld [tilespmem:s0+$0x64A0]  }
0x42d: {  	v43 =	vld [tilespmem:s0+$0x64B0]  }
0x42e: {  	v44 =	vld [tilespmem:s0+$0x6520]  }
0x42f: {  	v1 =	vadd.f32 v38, v1;
	v2 =	vadd.f32 v39, v2;
	v38 =	vld [tilespmem:s0+$0x6530]  }
0x430: {  	v5 =	vadd.f32 v40, v5;
	v6 =	vadd.f32 v41, v6;
	v39 =	vld [tilespmem:s0+$0x65A0]  }
0x431: {  	v1 =	vadd.f32 v34, v1;
	v2 =	vadd.f32 v37, v2;
	v40 =	vld [tilespmem:s0+$0x65B0]  }
0x432: {  	v5 =	vadd.f32 v42, v5;
	v6 =	vadd.f32 v43, v6;
	v34 =	vld [tilespmem:s0+$0x65C0]  }
0x433: {  	v1 =	vadd.f32 v35, v1;
	v2 =	vadd.f32 v36, v2;
	v35 =	vld [tilespmem:s0+$0x65D0]  }
0x434: {  	v5 =	vadd.f32 v44, v5;
	v6 =	vadd.f32 v38, v6;
	v36 =	vld [tilespmem:s0+$0x6540]  }
0x435: {  	v1 =	vadd.f32 v26, v1;
	v2 =	vadd.f32 v27, v2;
	v37 =	vld [tilespmem:s0+$0x6550]  }
.Ltmp7:
0x436: {  	v5 =	vadd.f32 v39, v5;
	v38 =	vld [tilespmem:s0+$0x64C0];
	v6 =	vadd.f32 v40, v6;
	(pc) =	sbr.rel @p0 .LBB2_16-.Ltmp7, $4  }
0x437: {  	v1 =	vadd.f32 v15, v1;
	v2 =	vadd.f32 v17, v2;
	v39 =	vld [tilespmem:s0+$0x64D0]  }
0x438: {  	v5 =	vadd.f32 v24, v5;
	v40 =	vld [tilespmem:s0+$0x6440];
	v6 =	vadd.f32 v25, v6  }
0x439: {  	v43 =	vadd.f32 v0, v1;
	v44 =	vadd.f32 v9, v2;
	v41 =	vld [tilespmem:s0+$0x6450]  }
0x43a: {  	s1 =	sadd.s32 $0x1000, s1;
	v45 =	vadd.f32 v13, v5;
	v42 =	vld [tilespmem:s0+$0x6460];
	v46 =	vadd.f32 v14, v6  }
0x43b: {  	v0 =	vld [tilespmem:s0+$0x6470]  }
0x43c: {  	v47 =	vld [tilespmem:s0+$0x64E0]  }
0x43d: {  	v48 =	vld [tilespmem:s0+$0x64F0]  }
0x43e: {  	v49 =	vld [tilespmem:s0+$0x6560]  }
0x43f: {  	v50 =	vld [tilespmem:s0+$0x6570]  }
0x440: {  	v51 =	vld [tilespmem:s0+$0x65E0]  }
0x441: {  	v52 =	vld [tilespmem:s0+$0x65F0]  }
0x442: {  	v53 =	vld [tilespmem:s0+$0x6660]  }
0x443: {  	v54 =	vld [tilespmem:s0+$0x6670]  }
0x444: {  	v55 =	vld [tilespmem:s0+$0x66E0]  }
0x445: {  	v56 =	vld [tilespmem:s0+$0x66F0]  }
0x446: {  	v57 =	vld [tilespmem:s0+$0x6760]  }
0x447: {  	v58 =	vld [tilespmem:s0+$0x6770]  }
0x448: {  	v59 =	vld [tilespmem:s0+$0x67E0]  }
0x449: {  	v60 =	vld [tilespmem:s0+$0x67F0];
	_ =	swait.ge [sflag:s25], $0x3000  }
0x44a: {  	[sflag:s25] =	ssyncset.done $0x0  }
0x44b: {  	s0 =	simm.s32 $0x0;
	[sflag:s25] =	ssyncadd.s32 $0xFFFFD000  }
0x44c: {  	v13 =	vld [tilespmem:s0+$0x9B80]  }
0x44d: {  	v14 =	vld [tilespmem:s0+$0x9B90]  }
0x44e: {  	v15 =	vld [tilespmem:s0+$0x9BA0]  }
0x44f: {  	v17 =	vld [tilespmem:s0+$0x9BB0]  }
0x450: {  	v2 =	vld [tilespmem:s0+$0x9BC0]  }
0x451: {  	v1 =	vld [tilespmem:s0+$0x9BD0]  }
0x452: {  	v25 =	vld [tilespmem:s0+$0x9B00]  }
0x453: {  	v27 =	vld [tilespmem:s0+$0x9B10]  }
0x454: {  	v24 =	vld [tilespmem:s0+$0x9B20]  }
0x455: {  	v26 =	vld [tilespmem:s0+$0x9B30]  }
0x456: {  	v5 =	vld [tilespmem:s0+$0x9B40]  }
0x457: {  	v6 =	vld [tilespmem:s0+$0x9B50]  }
0x458: {  	v61 =	vld [tilespmem:s0+$0x9A80]  }
0x459: {  	v43 =	vadd.f32 v10, v43;
	v62 =	vld [tilespmem:s0+$0x9A90]  }
0x45a: {  	v30 =	vadd.f32 v30, v44;
	v28 =	vadd.f32 v28, v45;
	v63 =	vld [tilespmem:s0+$0x9AA0]  }
0x45b: {  	v29 =	vadd.f32 v29, v46;
	v43 =	vadd.f32 v16, v43;
	v9 =	vld [tilespmem:s0+$0x9AB0]  }
0x45c: {  	v30 =	vadd.f32 v18, v30;
	v18 =	vadd.f32 v40, v23;
	v10 =	vld [tilespmem:s0+$0x9AD0]  }
0x45d: {  	v44 =	vld [tilespmem:s0+$0x9A00];
	v19 =	vadd.f32 v19, v28;
	v20 =	vadd.f32 v20, v29  }
0x45e: {  	v45 =	vld [tilespmem:s0+$0x9A10];
	v23 =	vadd.f32 v41, v33;
	v28 =	vadd.f32 v42, v31  }
0x45f: {  	v46 =	vld [tilespmem:s0+$0x9A20];
	v29 =	vadd.f32 v38, v18;
	v0 =	vadd.f32 v0, v32  }
0x460: {  	v41 =	vld [tilespmem:s0+$0x9A30];
	v23 =	vadd.f32 v39, v23;
	v28 =	vadd.f32 v47, v28  }
0x461: {  	v31 =	vld [tilespmem:s0+$0x9980];
	v29 =	vadd.f32 v36, v29;
	v0 =	vadd.f32 v48, v0  }
0x462: {  	v23 =	vadd.f32 v37, v23;
	v48 =	vld [tilespmem:s0+$0x9990];
	v28 =	vadd.f32 v49, v28  }
0x463: {  	v49 =	vld [tilespmem:s0+$0x9900];
	v29 =	vadd.f32 v34, v29;
	v0 =	vadd.f32 v50, v0  }
0x464: {  	v23 =	vadd.f32 v35, v23;
	v50 =	vld [tilespmem:s0+$0x9910];
	v28 =	vadd.f32 v51, v28  }
0x465: {  	v21 =	vadd.f32 v21, v29;
	v29 =	vld [tilespmem:s0+$0x9800];
	v0 =	vadd.f32 v52, v0  }
0x466: {  	v52 =	vld [tilespmem:s0+$0x9880];
	v22 =	vadd.f32 v22, v23;
	v28 =	vadd.f32 v53, v28  }
0x467: {  	v23 =	vld [tilespmem:s0+$0x9890];
	v11 =	vadd.f32 v11, v21;
	v0 =	vadd.f32 v54, v0  }
0x468: {  	v21 =	vld [tilespmem:s0+$0x9810];
	v12 =	vadd.f32 v12, v22;
	v22 =	vadd.f32 v55, v28  }
0x469: {  	v28 =	vld [tilespmem:s0+$0x9820];
	v7 =	vadd.f32 v7, v11;
	v0 =	vadd.f32 v56, v0  }
0x46a: {  	v11 =	vld [tilespmem:s0+$0x9830];
	v8 =	vadd.f32 v8, v12;
	v12 =	vadd.f32 v57, v22  }
0x46b: {  	v22 =	vld [tilespmem:s0+$0x98A0];
	v3 =	vadd.f32 v3, v7;
	v0 =	vadd.f32 v58, v0  }
0x46c: {  	v4 =	vadd.f32 v4, v8;
	v58 =	vld [tilespmem:s0+$0x98B0];
	v7 =	vadd.f32 v59, v12  }
0x46d: {  	v12 =	vadd.f32 v29, v43;
	v8 =	vadd.f32 v60, v0;
	v0 =	vld [tilespmem:s0+$0x9920]  }
0x46e: {  	v21 =	vadd.f32 v21, v30;
	v29 =	vld [tilespmem:s0+$0x9930];
	v19 =	vadd.f32 v28, v19  }
0x46f: {  	v11 =	vadd.f32 v11, v20;
	v20 =	vld [tilespmem:s0+$0x99A0];
	v12 =	vadd.f32 v52, v12  }
0x470: {  	v30 =	vld [tilespmem:s0+$0x99B0];
	v21 =	vadd.f32 v23, v21;
	v19 =	vadd.f32 v22, v19  }
0x471: {  	v16 =	vld [tilespmem:s0+$0x9A40];
	v22 =	vadd.f32 v58, v11;
	v35 =	vadd.f32 v49, v12  }
0x472: {  	v33 =	vld [tilespmem:s0+$0x9860];
	v21 =	vadd.f32 v50, v21;
	v0 =	vadd.f32 v0, v19  }
0x473: {  	v18 =	vld [tilespmem:s0+$0x9A50];
	v19 =	vadd.f32 v29, v22;
	v22 =	vadd.f32 v31, v35  }
0x474: {  	v32 =	vld [tilespmem:s0+$0x9850];
	v21 =	vadd.f32 v48, v21;
	v0 =	vadd.f32 v20, v0  }
0x475: {  	[tilespmem:$0x1FFB0] =	vst v9;
	v9 =	vld [tilespmem:s0+$0x9AC0];
	v19 =	vadd.f32 v30, v19;
	v20 =	vadd.f32 v44, v22  }
0x476: {  	v23 =	vld [tilespmem:s0+$0x9940];
	v21 =	vadd.f32 v45, v21;
	v0 =	vadd.f32 v46, v0  }
0x477: {  	v28 =	vld [tilespmem:s0+$0x9950];
	v22 =	vadd.f32 v41, v19;
	v19 =	vadd.f32 v61, v20  }
0x478: {  	v20 =	vadd.f32 v62, v21;
	v21 =	vadd.f32 v63, v0;
	v0 =	vld [tilespmem:$0x1FFB0]  }
0x479: {  	v11 =	vld [tilespmem:s0+$0x99C0]  }
0x47a: {  	v12 =	vld [tilespmem:s0+$0x99D0]  }
0x47b: {  	v29 =	vld [tilespmem:s0+$0x98C0]  }
0x47c: {  	v31 =	vld [tilespmem:s0+$0x9840]  }
0x47d: {  	s1 =	simm.s32 $0x1000;
	v30 =	vld [tilespmem:s0+$0x98D0];
	v22 =	vadd.f32 v0, v22  }
.LBB2_18:
0x47e: {  	p0 =	sne.s32 s1, $0xB000;
	v0 =	vld [tilespmem:s0+$0x9870];
	v19 =	vadd.f32 v25, v19;
	v20 =	vadd.f32 v27, v20  }
0x47f: {  	v25 =	vld [tilespmem:s0+$0x98E0];
	v21 =	vadd.f32 v24, v21;
	v22 =	vadd.f32 v26, v22  }
0x480: {  	v24 =	vld [tilespmem:s0+$0x98F0];
	v19 =	vadd.f32 v13, v19;
	v20 =	vadd.f32 v14, v20  }
0x481: {  	v13 =	vld [tilespmem:s0+$0x9960];
	v21 =	vadd.f32 v15, v21;
	v22 =	vadd.f32 v17, v22  }
0x482: {  	v3 =	vadd.f32 v31, v3;
	v4 =	vadd.f32 v32, v4;
	v14 =	vld [tilespmem:s0+$0x9970]  }
0x483: {  	v7 =	vadd.f32 v33, v7;
	v0 =	vadd.f32 v0, v8;
	v8 =	vld [tilespmem:s0+$0x99E0]  }
0x484: {  	v3 =	vadd.f32 v29, v3;
	v4 =	vadd.f32 v30, v4;
	v15 =	vld [tilespmem:s0+$0x99F0]  }
0x485: {  	v7 =	vadd.f32 v25, v7;
	v0 =	vadd.f32 v24, v0;
	v17 =	vld [tilespmem:s0+$0x9A60]  }
0x486: {  	v3 =	vadd.f32 v23, v3;
	v4 =	vadd.f32 v28, v4;
	v23 =	vld [tilespmem:s0+$0x9A70]  }
0x487: {  	v7 =	vadd.f32 v13, v7;
	v0 =	vadd.f32 v14, v0;
	v14 =	vld [tilespmem:s0+$0x9AE0]  }
0x488: {  	v3 =	vadd.f32 v11, v3;
	v4 =	vadd.f32 v12, v4;
	v11 =	vld [tilespmem:s0+$0x9AF0]  }
0x489: {  	v7 =	vadd.f32 v8, v7;
	v0 =	vadd.f32 v15, v0;
	v8 =	vld [tilespmem:s0+$0x9B60]  }
0x48a: {  	v3 =	vadd.f32 v16, v3;
	v4 =	vadd.f32 v18, v4;
	v12 =	vld [tilespmem:s0+$0x9B70]  }
0x48b: {  	v7 =	vadd.f32 v17, v7;
	v0 =	vadd.f32 v23, v0;
	v16 =	vld [tilespmem:s0+$0x9BE0]  }
0x48c: {  	v3 =	vadd.f32 v9, v3;
	v4 =	vadd.f32 v10, v4;
	v9 =	vld [tilespmem:s0+$0x9BF0];
	s0 =	sshra.s32 s1, $0x2  }
0x48d: {  	v7 =	vadd.f32 v14, v7;
	v13 =	vld [tilespmem:s0+$0x9B80];
	v0 =	vadd.f32 v11, v0  }
0x48e: {  	v3 =	vadd.f32 v5, v3;
	v4 =	vadd.f32 v6, v4;
	v14 =	vld [tilespmem:s0+$0x9B90]  }
0x48f: {  	v5 =	vadd.f32 v8, v7;
	v15 =	vld [tilespmem:s0+$0x9BA0];
	v0 =	vadd.f32 v12, v0  }
0x490: {  	v3 =	vadd.f32 v2, v3;
	v4 =	vadd.f32 v1, v4;
	v17 =	vld [tilespmem:s0+$0x9BB0]  }
0x491: {  	v7 =	vadd.f32 v16, v5;
	v2 =	vld [tilespmem:s0+$0x9BC0];
	v8 =	vadd.f32 v9, v0  }
0x492: {  	v1 =	vld [tilespmem:s0+$0x9BD0]  }
0x493: {  	v25 =	vld [tilespmem:s0+$0x9B00]  }
0x494: {  	v27 =	vld [tilespmem:s0+$0x9B10]  }
0x495: {  	v24 =	vld [tilespmem:s0+$0x9B20]  }
0x496: {  	v26 =	vld [tilespmem:s0+$0x9B30]  }
0x497: {  	v5 =	vld [tilespmem:s0+$0x9B40]  }
0x498: {  	v6 =	vld [tilespmem:s0+$0x9B50]  }
0x499: {  	v0 =	vld [tilespmem:s0+$0x9A80]  }
0x49a: {  	v33 =	vld [tilespmem:s0+$0x9A90]  }
0x49b: {  	v34 =	vld [tilespmem:s0+$0x9AA0]  }
0x49c: {  	v35 =	vld [tilespmem:s0+$0x9AB0]  }
0x49d: {  	v9 =	vld [tilespmem:s0+$0x9AC0]  }
0x49e: {  	v10 =	vld [tilespmem:s0+$0x9AD0]  }
0x49f: {  	v31 =	vld [tilespmem:s0+$0x9A00]  }
0x4a0: {  	v32 =	vld [tilespmem:s0+$0x9A10]  }
0x4a1: {  	v36 =	vld [tilespmem:s0+$0x9A20]  }
0x4a2: {  	v37 =	vld [tilespmem:s0+$0x9A30]  }
0x4a3: {  	v16 =	vld [tilespmem:s0+$0x9A40]  }
0x4a4: {  	v18 =	vld [tilespmem:s0+$0x9A50]  }
0x4a5: {  	v29 =	vld [tilespmem:s0+$0x9980]  }
0x4a6: {  	v30 =	vld [tilespmem:s0+$0x9990]  }
0x4a7: {  	v12 =	vld [tilespmem:s0+$0x9900]  }
0x4a8: {  	v23 =	vld [tilespmem:s0+$0x9910]  }
0x4a9: {  	v11 =	vld [tilespmem:s0+$0x9880]  }
0x4aa: {  	v28 =	vld [tilespmem:s0+$0x9890]  }
0x4ab: {  	v38 =	vld [tilespmem:s0+$0x9800]  }
0x4ac: {  	v39 =	vld [tilespmem:s0+$0x9810]  }
0x4ad: {  	v40 =	vld [tilespmem:s0+$0x9820]  }
0x4ae: {  	v41 =	vld [tilespmem:s0+$0x9830]  }
0x4af: {  	v42 =	vld [tilespmem:s0+$0x98A0]  }
0x4b0: {  	v43 =	vld [tilespmem:s0+$0x98B0]  }
0x4b1: {  	v44 =	vld [tilespmem:s0+$0x9920]  }
0x4b2: {  	v19 =	vadd.f32 v38, v19;
	v20 =	vadd.f32 v39, v20;
	v38 =	vld [tilespmem:s0+$0x9930]  }
0x4b3: {  	v21 =	vadd.f32 v40, v21;
	v22 =	vadd.f32 v41, v22;
	v39 =	vld [tilespmem:s0+$0x99A0]  }
0x4b4: {  	v19 =	vadd.f32 v11, v19;
	v20 =	vadd.f32 v28, v20;
	v40 =	vld [tilespmem:s0+$0x99B0]  }
0x4b5: {  	v21 =	vadd.f32 v42, v21;
	v22 =	vadd.f32 v43, v22;
	v11 =	vld [tilespmem:s0+$0x99C0]  }
0x4b6: {  	v19 =	vadd.f32 v12, v19;
	v20 =	vadd.f32 v23, v20;
	v12 =	vld [tilespmem:s0+$0x99D0]  }
0x4b7: {  	v21 =	vadd.f32 v44, v21;
	v22 =	vadd.f32 v38, v22;
	v23 =	vld [tilespmem:s0+$0x9940]  }
0x4b8: {  	v19 =	vadd.f32 v29, v19;
	v20 =	vadd.f32 v30, v20;
	v28 =	vld [tilespmem:s0+$0x9950]  }
.Ltmp8:
0x4b9: {  	v21 =	vadd.f32 v39, v21;
	v29 =	vld [tilespmem:s0+$0x98C0];
	v22 =	vadd.f32 v40, v22;
	(pc) =	sbr.rel @p0 .LBB2_18-.Ltmp8, $4  }
0x4ba: {  	v19 =	vadd.f32 v31, v19;
	v20 =	vadd.f32 v32, v20;
	v30 =	vld [tilespmem:s0+$0x98D0]  }
0x4bb: {  	v21 =	vadd.f32 v36, v21;
	v31 =	vld [tilespmem:s0+$0x9840];
	v22 =	vadd.f32 v37, v22  }
0x4bc: {  	v19 =	vadd.f32 v0, v19;
	v20 =	vadd.f32 v33, v20;
	v32 =	vld [tilespmem:s0+$0x9850]  }
0x4bd: {  	s1 =	sadd.s32 $0x1000, s1;
	v21 =	vadd.f32 v34, v21;
	v33 =	vld [tilespmem:s0+$0x9860];
	v22 =	vadd.f32 v35, v22  }
0x4be: {  	v0 =	vld [tilespmem:s0+$0x9870]  }
0x4bf: {  	v34 =	vld [tilespmem:s0+$0x98E0]  }
0x4c0: {  	v35 =	vld [tilespmem:s0+$0x98F0]  }
0x4c1: {  	v36 =	vld [tilespmem:s0+$0x9960]  }
0x4c2: {  	v37 =	vld [tilespmem:s0+$0x9970]  }
0x4c3: {  	v38 =	vld [tilespmem:s0+$0x99E0]  }
0x4c4: {  	v19 =	vadd.f32 v25, v19;
	v20 =	vadd.f32 v27, v20;
	v48 =	vld [tilespmem:s0+$0x99F0]  }
0x4c5: {  	v49 =	vld [tilespmem:s0+$0x9A60];
	v21 =	vadd.f32 v24, v21;
	v22 =	vadd.f32 v26, v22  }
0x4c6: {  	v50 =	vld [tilespmem:s0+$0x9BE0];
	v13 =	vadd.f32 v13, v19;
	v14 =	vadd.f32 v14, v20  }
0x4c7: {  	v27 =	vld [tilespmem:$0x19800];
	v3 =	vadd.f32 v31, v3;
	v15 =	vadd.f32 v15, v21  }
0x4c8: {  	v19 =	vld [tilespmem:s0+$0x9A70];
	v17 =	vadd.f32 v17, v22;
	v4 =	vadd.f32 v32, v4  }
0x4c9: {  	v20 =	vld [tilespmem:s0+$0x9AE0];
	v7 =	vadd.f32 v33, v7;
	v3 =	vadd.f32 v29, v3  }
0x4ca: {  	v21 =	vld [tilespmem:s0+$0x9AF0];
	v0 =	vadd.f32 v0, v8;
	v4 =	vadd.f32 v30, v4  }
0x4cb: {  	v22 =	vld [tilespmem:s0+$0x9B70];
	v7 =	vadd.f32 v34, v7;
	v3 =	vadd.f32 v23, v3  }
0x4cc: {  	v8 =	vld [tilespmem:s0+$0x9B60];
	v0 =	vadd.f32 v35, v0;
	v4 =	vadd.f32 v28, v4  }
0x4cd: {  	v23 =	vld [tilespmem:s0+$0x9BF0];
	v7 =	vadd.f32 v36, v7;
	v3 =	vadd.f32 v11, v3  }
0x4ce: {  	v11 =	vld [tilespmem:$0x19880];
	v0 =	vadd.f32 v37, v0;
	v4 =	vadd.f32 v12, v4  }
0x4cf: {  	v12 =	vld [tilespmem:$0x19900];
	v7 =	vadd.f32 v38, v7;
	v3 =	vadd.f32 v16, v3  }
0x4d0: {  	v16 =	vld [tilespmem:$0x19810];
	v0 =	vadd.f32 v48, v0;
	v4 =	vadd.f32 v18, v4  }
0x4d1: {  	v18 =	vld [tilespmem:$0x19890];
	v7 =	vadd.f32 v49, v7;
	v3 =	vadd.f32 v9, v3  }
0x4d2: {  	v9 =	vld [tilespmem:$0x19910];
	v0 =	vadd.f32 v19, v0;
	v4 =	vadd.f32 v10, v4  }
0x4d3: {  	v10 =	vmul.f32 $4.999999890e-03, v13;
	v13 =	vld [tilespmem:$0x19820];
	v7 =	vadd.f32 v20, v7;
	v3 =	vadd.f32 v5, v3  }
0x4d4: {  	v5 =	vld [tilespmem:$0x198A0];
	v0 =	vadd.f32 v21, v0;
	v4 =	vadd.f32 v6, v4  }
0x4d5: {  	v6 =	vadd.f32 v8, v7;
	v7 =	vadd.f32 v27, v10;
	v8 =	vmul.f32 $4.999999890e-03, v14;
	v10 =	vld [tilespmem:$0x19920]  }
0x4d6: {  	v2 =	vadd.f32 v2, v3;
	v3 =	vld [tilespmem:$0x19830];
	v14 =	vmul.f32 $4.999999890e-03, v15  }
0x4d7: {  	v15 =	vld [tilespmem:$0x198B0];
	v0 =	vadd.f32 v22, v0;
	v7 =	vmax.f32 v7, $0.0e+00;
	v8 =	vadd.f32 v16, v8  }
0x4d8: {  	v1 =	vadd.f32 v1, v4;
	v6 =	vadd.f32 v50, v6;
	v4 =	vmul.f32 v7, v11;
	v11 =	vld [tilespmem:$0x19930]  }
0x4d9: {  	v7 =	vmul.f32 v12, v7;
	v12 =	vadd.f32 v13, v14;
	v14 =	vld [tilespmem:$0x19840];
	v8 =	vmax.f32 v8, $0.0e+00  }
0x4da: {  	v13 =	vmul.f32 $4.999999890e-03, v17;
	v17 =	vld [tilespmem:$0x198C0];
	v4 =	vadd.f32 $0.0e+00, v4;
	v16 =	vmul.f32 v8, v18  }
0x4db: {  	v7 =	vadd.f32 $0.0e+00, v7;
	v8 =	vmul.f32 v9, v8;
	v9 =	vmax.f32 v12, $0.0e+00;
	v12 =	vld [tilespmem:$0x19940]  }
0x4dc: {  	v3 =	vadd.f32 v3, v13;
	v13 =	vld [tilespmem:$0x19850];
	v5 =	vmul.f32 v9, v5;
	v4 =	vadd.f32 v16, v4  }
0x4dd: {  	v2 =	vmul.f32 $4.999999890e-03, v2;
	v0 =	vadd.f32 v23, v0;
	v7 =	vadd.f32 v8, v7;
	v8 =	vld [tilespmem:$0x198D0]  }
0x4de: {  	v3 =	vmax.f32 v3, $0.0e+00;
	v4 =	vadd.f32 v5, v4;
	v5 =	vmul.f32 v10, v9;
	v10 =	vld [tilespmem:$0x19860]  }
0x4df: {  	v1 =	vmul.f32 $4.999999890e-03, v1;
	v2 =	vadd.f32 v14, v2;
	v14 =	vld [tilespmem:$0x19950];
	v9 =	vmul.f32 v3, v15  }
0x4e0: {  	v6 =	vmul.f32 $4.999999890e-03, v6;
	v3 =	vmul.f32 v11, v3;
	v5 =	vadd.f32 v5, v7;
	v7 =	vld [tilespmem:$0x19870]  }
0x4e1: {  	v2 =	vmax.f32 v2, $0.0e+00;
	v1 =	vadd.f32 v13, v1;
	v4 =	vadd.f32 v9, v4;
	v9 =	vld [tilespmem:$0x198E0]  }
0x4e2: {  	v11 =	vld [tilespmem:$0x19960];
	v3 =	vadd.f32 v3, v5;
	v5 =	vmul.f32 v2, v17;
	v2 =	vmul.f32 v12, v2  }
0x4e3: {  	v0 =	vmul.f32 $4.999999890e-03, v0;
	v1 =	vmax.f32 v1, $0.0e+00;
	v6 =	vadd.f32 v10, v6;
	v10 =	vld [tilespmem:$0x198F0]  }
0x4e4: {  	v4 =	vadd.f32 v5, v4;
	v2 =	vadd.f32 v2, v3;
	v3 =	vmul.f32 v1, v8;
	v5 =	vld [tilespmem:$0x19970]  }
0x4e5: {  	v1 =	vmul.f32 v14, v1;
	v6 =	vmax.f32 v6, $0.0e+00;
	v0 =	vadd.f32 v7, v0  }
0x4e6: {  	v3 =	vadd.f32 v3, v4;
	v4 =	vmul.f32 v6, v9  }
0x4e7: {  	v1 =	vadd.f32 v1, v2;
	v2 =	vmul.f32 v11, v6;
	v0 =	vmax.f32 v0, $0.0e+00  }
0x4e8: {  	v3 =	vadd.f32 v4, v3;
	v4 =	vmul.f32 v0, v10  }
0x4e9: {  	v1 =	vadd.f32 v2, v1;
	v0 =	vmul.f32 v5, v0  }
0x4ea: {  	v2 =	vadd.f32 v4, v3  }
0x4eb: {  	v0 =	vadd.f32 v0, v1  }
0x4ec: {  	(xrf2) =	vadd.scan.msk.f32 $0xffff, v2  }
0x4ed: {  	(xrf2) =	vadd.scan.msk.f32 $0xffff, v0;
	_ =	sdelay $0x8  }
0x4ee: {  	v0, _, _ =	vpop (xrf2)  }
0x4ef: {  	v1, _, _ =	vpop (xrf2)  }
0x4f0: {  	v1 =	vbroadcast v1, $0xF  }
0x4f1: {  	v0 =	vbroadcast v0, $0xF  }
0x4f2: {  	v1 =	vnsel vm0, $0x0, v1  }
0x4f3: {  	v0 =	vsel vm1, v1, v0;
	v1 =	vld [tilespmem:$0x1FFF0];
	_ =	sdelay $0x4  }
0x4f4: {  	v0 =	vadd.f32 v0, v1;
	_ =	sdelay $0x1  }
0x4f5: {  	[tilespmem:$0x197E0] =	vst v0  }
0x4f6: {  	_ =	swait.ge [sflag:s26], $0x3400  }
0x4f7: {  	[sflag:s26] =	ssyncset.done $0x0  }
0x4f8: {  	s0 =	simm.s32 $0x0;
	[sflag:s26] =	ssyncadd.s32 $0xFFFFCC00  }
0x4f9: {  	v16 =	vld [tilespmem:s0+$0xCB80]  }
0x4fa: {  	v18 =	vld [tilespmem:s0+$0xCB90]  }
0x4fb: {  	v19 =	vld [tilespmem:s0+$0xCBA0]  }
0x4fc: {  	v20 =	vld [tilespmem:s0+$0xCBB0]  }
0x4fd: {  	v3 =	vld [tilespmem:s0+$0xCBC0]  }
0x4fe: {  	v4 =	vld [tilespmem:s0+$0xCBD0]  }
0x4ff: {  	v10 =	vld [tilespmem:s0+$0xCB00]  }
0x500: {  	v30 =	vld [tilespmem:s0+$0xCB10]  }
0x501: {  	v28 =	vld [tilespmem:s0+$0xCB20]  }
0x502: {  	v29 =	vld [tilespmem:s0+$0xCB30]  }
0x503: {  	v7 =	vld [tilespmem:s0+$0xCB40]  }
0x504: {  	v8 =	vld [tilespmem:s0+$0xCB50]  }
0x505: {  	v0 =	vld [tilespmem:s0+$0xCA80]  }
0x506: {  	v1 =	vld [tilespmem:s0+$0xCA90]  }
0x507: {  	v2 =	vld [tilespmem:s0+$0xCAA0]  }
0x508: {  	v5 =	vld [tilespmem:s0+$0xCAB0]  }
0x509: {  	v11 =	vld [tilespmem:s0+$0xCAC0]  }
0x50a: {  	v12 =	vld [tilespmem:s0+$0xCAD0]  }
0x50b: {  	v6 =	vld [tilespmem:s0+$0xCA00]  }
0x50c: {  	v9 =	vld [tilespmem:s0+$0xCA10]  }
0x50d: {  	v13 =	vld [tilespmem:s0+$0xCA20]  }
0x50e: {  	v14 =	vld [tilespmem:s0+$0xCA30]  }
0x50f: {  	v21 =	vld [tilespmem:s0+$0xCA40]  }
0x510: {  	v15 =	vld [tilespmem:s0+$0xC980]  }
0x511: {  	v17 =	vld [tilespmem:s0+$0xC990]  }
0x512: {  	v51 =	vld [tilespmem:s0+$0xC900]  }
0x513: {  	v52 =	vld [tilespmem:s0+$0xC910]  }
0x514: {  	v22 =	vld [tilespmem:s0+$0xC880]  }
0x515: {  	v53 =	vld [tilespmem:s0+$0xC890]  }
0x516: {  	v27 =	vld [tilespmem:s0+$0xC800]  }
0x517: {  	v31 =	vld [tilespmem:s0+$0xC810]  }
0x518: {  	v54 =	vld [tilespmem:s0+$0xC820]  }
0x519: {  	v55 =	vld [tilespmem:s0+$0xC830]  }
0x51a: {  	v56 =	vld [tilespmem:s0+$0xC8A0]  }
0x51b: {  	v57 =	vld [tilespmem:s0+$0xC8B0]  }
0x51c: {  	v58 =	vld [tilespmem:s0+$0xC920]  }
0x51d: {  	v23 =	vimm.f32 $0.0e+00;
	v59 =	vld [tilespmem:s0+$0xC930]  }
0x51e: {  	v60 =	vld [tilespmem:s0+$0xC9A0];
	v27 =	vadd.f32 v27, v23;
	v31 =	vadd.f32 v31, v23  }
0x51f: {  	v34 =	vld [tilespmem:s0+$0xC9C0];
	v32 =	vadd.f32 v54, v23;
	v33 =	vadd.f32 v55, v23  }
0x520: {  	v27 =	vadd.f32 v22, v27;
	v26 =	vadd.f32 v53, v31;
	v31 =	vld [tilespmem:s0+$0xC9B0]  }
0x521: {  	v35 =	vld [tilespmem:s0+$0xC9D0];
	v32 =	vadd.f32 v56, v32;
	v33 =	vadd.f32 v57, v33  }
0x522: {  	v36 =	vld [tilespmem:s0+$0xC940];
	v24 =	vadd.f32 v51, v27;
	v25 =	vadd.f32 v52, v26  }
0x523: {  	v37 =	vld [tilespmem:s0+$0xC950];
	v61 =	vadd.f32 v58, v32;
	v27 =	vadd.f32 v59, v33  }
0x524: {  	v38 =	vld [tilespmem:s0+$0xC8C0];
	v15 =	vadd.f32 v15, v24;
	v17 =	vadd.f32 v17, v25  }
0x525: {  	v39 =	vld [tilespmem:s0+$0xC8D0];
	v62 =	vadd.f32 v60, v61;
	v63 =	vadd.f32 v31, v27  }
0x526: {  	v40 =	vld [tilespmem:s0+$0xC840];
	v6 =	vadd.f32 v6, v15;
	v9 =	vadd.f32 v9, v17  }
0x527: {  	v41 =	vld [tilespmem:s0+$0xC850];
	v33 =	vimm.f32 $0.0e+00;
	v13 =	vadd.f32 v13, v62;
	v14 =	vadd.f32 v14, v63  }
0x528: {  	v42 =	vld [tilespmem:s0+$0xC860];
	v32 =	vimm.f32 $0.0e+00;
	v43 =	vadd.f32 v0, v6;
	v44 =	vadd.f32 v1, v9  }
0x529: {  	s1 =	simm.s32 $0x1000;
	v22 =	vld [tilespmem:s0+$0xCA50];
	v31 =	vimm.f32 $0.0e+00;
	v45 =	vadd.f32 v2, v13;
	v46 =	vadd.f32 v5, v14  }
.LBB2_20:
0x52a: {  	p0 =	sne.s32 s1, $0xC000;
	v0 =	vld [tilespmem:s0+$0xC870];
	v1 =	vadd.f32 v10, v43;
	v2 =	vadd.f32 v30, v44  }
0x52b: {  	v9 =	vld [tilespmem:s0+$0xC8E0];
	v5 =	vadd.f32 v28, v45;
	v6 =	vadd.f32 v29, v46  }
0x52c: {  	v10 =	vld [tilespmem:s0+$0xC8F0];
	v1 =	vadd.f32 v16, v1;
	v2 =	vadd.f32 v18, v2  }
0x52d: {  	v13 =	vld [tilespmem:s0+$0xC960];
	v5 =	vadd.f32 v19, v5;
	v6 =	vadd.f32 v20, v6  }
0x52e: {  	v14 =	vadd.f32 v40, v23;
	v15 =	vadd.f32 v41, v33;
	v16 =	vld [tilespmem:s0+$0xC970]  }
0x52f: {  	v17 =	vadd.f32 v42, v31;
	v0 =	vadd.f32 v0, v32;
	v18 =	vld [tilespmem:s0+$0xC9E0]  }
0x530: {  	v14 =	vadd.f32 v38, v14;
	v15 =	vadd.f32 v39, v15;
	v19 =	vld [tilespmem:s0+$0xC9F0]  }
0x531: {  	v9 =	vadd.f32 v9, v17;
	v0 =	vadd.f32 v10, v0;
	v10 =	vld [tilespmem:s0+$0xCA60]  }
0x532: {  	v14 =	vadd.f32 v36, v14;
	v15 =	vadd.f32 v37, v15;
	v17 =	vld [tilespmem:s0+$0xCA70]  }
0x533: {  	v9 =	vadd.f32 v13, v9;
	v0 =	vadd.f32 v16, v0;
	v13 =	vld [tilespmem:s0+$0xCAE0]  }
0x534: {  	v14 =	vadd.f32 v34, v14;
	v15 =	vadd.f32 v35, v15;
	v20 =	vld [tilespmem:s0+$0xCAF0]  }
0x535: {  	v9 =	vadd.f32 v18, v9;
	v0 =	vadd.f32 v19, v0;
	v23 =	vld [tilespmem:s0+$0xCB60]  }
0x536: {  	v14 =	vadd.f32 v21, v14;
	v15 =	vadd.f32 v22, v15;
	v21 =	vld [tilespmem:s0+$0xCB70]  }
0x537: {  	v9 =	vadd.f32 v10, v9;
	v0 =	vadd.f32 v17, v0;
	v10 =	vld [tilespmem:s0+$0xCBE0]  }
0x538: {  	v11 =	vadd.f32 v11, v14;
	v12 =	vadd.f32 v12, v15;
	v14 =	vld [tilespmem:s0+$0xCBF0];
	s0 =	sshra.s32 s1, $0x2  }
0x539: {  	v9 =	vadd.f32 v13, v9;
	v16 =	vld [tilespmem:s0+$0xCB80];
	v0 =	vadd.f32 v20, v0  }
0x53a: {  	v7 =	vadd.f32 v7, v11;
	v8 =	vadd.f32 v8, v12;
	v18 =	vld [tilespmem:s0+$0xCB90]  }
0x53b: {  	v9 =	vadd.f32 v23, v9;
	v19 =	vld [tilespmem:s0+$0xCBA0];
	v0 =	vadd.f32 v21, v0  }
0x53c: {  	v23 =	vadd.f32 v3, v7;
	v33 =	vadd.f32 v4, v8;
	v20 =	vld [tilespmem:s0+$0xCBB0]  }
0x53d: {  	v31 =	vadd.f32 v10, v9;
	v3 =	vld [tilespmem:s0+$0xCBC0];
	v32 =	vadd.f32 v14, v0  }
0x53e: {  	v4 =	vld [tilespmem:s0+$0xCBD0]  }
0x53f: {  	v10 =	vld [tilespmem:s0+$0xCB00]  }
0x540: {  	v30 =	vld [tilespmem:s0+$0xCB10]  }
0x541: {  	v28 =	vld [tilespmem:s0+$0xCB20]  }
0x542: {  	v29 =	vld [tilespmem:s0+$0xCB30]  }
0x543: {  	v7 =	vld [tilespmem:s0+$0xCB40]  }
0x544: {  	v8 =	vld [tilespmem:s0+$0xCB50]  }
0x545: {  	v0 =	vld [tilespmem:s0+$0xCA80]  }
0x546: {  	v9 =	vld [tilespmem:s0+$0xCA90]  }
0x547: {  	v13 =	vld [tilespmem:s0+$0xCAA0]  }
0x548: {  	v14 =	vld [tilespmem:s0+$0xCAB0]  }
0x549: {  	v11 =	vld [tilespmem:s0+$0xCAC0]  }
0x54a: {  	v12 =	vld [tilespmem:s0+$0xCAD0]  }
0x54b: {  	v15 =	vld [tilespmem:s0+$0xCA00]  }
0x54c: {  	v17 =	vld [tilespmem:s0+$0xCA10]  }
0x54d: {  	v24 =	vld [tilespmem:s0+$0xCA20]  }
0x54e: {  	v25 =	vld [tilespmem:s0+$0xCA30]  }
0x54f: {  	v21 =	vld [tilespmem:s0+$0xCA40]  }
0x550: {  	v22 =	vld [tilespmem:s0+$0xCA50]  }
0x551: {  	v26 =	vld [tilespmem:s0+$0xC980]  }
0x552: {  	v27 =	vld [tilespmem:s0+$0xC990]  }
0x553: {  	v35 =	vld [tilespmem:s0+$0xC900]  }
0x554: {  	v36 =	vld [tilespmem:s0+$0xC910]  }
0x555: {  	v34 =	vld [tilespmem:s0+$0xC880]  }
0x556: {  	v37 =	vld [tilespmem:s0+$0xC890]  }
0x557: {  	v38 =	vld [tilespmem:s0+$0xC800]  }
0x558: {  	v39 =	vld [tilespmem:s0+$0xC810]  }
0x559: {  	v40 =	vld [tilespmem:s0+$0xC820]  }
0x55a: {  	v41 =	vld [tilespmem:s0+$0xC830]  }
0x55b: {  	v42 =	vld [tilespmem:s0+$0xC8A0]  }
0x55c: {  	v43 =	vld [tilespmem:s0+$0xC8B0]  }
0x55d: {  	v44 =	vld [tilespmem:s0+$0xC920]  }
0x55e: {  	v1 =	vadd.f32 v38, v1;
	v2 =	vadd.f32 v39, v2;
	v38 =	vld [tilespmem:s0+$0xC930]  }
0x55f: {  	v5 =	vadd.f32 v40, v5;
	v6 =	vadd.f32 v41, v6;
	v39 =	vld [tilespmem:s0+$0xC9A0]  }
0x560: {  	v1 =	vadd.f32 v34, v1;
	v2 =	vadd.f32 v37, v2;
	v40 =	vld [tilespmem:s0+$0xC9B0]  }
0x561: {  	v5 =	vadd.f32 v42, v5;
	v6 =	vadd.f32 v43, v6;
	v34 =	vld [tilespmem:s0+$0xC9C0]  }
0x562: {  	v1 =	vadd.f32 v35, v1;
	v2 =	vadd.f32 v36, v2;
	v35 =	vld [tilespmem:s0+$0xC9D0]  }
0x563: {  	v5 =	vadd.f32 v44, v5;
	v6 =	vadd.f32 v38, v6;
	v36 =	vld [tilespmem:s0+$0xC940]  }
0x564: {  	v1 =	vadd.f32 v26, v1;
	v2 =	vadd.f32 v27, v2;
	v37 =	vld [tilespmem:s0+$0xC950]  }
.Ltmp9:
0x565: {  	v5 =	vadd.f32 v39, v5;
	v38 =	vld [tilespmem:s0+$0xC8C0];
	v6 =	vadd.f32 v40, v6;
	(pc) =	sbr.rel @p0 .LBB2_20-.Ltmp9, $4  }
0x566: {  	v1 =	vadd.f32 v15, v1;
	v2 =	vadd.f32 v17, v2;
	v39 =	vld [tilespmem:s0+$0xC8D0]  }
0x567: {  	v5 =	vadd.f32 v24, v5;
	v40 =	vld [tilespmem:s0+$0xC840];
	v6 =	vadd.f32 v25, v6  }
0x568: {  	v43 =	vadd.f32 v0, v1;
	v44 =	vadd.f32 v9, v2;
	v41 =	vld [tilespmem:s0+$0xC850]  }
0x569: {  	s1 =	sadd.s32 $0x1000, s1;
	v45 =	vadd.f32 v13, v5;
	v42 =	vld [tilespmem:s0+$0xC860];
	v46 =	vadd.f32 v14, v6  }
0x56a: {  	v0 =	vld [tilespmem:s0+$0xC870]  }
0x56b: {  	v47 =	vld [tilespmem:s0+$0xC8E0]  }
0x56c: {  	v48 =	vld [tilespmem:s0+$0xC8F0]  }
0x56d: {  	v49 =	vld [tilespmem:s0+$0xC960]  }
0x56e: {  	v50 =	vld [tilespmem:s0+$0xC970]  }
0x56f: {  	v51 =	vld [tilespmem:s0+$0xC9E0]  }
0x570: {  	v52 =	vld [tilespmem:s0+$0xC9F0]  }
0x571: {  	v53 =	vld [tilespmem:s0+$0xCA60]  }
0x572: {  	v54 =	vld [tilespmem:s0+$0xCA70]  }
0x573: {  	v55 =	vld [tilespmem:s0+$0xCAE0]  }
0x574: {  	v56 =	vld [tilespmem:s0+$0xCAF0]  }
0x575: {  	v57 =	vld [tilespmem:s0+$0xCB60]  }
0x576: {  	v58 =	vld [tilespmem:s0+$0xCB70]  }
0x577: {  	v59 =	vld [tilespmem:s0+$0xCBE0]  }
0x578: {  	v60 =	vld [tilespmem:s0+$0xCBF0];
	_ =	swait.ge [sflag:s28], $0x3000  }
0x579: {  	[sflag:s28] =	ssyncset.done $0x0  }
0x57a: {  	s0 =	simm.s32 $0x0;
	[sflag:s28] =	ssyncadd.s32 $0xFFFFD000  }
0x57b: {  	v13 =	vld [tilespmem:s0+$0xFF80]  }
0x57c: {  	v14 =	vld [tilespmem:s0+$0xFF90]  }
0x57d: {  	v15 =	vld [tilespmem:s0+$0xFFA0]  }
0x57e: {  	v17 =	vld [tilespmem:s0+$0xFFB0]  }
0x57f: {  	v2 =	vld [tilespmem:s0+$0xFFC0]  }
0x580: {  	v1 =	vld [tilespmem:s0+$0xFFD0]  }
0x581: {  	v25 =	vld [tilespmem:s0+$0xFF00]  }
0x582: {  	v27 =	vld [tilespmem:s0+$0xFF10]  }
0x583: {  	v24 =	vld [tilespmem:s0+$0xFF20]  }
0x584: {  	v26 =	vld [tilespmem:s0+$0xFF30]  }
0x585: {  	v5 =	vld [tilespmem:s0+$0xFF40]  }
0x586: {  	v6 =	vld [tilespmem:s0+$0xFF50]  }
0x587: {  	v61 =	vld [tilespmem:s0+$0xFE80]  }
0x588: {  	v43 =	vadd.f32 v10, v43;
	v62 =	vld [tilespmem:s0+$0xFE90]  }
0x589: {  	v30 =	vadd.f32 v30, v44;
	v28 =	vadd.f32 v28, v45;
	v63 =	vld [tilespmem:s0+$0xFEA0]  }
0x58a: {  	v29 =	vadd.f32 v29, v46;
	v43 =	vadd.f32 v16, v43;
	v9 =	vld [tilespmem:s0+$0xFEB0]  }
0x58b: {  	v30 =	vadd.f32 v18, v30;
	v18 =	vadd.f32 v40, v23;
	v10 =	vld [tilespmem:s0+$0xFED0]  }
0x58c: {  	v44 =	vld [tilespmem:s0+$0xFE00];
	v19 =	vadd.f32 v19, v28;
	v20 =	vadd.f32 v20, v29  }
0x58d: {  	v45 =	vld [tilespmem:s0+$0xFE10];
	v23 =	vadd.f32 v41, v33;
	v28 =	vadd.f32 v42, v31  }
0x58e: {  	v46 =	vld [tilespmem:s0+$0xFE20];
	v29 =	vadd.f32 v38, v18;
	v0 =	vadd.f32 v0, v32  }
0x58f: {  	v41 =	vld [tilespmem:s0+$0xFE30];
	v23 =	vadd.f32 v39, v23;
	v28 =	vadd.f32 v47, v28  }
0x590: {  	v31 =	vld [tilespmem:s0+$0xFD80];
	v29 =	vadd.f32 v36, v29;
	v0 =	vadd.f32 v48, v0  }
0x591: {  	v23 =	vadd.f32 v37, v23;
	v48 =	vld [tilespmem:s0+$0xFD90];
	v28 =	vadd.f32 v49, v28  }
0x592: {  	v49 =	vld [tilespmem:s0+$0xFD00];
	v29 =	vadd.f32 v34, v29;
	v0 =	vadd.f32 v50, v0  }
0x593: {  	v23 =	vadd.f32 v35, v23;
	v50 =	vld [tilespmem:s0+$0xFD10];
	v28 =	vadd.f32 v51, v28  }
0x594: {  	v21 =	vadd.f32 v21, v29;
	v29 =	vld [tilespmem:s0+$0xFC00];
	v0 =	vadd.f32 v52, v0  }
0x595: {  	v52 =	vld [tilespmem:s0+$0xFC80];
	v22 =	vadd.f32 v22, v23;
	v28 =	vadd.f32 v53, v28  }
0x596: {  	v23 =	vld [tilespmem:s0+$0xFC90];
	v11 =	vadd.f32 v11, v21;
	v0 =	vadd.f32 v54, v0  }
0x597: {  	v21 =	vld [tilespmem:s0+$0xFC10];
	v12 =	vadd.f32 v12, v22;
	v22 =	vadd.f32 v55, v28  }
0x598: {  	v28 =	vld [tilespmem:s0+$0xFC20];
	v7 =	vadd.f32 v7, v11;
	v0 =	vadd.f32 v56, v0  }
0x599: {  	v11 =	vld [tilespmem:s0+$0xFC30];
	v8 =	vadd.f32 v8, v12;
	v12 =	vadd.f32 v57, v22  }
0x59a: {  	v22 =	vld [tilespmem:s0+$0xFCA0];
	v3 =	vadd.f32 v3, v7;
	v0 =	vadd.f32 v58, v0  }
0x59b: {  	v4 =	vadd.f32 v4, v8;
	v58 =	vld [tilespmem:s0+$0xFCB0];
	v7 =	vadd.f32 v59, v12  }
0x59c: {  	v12 =	vadd.f32 v29, v43;
	v8 =	vadd.f32 v60, v0;
	v0 =	vld [tilespmem:s0+$0xFD20]  }
0x59d: {  	v21 =	vadd.f32 v21, v30;
	v29 =	vld [tilespmem:s0+$0xFD30];
	v19 =	vadd.f32 v28, v19  }
0x59e: {  	v11 =	vadd.f32 v11, v20;
	v20 =	vld [tilespmem:s0+$0xFDA0];
	v12 =	vadd.f32 v52, v12  }
0x59f: {  	v30 =	vld [tilespmem:s0+$0xFDB0];
	v21 =	vadd.f32 v23, v21;
	v19 =	vadd.f32 v22, v19  }
0x5a0: {  	v16 =	vld [tilespmem:s0+$0xFE40];
	v22 =	vadd.f32 v58, v11;
	v35 =	vadd.f32 v49, v12  }
0x5a1: {  	v33 =	vld [tilespmem:s0+$0xFC60];
	v21 =	vadd.f32 v50, v21;
	v0 =	vadd.f32 v0, v19  }
0x5a2: {  	v18 =	vld [tilespmem:s0+$0xFE50];
	v19 =	vadd.f32 v29, v22;
	v22 =	vadd.f32 v31, v35  }
0x5a3: {  	v32 =	vld [tilespmem:s0+$0xFC50];
	v21 =	vadd.f32 v48, v21;
	v0 =	vadd.f32 v20, v0  }
0x5a4: {  	[tilespmem:$0x1FFA0] =	vst v9;
	v9 =	vld [tilespmem:s0+$0xFEC0];
	v19 =	vadd.f32 v30, v19;
	v20 =	vadd.f32 v44, v22  }
0x5a5: {  	v23 =	vld [tilespmem:s0+$0xFD40];
	v21 =	vadd.f32 v45, v21;
	v0 =	vadd.f32 v46, v0  }
0x5a6: {  	v28 =	vld [tilespmem:s0+$0xFD50];
	v22 =	vadd.f32 v41, v19;
	v19 =	vadd.f32 v61, v20  }
0x5a7: {  	v20 =	vadd.f32 v62, v21;
	v21 =	vadd.f32 v63, v0;
	v0 =	vld [tilespmem:$0x1FFA0]  }
0x5a8: {  	v11 =	vld [tilespmem:s0+$0xFDC0]  }
0x5a9: {  	v12 =	vld [tilespmem:s0+$0xFDD0]  }
0x5aa: {  	v29 =	vld [tilespmem:s0+$0xFCC0]  }
0x5ab: {  	v31 =	vld [tilespmem:s0+$0xFC40]  }
0x5ac: {  	s1 =	simm.s32 $0x1000;
	v30 =	vld [tilespmem:s0+$0xFCD0];
	v22 =	vadd.f32 v0, v22  }
.LBB2_22:
0x5ad: {  	p0 =	sne.s32 s1, $0xB000;
	v0 =	vld [tilespmem:s0+$0xFC70];
	v19 =	vadd.f32 v25, v19;
	v20 =	vadd.f32 v27, v20  }
0x5ae: {  	v25 =	vld [tilespmem:s0+$0xFCE0];
	v21 =	vadd.f32 v24, v21;
	v22 =	vadd.f32 v26, v22  }
0x5af: {  	v24 =	vld [tilespmem:s0+$0xFCF0];
	v19 =	vadd.f32 v13, v19;
	v20 =	vadd.f32 v14, v20  }
0x5b0: {  	v13 =	vld [tilespmem:s0+$0xFD60];
	v21 =	vadd.f32 v15, v21;
	v22 =	vadd.f32 v17, v22  }
0x5b1: {  	v3 =	vadd.f32 v31, v3;
	v4 =	vadd.f32 v32, v4;
	v14 =	vld [tilespmem:s0+$0xFD70]  }
0x5b2: {  	v7 =	vadd.f32 v33, v7;
	v0 =	vadd.f32 v0, v8;
	v8 =	vld [tilespmem:s0+$0xFDE0]  }
0x5b3: {  	v3 =	vadd.f32 v29, v3;
	v4 =	vadd.f32 v30, v4;
	v15 =	vld [tilespmem:s0+$0xFDF0]  }
0x5b4: {  	v7 =	vadd.f32 v25, v7;
	v0 =	vadd.f32 v24, v0;
	v17 =	vld [tilespmem:s0+$0xFE60]  }
0x5b5: {  	v3 =	vadd.f32 v23, v3;
	v4 =	vadd.f32 v28, v4;
	v23 =	vld [tilespmem:s0+$0xFE70]  }
0x5b6: {  	v7 =	vadd.f32 v13, v7;
	v0 =	vadd.f32 v14, v0;
	v14 =	vld [tilespmem:s0+$0xFEE0]  }
0x5b7: {  	v3 =	vadd.f32 v11, v3;
	v4 =	vadd.f32 v12, v4;
	v11 =	vld [tilespmem:s0+$0xFEF0]  }
0x5b8: {  	v7 =	vadd.f32 v8, v7;
	v0 =	vadd.f32 v15, v0;
	v8 =	vld [tilespmem:s0+$0xFF60]  }
0x5b9: {  	v3 =	vadd.f32 v16, v3;
	v4 =	vadd.f32 v18, v4;
	v12 =	vld [tilespmem:s0+$0xFF70]  }
0x5ba: {  	v7 =	vadd.f32 v17, v7;
	v0 =	vadd.f32 v23, v0;
	v16 =	vld [tilespmem:s0+$0xFFE0]  }
0x5bb: {  	v3 =	vadd.f32 v9, v3;
	v4 =	vadd.f32 v10, v4;
	v9 =	vld [tilespmem:s0+$0xFFF0];
	s0 =	sshra.s32 s1, $0x2  }
0x5bc: {  	v7 =	vadd.f32 v14, v7;
	v13 =	vld [tilespmem:s0+$0xFF80];
	v0 =	vadd.f32 v11, v0  }
0x5bd: {  	v3 =	vadd.f32 v5, v3;
	v4 =	vadd.f32 v6, v4;
	v14 =	vld [tilespmem:s0+$0xFF90]  }
0x5be: {  	v5 =	vadd.f32 v8, v7;
	v15 =	vld [tilespmem:s0+$0xFFA0];
	v0 =	vadd.f32 v12, v0  }
0x5bf: {  	v3 =	vadd.f32 v2, v3;
	v4 =	vadd.f32 v1, v4;
	v17 =	vld [tilespmem:s0+$0xFFB0]  }
0x5c0: {  	v7 =	vadd.f32 v16, v5;
	v2 =	vld [tilespmem:s0+$0xFFC0];
	v8 =	vadd.f32 v9, v0  }
0x5c1: {  	v1 =	vld [tilespmem:s0+$0xFFD0]  }
0x5c2: {  	v25 =	vld [tilespmem:s0+$0xFF00]  }
0x5c3: {  	v27 =	vld [tilespmem:s0+$0xFF10]  }
0x5c4: {  	v24 =	vld [tilespmem:s0+$0xFF20]  }
0x5c5: {  	v26 =	vld [tilespmem:s0+$0xFF30]  }
0x5c6: {  	v5 =	vld [tilespmem:s0+$0xFF40]  }
0x5c7: {  	v6 =	vld [tilespmem:s0+$0xFF50]  }
0x5c8: {  	v0 =	vld [tilespmem:s0+$0xFE80]  }
0x5c9: {  	v33 =	vld [tilespmem:s0+$0xFE90]  }
0x5ca: {  	v34 =	vld [tilespmem:s0+$0xFEA0]  }
0x5cb: {  	v35 =	vld [tilespmem:s0+$0xFEB0]  }
0x5cc: {  	v9 =	vld [tilespmem:s0+$0xFEC0]  }
0x5cd: {  	v10 =	vld [tilespmem:s0+$0xFED0]  }
0x5ce: {  	v31 =	vld [tilespmem:s0+$0xFE00]  }
0x5cf: {  	v32 =	vld [tilespmem:s0+$0xFE10]  }
0x5d0: {  	v36 =	vld [tilespmem:s0+$0xFE20]  }
0x5d1: {  	v37 =	vld [tilespmem:s0+$0xFE30]  }
0x5d2: {  	v16 =	vld [tilespmem:s0+$0xFE40]  }
0x5d3: {  	v18 =	vld [tilespmem:s0+$0xFE50]  }
0x5d4: {  	v29 =	vld [tilespmem:s0+$0xFD80]  }
0x5d5: {  	v30 =	vld [tilespmem:s0+$0xFD90]  }
0x5d6: {  	v12 =	vld [tilespmem:s0+$0xFD00]  }
0x5d7: {  	v23 =	vld [tilespmem:s0+$0xFD10]  }
0x5d8: {  	v11 =	vld [tilespmem:s0+$0xFC80]  }
0x5d9: {  	v28 =	vld [tilespmem:s0+$0xFC90]  }
0x5da: {  	v38 =	vld [tilespmem:s0+$0xFC00]  }
0x5db: {  	v39 =	vld [tilespmem:s0+$0xFC10]  }
0x5dc: {  	v40 =	vld [tilespmem:s0+$0xFC20]  }
0x5dd: {  	v41 =	vld [tilespmem:s0+$0xFC30]  }
0x5de: {  	v42 =	vld [tilespmem:s0+$0xFCA0]  }
0x5df: {  	v43 =	vld [tilespmem:s0+$0xFCB0]  }
0x5e0: {  	v44 =	vld [tilespmem:s0+$0xFD20]  }
0x5e1: {  	v19 =	vadd.f32 v38, v19;
	v20 =	vadd.f32 v39, v20;
	v38 =	vld [tilespmem:s0+$0xFD30]  }
0x5e2: {  	v21 =	vadd.f32 v40, v21;
	v22 =	vadd.f32 v41, v22;
	v39 =	vld [tilespmem:s0+$0xFDA0]  }
0x5e3: {  	v19 =	vadd.f32 v11, v19;
	v20 =	vadd.f32 v28, v20;
	v40 =	vld [tilespmem:s0+$0xFDB0]  }
0x5e4: {  	v21 =	vadd.f32 v42, v21;
	v22 =	vadd.f32 v43, v22;
	v11 =	vld [tilespmem:s0+$0xFDC0]  }
0x5e5: {  	v19 =	vadd.f32 v12, v19;
	v20 =	vadd.f32 v23, v20;
	v12 =	vld [tilespmem:s0+$0xFDD0]  }
0x5e6: {  	v21 =	vadd.f32 v44, v21;
	v22 =	vadd.f32 v38, v22;
	v23 =	vld [tilespmem:s0+$0xFD40]  }
0x5e7: {  	v19 =	vadd.f32 v29, v19;
	v20 =	vadd.f32 v30, v20;
	v28 =	vld [tilespmem:s0+$0xFD50]  }
.Ltmp10:
0x5e8: {  	v21 =	vadd.f32 v39, v21;
	v29 =	vld [tilespmem:s0+$0xFCC0];
	v22 =	vadd.f32 v40, v22;
	(pc) =	sbr.rel @p0 .LBB2_22-.Ltmp10, $4  }
0x5e9: {  	v19 =	vadd.f32 v31, v19;
	v20 =	vadd.f32 v32, v20;
	v30 =	vld [tilespmem:s0+$0xFCD0]  }
0x5ea: {  	v21 =	vadd.f32 v36, v21;
	v31 =	vld [tilespmem:s0+$0xFC40];
	v22 =	vadd.f32 v37, v22  }
0x5eb: {  	v19 =	vadd.f32 v0, v19;
	v20 =	vadd.f32 v33, v20;
	v32 =	vld [tilespmem:s0+$0xFC50]  }
0x5ec: {  	s1 =	sadd.s32 $0x1000, s1;
	v21 =	vadd.f32 v34, v21;
	v33 =	vld [tilespmem:s0+$0xFC60];
	v22 =	vadd.f32 v35, v22  }
0x5ed: {  	v0 =	vld [tilespmem:s0+$0xFC70]  }
0x5ee: {  	v34 =	vld [tilespmem:s0+$0xFCE0]  }
0x5ef: {  	v35 =	vld [tilespmem:s0+$0xFCF0]  }
0x5f0: {  	v36 =	vld [tilespmem:s0+$0xFD60]  }
0x5f1: {  	v37 =	vld [tilespmem:s0+$0xFD70]  }
0x5f2: {  	v38 =	vld [tilespmem:s0+$0xFDE0]  }
0x5f3: {  	v49 =	vld [tilespmem:s0+$0xFDF0]  }
0x5f4: {  	v50 =	vld [tilespmem:s0+$0xFE60]  }
0x5f5: {  	v19 =	vadd.f32 v25, v19;
	v51 =	vld [tilespmem:s0+$0xFE70]  }
0x5f6: {  	v20 =	vadd.f32 v27, v20;
	v52 =	vld [tilespmem:s0+$0xFEE0];
	v21 =	vadd.f32 v24, v21  }
0x5f7: {  	v53 =	vld [tilespmem:s0+$0xFEF0];
	v22 =	vadd.f32 v26, v22;
	v13 =	vadd.f32 v13, v19  }
0x5f8: {  	v58 =	vld [tilespmem:$0x19800];
	v14 =	vadd.f32 v14, v20;
	v3 =	vadd.f32 v31, v3  }
0x5f9: {  	v54 =	vld [tilespmem:s0+$0xFF60];
	v15 =	vadd.f32 v15, v21;
	v17 =	vadd.f32 v17, v22  }
0x5fa: {  	v61 =	vld [tilespmem:$0x19810];
	v4 =	vadd.f32 v32, v4;
	v7 =	vadd.f32 v33, v7  }
0x5fb: {  	v55 =	vld [tilespmem:s0+$0xFF70];
	v3 =	vadd.f32 v29, v3;
	v21 =	vmul.f32 $4.999999890e-03, v13;
	v0 =	vadd.f32 v0, v8  }
0x5fc: {  	v24 =	vld [tilespmem:$0x19820];
	v4 =	vadd.f32 v30, v4;
	v7 =	vadd.f32 v34, v7  }
0x5fd: {  	v56 =	vld [tilespmem:s0+$0xFFE0];
	v30 =	vmul.f32 $4.999999890e-03, v14;
	v3 =	vadd.f32 v23, v3;
	v29 =	vadd.f32 v58, v21  }
0x5fe: {  	v62 =	vld [tilespmem:$0x19890];
	v0 =	vadd.f32 v35, v0;
	v4 =	vadd.f32 v28, v4  }
0x5ff: {  	v63 =	vld [tilespmem:$0x19910];
	v33 =	vmul.f32 $4.999999890e-03, v15;
	v8 =	vadd.f32 v61, v30;
	v7 =	vadd.f32 v36, v7  }
0x600: {  	v57 =	vld [tilespmem:s0+$0xFFF0];
	v3 =	vadd.f32 v11, v3;
	v0 =	vadd.f32 v37, v0  }
0x601: {  	v31 =	vld [tilespmem:$0x19920];
	v4 =	vadd.f32 v12, v4;
	v37 =	vadd.f32 v24, v33  }
0x602: {  	v25 =	vld [tilespmem:$0x198A0];
	v8 =	vmax.f32 v8, $0.0e+00;
	v7 =	vadd.f32 v38, v7;
	v3 =	vadd.f32 v16, v3  }
0x603: {  	v59 =	vld [tilespmem:$0x19880];
	v38 =	vmul.f32 $4.999999890e-03, v17;
	v40 =	vmul.f32 v8, v62;
	v0 =	vadd.f32 v49, v0  }
0x604: {  	v32 =	vld [tilespmem:$0x19830];
	v8 =	vmul.f32 v63, v8;
	v4 =	vadd.f32 v18, v4;
	v7 =	vadd.f32 v50, v7  }
0x605: {  	v60 =	vld [tilespmem:$0x19900];
	v42 =	vmax.f32 v37, $0.0e+00;
	v3 =	vadd.f32 v9, v3;
	v0 =	vadd.f32 v51, v0  }
0x606: {  	v39 =	vld [tilespmem:$0x19840];
	v46 =	vmul.f32 v31, v42;
	v4 =	vadd.f32 v10, v4;
	v7 =	vadd.f32 v52, v7  }
0x607: {  	v34 =	vld [tilespmem:$0x198B0];
	v3 =	vadd.f32 v5, v3;
	v5 =	vmul.f32 v42, v25;
	v0 =	vadd.f32 v53, v0  }
0x608: {  	v41 =	vld [tilespmem:$0x198C0];
	v4 =	vadd.f32 v6, v4;
	v28 =	vadd.f32 v54, v7;
	v7 =	vmax.f32 v29, $0.0e+00  }
0x609: {  	v36 =	vld [tilespmem:$0x19930];
	v2 =	vadd.f32 v2, v3;
	v3 =	vadd.f32 v32, v38;
	v35 =	vmul.f32 v7, v59  }
0x60a: {  	v44 =	vld [tilespmem:$0x19850];
	v0 =	vadd.f32 v55, v0;
	v1 =	vadd.f32 v1, v4;
	v7 =	vmul.f32 v60, v7  }
0x60b: {  	v43 =	vld [tilespmem:$0x19940];
	v6 =	vadd.f32 v56, v28;
	v3 =	vmax.f32 v3, $0.0e+00;
	v4 =	vadd.f32 $0.0e+00, v35  }
0x60c: {  	v48 =	vld [tilespmem:$0x19860];
	v2 =	vmul.f32 $4.999999890e-03, v2;
	v7 =	vadd.f32 $0.0e+00, v7;
	v47 =	vmul.f32 v3, v34  }
0x60d: {  	v45 =	vld [tilespmem:$0x198D0];
	v0 =	vadd.f32 v57, v0;
	v1 =	vmul.f32 $4.999999890e-03, v1;
	v4 =	vadd.f32 v40, v4  }
0x60e: {  	v50 =	vld [tilespmem:$0x19870];
	v3 =	vmul.f32 v36, v3;
	v2 =	vadd.f32 v39, v2;
	v7 =	vadd.f32 v8, v7  }
0x60f: {  	v49 =	vld [tilespmem:$0x19950];
	v6 =	vmul.f32 $4.999999890e-03, v6;
	v1 =	vadd.f32 v44, v1;
	v4 =	vadd.f32 v5, v4  }
0x610: {  	v51 =	vld [tilespmem:$0x198E0];
	v0 =	vmul.f32 $4.999999890e-03, v0;
	v2 =	vmax.f32 v2, $0.0e+00;
	v5 =	vadd.f32 v46, v7  }
0x611: {  	v53 =	vld [tilespmem:$0x19960];
	v6 =	vadd.f32 v48, v6;
	v52 =	vmul.f32 v2, v41;
	v4 =	vadd.f32 v47, v4  }
0x612: {  	v54 =	vld [tilespmem:$0x198F0];
	v2 =	vmul.f32 v43, v2;
	v1 =	vmax.f32 v1, $0.0e+00;
	v3 =	vadd.f32 v3, v5  }
0x613: {  	v56 =	vld [tilespmem:$0x19970];
	v0 =	vadd.f32 v50, v0;
	v55 =	vmul.f32 v1, v45;
	v4 =	vadd.f32 v52, v4  }
0x614: {  	v1 =	vmul.f32 v49, v1;
	v6 =	vmax.f32 v6, $0.0e+00;
	v2 =	vadd.f32 v2, v3  }
0x615: {  	v57 =	vmul.f32 v6, v51;
	v3 =	vadd.f32 v55, v4  }
0x616: {  	v58 =	vmul.f32 v53, v6;
	v0 =	vmax.f32 v0, $0.0e+00;
	v1 =	vadd.f32 v1, v2  }
0x617: {  	v59 =	vmul.f32 v0, v54;
	v3 =	vadd.f32 v57, v3  }
0x618: {  	v0 =	vmul.f32 v56, v0;
	v1 =	vadd.f32 v58, v1  }
0x619: {  	v60 =	vadd.f32 v59, v3  }
0x61a: {  	v0 =	vadd.f32 v0, v1  }
0x61b: {  	(xrf2) =	vadd.scan.msk.f32 $0xffff, v60  }
0x61c: {  	(xrf2) =	vadd.scan.msk.f32 $0xffff, v0;
	_ =	sdelay $0x8  }
0x61d: {  	v61, _, _ =	vpop (xrf2)  }
0x61e: {  	v63 =	vld [tilespmem:$0x1FFF0];
	v62, _, _ =	vpop (xrf2)  }
0x61f: {  	v1 =	vbroadcast v62, $0xF  }
0x620: {  	v0 =	vbroadcast v61, $0xF  }
0x621: {  	v1 =	vnsel vm0, $0x0, v1  }
0x622: {  	v0 =	vsel vm1, v1, v0  }
0x623: {  	s2 =	sadd.s32 $0x1, s2;
	v0 =	vadd.f32 v0, v63  }
0x624: {  	p0 =	sne.s32 s2, s9  }
.Ltmp11:
0x625: {  	[tilespmem:$0x197F0] =	vst v0;
	(pc) =	sbr.rel @p0 .LBB2_1-.Ltmp11, $4  }
0x626: {  	[hbm4b:s8+s5] =	stream.linear.scatter [tilespmem:s31], [sflag:$0x7], $0x800, $0x38;
	[tilespmem:$0x19990] =	vst v63  }
0x627: {  	_ =	swait.ge [sflag:s10], $0x800  }
0x628: {  	[sflag:s10] =	ssyncset.done $0x0  }
0x629: {  	[sflag:s10] =	ssyncadd.s32 $0xFFFFF800  }
0x62a: {  	_ =	sfence.sel $0x180000  }
0x62b: {  	[bflag:$0x0] =	sbarrier.arrive $0xFFFF  }
0x62c: {  	_ =	strace $0x90000047  }
0x62d: {  	s0 =	stileid.u32;
	[bflag:$0x2] =	sbarrier.arrive $0xFFFF  }
0x62e: {  	p0 =	sne.s32 s0, $0x0;
	s0 =	rddreg [dreg:$0x4]  }
0x62f: {  	s0 =	sadd.s32 @!p0 $0x100000, s0  }
0x630: {  	[sflag:s0] =	ssyncadd.tile.s32 @!p0 $0x1;
	_ =	shalt  }
.Lfunc_end2:
_tile_overlayer_lowered:
.L_overlay_start_2:
0x631: {  	(tag) =	ssettag $0x2  }
0x632: {  	s0 =	rddreg [dreg:$0x0];
	s2 =	stileid.u32  }
0x633: {  	s1 =	rddreg [dreg:$0x1];
	p0 =	sne.s32 s2, $0x0  }
0x634: {  	s3 =	rddreg [dreg:$0x2];
	[bflag:$0x3] =	sbarrier.arrive $0xFFFF;
	s2 =	simm.s32 @!p0 $0x1C07  }
0x635: {  	[timem:s3], [sflag:s2] =	dma.local @!p0 [hbm:s0], s1  }
0x636: {  	s0 =	simm.s32 @!p0 $0x7  }
0x637: {  	_ =	swait.ge @!p0 [sflag:s0], s1  }
0x638: {  	s1 =	ssub.s32 @!p0 $0x0, s1;
	[sflag:s0] =	ssyncset.done @!p0 $0x0  }
0x639: {  	[sflag:s0] =	ssyncadd.s32 @!p0 s1  }
0x63a: {  	[bflag:$0x3] =	sbarrier.arrive $0xFFFF  }
0x63b: {  	_ =	shalt  }

</sc_bundles>
